<compile_context>
chip_gen: v7x
topology: tpu7x:2x2x1
jax: 0.10.2.dev20260603
libtpu: 0.0.44.dev20260713+nightly
codegen_flags: <defaults>
</compile_context>

<pallas_src>
import functools
import math

import jax
import jax.numpy as jnp
from jax import lax
from jax.experimental import pallas as pl
from jax.experimental.pallas import tpu as pltpu
from jax.experimental.pallas import tpu_sc as plsc

_N = 10000
_E = 320000
_D = 128
_A = 10
_R = 8
_H = 64
_AVG = 32.0

_NC = 2
_NS = 16
_NW = _NC * _NS
_CHUNK = 64
_CPW = 160
_GRP = 40
_NGRP = _CPW // _GRP
_EPW = _CPW * _CHUNK
_EPAD = _NW * _EPW
_NPAD = 10240
_RPT = _NPAD // _NS


def _node_up_body(nf_ref, w_ref, o_ref):
    o_ref[...] = jnp.dot(nf_ref[...], w_ref[...],
                         preferred_element_type=jnp.float32) * (1.0 / math.sqrt(_D))


def _node_up(node_feats, W_up):
    blk = 1000
    return pl.pallas_call(
        _node_up_body,
        grid=(_N // blk,),
        in_specs=[
            pl.BlockSpec((blk, _D), lambda i: (i, 0)),
            pl.BlockSpec((_D, _D), lambda i: (0, 0)),
        ],
        out_specs=pl.BlockSpec((blk, _D), lambda i: (i, 0)),
        out_shape=jax.ShapeDtypeStruct((_N, _D), jnp.float32),
    )(node_feats, W_up)


def _silu(h):
    return h * (0.5 + 0.5 * jnp.tanh(0.5 * h))


def _tdot(a, b):
    return lax.dot_general(a, b, (((0,), (0,)), ((), ())),
                           preferred_element_type=jnp.float32)


def _edge_mlp_body(eft_ref, eat_ref, w1_ref, w2_ref, w3_ref, w4_ref, o_ref):
    h = _tdot(w1_ref[...], eft_ref[...]) * (1.0 / math.sqrt(_R))
    h = _silu(h)
    h = _tdot(w2_ref[...], h) * (1.0 / math.sqrt(_H))
    h = _silu(h)
    h = _tdot(w3_ref[...], h) * (1.0 / math.sqrt(_H))
    h = _silu(h) * eat_ref[...]
    o_ref[...] = _tdot(h, w4_ref[...]) * (1.0 / math.sqrt(_H))


def _edge_mlp(eft, eat, W1, W2, W3, W4):
    blk = 4096
    return pl.pallas_call(
        _edge_mlp_body,
        grid=(_EPAD // blk,),
        in_specs=[
            pl.BlockSpec((_R, blk), lambda i: (0, i)),
            pl.BlockSpec((1, blk), lambda i: (0, i)),
            pl.BlockSpec((_R, _H), lambda i: (0, 0)),
            pl.BlockSpec((_H, _H), lambda i: (0, 0)),
            pl.BlockSpec((_H, _H), lambda i: (0, 0)),
            pl.BlockSpec((_H, _D), lambda i: (0, 0)),
        ],
        out_specs=pl.BlockSpec((blk, _D), lambda i: (i, 0)),
        out_shape=jax.ShapeDtypeStruct((_EPAD, _D), jnp.float32),
    )(eft, eat, W1, W2, W3, W4)


def _sc_gather_scatter(x, w, src2, dst2):
    mesh = plsc.VectorSubcoreMesh(core_axis_name="c", subcore_axis_name="s",
                                  num_cores=_NC, num_subcores=_NS)

    @functools.partial(
        pl.kernel,
        out_type=jax.ShapeDtypeStruct((_NC, _NPAD, _D), jnp.float32),
        mesh=mesh,
        scratch_types=[
            pltpu.VMEM((_GRP, _CHUNK), jnp.int32),
            pltpu.VMEM((_GRP, _CHUNK), jnp.int32),
            pltpu.VMEM((_CHUNK, _D), jnp.float32),
            pltpu.VMEM((_CHUNK, _D), jnp.float32),
            pltpu.VMEM((_CHUNK, _D), jnp.float32),
            pltpu.VMEM((_CHUNK, _D), jnp.float32),
            pltpu.VMEM_SHARED((_NPAD, _D), jnp.float32),
            pltpu.SemaphoreType.DMA,
            pltpu.SemaphoreType.DMA,
            pltpu.SemaphoreType.DMA,
            pltpu.SemaphoreType.DMA,
        ],
    )
    def k(x_hbm, w_hbm, src_hbm, dst_hbm, out_hbm,
          src_v, dst_v, rows0, rows1, wrow0, wrow1, acc,
          sg0, sg1, sw0, sw1):
        cid = lax.axis_index("c")
        sid = lax.axis_index("s")
        wid = cid * _NS + sid
        rows = (rows0, rows1)
        wrow = (wrow0, wrow1)
        sg = (sg0, sg1)
        sw = (sw0, sw1)

        def zrow(i, carry):
            for k8 in range(_D // 16):
                rows0[i, pl.ds(k8 * 16, 16)] = jnp.zeros((16,), jnp.float32)
            return carry
        lax.fori_loop(0, _CHUNK, zrow, 0)
        base_row = sid * _RPT
        for kk in range(_RPT // _CHUNK):
            pltpu.sync_copy(rows0, acc.at[pl.ds(base_row + kk * _CHUNK, _CHUNK)])
        plsc.subcore_barrier()

        def issue(h, c, b):
            ebase = wid * _EPW + h * _GRP * _CHUNK
            pltpu.async_copy(x_hbm.at[src_v.at[c]], rows[b], sg[b])
            pltpu.async_copy(w_hbm.at[pl.ds(ebase + c * _CHUNK, _CHUNK)],
                             wrow[b], sw[b])

        def wait(b):
            pltpu.make_async_copy(x_hbm.at[src_v.at[0]], rows[b], sg[b]).wait()
            pltpu.make_async_copy(w_hbm.at[pl.ds(0, _CHUNK)], wrow[b], sw[b]).wait()

        def process(c, b):
            @plsc.parallel_loop(0, _CHUNK, unroll=4)
            def mul(i):
                for k8 in range(_D // 16):
                    sl = pl.ds(k8 * 16, 16)
                    rows[b][i, sl] = rows[b][i, sl] * wrow[b][i, sl]
            pltpu.sync_copy(rows[b], acc.at[dst_v.at[c]], add=True)

        for h in range(_NGRP):
            pltpu.sync_copy(src_hbm.at[pl.ds(wid * _CPW + h * _GRP, _GRP)], src_v)
            pltpu.sync_copy(dst_hbm.at[pl.ds(wid * _CPW + h * _GRP, _GRP)], dst_v)
            issue(h, 0, 0)

            def pair(i, carry, h=h):
                c0 = 2 * i
                issue(h, c0 + 1, 1)
                wait(0)
                process(c0, 0)

                @pl.when(i < _GRP // 2 - 1)
                def _():
                    issue(h, c0 + 2, 0)
                wait(1)
                process(c0 + 1, 1)
                return carry
            lax.fori_loop(0, _GRP // 2, pair, 0)
        plsc.subcore_barrier()

        for kk in range(_RPT // _CHUNK):
            r0 = base_row + kk * _CHUNK
            pltpu.sync_copy(acc.at[pl.ds(r0, _CHUNK)], rows0)
            pltpu.sync_copy(rows0, out_hbm.at[cid].at[pl.ds(r0, _CHUNK)])

    return k(x, w, src2, dst2)


def _finish_body(p_ref, na_ref, wlin_ref, wskip_ref, o_ref):
    msg = (p_ref[0] + p_ref[1])
    msg = jnp.dot(msg, wlin_ref[...],
                  preferred_element_type=jnp.float32) * (1.0 / (math.sqrt(_D) * _AVG))
    acc = jnp.zeros_like(o_ref)
    for v in range(_A):
        acc = acc + na_ref[:, v:v + 1] * jnp.dot(
            msg, wskip_ref[v], preferred_element_type=jnp.float32)
    o_ref[...] = acc * (1.0 / math.sqrt(float(_D * _A)))


def _finish(partial, node_attrs, W_lin, W_skip_t):
    blk = 1000
    return pl.pallas_call(
        _finish_body,
        grid=(_N // blk,),
        in_specs=[
            pl.BlockSpec((_NC, blk, _D), lambda i: (0, i, 0)),
            pl.BlockSpec((blk, _A), lambda i: (i, 0)),
            pl.BlockSpec((_D, _D), lambda i: (0, 0)),
            pl.BlockSpec((_A, _D, _D), lambda i: (0, 0, 0)),
        ],
        out_specs=pl.BlockSpec((blk, _D), lambda i: (i, 0)),
        out_shape=jax.ShapeDtypeStruct((_N, _D), jnp.float32),
    )(partial, node_attrs, W_lin, W_skip_t)


def kernel(node_attrs, node_feats, edge_attrs, edge_feats, edge_index,
           W_up, W1, W2, W3, W4, W_lin, W_skip):
    pad = _EPAD - _E
    eft = jnp.pad(edge_feats.T, ((0, 0), (0, pad)))
    eat = jnp.pad(edge_attrs.T, ((0, 0), (0, pad)))
    src2 = jnp.pad(edge_index[0], (0, pad)).reshape(_EPAD // _CHUNK, _CHUNK)
    dst2 = jnp.pad(edge_index[1], (0, pad)).reshape(_EPAD // _CHUNK, _CHUNK)

    x = _node_up(node_feats, W_up)
    w = _edge_mlp(eft, eat, W1, W2, W3, W4)
    partial = _sc_gather_scatter(x, w, src2, dst2)
    out = _finish(partial, node_attrs, W_lin, jnp.transpose(W_skip, (1, 0, 2)))
    return out.reshape(_N, _D, 1)

# --- scband reference (transcript-rebuilt; emitter-appended) ---
"""Pipeline reference for scband-real-agnostic-interaction-block-42210938585332 (READ-ONLY COPY).

The authoritative reference and input builder live on the scoring server;
editing this copy changes nothing except your own understanding.
"""

import jax, jax.numpy as jnp
import numpy as np

N = 10000   # nodes
E = 320000  # edges
D = 128     # node feature channels (128x0e)
A = 10      # node attr channels (10x0e)
R = 8       # edge feat channels (8x0e radial basis)
H = 64      # radial MLP hidden
AVG_NUM_NEIGHBORS = 32.0


def setup_inputs(seed: int = 0) -> dict:
    key = jax.random.key(seed)
    ks = jax.random.split(key, 12)
    node_attrs = jax.random.normal(ks[0], (N, A), dtype=jnp.float32)
    node_feats = jax.random.normal(ks[1], (N, D), dtype=jnp.float32)
    edge_attrs = jax.random.normal(ks[2], (E, 1), dtype=jnp.float32)
    edge_feats = jax.random.normal(ks[3], (E, R), dtype=jnp.float32)
    edge_index = jax.random.randint(ks[4], (2, E), 0, N, dtype=jnp.int32)
    # learned parameters (e3nn Linear / FullyConnectedNet / FullyConnectedTensorProduct weights)
    W_up = jax.random.normal(ks[5], (D, D), dtype=jnp.float32)      # linear_up: 128x0e -> 128x0e
    W1 = jax.random.normal(ks[6], (R, H), dtype=jnp.float32)        # radial MLP layer 1
    W2 = jax.random.normal(ks[7], (H, H), dtype=jnp.float32)        # radial MLP layer 2
    W3 = jax.random.normal(ks[8], (H, H), dtype=jnp.float32)        # radial MLP layer 3
    W4 = jax.random.normal(ks[9], (H, D), dtype=jnp.float32)        # radial MLP -> conv_tp.weight_numel (=128 for uvu, v=1)
    W_lin = jax.random.normal(ks[10], (D, D), dtype=jnp.float32)    # linear: irreps_mid -> target
    W_skip = jax.random.normal(ks[11], (D, A, D), dtype=jnp.float32)  # skip_tp fully-connected bilinear weights
    return {
        'node_attrs': node_attrs, 'node_feats': node_feats,
        'edge_attrs': edge_attrs, 'edge_feats': edge_feats,
        'edge_index': edge_index,
        'W_up': W_up, 'W1': W1, 'W2': W2, 'W3': W3, 'W4': W4,
        'W_lin': W_lin, 'W_skip': W_skip,
    }


def reference(node_attrs, node_feats, edge_attrs, edge_feats, edge_index,
              W_up, W1, W2, W3, W4, W_lin, W_skip):
    # linear_up (e3nn Linear with path normalization 1/sqrt(fan_in))
    x = (node_feats @ W_up) / jnp.sqrt(jnp.float32(D))
    # conv_tp_weights: FullyConnectedNet([8,64,64,64,128], silu), no biases,
    # each layer normalized by 1/sqrt(fan_in)
    h = edge_feats
    for W in (W1, W2, W3):
        h = jax.nn.silu((h @ W) / jnp.sqrt(jnp.float32(W.shape[0])))
    tp_weights = (h @ W4) / jnp.sqrt(jnp.float32(H))  # [E, 128]
    # conv_tp: TensorProduct(128x0e x 1x0e -> 128x0e, uvu, external per-edge weights)
    src = edge_index[0]
    dst = edge_index[1]
    mji = x[src] * edge_attrs * tp_weights  # gather + elementwise TP [E, 128]
    # scatter_sum over destination nodes
    message = jax.ops.segment_sum(mji, dst, num_segments=N)  # [N, 128]
    # linear (irreps_mid -> target) then divide by avg_num_neighbors
    message = (message @ W_lin) / jnp.sqrt(jnp.float32(D)) / AVG_NUM_NEIGHBORS
    # skip_tp: FullyConnectedTensorProduct(128x0e, 10x0e -> 128x0e)
    out = jnp.einsum('nu,nv,uvk->nk', message, node_attrs, W_skip) / jnp.sqrt(jnp.float32(D * A))
    # reshape_irreps: [N, channels, irrep_dim] = [N, 128, 1]
    return out.reshape(N, D, 1)

if __name__ == "__main__":
    import jax
    _d = setup_inputs()
    print(jax.jit(kernel)(*tuple(_d.values())))

</pallas_src>

<mosaic_0001>
#map = affine_map<(d0, d1) -> (0, 0)>
#map1 = affine_map<(d0, d1) -> (0, 0, 0)>
module attributes {stable_mosaic.version = 14 : i64} {
  func.func @k(%arg0: i32, %arg1: i32, %arg2: memref<10000x128xf32, #tpu.memory_space<hbm>>, %arg3: memref<327680x128xf32, #tpu.memory_space<hbm>>, %arg4: memref<5120x64xi32, #tpu.memory_space<hbm>>, %arg5: memref<5120x64xi32, #tpu.memory_space<hbm>>, %arg6: memref<2x10240x128xf32, #tpu.memory_space<hbm>>, %arg7: memref<40x64xi32, #tpu.memory_space<vmem>>, %arg8: memref<40x64xi32, #tpu.memory_space<vmem>>, %arg9: memref<64x128xf32, #tpu.memory_space<vmem>>, %arg10: memref<64x128xf32, #tpu.memory_space<vmem>>, %arg11: memref<64x128xf32, #tpu.memory_space<vmem>>, %arg12: memref<64x128xf32, #tpu.memory_space<vmem>>, %arg13: memref<10240x128xf32, #tpu.memory_space<vmem_shared>>, %arg14: memref<!tpu.dma_semaphore, #tpu.memory_space<semaphore_mem>>, %arg15: memref<!tpu.dma_semaphore, #tpu.memory_space<semaphore_mem>>, %arg16: memref<!tpu.dma_semaphore, #tpu.memory_space<semaphore_mem>>, %arg17: memref<!tpu.dma_semaphore, #tpu.memory_space<semaphore_mem>>) attributes {dimension_semantics = [#tpu.dimension_semantics<core_parallel>, #tpu.dimension_semantics<subcore_parallel>], iteration_bounds = array<i64: 2, 16>, scalar_prefetch = 0 : i64, scratch_operands = 11 : i64, tpu.core_type = #tpu.core_type<sc_vector_subcore>, window_params = [{transform_indices = #map}, {transform_indices = #map}, {transform_indices = #map}, {transform_indices = #map}, {transform_indices = #map1}]} {
    %mul3A = arith.constant 16 : i32
    %mul3A_0 = arith.muli %arg0, %mul3A : i32
    %add3A = arith.addi %mul3A_0, %arg1 : i32
    %scan3A = arith.constant 0 : i32
    %scan3A_1 = arith.constant 0 : i32
    %scan3A_2 = arith.constant 64 : i32
    %scan3A_3 = arith.addi %scan3A_1, %scan3A_2 : i32
    %scan3A_4 = arith.constant 1 : i32
    scf.for %scan3A_172 = %scan3A_1 to %scan3A_3 step %scan3A_4  : i32 {
      %broadcast_in_dim3A = arith.constant 0.000000e+00 : f32
      %broadcast_in_dim3A_173 = vector.broadcast %broadcast_in_dim3A : f32 to vector<16xf32>
      %swap3A = arith.index_cast %scan3A_172 : i32 to index
      %swap3A_174 = arith.constant 0 : index
      %swap3A_175 = tpu.vector_load %arg9[%swap3A, %swap3A_174] {strides = array<i32>} : memref<64x128xf32, #tpu.memory_space<vmem>>, vector<1x16xf32>,
      %swap3A_176 = vector.shape_cast %swap3A_175 : vector<1x16xf32> to vector<16xf32>
      %swap3A_177 = vector.shape_cast %broadcast_in_dim3A_173 : vector<16xf32> to vector<1x16xf32>
      tpu.vector_store %arg9[%swap3A, %swap3A_174], %swap3A_177 {strides = array<i32>} : memref<64x128xf32, #tpu.memory_space<vmem>>, vector<1x16xf32>,
      %broadcast_in_dim3A_178 = arith.constant 0.000000e+00 : f32
      %broadcast_in_dim3A_179 = vector.broadcast %broadcast_in_dim3A_178 : f32 to vector<16xf32>
      %swap3A_180 = arith.index_cast %scan3A_172 : i32 to index
      %swap3A_181 = arith.constant 16 : index
      %swap3A_182 = tpu.vector_load %arg9[%swap3A_180, %swap3A_181] {strides = array<i32>} : memref<64x128xf32, #tpu.memory_space<vmem>>, vector<1x16xf32>,
      %swap3A_183 = vector.shape_cast %swap3A_182 : vector<1x16xf32> to vector<16xf32>
      %swap3A_184 = vector.shape_cast %broadcast_in_dim3A_179 : vector<16xf32> to vector<1x16xf32>
      tpu.vector_store %arg9[%swap3A_180, %swap3A_181], %swap3A_184 {strides = array<i32>} : memref<64x128xf32, #tpu.memory_space<vmem>>, vector<1x16xf32>,
      %broadcast_in_dim3A_185 = arith.constant 0.000000e+00 : f32
      %broadcast_in_dim3A_186 = vector.broadcast %broadcast_in_dim3A_185 : f32 to vector<16xf32>
      %swap3A_187 = arith.index_cast %scan3A_172 : i32 to index
      %swap3A_188 = arith.constant 32 : index
      %swap3A_189 = tpu.vector_load %arg9[%swap3A_187, %swap3A_188] {strides = array<i32>} : memref<64x128xf32, #tpu.memory_space<vmem>>, vector<1x16xf32>,
      %swap3A_190 = vector.shape_cast %swap3A_189 : vector<1x16xf32> to vector<16xf32>
      %swap3A_191 = vector.shape_cast %broadcast_in_dim3A_186 : vector<16xf32> to vector<1x16xf32>
      tpu.vector_store %arg9[%swap3A_187, %swap3A_188], %swap3A_191 {strides = array<i32>} : memref<64x128xf32, #tpu.memory_space<vmem>>, vector<1x16xf32>,
      %broadcast_in_dim3A_192 = arith.constant 0.000000e+00 : f32
      %broadcast_in_dim3A_193 = vector.broadcast %broadcast_in_dim3A_192 : f32 to vector<16xf32>
      %swap3A_194 = arith.index_cast %scan3A_172 : i32 to index
      %swap3A_195 = arith.constant 48 : index
      %swap3A_196 = tpu.vector_load %arg9[%swap3A_194, %swap3A_195] {strides = array<i32>} : memref<64x128xf32, #tpu.memory_space<vmem>>, vector<1x16xf32>,
      %swap3A_197 = vector.shape_cast %swap3A_196 : vector<1x16xf32> to vector<16xf32>
      %swap3A_198 = vector.shape_cast %broadcast_in_dim3A_193 : vector<16xf32> to vector<1x16xf32>
      tpu.vector_store %arg9[%swap3A_194, %swap3A_195], %swap3A_198 {strides = array<i32>} : memref<64x128xf32, #tpu.memory_space<vmem>>, vector<1x16xf32>,
      %broadcast_in_dim3A_199 = arith.constant 0.000000e+00 : f32
      %broadcast_in_dim3A_200 = vector.broadcast %broadcast_in_dim3A_199 : f32 to vector<16xf32>
      %swap3A_201 = arith.index_cast %scan3A_172 : i32 to index
      %swap3A_202 = arith.constant 64 : index
      %swap3A_203 = tpu.vector_load %arg9[%swap3A_201, %swap3A_202] {strides = array<i32>} : memref<64x128xf32, #tpu.memory_space<vmem>>, vector<1x16xf32>,
      %swap3A_204 = vector.shape_cast %swap3A_203 : vector<1x16xf32> to vector<16xf32>
      %swap3A_205 = vector.shape_cast %broadcast_in_dim3A_200 : vector<16xf32> to vector<1x16xf32>
      tpu.vector_store %arg9[%swap3A_201, %swap3A_202], %swap3A_205 {strides = array<i32>} : memref<64x128xf32, #tpu.memory_space<vmem>>, vector<1x16xf32>,
      %broadcast_in_dim3A_206 = arith.constant 0.000000e+00 : f32
      %broadcast_in_dim3A_207 = vector.broadcast %broadcast_in_dim3A_206 : f32 to vector<16xf32>
      %swap3A_208 = arith.index_cast %scan3A_172 : i32 to index
      %swap3A_209 = arith.constant 80 : index
      %swap3A_210 = tpu.vector_load %arg9[%swap3A_208, %swap3A_209] {strides = array<i32>} : memref<64x128xf32, #tpu.memory_space<vmem>>, vector<1x16xf32>,
      %swap3A_211 = vector.shape_cast %swap3A_210 : vector<1x16xf32> to vector<16xf32>
      %swap3A_212 = vector.shape_cast %broadcast_in_dim3A_207 : vector<16xf32> to vector<1x16xf32>
      tpu.vector_store %arg9[%swap3A_208, %swap3A_209], %swap3A_212 {strides = array<i32>} : memref<64x128xf32, #tpu.memory_space<vmem>>, vector<1x16xf32>,
      %broadcast_in_dim3A_213 = arith.constant 0.000000e+00 : f32
      %broadcast_in_dim3A_214 = vector.broadcast %broadcast_in_dim3A_213 : f32 to vector<16xf32>
      %swap3A_215 = arith.index_cast %scan3A_172 : i32 to index
      %swap3A_216 = arith.constant 96 : index
      %swap3A_217 = tpu.vector_load %arg9[%swap3A_215, %swap3A_216] {strides = array<i32>} : memref<64x128xf32, #tpu.memory_space<vmem>>, vector<1x16xf32>,
      %swap3A_218 = vector.shape_cast %swap3A_217 : vector<1x16xf32> to vector<16xf32>
      %swap3A_219 = vector.shape_cast %broadcast_in_dim3A_214 : vector<16xf32> to vector<1x16xf32>
      tpu.vector_store %arg9[%swap3A_215, %swap3A_216], %swap3A_219 {strides = array<i32>} : memref<64x128xf32, #tpu.memory_space<vmem>>, vector<1x16xf32>,
      %broadcast_in_dim3A_220 = arith.constant 0.000000e+00 : f32
      %broadcast_in_dim3A_221 = vector.broadcast %broadcast_in_dim3A_220 : f32 to vector<16xf32>
      %swap3A_222 = arith.index_cast %scan3A_172 : i32 to index
      %swap3A_223 = arith.constant 112 : index
      %swap3A_224 = tpu.vector_load %arg9[%swap3A_222, %swap3A_223] {strides = array<i32>} : memref<64x128xf32, #tpu.memory_space<vmem>>, vector<1x16xf32>,
      %swap3A_225 = vector.shape_cast %swap3A_224 : vector<1x16xf32> to vector<16xf32>
      %swap3A_226 = vector.shape_cast %broadcast_in_dim3A_221 : vector<16xf32> to vector<1x16xf32>
      tpu.vector_store %arg9[%swap3A_222, %swap3A_223], %swap3A_226 {strides = array<i32>} : memref<64x128xf32, #tpu.memory_space<vmem>>, vector<1x16xf32>,
    }
    %scan3A_5 = arith.constant 64 : i32
    %mul3A_6 = arith.constant 640 : i32
    %mul3A_7 = arith.muli %arg1, %mul3A_6 : i32
    %add3A_8 = arith.constant 0 : i32
    %add3A_9 = arith.addi %mul3A_7, %add3A_8 : i32
    "tpu.region"() ({
      %run_scoped3A = tpu.sem_alloc : memref<!tpu.dma_semaphore, #tpu.memory_space<semaphore_mem>>
      %dma_start3A_172 = arith.constant 0 : i32
      %dma_start3A_173 = tpu.memref_slice %arg13[%add3A_9, %dma_start3A_172] : memref<10240x128xf32, #tpu.memory_space<vmem_shared>> -> memref<64x128xf32, #tpu.memory_space<vmem_shared>>
      %dma_start3A_174 = arith.constant 0 : i32
      %dma_start3A_175 = tpu.memref_slice %arg13[%add3A_9, %dma_start3A_174] : memref<10240x128xf32, #tpu.memory_space<vmem_shared>> -> memref<64x128xf32, #tpu.memory_space<vmem_shared>>
      tpu.enqueue_dma source(%arg9 : memref<64x128xf32, #tpu.memory_space<vmem>>) target(%dma_start3A_175 : memref<64x128xf32, #tpu.memory_space<vmem_shared>>) target_semaphore(%run_scoped3A : memref<!tpu.dma_semaphore, #tpu.memory_space<semaphore_mem>>)
      %dma_wait3A = arith.constant 0 : i32
      %dma_wait3A_176 = tpu.memref_slice %arg13[%add3A_9, %dma_wait3A] : memref<10240x128xf32, #tpu.memory_space<vmem_shared>> -> memref<64x128xf32, #tpu.memory_space<vmem_shared>>
      %dma_wait3A_177 = arith.constant 0 : i32
      %dma_wait3A_178 = tpu.memref_slice %arg13[%add3A_9, %dma_wait3A_177] : memref<10240x128xf32, #tpu.memory_space<vmem_shared>> -> memref<64x128xf32, #tpu.memory_space<vmem_shared>>
      tpu.wait_dma2 semaphore(%run_scoped3A : memref<!tpu.dma_semaphore, #tpu.memory_space<semaphore_mem>>) src(%arg9 : memref<64x128xf32, #tpu.memory_space<vmem>>) dst(%dma_wait3A_178 : memref<64x128xf32, #tpu.memory_space<vmem_shared>>)
      tpu.yield
    }) : () -> ()
    %add3A_10 = arith.constant 64 : i32
    %add3A_11 = arith.addi %mul3A_7, %add3A_10 : i32
    "tpu.region"() ({
      %run_scoped3A = tpu.sem_alloc : memref<!tpu.dma_semaphore, #tpu.memory_space<semaphore_mem>>
      %dma_start3A_172 = arith.constant 0 : i32
      %dma_start3A_173 = tpu.memref_slice %arg13[%add3A_11, %dma_start3A_172] : memref<10240x128xf32, #tpu.memory_space<vmem_shared>> -> memref<64x128xf32, #tpu.memory_space<vmem_shared>>
      %dma_start3A_174 = arith.constant 0 : i32
      %dma_start3A_175 = tpu.memref_slice %arg13[%add3A_11, %dma_start3A_174] : memref<10240x128xf32, #tpu.memory_space<vmem_shared>> -> memref<64x128xf32, #tpu.memory_space<vmem_shared>>
      tpu.enqueue_dma source(%arg9 : memref<64x128xf32, #tpu.memory_space<vmem>>) target(%dma_start3A_175 : memref<64x128xf32, #tpu.memory_space<vmem_shared>>) target_semaphore(%run_scoped3A : memref<!tpu.dma_semaphore, #tpu.memory_space<semaphore_mem>>)
      %dma_wait3A = arith.constant 0 : i32
      %dma_wait3A_176 = tpu.memref_slice %arg13[%add3A_11, %dma_wait3A] : memref<10240x128xf32, #tpu.memory_space<vmem_shared>> -> memref<64x128xf32, #tpu.memory_space<vmem_shared>>
      %dma_wait3A_177 = arith.constant 0 : i32
      %dma_wait3A_178 = tpu.memref_slice %arg13[%add3A_11, %dma_wait3A_177] : memref<10240x128xf32, #tpu.memory_space<vmem_shared>> -> memref<64x128xf32, #tpu.memory_space<vmem_shared>>
      tpu.wait_dma2 semaphore(%run_scoped3A : memref<!tpu.dma_semaphore, #tpu.memory_space<semaphore_mem>>) src(%arg9 : memref<64x128xf32, #tpu.memory_space<vmem>>) dst(%dma_wait3A_178 : memref<64x128xf32, #tpu.memory_space<vmem_shared>>)
      tpu.yield
    }) : () -> ()
    %add3A_12 = arith.constant 128 : i32
    %add3A_13 = arith.addi %mul3A_7, %add3A_12 : i32
    "tpu.region"() ({
      %run_scoped3A = tpu.sem_alloc : memref<!tpu.dma_semaphore, #tpu.memory_space<semaphore_mem>>
      %dma_start3A_172 = arith.constant 0 : i32
      %dma_start3A_173 = tpu.memref_slice %arg13[%add3A_13, %dma_start3A_172] : memref<10240x128xf32, #tpu.memory_space<vmem_shared>> -> memref<64x128xf32, #tpu.memory_space<vmem_shared>>
      %dma_start3A_174 = arith.constant 0 : i32
      %dma_start3A_175 = tpu.memref_slice %arg13[%add3A_13, %dma_start3A_174] : memref<10240x128xf32, #tpu.memory_space<vmem_shared>> -> memref<64x128xf32, #tpu.memory_space<vmem_shared>>
      tpu.enqueue_dma source(%arg9 : memref<64x128xf32, #tpu.memory_space<vmem>>) target(%dma_start3A_175 : memref<64x128xf32, #tpu.memory_space<vmem_shared>>) target_semaphore(%run_scoped3A : memref<!tpu.dma_semaphore, #tpu.memory_space<semaphore_mem>>)
      %dma_wait3A = arith.constant 0 : i32
      %dma_wait3A_176 = tpu.memref_slice %arg13[%add3A_13, %dma_wait3A] : memref<10240x128xf32, #tpu.memory_space<vmem_shared>> -> memref<64x128xf32, #tpu.memory_space<vmem_shared>>
      %dma_wait3A_177 = arith.constant 0 : i32
      %dma_wait3A_178 = tpu.memref_slice %arg13[%add3A_13, %dma_wait3A_177] : memref<10240x128xf32, #tpu.memory_space<vmem_shared>> -> memref<64x128xf32, #tpu.memory_space<vmem_shared>>
      tpu.wait_dma2 semaphore(%run_scoped3A : memref<!tpu.dma_semaphore, #tpu.memory_space<semaphore_mem>>) src(%arg9 : memref<64x128xf32, #tpu.memory_space<vmem>>) dst(%dma_wait3A_178 : memref<64x128xf32, #tpu.memory_space<vmem_shared>>)
      tpu.yield
    }) : () -> ()
    %add3A_14 = arith.constant 192 : i32
    %add3A_15 = arith.addi %mul3A_7, %add3A_14 : i32
    "tpu.region"() ({
      %run_scoped3A = tpu.sem_alloc : memref<!tpu.dma_semaphore, #tpu.memory_space<semaphore_mem>>
      %dma_start3A_172 = arith.constant 0 : i32
      %dma_start3A_173 = tpu.memref_slice %arg13[%add3A_15, %dma_start3A_172] : memref<10240x128xf32, #tpu.memory_space<vmem_shared>> -> memref<64x128xf32, #tpu.memory_space<vmem_shared>>
      %dma_start3A_174 = arith.constant 0 : i32
      %dma_start3A_175 = tpu.memref_slice %arg13[%add3A_15, %dma_start3A_174] : memref<10240x128xf32, #tpu.memory_space<vmem_shared>> -> memref<64x128xf32, #tpu.memory_space<vmem_shared>>
      tpu.enqueue_dma source(%arg9 : memref<64x128xf32, #tpu.memory_space<vmem>>) target(%dma_start3A_175 : memref<64x128xf32, #tpu.memory_space<vmem_shared>>) target_semaphore(%run_scoped3A : memref<!tpu.dma_semaphore, #tpu.memory_space<semaphore_mem>>)
      %dma_wait3A = arith.constant 0 : i32
      %dma_wait3A_176 = tpu.memref_slice %arg13[%add3A_15, %dma_wait3A] : memref<10240x128xf32, #tpu.memory_space<vmem_shared>> -> memref<64x128xf32, #tpu.memory_space<vmem_shared>>
      %dma_wait3A_177 = arith.constant 0 : i32
      %dma_wait3A_178 = tpu.memref_slice %arg13[%add3A_15, %dma_wait3A_177] : memref<10240x128xf32, #tpu.memory_space<vmem_shared>> -> memref<64x128xf32, #tpu.memory_space<vmem_shared>>
      tpu.wait_dma2 semaphore(%run_scoped3A : memref<!tpu.dma_semaphore, #tpu.memory_space<semaphore_mem>>) src(%arg9 : memref<64x128xf32, #tpu.memory_space<vmem>>) dst(%dma_wait3A_178 : memref<64x128xf32, #tpu.memory_space<vmem_shared>>)
      tpu.yield
    }) : () -> ()
    %add3A_16 = arith.constant 256 : i32
    %add3A_17 = arith.addi %mul3A_7, %add3A_16 : i32
    "tpu.region"() ({
      %run_scoped3A = tpu.sem_alloc : memref<!tpu.dma_semaphore, #tpu.memory_space<semaphore_mem>>
      %dma_start3A_172 = arith.constant 0 : i32
      %dma_start3A_173 = tpu.memref_slice %arg13[%add3A_17, %dma_start3A_172] : memref<10240x128xf32, #tpu.memory_space<vmem_shared>> -> memref<64x128xf32, #tpu.memory_space<vmem_shared>>
      %dma_start3A_174 = arith.constant 0 : i32
      %dma_start3A_175 = tpu.memref_slice %arg13[%add3A_17, %dma_start3A_174] : memref<10240x128xf32, #tpu.memory_space<vmem_shared>> -> memref<64x128xf32, #tpu.memory_space<vmem_shared>>
      tpu.enqueue_dma source(%arg9 : memref<64x128xf32, #tpu.memory_space<vmem>>) target(%dma_start3A_175 : memref<64x128xf32, #tpu.memory_space<vmem_shared>>) target_semaphore(%run_scoped3A : memref<!tpu.dma_semaphore, #tpu.memory_space<semaphore_mem>>)
      %dma_wait3A = arith.constant 0 : i32
      %dma_wait3A_176 = tpu.memref_slice %arg13[%add3A_17, %dma_wait3A] : memref<10240x128xf32, #tpu.memory_space<vmem_shared>> -> memref<64x128xf32, #tpu.memory_space<vmem_shared>>
      %dma_wait3A_177 = arith.constant 0 : i32
      %dma_wait3A_178 = tpu.memref_slice %arg13[%add3A_17, %dma_wait3A_177] : memref<10240x128xf32, #tpu.memory_space<vmem_shared>> -> memref<64x128xf32, #tpu.memory_space<vmem_shared>>
      tpu.wait_dma2 semaphore(%run_scoped3A : memref<!tpu.dma_semaphore, #tpu.memory_space<semaphore_mem>>) src(%arg9 : memref<64x128xf32, #tpu.memory_space<vmem>>) dst(%dma_wait3A_178 : memref<64x128xf32, #tpu.memory_space<vmem_shared>>)
      tpu.yield
    }) : () -> ()
    %add3A_18 = arith.constant 320 : i32
    %add3A_19 = arith.addi %mul3A_7, %add3A_18 : i32
    "tpu.region"() ({
      %run_scoped3A = tpu.sem_alloc : memref<!tpu.dma_semaphore, #tpu.memory_space<semaphore_mem>>
      %dma_start3A_172 = arith.constant 0 : i32
      %dma_start3A_173 = tpu.memref_slice %arg13[%add3A_19, %dma_start3A_172] : memref<10240x128xf32, #tpu.memory_space<vmem_shared>> -> memref<64x128xf32, #tpu.memory_space<vmem_shared>>
      %dma_start3A_174 = arith.constant 0 : i32
      %dma_start3A_175 = tpu.memref_slice %arg13[%add3A_19, %dma_start3A_174] : memref<10240x128xf32, #tpu.memory_space<vmem_shared>> -> memref<64x128xf32, #tpu.memory_space<vmem_shared>>
      tpu.enqueue_dma source(%arg9 : memref<64x128xf32, #tpu.memory_space<vmem>>) target(%dma_start3A_175 : memref<64x128xf32, #tpu.memory_space<vmem_shared>>) target_semaphore(%run_scoped3A : memref<!tpu.dma_semaphore, #tpu.memory_space<semaphore_mem>>)
      %dma_wait3A = arith.constant 0 : i32
      %dma_wait3A_176 = tpu.memref_slice %arg13[%add3A_19, %dma_wait3A] : memref<10240x128xf32, #tpu.memory_space<vmem_shared>> -> memref<64x128xf32, #tpu.memory_space<vmem_shared>>
      %dma_wait3A_177 = arith.constant 0 : i32
      %dma_wait3A_178 = tpu.memref_slice %arg13[%add3A_19, %dma_wait3A_177] : memref<10240x128xf32, #tpu.memory_space<vmem_shared>> -> memref<64x128xf32, #tpu.memory_space<vmem_shared>>
      tpu.wait_dma2 semaphore(%run_scoped3A : memref<!tpu.dma_semaphore, #tpu.memory_space<semaphore_mem>>) src(%arg9 : memref<64x128xf32, #tpu.memory_space<vmem>>) dst(%dma_wait3A_178 : memref<64x128xf32, #tpu.memory_space<vmem_shared>>)
      tpu.yield
    }) : () -> ()
    %add3A_20 = arith.constant 384 : i32
    %add3A_21 = arith.addi %mul3A_7, %add3A_20 : i32
    "tpu.region"() ({
      %run_scoped3A = tpu.sem_alloc : memref<!tpu.dma_semaphore, #tpu.memory_space<semaphore_mem>>
      %dma_start3A_172 = arith.constant 0 : i32
      %dma_start3A_173 = tpu.memref_slice %arg13[%add3A_21, %dma_start3A_172] : memref<10240x128xf32, #tpu.memory_space<vmem_shared>> -> memref<64x128xf32, #tpu.memory_space<vmem_shared>>
      %dma_start3A_174 = arith.constant 0 : i32
      %dma_start3A_175 = tpu.memref_slice %arg13[%add3A_21, %dma_start3A_174] : memref<10240x128xf32, #tpu.memory_space<vmem_shared>> -> memref<64x128xf32, #tpu.memory_space<vmem_shared>>
      tpu.enqueue_dma source(%arg9 : memref<64x128xf32, #tpu.memory_space<vmem>>) target(%dma_start3A_175 : memref<64x128xf32, #tpu.memory_space<vmem_shared>>) target_semaphore(%run_scoped3A : memref<!tpu.dma_semaphore, #tpu.memory_space<semaphore_mem>>)
      %dma_wait3A = arith.constant 0 : i32
      %dma_wait3A_176 = tpu.memref_slice %arg13[%add3A_21, %dma_wait3A] : memref<10240x128xf32, #tpu.memory_space<vmem_shared>> -> memref<64x128xf32, #tpu.memory_space<vmem_shared>>
      %dma_wait3A_177 = arith.constant 0 : i32
      %dma_wait3A_178 = tpu.memref_slice %arg13[%add3A_21, %dma_wait3A_177] : memref<10240x128xf32, #tpu.memory_space<vmem_shared>> -> memref<64x128xf32, #tpu.memory_space<vmem_shared>>
      tpu.wait_dma2 semaphore(%run_scoped3A : memref<!tpu.dma_semaphore, #tpu.memory_space<semaphore_mem>>) src(%arg9 : memref<64x128xf32, #tpu.memory_space<vmem>>) dst(%dma_wait3A_178 : memref<64x128xf32, #tpu.memory_space<vmem_shared>>)
      tpu.yield
    }) : () -> ()
    %add3A_22 = arith.constant 448 : i32
    %add3A_23 = arith.addi %mul3A_7, %add3A_22 : i32
    "tpu.region"() ({
      %run_scoped3A = tpu.sem_alloc : memref<!tpu.dma_semaphore, #tpu.memory_space<semaphore_mem>>
      %dma_start3A_172 = arith.constant 0 : i32
      %dma_start3A_173 = tpu.memref_slice %arg13[%add3A_23, %dma_start3A_172] : memref<10240x128xf32, #tpu.memory_space<vmem_shared>> -> memref<64x128xf32, #tpu.memory_space<vmem_shared>>
      %dma_start3A_174 = arith.constant 0 : i32
      %dma_start3A_175 = tpu.memref_slice %arg13[%add3A_23, %dma_start3A_174] : memref<10240x128xf32, #tpu.memory_space<vmem_shared>> -> memref<64x128xf32, #tpu.memory_space<vmem_shared>>
      tpu.enqueue_dma source(%arg9 : memref<64x128xf32, #tpu.memory_space<vmem>>) target(%dma_start3A_175 : memref<64x128xf32, #tpu.memory_space<vmem_shared>>) target_semaphore(%run_scoped3A : memref<!tpu.dma_semaphore, #tpu.memory_space<semaphore_mem>>)
      %dma_wait3A = arith.constant 0 : i32
      %dma_wait3A_176 = tpu.memref_slice %arg13[%add3A_23, %dma_wait3A] : memref<10240x128xf32, #tpu.memory_space<vmem_shared>> -> memref<64x128xf32, #tpu.memory_space<vmem_shared>>
      %dma_wait3A_177 = arith.constant 0 : i32
      %dma_wait3A_178 = tpu.memref_slice %arg13[%add3A_23, %dma_wait3A_177] : memref<10240x128xf32, #tpu.memory_space<vmem_shared>> -> memref<64x128xf32, #tpu.memory_space<vmem_shared>>
      tpu.wait_dma2 semaphore(%run_scoped3A : memref<!tpu.dma_semaphore, #tpu.memory_space<semaphore_mem>>) src(%arg9 : memref<64x128xf32, #tpu.memory_space<vmem>>) dst(%dma_wait3A_178 : memref<64x128xf32, #tpu.memory_space<vmem_shared>>)
      tpu.yield
    }) : () -> ()
    %add3A_24 = arith.constant 512 : i32
    %add3A_25 = arith.addi %mul3A_7, %add3A_24 : i32
    "tpu.region"() ({
      %run_scoped3A = tpu.sem_alloc : memref<!tpu.dma_semaphore, #tpu.memory_space<semaphore_mem>>
      %dma_start3A_172 = arith.constant 0 : i32
      %dma_start3A_173 = tpu.memref_slice %arg13[%add3A_25, %dma_start3A_172] : memref<10240x128xf32, #tpu.memory_space<vmem_shared>> -> memref<64x128xf32, #tpu.memory_space<vmem_shared>>
      %dma_start3A_174 = arith.constant 0 : i32
      %dma_start3A_175 = tpu.memref_slice %arg13[%add3A_25, %dma_start3A_174] : memref<10240x128xf32, #tpu.memory_space<vmem_shared>> -> memref<64x128xf32, #tpu.memory_space<vmem_shared>>
      tpu.enqueue_dma source(%arg9 : memref<64x128xf32, #tpu.memory_space<vmem>>) target(%dma_start3A_175 : memref<64x128xf32, #tpu.memory_space<vmem_shared>>) target_semaphore(%run_scoped3A : memref<!tpu.dma_semaphore, #tpu.memory_space<semaphore_mem>>)
      %dma_wait3A = arith.constant 0 : i32
      %dma_wait3A_176 = tpu.memref_slice %arg13[%add3A_25, %dma_wait3A] : memref<10240x128xf32, #tpu.memory_space<vmem_shared>> -> memref<64x128xf32, #tpu.memory_space<vmem_shared>>
      %dma_wait3A_177 = arith.constant 0 : i32
      %dma_wait3A_178 = tpu.memref_slice %arg13[%add3A_25, %dma_wait3A_177] : memref<10240x128xf32, #tpu.memory_space<vmem_shared>> -> memref<64x128xf32, #tpu.memory_space<vmem_shared>>
      tpu.wait_dma2 semaphore(%run_scoped3A : memref<!tpu.dma_semaphore, #tpu.memory_space<semaphore_mem>>) src(%arg9 : memref<64x128xf32, #tpu.memory_space<vmem>>) dst(%dma_wait3A_178 : memref<64x128xf32, #tpu.memory_space<vmem_shared>>)
      tpu.yield
    }) : () -> ()
    %add3A_26 = arith.constant 576 : i32
    %add3A_27 = arith.addi %mul3A_7, %add3A_26 : i32
    "tpu.region"() ({
      %run_scoped3A = tpu.sem_alloc : memref<!tpu.dma_semaphore, #tpu.memory_space<semaphore_mem>>
      %dma_start3A_172 = arith.constant 0 : i32
      %dma_start3A_173 = tpu.memref_slice %arg13[%add3A_27, %dma_start3A_172] : memref<10240x128xf32, #tpu.memory_space<vmem_shared>> -> memref<64x128xf32, #tpu.memory_space<vmem_shared>>
      %dma_start3A_174 = arith.constant 0 : i32
      %dma_start3A_175 = tpu.memref_slice %arg13[%add3A_27, %dma_start3A_174] : memref<10240x128xf32, #tpu.memory_space<vmem_shared>> -> memref<64x128xf32, #tpu.memory_space<vmem_shared>>
      tpu.enqueue_dma source(%arg9 : memref<64x128xf32, #tpu.memory_space<vmem>>) target(%dma_start3A_175 : memref<64x128xf32, #tpu.memory_space<vmem_shared>>) target_semaphore(%run_scoped3A : memref<!tpu.dma_semaphore, #tpu.memory_space<semaphore_mem>>)
      %dma_wait3A = arith.constant 0 : i32
      %dma_wait3A_176 = tpu.memref_slice %arg13[%add3A_27, %dma_wait3A] : memref<10240x128xf32, #tpu.memory_space<vmem_shared>> -> memref<64x128xf32, #tpu.memory_space<vmem_shared>>
      %dma_wait3A_177 = arith.constant 0 : i32
      %dma_wait3A_178 = tpu.memref_slice %arg13[%add3A_27, %dma_wait3A_177] : memref<10240x128xf32, #tpu.memory_space<vmem_shared>> -> memref<64x128xf32, #tpu.memory_space<vmem_shared>>
      tpu.wait_dma2 semaphore(%run_scoped3A : memref<!tpu.dma_semaphore, #tpu.memory_space<semaphore_mem>>) src(%arg9 : memref<64x128xf32, #tpu.memory_space<vmem>>) dst(%dma_wait3A_178 : memref<64x128xf32, #tpu.memory_space<vmem_shared>>)
      tpu.yield
    }) : () -> ()
    %barrier3A = arith.constant 0 : index
    tpu.barrier barrier_id(%barrier3A)
    %mul3A_28 = arith.constant 160 : i32
    %mul3A_29 = arith.muli %add3A, %mul3A_28 : i32
    %add3A_30 = arith.constant 0 : i32
    %add3A_31 = arith.addi %mul3A_29, %add3A_30 : i32
    "tpu.region"() ({
      %run_scoped3A = tpu.sem_alloc : memref<!tpu.dma_semaphore, #tpu.memory_space<semaphore_mem>>
      %dma_start3A_172 = arith.constant 0 : i32
      %dma_start3A_173 = tpu.memref_slice %arg4[%add3A_31, %dma_start3A_172] : memref<5120x64xi32, #tpu.memory_space<hbm>> -> memref<40x64xi32, #tpu.memory_space<hbm>>
      %dma_start3A_174 = arith.constant 0 : i32
      %dma_start3A_175 = tpu.memref_slice %arg4[%add3A_31, %dma_start3A_174] : memref<5120x64xi32, #tpu.memory_space<hbm>> -> memref<40x64xi32, #tpu.memory_space<hbm>>
      tpu.enqueue_dma source(%dma_start3A_175 : memref<40x64xi32, #tpu.memory_space<hbm>>) target(%arg7 : memref<40x64xi32, #tpu.memory_space<vmem>>) target_semaphore(%run_scoped3A : memref<!tpu.dma_semaphore, #tpu.memory_space<semaphore_mem>>)
      %dma_wait3A = arith.constant 0 : i32
      %dma_wait3A_176 = tpu.memref_slice %arg4[%add3A_31, %dma_wait3A] : memref<5120x64xi32, #tpu.memory_space<hbm>> -> memref<40x64xi32, #tpu.memory_space<hbm>>
      %dma_wait3A_177 = arith.constant 0 : i32
      %dma_wait3A_178 = tpu.memref_slice %arg4[%add3A_31, %dma_wait3A_177] : memref<5120x64xi32, #tpu.memory_space<hbm>> -> memref<40x64xi32, #tpu.memory_space<hbm>>
      tpu.wait_dma2 semaphore(%run_scoped3A : memref<!tpu.dma_semaphore, #tpu.memory_space<semaphore_mem>>) src(%dma_wait3A_178 : memref<40x64xi32, #tpu.memory_space<hbm>>) dst(%arg7 : memref<40x64xi32, #tpu.memory_space<vmem>>)
      tpu.yield
    }) : () -> ()
    %mul3A_32 = arith.constant 160 : i32
    %mul3A_33 = arith.muli %add3A, %mul3A_32 : i32
    %add3A_34 = arith.constant 0 : i32
    %add3A_35 = arith.addi %mul3A_33, %add3A_34 : i32
    "tpu.region"() ({
      %run_scoped3A = tpu.sem_alloc : memref<!tpu.dma_semaphore, #tpu.memory_space<semaphore_mem>>
      %dma_start3A_172 = arith.constant 0 : i32
      %dma_start3A_173 = tpu.memref_slice %arg5[%add3A_35, %dma_start3A_172] : memref<5120x64xi32, #tpu.memory_space<hbm>> -> memref<40x64xi32, #tpu.memory_space<hbm>>
      %dma_start3A_174 = arith.constant 0 : i32
      %dma_start3A_175 = tpu.memref_slice %arg5[%add3A_35, %dma_start3A_174] : memref<5120x64xi32, #tpu.memory_space<hbm>> -> memref<40x64xi32, #tpu.memory_space<hbm>>
      tpu.enqueue_dma source(%dma_start3A_175 : memref<40x64xi32, #tpu.memory_space<hbm>>) target(%arg8 : memref<40x64xi32, #tpu.memory_space<vmem>>) target_semaphore(%run_scoped3A : memref<!tpu.dma_semaphore, #tpu.memory_space<semaphore_mem>>)
      %dma_wait3A = arith.constant 0 : i32
      %dma_wait3A_176 = tpu.memref_slice %arg5[%add3A_35, %dma_wait3A] : memref<5120x64xi32, #tpu.memory_space<hbm>> -> memref<40x64xi32, #tpu.memory_space<hbm>>
      %dma_wait3A_177 = arith.constant 0 : i32
      %dma_wait3A_178 = tpu.memref_slice %arg5[%add3A_35, %dma_wait3A_177] : memref<5120x64xi32, #tpu.memory_space<hbm>> -> memref<40x64xi32, #tpu.memory_space<hbm>>
      tpu.wait_dma2 semaphore(%run_scoped3A : memref<!tpu.dma_semaphore, #tpu.memory_space<semaphore_mem>>) src(%dma_wait3A_178 : memref<40x64xi32, #tpu.memory_space<hbm>>) dst(%arg8 : memref<40x64xi32, #tpu.memory_space<vmem>>)
      tpu.yield
    }) : () -> ()
    %mul3A_36 = arith.constant 10240 : i32
    %mul3A_37 = arith.muli %add3A, %mul3A_36 : i32
    %add3A_38 = arith.constant 0 : i32
    %add3A_39 = arith.addi %mul3A_37, %add3A_38 : i32
    %dma_start3A = arith.constant 0 : i32
    %dma_start3A_40 = arith.constant 0 : i32
    %dma_start3A_41 = tpu.memref_slice %arg7[%dma_start3A, %dma_start3A_40] : memref<40x64xi32, #tpu.memory_space<vmem>> -> memref<1x64xi32, #tpu.memory_space<vmem>>
    %dma_start3A_42 = tpu.memref_squeeze %dma_start3A_41 : memref<1x64xi32, #tpu.memory_space<vmem>> -> memref<64xi32, #tpu.memory_space<vmem>>
    %dma_start3A_43 = arith.constant 0 : i32
    %dma_start3A_44 = arith.constant 0 : i32
    %dma_start3A_45 = tpu.memref_slice %arg2[%dma_start3A_43, %dma_start3A_44] : memref<10000x128xf32, #tpu.memory_space<hbm>> -> memref<10000x128xf32, #tpu.memory_space<hbm>>
    tpu.enqueue_indirect_dma source(%dma_start3A_45 : memref<10000x128xf32, #tpu.memory_space<hbm>>) target(%arg9 : memref<64x128xf32, #tpu.memory_space<vmem>>) offsets(%dma_start3A_42 : memref<64xi32, #tpu.memory_space<vmem>>) semaphore(%arg14 : memref<!tpu.dma_semaphore, #tpu.memory_space<semaphore_mem>>)
    %add3A_46 = arith.constant 0 : i32
    %add3A_47 = arith.addi %add3A_39, %add3A_46 : i32
    %dma_start3A_48 = arith.constant 0 : i32
    %dma_start3A_49 = tpu.memref_slice %arg3[%add3A_47, %dma_start3A_48] : memref<327680x128xf32, #tpu.memory_space<hbm>> -> memref<64x128xf32, #tpu.memory_space<hbm>>
    %dma_start3A_50 = arith.constant 0 : i32
    %dma_start3A_51 = tpu.memref_slice %arg3[%add3A_47, %dma_start3A_50] : memref<327680x128xf32, #tpu.memory_space<hbm>> -> memref<64x128xf32, #tpu.memory_space<hbm>>
    tpu.enqueue_dma source(%dma_start3A_51 : memref<64x128xf32, #tpu.memory_space<hbm>>) target(%arg11 : memref<64x128xf32, #tpu.memory_space<vmem>>) target_semaphore(%arg16 : memref<!tpu.dma_semaphore, #tpu.memory_space<semaphore_mem>>)
    %scan3A_52 = arith.constant 0 : i32
    %scan3A_53 = arith.constant 0 : i32
    %scan3A_54 = arith.constant 20 : i32
    %scan3A_55 = arith.addi %scan3A_53, %scan3A_54 : i32
    %scan3A_56 = arith.constant 1 : i32
    scf.for %scan3A_172 = %scan3A_53 to %scan3A_55 step %scan3A_56  : i32 {
      %mul3A_173 = arith.constant 2 : i32
      %mul3A_174 = arith.muli %mul3A_173, %scan3A_172 : i32
      %add3A_175 = arith.constant 1 : i32
      %add3A_176 = arith.addi %mul3A_174, %add3A_175 : i32
      %mul3A_177 = arith.constant 10240 : i32
      %mul3A_178 = arith.muli %add3A, %mul3A_177 : i32
      %add3A_179 = arith.constant 0 : i32
      %add3A_180 = arith.addi %mul3A_178, %add3A_179 : i32
      %dma_start3A_181 = arith.constant 0 : i32
      %dma_start3A_182 = tpu.memref_slice %arg7[%add3A_176, %dma_start3A_181] : memref<40x64xi32, #tpu.memory_space<vmem>> -> memref<1x64xi32, #tpu.memory_space<vmem>>
      %dma_start3A_183 = tpu.memref_squeeze %dma_start3A_182 : memref<1x64xi32, #tpu.memory_space<vmem>> -> memref<64xi32, #tpu.memory_space<vmem>>
      %dma_start3A_184 = arith.constant 0 : i32
      %dma_start3A_185 = arith.constant 0 : i32
      %dma_start3A_186 = tpu.memref_slice %arg2[%dma_start3A_184, %dma_start3A_185] : memref<10000x128xf32, #tpu.memory_space<hbm>> -> memref<10000x128xf32, #tpu.memory_space<hbm>>
      tpu.enqueue_indirect_dma source(%dma_start3A_186 : memref<10000x128xf32, #tpu.memory_space<hbm>>) target(%arg10 : memref<64x128xf32, #tpu.memory_space<vmem>>) offsets(%dma_start3A_183 : memref<64xi32, #tpu.memory_space<vmem>>) semaphore(%arg15 : memref<!tpu.dma_semaphore, #tpu.memory_space<semaphore_mem>>)
      %mul3A_187 = arith.constant 64 : i32
      %mul3A_188 = arith.muli %add3A_176, %mul3A_187 : i32
      %add3A_189 = arith.addi %add3A_180, %mul3A_188 : i32
      %dma_start3A_190 = arith.constant 0 : i32
      %dma_start3A_191 = tpu.memref_slice %arg3[%add3A_189, %dma_start3A_190] : memref<327680x128xf32, #tpu.memory_space<hbm>> -> memref<64x128xf32, #tpu.memory_space<hbm>>
      %dma_start3A_192 = arith.constant 0 : i32
      %dma_start3A_193 = tpu.memref_slice %arg3[%add3A_189, %dma_start3A_192] : memref<327680x128xf32, #tpu.memory_space<hbm>> -> memref<64x128xf32, #tpu.memory_space<hbm>>
      tpu.enqueue_dma source(%dma_start3A_193 : memref<64x128xf32, #tpu.memory_space<hbm>>) target(%arg12 : memref<64x128xf32, #tpu.memory_space<vmem>>) target_semaphore(%arg17 : memref<!tpu.dma_semaphore, #tpu.memory_space<semaphore_mem>>)
      %dma_wait3A = arith.constant 0 : i32
      %dma_wait3A_194 = arith.constant 0 : i32
      %dma_wait3A_195 = tpu.memref_slice %arg7[%dma_wait3A, %dma_wait3A_194] : memref<40x64xi32, #tpu.memory_space<vmem>> -> memref<1x64xi32, #tpu.memory_space<vmem>>
      %dma_wait3A_196 = tpu.memref_squeeze %dma_wait3A_195 : memref<1x64xi32, #tpu.memory_space<vmem>> -> memref<64xi32, #tpu.memory_space<vmem>>
      %dma_wait3A_197 = arith.constant 0 : i32
      %dma_wait3A_198 = arith.constant 0 : i32
      %dma_wait3A_199 = tpu.memref_slice %arg2[%dma_wait3A_197, %dma_wait3A_198] : memref<10000x128xf32, #tpu.memory_space<hbm>> -> memref<10000x128xf32, #tpu.memory_space<hbm>>
      tpu.wait_indirect_dma semaphore(%arg14 : memref<!tpu.dma_semaphore, #tpu.memory_space<semaphore_mem>>) src(%dma_wait3A_199 : memref<10000x128xf32, #tpu.memory_space<hbm>>) dst(%arg9 : memref<64x128xf32, #tpu.memory_space<vmem>>)
      %dma_wait3A_200 = arith.constant 0 : i32
      %dma_wait3A_201 = arith.constant 0 : i32
      %dma_wait3A_202 = tpu.memref_slice %arg3[%dma_wait3A_200, %dma_wait3A_201] : memref<327680x128xf32, #tpu.memory_space<hbm>> -> memref<64x128xf32, #tpu.memory_space<hbm>>
      %dma_wait3A_203 = arith.constant 0 : i32
      %dma_wait3A_204 = arith.constant 0 : i32
      %dma_wait3A_205 = tpu.memref_slice %arg3[%dma_wait3A_203, %dma_wait3A_204] : memref<327680x128xf32, #tpu.memory_space<hbm>> -> memref<64x128xf32, #tpu.memory_space<hbm>>
      tpu.wait_dma2 semaphore(%arg16 : memref<!tpu.dma_semaphore, #tpu.memory_space<semaphore_mem>>) src(%dma_wait3A_205 : memref<64x128xf32, #tpu.memory_space<hbm>>) dst(%arg11 : memref<64x128xf32, #tpu.memory_space<vmem>>)
      %parallel_loop3A = arith.constant 0 : i32
      %parallel_loop3A_206 = arith.constant 64 : i32
      %parallel_loop3A_207 = arith.constant 1 : i32
      scf.for %parallel_loop3A_228 = %parallel_loop3A to %parallel_loop3A_206 step %parallel_loop3A_207  : i32 {
        %parallel_loop3A_229 = arith.index_cast %parallel_loop3A_228 : i32 to index
        %parallel_loop3A_230 = arith.constant 0 : index
        %parallel_loop3A_231 = tpu.vector_load %arg9[%parallel_loop3A_229, %parallel_loop3A_230] {strides = array<i32>} : memref<64x128xf32, #tpu.memory_space<vmem>>, vector<1x16xf32>,
        %parallel_loop3A_232 = vector.shape_cast %parallel_loop3A_231 : vector<1x16xf32> to vector<16xf32>
        %parallel_loop3A_233 = arith.index_cast %parallel_loop3A_228 : i32 to index
        %parallel_loop3A_234 = arith.constant 0 : index
        %parallel_loop3A_235 = tpu.vector_load %arg11[%parallel_loop3A_233, %parallel_loop3A_234] {strides = array<i32>} : memref<64x128xf32, #tpu.memory_space<vmem>>, vector<1x16xf32>,
        %parallel_loop3A_236 = vector.shape_cast %parallel_loop3A_235 : vector<1x16xf32> to vector<16xf32>
        %parallel_loop3A_237 = arith.mulf %parallel_loop3A_232, %parallel_loop3A_236 : vector<16xf32>
        %parallel_loop3A_238 = arith.index_cast %parallel_loop3A_228 : i32 to index
        %parallel_loop3A_239 = arith.constant 0 : index
        %parallel_loop3A_240 = tpu.vector_load %arg9[%parallel_loop3A_238, %parallel_loop3A_239] {strides = array<i32>} : memref<64x128xf32, #tpu.memory_space<vmem>>, vector<1x16xf32>,
        %parallel_loop3A_241 = vector.shape_cast %parallel_loop3A_240 : vector<1x16xf32> to vector<16xf32>
        %parallel_loop3A_242 = vector.shape_cast %parallel_loop3A_237 : vector<16xf32> to vector<1x16xf32>
        tpu.vector_store %arg9[%parallel_loop3A_238, %parallel_loop3A_239], %parallel_loop3A_242 {strides = array<i32>} : memref<64x128xf32, #tpu.memory_space<vmem>>, vector<1x16xf32>,
        %parallel_loop3A_243 = arith.index_cast %parallel_loop3A_228 : i32 to index
        %parallel_loop3A_244 = arith.constant 16 : index
        %parallel_loop3A_245 = tpu.vector_load %arg9[%parallel_loop3A_243, %parallel_loop3A_244] {strides = array<i32>} : memref<64x128xf32, #tpu.memory_space<vmem>>, vector<1x16xf32>,
        %parallel_loop3A_246 = vector.shape_cast %parallel_loop3A_245 : vector<1x16xf32> to vector<16xf32>
        %parallel_loop3A_247 = arith.index_cast %parallel_loop3A_228 : i32 to index
        %parallel_loop3A_248 = arith.constant 16 : index
        %parallel_loop3A_249 = tpu.vector_load %arg11[%parallel_loop3A_247, %parallel_loop3A_248] {strides = array<i32>} : memref<64x128xf32, #tpu.memory_space<vmem>>, vector<1x16xf32>,
        %parallel_loop3A_250 = vector.shape_cast %parallel_loop3A_249 : vector<1x16xf32> to vector<16xf32>
        %parallel_loop3A_251 = arith.mulf %parallel_loop3A_246, %parallel_loop3A_250 : vector<16xf32>
        %parallel_loop3A_252 = arith.index_cast %parallel_loop3A_228 : i32 to index
        %parallel_loop3A_253 = arith.constant 16 : index
        %parallel_loop3A_254 = tpu.vector_load %arg9[%parallel_loop3A_252, %parallel_loop3A_253] {strides = array<i32>} : memref<64x128xf32, #tpu.memory_space<vmem>>, vector<1x16xf32>,
        %parallel_loop3A_255 = vector.shape_cast %parallel_loop3A_254 : vector<1x16xf32> to vector<16xf32>
        %parallel_loop3A_256 = vector.shape_cast %parallel_loop3A_251 : vector<16xf32> to vector<1x16xf32>
        tpu.vector_store %arg9[%parallel_loop3A_252, %parallel_loop3A_253], %parallel_loop3A_256 {strides = array<i32>} : memref<64x128xf32, #tpu.memory_space<vmem>>, vector<1x16xf32>,
        %parallel_loop3A_257 = arith.index_cast %parallel_loop3A_228 : i32 to index
        %parallel_loop3A_258 = arith.constant 32 : index
        %parallel_loop3A_259 = tpu.vector_load %arg9[%parallel_loop3A_257, %parallel_loop3A_258] {strides = array<i32>} : memref<64x128xf32, #tpu.memory_space<vmem>>, vector<1x16xf32>,
        %parallel_loop3A_260 = vector.shape_cast %parallel_loop3A_259 : vector<1x16xf32> to vector<16xf32>
        %parallel_loop3A_261 = arith.index_cast %parallel_loop3A_228 : i32 to index
        %parallel_loop3A_262 = arith.constant 32 : index
        %parallel_loop3A_263 = tpu.vector_load %arg11[%parallel_loop3A_261, %parallel_loop3A_262] {strides = array<i32>} : memref<64x128xf32, #tpu.memory_space<vmem>>, vector<1x16xf32>,
        %parallel_loop3A_264 = vector.shape_cast %parallel_loop3A_263 : vector<1x16xf32> to vector<16xf32>
        %parallel_loop3A_265 = arith.mulf %parallel_loop3A_260, %parallel_loop3A_264 : vector<16xf32>
        %parallel_loop3A_266 = arith.index_cast %parallel_loop3A_228 : i32 to index
        %parallel_loop3A_267 = arith.constant 32 : index
        %parallel_loop3A_268 = tpu.vector_load %arg9[%parallel_loop3A_266, %parallel_loop3A_267] {strides = array<i32>} : memref<64x128xf32, #tpu.memory_space<vmem>>, vector<1x16xf32>,
        %parallel_loop3A_269 = vector.shape_cast %parallel_loop3A_268 : vector<1x16xf32> to vector<16xf32>
        %parallel_loop3A_270 = vector.shape_cast %parallel_loop3A_265 : vector<16xf32> to vector<1x16xf32>
        tpu.vector_store %arg9[%parallel_loop3A_266, %parallel_loop3A_267], %parallel_loop3A_270 {strides = array<i32>} : memref<64x128xf32, #tpu.memory_space<vmem>>, vector<1x16xf32>,
        %parallel_loop3A_271 = arith.index_cast %parallel_loop3A_228 : i32 to index
        %parallel_loop3A_272 = arith.constant 48 : index
        %parallel_loop3A_273 = tpu.vector_load %arg9[%parallel_loop3A_271, %parallel_loop3A_272] {strides = array<i32>} : memref<64x128xf32, #tpu.memory_space<vmem>>, vector<1x16xf32>,
        %parallel_loop3A_274 = vector.shape_cast %parallel_loop3A_273 : vector<1x16xf32> to vector<16xf32>
        %parallel_loop3A_275 = arith.index_cast %parallel_loop3A_228 : i32 to index
        %parallel_loop3A_276 = arith.constant 48 : index
        %parallel_loop3A_277 = tpu.vector_load %arg11[%parallel_loop3A_275, %parallel_loop3A_276] {strides = array<i32>} : memref<64x128xf32, #tpu.memory_space<vmem>>, vector<1x16xf32>,
        %parallel_loop3A_278 = vector.shape_cast %parallel_loop3A_277 : vector<1x16xf32> to vector<16xf32>
        %parallel_loop3A_279 = arith.mulf %parallel_loop3A_274, %parallel_loop3A_278 : vector<16xf32>
        %parallel_loop3A_280 = arith.index_cast %parallel_loop3A_228 : i32 to index
        %parallel_loop3A_281 = arith.constant 48 : index
        %parallel_loop3A_282 = tpu.vector_load %arg9[%parallel_loop3A_280, %parallel_loop3A_281] {strides = array<i32>} : memref<64x128xf32, #tpu.memory_space<vmem>>, vector<1x16xf32>,
        %parallel_loop3A_283 = vector.shape_cast %parallel_loop3A_282 : vector<1x16xf32> to vector<16xf32>
        %parallel_loop3A_284 = vector.shape_cast %parallel_loop3A_279 : vector<16xf32> to vector<1x16xf32>
        tpu.vector_store %arg9[%parallel_loop3A_280, %parallel_loop3A_281], %parallel_loop3A_284 {strides = array<i32>} : memref<64x128xf32, #tpu.memory_space<vmem>>, vector<1x16xf32>,
        %parallel_loop3A_285 = arith.index_cast %parallel_loop3A_228 : i32 to index
        %parallel_loop3A_286 = arith.constant 64 : index
        %parallel_loop3A_287 = tpu.vector_load %arg9[%parallel_loop3A_285, %parallel_loop3A_286] {strides = array<i32>} : memref<64x128xf32, #tpu.memory_space<vmem>>, vector<1x16xf32>,
        %parallel_loop3A_288 = vector.shape_cast %parallel_loop3A_287 : vector<1x16xf32> to vector<16xf32>
        %parallel_loop3A_289 = arith.index_cast %parallel_loop3A_228 : i32 to index
        %parallel_loop3A_290 = arith.constant 64 : index
        %parallel_loop3A_291 = tpu.vector_load %arg11[%parallel_loop3A_289, %parallel_loop3A_290] {strides = array<i32>} : memref<64x128xf32, #tpu.memory_space<vmem>>, vector<1x16xf32>,
        %parallel_loop3A_292 = vector.shape_cast %parallel_loop3A_291 : vector<1x16xf32> to vector<16xf32>
        %parallel_loop3A_293 = arith.mulf %parallel_loop3A_288, %parallel_loop3A_292 : vector<16xf32>
        %parallel_loop3A_294 = arith.index_cast %parallel_loop3A_228 : i32 to index
        %parallel_loop3A_295 = arith.constant 64 : index
        %parallel_loop3A_296 = tpu.vector_load %arg9[%parallel_loop3A_294, %parallel_loop3A_295] {strides = array<i32>} : memref<64x128xf32, #tpu.memory_space<vmem>>, vector<1x16xf32>,
        %parallel_loop3A_297 = vector.shape_cast %parallel_loop3A_296 : vector<1x16xf32> to vector<16xf32>
        %parallel_loop3A_298 = vector.shape_cast %parallel_loop3A_293 : vector<16xf32> to vector<1x16xf32>
        tpu.vector_store %arg9[%parallel_loop3A_294, %parallel_loop3A_295], %parallel_loop3A_298 {strides = array<i32>} : memref<64x128xf32, #tpu.memory_space<vmem>>, vector<1x16xf32>,
        %parallel_loop3A_299 = arith.index_cast %parallel_loop3A_228 : i32 to index
        %parallel_loop3A_300 = arith.constant 80 : index
        %parallel_loop3A_301 = tpu.vector_load %arg9[%parallel_loop3A_299, %parallel_loop3A_300] {strides = array<i32>} : memref<64x128xf32, #tpu.memory_space<vmem>>, vector<1x16xf32>,
        %parallel_loop3A_302 = vector.shape_cast %parallel_loop3A_301 : vector<1x16xf32> to vector<16xf32>
        %parallel_loop3A_303 = arith.index_cast %parallel_loop3A_228 : i32 to index
        %parallel_loop3A_304 = arith.constant 80 : index
        %parallel_loop3A_305 = tpu.vector_load %arg11[%parallel_loop3A_303, %parallel_loop3A_304] {strides = array<i32>} : memref<64x128xf32, #tpu.memory_space<vmem>>, vector<1x16xf32>,
        %parallel_loop3A_306 = vector.shape_cast %parallel_loop3A_305 : vector<1x16xf32> to vector<16xf32>
        %parallel_loop3A_307 = arith.mulf %parallel_loop3A_302, %parallel_loop3A_306 : vector<16xf32>
        %parallel_loop3A_308 = arith.index_cast %parallel_loop3A_228 : i32 to index
        %parallel_loop3A_309 = arith.constant 80 : index
        %parallel_loop3A_310 = tpu.vector_load %arg9[%parallel_loop3A_308, %parallel_loop3A_309] {strides = array<i32>} : memref<64x128xf32, #tpu.memory_space<vmem>>, vector<1x16xf32>,
        %parallel_loop3A_311 = vector.shape_cast %parallel_loop3A_310 : vector<1x16xf32> to vector<16xf32>
        %parallel_loop3A_312 = vector.shape_cast %parallel_loop3A_307 : vector<16xf32> to vector<1x16xf32>
        tpu.vector_store %arg9[%parallel_loop3A_308, %parallel_loop3A_309], %parallel_loop3A_312 {strides = array<i32>} : memref<64x128xf32, #tpu.memory_space<vmem>>, vector<1x16xf32>,
        %parallel_loop3A_313 = arith.index_cast %parallel_loop3A_228 : i32 to index
        %parallel_loop3A_314 = arith.constant 96 : index
        %parallel_loop3A_315 = tpu.vector_load %arg9[%parallel_loop3A_313, %parallel_loop3A_314] {strides = array<i32>} : memref<64x128xf32, #tpu.memory_space<vmem>>, vector<1x16xf32>,
        %parallel_loop3A_316 = vector.shape_cast %parallel_loop3A_315 : vector<1x16xf32> to vector<16xf32>
        %parallel_loop3A_317 = arith.index_cast %parallel_loop3A_228 : i32 to index
        %parallel_loop3A_318 = arith.constant 96 : index
        %parallel_loop3A_319 = tpu.vector_load %arg11[%parallel_loop3A_317, %parallel_loop3A_318] {strides = array<i32>} : memref<64x128xf32, #tpu.memory_space<vmem>>, vector<1x16xf32>,
        %parallel_loop3A_320 = vector.shape_cast %parallel_loop3A_319 : vector<1x16xf32> to vector<16xf32>
        %parallel_loop3A_321 = arith.mulf %parallel_loop3A_316, %parallel_loop3A_320 : vector<16xf32>
        %parallel_loop3A_322 = arith.index_cast %parallel_loop3A_228 : i32 to index
        %parallel_loop3A_323 = arith.constant 96 : index
        %parallel_loop3A_324 = tpu.vector_load %arg9[%parallel_loop3A_322, %parallel_loop3A_323] {strides = array<i32>} : memref<64x128xf32, #tpu.memory_space<vmem>>, vector<1x16xf32>,
        %parallel_loop3A_325 = vector.shape_cast %parallel_loop3A_324 : vector<1x16xf32> to vector<16xf32>
        %parallel_loop3A_326 = vector.shape_cast %parallel_loop3A_321 : vector<16xf32> to vector<1x16xf32>
        tpu.vector_store %arg9[%parallel_loop3A_322, %parallel_loop3A_323], %parallel_loop3A_326 {strides = array<i32>} : memref<64x128xf32, #tpu.memory_space<vmem>>, vector<1x16xf32>,
        %parallel_loop3A_327 = arith.index_cast %parallel_loop3A_228 : i32 to index
        %parallel_loop3A_328 = arith.constant 112 : index
        %parallel_loop3A_329 = tpu.vector_load %arg9[%parallel_loop3A_327, %parallel_loop3A_328] {strides = array<i32>} : memref<64x128xf32, #tpu.memory_space<vmem>>, vector<1x16xf32>,
        %parallel_loop3A_330 = vector.shape_cast %parallel_loop3A_329 : vector<1x16xf32> to vector<16xf32>
        %parallel_loop3A_331 = arith.index_cast %parallel_loop3A_228 : i32 to index
        %parallel_loop3A_332 = arith.constant 112 : index
        %parallel_loop3A_333 = tpu.vector_load %arg11[%parallel_loop3A_331, %parallel_loop3A_332] {strides = array<i32>} : memref<64x128xf32, #tpu.memory_space<vmem>>, vector<1x16xf32>,
        %parallel_loop3A_334 = vector.shape_cast %parallel_loop3A_333 : vector<1x16xf32> to vector<16xf32>
        %parallel_loop3A_335 = arith.mulf %parallel_loop3A_330, %parallel_loop3A_334 : vector<16xf32>
        %parallel_loop3A_336 = arith.index_cast %parallel_loop3A_228 : i32 to index
        %parallel_loop3A_337 = arith.constant 112 : index
        %parallel_loop3A_338 = tpu.vector_load %arg9[%parallel_loop3A_336, %parallel_loop3A_337] {strides = array<i32>} : memref<64x128xf32, #tpu.memory_space<vmem>>, vector<1x16xf32>,
        %parallel_loop3A_339 = vector.shape_cast %parallel_loop3A_338 : vector<1x16xf32> to vector<16xf32>
        %parallel_loop3A_340 = vector.shape_cast %parallel_loop3A_335 : vector<16xf32> to vector<1x16xf32>
        tpu.vector_store %arg9[%parallel_loop3A_336, %parallel_loop3A_337], %parallel_loop3A_340 {strides = array<i32>} : memref<64x128xf32, #tpu.memory_space<vmem>>, vector<1x16xf32>,
      } {sc.loop_unroll_factor = 4 : i64, sc.parallel_access}
      "tpu.region"() ({
        %run_scoped3A = tpu.sem_alloc : memref<!tpu.dma_semaphore, #tpu.memory_space<semaphore_mem>>
        %dma_start3A_228 = arith.constant 0 : i32
        %dma_start3A_229 = tpu.memref_slice %arg8[%mul3A_174, %dma_start3A_228] : memref<40x64xi32, #tpu.memory_space<vmem>> -> memref<1x64xi32, #tpu.memory_space<vmem>>
        %dma_start3A_230 = tpu.memref_squeeze %dma_start3A_229 : memref<1x64xi32, #tpu.memory_space<vmem>> -> memref<64xi32, #tpu.memory_space<vmem>>
        %dma_start3A_231 = arith.constant 0 : i32
        %dma_start3A_232 = arith.constant 0 : i32
        %dma_start3A_233 = tpu.memref_slice %arg13[%dma_start3A_231, %dma_start3A_232] : memref<10240x128xf32, #tpu.memory_space<vmem_shared>> -> memref<10240x128xf32, #tpu.memory_space<vmem_shared>>
        tpu.enqueue_indirect_dma source(%arg9 : memref<64x128xf32, #tpu.memory_space<vmem>>) target(%dma_start3A_233 : memref<10240x128xf32, #tpu.memory_space<vmem_shared>>) offsets(%dma_start3A_230 : memref<64xi32, #tpu.memory_space<vmem>>) semaphore(%run_scoped3A : memref<!tpu.dma_semaphore, #tpu.memory_space<semaphore_mem>>) {add = true}
        %dma_wait3A_234 = arith.constant 0 : i32
        %dma_wait3A_235 = tpu.memref_slice %arg8[%mul3A_174, %dma_wait3A_234] : memref<40x64xi32, #tpu.memory_space<vmem>> -> memref<1x64xi32, #tpu.memory_space<vmem>>
        %dma_wait3A_236 = tpu.memref_squeeze %dma_wait3A_235 : memref<1x64xi32, #tpu.memory_space<vmem>> -> memref<64xi32, #tpu.memory_space<vmem>>
        %dma_wait3A_237 = arith.constant 0 : i32
        %dma_wait3A_238 = arith.constant 0 : i32
        %dma_wait3A_239 = tpu.memref_slice %arg13[%dma_wait3A_237, %dma_wait3A_238] : memref<10240x128xf32, #tpu.memory_space<vmem_shared>> -> memref<10240x128xf32, #tpu.memory_space<vmem_shared>>
        tpu.wait_indirect_dma semaphore(%run_scoped3A : memref<!tpu.dma_semaphore, #tpu.memory_space<semaphore_mem>>) src(%arg9 : memref<64x128xf32, #tpu.memory_space<vmem>>) dst(%dma_wait3A_239 : memref<10240x128xf32, #tpu.memory_space<vmem_shared>>)
        tpu.yield
      }) : () -> ()
      %lt3A = arith.constant 19 : i32
      %lt3A_208 = arith.cmpi slt, %scan3A_172, %lt3A : i32
      %convert_element_type3A = arith.extui %lt3A_208 : i1 to i32
      %cond3A = arith.constant 0 : i32
      %cond3A_209 = arith.cmpi ne, %convert_element_type3A, %cond3A : i32
      scf.if %cond3A_209 {
        %add3A_228 = arith.constant 2 : i32
        %add3A_229 = arith.addi %mul3A_174, %add3A_228 : i32
        %mul3A_230 = arith.constant 10240 : i32
        %mul3A_231 = arith.muli %add3A, %mul3A_230 : i32
        %add3A_232 = arith.constant 0 : i32
        %add3A_233 = arith.addi %mul3A_231, %add3A_232 : i32
        %dma_start3A_234 = arith.constant 0 : i32
        %dma_start3A_235 = tpu.memref_slice %arg7[%add3A_229, %dma_start3A_234] : memref<40x64xi32, #tpu.memory_space<vmem>> -> memref<1x64xi32, #tpu.memory_space<vmem>>
        %dma_start3A_236 = tpu.memref_squeeze %dma_start3A_235 : memref<1x64xi32, #tpu.memory_space<vmem>> -> memref<64xi32, #tpu.memory_space<vmem>>
        %dma_start3A_237 = arith.constant 0 : i32
        %dma_start3A_238 = arith.constant 0 : i32
        %dma_start3A_239 = tpu.memref_slice %arg2[%dma_start3A_237, %dma_start3A_238] : memref<10000x128xf32, #tpu.memory_space<hbm>> -> memref<10000x128xf32, #tpu.memory_space<hbm>>
        tpu.enqueue_indirect_dma source(%dma_start3A_239 : memref<10000x128xf32, #tpu.memory_space<hbm>>) target(%arg9 : memref<64x128xf32, #tpu.memory_space<vmem>>) offsets(%dma_start3A_236 : memref<64xi32, #tpu.memory_space<vmem>>) semaphore(%arg14 : memref<!tpu.dma_semaphore, #tpu.memory_space<semaphore_mem>>)
        %mul3A_240 = arith.constant 64 : i32
        %mul3A_241 = arith.muli %add3A_229, %mul3A_240 : i32
        %add3A_242 = arith.addi %add3A_233, %mul3A_241 : i32
        %dma_start3A_243 = arith.constant 0 : i32
        %dma_start3A_244 = tpu.memref_slice %arg3[%add3A_242, %dma_start3A_243] : memref<327680x128xf32, #tpu.memory_space<hbm>> -> memref<64x128xf32, #tpu.memory_space<hbm>>
        %dma_start3A_245 = arith.constant 0 : i32
        %dma_start3A_246 = tpu.memref_slice %arg3[%add3A_242, %dma_start3A_245] : memref<327680x128xf32, #tpu.memory_space<hbm>> -> memref<64x128xf32, #tpu.memory_space<hbm>>
        tpu.enqueue_dma source(%dma_start3A_246 : memref<64x128xf32, #tpu.memory_space<hbm>>) target(%arg11 : memref<64x128xf32, #tpu.memory_space<vmem>>) target_semaphore(%arg16 : memref<!tpu.dma_semaphore, #tpu.memory_space<semaphore_mem>>)
      } else {
      }
      %dma_wait3A_210 = arith.constant 0 : i32
      %dma_wait3A_211 = arith.constant 0 : i32
      %dma_wait3A_212 = tpu.memref_slice %arg7[%dma_wait3A_210, %dma_wait3A_211] : memref<40x64xi32, #tpu.memory_space<vmem>> -> memref<1x64xi32, #tpu.memory_space<vmem>>
      %dma_wait3A_213 = tpu.memref_squeeze %dma_wait3A_212 : memref<1x64xi32, #tpu.memory_space<vmem>> -> memref<64xi32, #tpu.memory_space<vmem>>
      %dma_wait3A_214 = arith.constant 0 : i32
      %dma_wait3A_215 = arith.constant 0 : i32
      %dma_wait3A_216 = tpu.memref_slice %arg2[%dma_wait3A_214, %dma_wait3A_215] : memref<10000x128xf32, #tpu.memory_space<hbm>> -> memref<10000x128xf32, #tpu.memory_space<hbm>>
      tpu.wait_indirect_dma semaphore(%arg15 : memref<!tpu.dma_semaphore, #tpu.memory_space<semaphore_mem>>) src(%dma_wait3A_216 : memref<10000x128xf32, #tpu.memory_space<hbm>>) dst(%arg10 : memref<64x128xf32, #tpu.memory_space<vmem>>)
      %dma_wait3A_217 = arith.constant 0 : i32
      %dma_wait3A_218 = arith.constant 0 : i32
      %dma_wait3A_219 = tpu.memref_slice %arg3[%dma_wait3A_217, %dma_wait3A_218] : memref<327680x128xf32, #tpu.memory_space<hbm>> -> memref<64x128xf32, #tpu.memory_space<hbm>>
      %dma_wait3A_220 = arith.constant 0 : i32
      %dma_wait3A_221 = arith.constant 0 : i32
      %dma_wait3A_222 = tpu.memref_slice %arg3[%dma_wait3A_220, %dma_wait3A_221] : memref<327680x128xf32, #tpu.memory_space<hbm>> -> memref<64x128xf32, #tpu.memory_space<hbm>>
      tpu.wait_dma2 semaphore(%arg17 : memref<!tpu.dma_semaphore, #tpu.memory_space<semaphore_mem>>) src(%dma_wait3A_222 : memref<64x128xf32, #tpu.memory_space<hbm>>) dst(%arg12 : memref<64x128xf32, #tpu.memory_space<vmem>>)
      %add3A_223 = arith.constant 1 : i32
      %add3A_224 = arith.addi %mul3A_174, %add3A_223 : i32
      %parallel_loop3A_225 = arith.constant 0 : i32
      %parallel_loop3A_226 = arith.constant 64 : i32
      %parallel_loop3A_227 = arith.constant 1 : i32
      scf.for %parallel_loop3A_228 = %parallel_loop3A_225 to %parallel_loop3A_226 step %parallel_loop3A_227  : i32 {
        %parallel_loop3A_229 = arith.index_cast %parallel_loop3A_228 : i32 to index
        %parallel_loop3A_230 = arith.constant 0 : index
        %parallel_loop3A_231 = tpu.vector_load %arg10[%parallel_loop3A_229, %parallel_loop3A_230] {strides = array<i32>} : memref<64x128xf32, #tpu.memory_space<vmem>>, vector<1x16xf32>,
        %parallel_loop3A_232 = vector.shape_cast %parallel_loop3A_231 : vector<1x16xf32> to vector<16xf32>
        %parallel_loop3A_233 = arith.index_cast %parallel_loop3A_228 : i32 to index
        %parallel_loop3A_234 = arith.constant 0 : index
        %parallel_loop3A_235 = tpu.vector_load %arg12[%parallel_loop3A_233, %parallel_loop3A_234] {strides = array<i32>} : memref<64x128xf32, #tpu.memory_space<vmem>>, vector<1x16xf32>,
        %parallel_loop3A_236 = vector.shape_cast %parallel_loop3A_235 : vector<1x16xf32> to vector<16xf32>
        %parallel_loop3A_237 = arith.mulf %parallel_loop3A_232, %parallel_loop3A_236 : vector<16xf32>
        %parallel_loop3A_238 = arith.index_cast %parallel_loop3A_228 : i32 to index
        %parallel_loop3A_239 = arith.constant 0 : index
        %parallel_loop3A_240 = tpu.vector_load %arg10[%parallel_loop3A_238, %parallel_loop3A_239] {strides = array<i32>} : memref<64x128xf32, #tpu.memory_space<vmem>>, vector<1x16xf32>,
        %parallel_loop3A_241 = vector.shape_cast %parallel_loop3A_240 : vector<1x16xf32> to vector<16xf32>
        %parallel_loop3A_242 = vector.shape_cast %parallel_loop3A_237 : vector<16xf32> to vector<1x16xf32>
        tpu.vector_store %arg10[%parallel_loop3A_238, %parallel_loop3A_239], %parallel_loop3A_242 {strides = array<i32>} : memref<64x128xf32, #tpu.memory_space<vmem>>, vector<1x16xf32>,
        %parallel_loop3A_243 = arith.index_cast %parallel_loop3A_228 : i32 to index
        %parallel_loop3A_244 = arith.constant 16 : index
        %parallel_loop3A_245 = tpu.vector_load %arg10[%parallel_loop3A_243, %parallel_loop3A_244] {strides = array<i32>} : memref<64x128xf32, #tpu.memory_space<vmem>>, vector<1x16xf32>,
        %parallel_loop3A_246 = vector.shape_cast %parallel_loop3A_245 : vector<1x16xf32> to vector<16xf32>
        %parallel_loop3A_247 = arith.index_cast %parallel_loop3A_228 : i32 to index
        %parallel_loop3A_248 = arith.constant 16 : index
        %parallel_loop3A_249 = tpu.vector_load %arg12[%parallel_loop3A_247, %parallel_loop3A_248] {strides = array<i32>} : memref<64x128xf32, #tpu.memory_space<vmem>>, vector<1x16xf32>,
        %parallel_loop3A_250 = vector.shape_cast %parallel_loop3A_249 : vector<1x16xf32> to vector<16xf32>
        %parallel_loop3A_251 = arith.mulf %parallel_loop3A_246, %parallel_loop3A_250 : vector<16xf32>
        %parallel_loop3A_252 = arith.index_cast %parallel_loop3A_228 : i32 to index
        %parallel_loop3A_253 = arith.constant 16 : index
        %parallel_loop3A_254 = tpu.vector_load %arg10[%parallel_loop3A_252, %parallel_loop3A_253] {strides = array<i32>} : memref<64x128xf32, #tpu.memory_space<vmem>>, vector<1x16xf32>,
        %parallel_loop3A_255 = vector.shape_cast %parallel_loop3A_254 : vector<1x16xf32> to vector<16xf32>
        %parallel_loop3A_256 = vector.shape_cast %parallel_loop3A_251 : vector<16xf32> to vector<1x16xf32>
        tpu.vector_store %arg10[%parallel_loop3A_252, %parallel_loop3A_253], %parallel_loop3A_256 {strides = array<i32>} : memref<64x128xf32, #tpu.memory_space<vmem>>, vector<1x16xf32>,
        %parallel_loop3A_257 = arith.index_cast %parallel_loop3A_228 : i32 to index
        %parallel_loop3A_258 = arith.constant 32 : index
        %parallel_loop3A_259 = tpu.vector_load %arg10[%parallel_loop3A_257, %parallel_loop3A_258] {strides = array<i32>} : memref<64x128xf32, #tpu.memory_space<vmem>>, vector<1x16xf32>,
        %parallel_loop3A_260 = vector.shape_cast %parallel_loop3A_259 : vector<1x16xf32> to vector<16xf32>
        %parallel_loop3A_261 = arith.index_cast %parallel_loop3A_228 : i32 to index
        %parallel_loop3A_262 = arith.constant 32 : index
        %parallel_loop3A_263 = tpu.vector_load %arg12[%parallel_loop3A_261, %parallel_loop3A_262] {strides = array<i32>} : memref<64x128xf32, #tpu.memory_space<vmem>>, vector<1x16xf32>,
        %parallel_loop3A_264 = vector.shape_cast %parallel_loop3A_263 : vector<1x16xf32> to vector<16xf32>
        %parallel_loop3A_265 = arith.mulf %parallel_loop3A_260, %parallel_loop3A_264 : vector<16xf32>
        %parallel_loop3A_266 = arith.index_cast %parallel_loop3A_228 : i32 to index
        %parallel_loop3A_267 = arith.constant 32 : index
        %parallel_loop3A_268 = tpu.vector_load %arg10[%parallel_loop3A_266, %parallel_loop3A_267] {strides = array<i32>} : memref<64x128xf32, #tpu.memory_space<vmem>>, vector<1x16xf32>,
        %parallel_loop3A_269 = vector.shape_cast %parallel_loop3A_268 : vector<1x16xf32> to vector<16xf32>
        %parallel_loop3A_270 = vector.shape_cast %parallel_loop3A_265 : vector<16xf32> to vector<1x16xf32>
        tpu.vector_store %arg10[%parallel_loop3A_266, %parallel_loop3A_267], %parallel_loop3A_270 {strides = array<i32>} : memref<64x128xf32, #tpu.memory_space<vmem>>, vector<1x16xf32>,
        %parallel_loop3A_271 = arith.index_cast %parallel_loop3A_228 : i32 to index
        %parallel_loop3A_272 = arith.constant 48 : index
        %parallel_loop3A_273 = tpu.vector_load %arg10[%parallel_loop3A_271, %parallel_loop3A_272] {strides = array<i32>} : memref<64x128xf32, #tpu.memory_space<vmem>>, vector<1x16xf32>,
        %parallel_loop3A_274 = vector.shape_cast %parallel_loop3A_273 : vector<1x16xf32> to vector<16xf32>
        %parallel_loop3A_275 = arith.index_cast %parallel_loop3A_228 : i32 to index
        %parallel_loop3A_276 = arith.constant 48 : index
        %parallel_loop3A_277 = tpu.vector_load %arg12[%parallel_loop3A_275, %parallel_loop3A_276] {strides = array<i32>} : memref<64x128xf32, #tpu.memory_space<vmem>>, vector<1x16xf32>,
        %parallel_loop3A_278 = vector.shape_cast %parallel_loop3A_277 : vector<1x16xf32> to vector<16xf32>
        %parallel_loop3A_279 = arith.mulf %parallel_loop3A_274, %parallel_loop3A_278 : vector<16xf32>
        %parallel_loop3A_280 = arith.index_cast %parallel_loop3A_228 : i32 to index
        %parallel_loop3A_281 = arith.constant 48 : index
        %parallel_loop3A_282 = tpu.vector_load %arg10[%parallel_loop3A_280, %parallel_loop3A_281] {strides = array<i32>} : memref<64x128xf32, #tpu.memory_space<vmem>>, vector<1x16xf32>,
        %parallel_loop3A_283 = vector.shape_cast %parallel_loop3A_282 : vector<1x16xf32> to vector<16xf32>
        %parallel_loop3A_284 = vector.shape_cast %parallel_loop3A_279 : vector<16xf32> to vector<1x16xf32>
        tpu.vector_store %arg10[%parallel_loop3A_280, %parallel_loop3A_281], %parallel_loop3A_284 {strides = array<i32>} : memref<64x128xf32, #tpu.memory_space<vmem>>, vector<1x16xf32>,
        %parallel_loop3A_285 = arith.index_cast %parallel_loop3A_228 : i32 to index
        %parallel_loop3A_286 = arith.constant 64 : index
        %parallel_loop3A_287 = tpu.vector_load %arg10[%parallel_loop3A_285, %parallel_loop3A_286] {strides = array<i32>} : memref<64x128xf32, #tpu.memory_space<vmem>>, vector<1x16xf32>,
        %parallel_loop3A_288 = vector.shape_cast %parallel_loop3A_287 : vector<1x16xf32> to vector<16xf32>
        %parallel_loop3A_289 = arith.index_cast %parallel_loop3A_228 : i32 to index
        %parallel_loop3A_290 = arith.constant 64 : index
        %parallel_loop3A_291 = tpu.vector_load %arg12[%parallel_loop3A_289, %parallel_loop3A_290] {strides = array<i32>} : memref<64x128xf32, #tpu.memory_space<vmem>>, vector<1x16xf32>,
        %parallel_loop3A_292 = vector.shape_cast %parallel_loop3A_291 : vector<1x16xf32> to vector<16xf32>
        %parallel_loop3A_293 = arith.mulf %parallel_loop3A_288, %parallel_loop3A_292 : vector<16xf32>
        %parallel_loop3A_294 = arith.index_cast %parallel_loop3A_228 : i32 to index
        %parallel_loop3A_295 = arith.constant 64 : index
        %parallel_loop3A_296 = tpu.vector_load %arg10[%parallel_loop3A_294, %parallel_loop3A_295] {strides = array<i32>} : memref<64x128xf32, #tpu.memory_space<vmem>>, vector<1x16xf32>,
        %parallel_loop3A_297 = vector.shape_cast %parallel_loop3A_296 : vector<1x16xf32> to vector<16xf32>
        %parallel_loop3A_298 = vector.shape_cast %parallel_loop3A_293 : vector<16xf32> to vector<1x16xf32>
        tpu.vector_store %arg10[%parallel_loop3A_294, %parallel_loop3A_295], %parallel_loop3A_298 {strides = array<i32>} : memref<64x128xf32, #tpu.memory_space<vmem>>, vector<1x16xf32>,
        %parallel_loop3A_299 = arith.index_cast %parallel_loop3A_228 : i32 to index
        %parallel_loop3A_300 = arith.constant 80 : index
        %parallel_loop3A_301 = tpu.vector_load %arg10[%parallel_loop3A_299, %parallel_loop3A_300] {strides = array<i32>} : memref<64x128xf32, #tpu.memory_space<vmem>>, vector<1x16xf32>,
        %parallel_loop3A_302 = vector.shape_cast %parallel_loop3A_301 : vector<1x16xf32> to vector<16xf32>
        %parallel_loop3A_303 = arith.index_cast %parallel_loop3A_228 : i32 to index
        %parallel_loop3A_304 = arith.constant 80 : index
        %parallel_loop3A_305 = tpu.vector_load %arg12[%parallel_loop3A_303, %parallel_loop3A_304] {strides = array<i32>} : memref<64x128xf32, #tpu.memory_space<vmem>>, vector<1x16xf32>,
        %parallel_loop3A_306 = vector.shape_cast %parallel_loop3A_305 : vector<1x16xf32> to vector<16xf32>
        %parallel_loop3A_307 = arith.mulf %parallel_loop3A_302, %parallel_loop3A_306 : vector<16xf32>
        %parallel_loop3A_308 = arith.index_cast %parallel_loop3A_228 : i32 to index
        %parallel_loop3A_309 = arith.constant 80 : index
        %parallel_loop3A_310 = tpu.vector_load %arg10[%parallel_loop3A_308, %parallel_loop3A_309] {strides = array<i32>} : memref<64x128xf32, #tpu.memory_space<vmem>>, vector<1x16xf32>,
        %parallel_loop3A_311 = vector.shape_cast %parallel_loop3A_310 : vector<1x16xf32> to vector<16xf32>
        %parallel_loop3A_312 = vector.shape_cast %parallel_loop3A_307 : vector<16xf32> to vector<1x16xf32>
        tpu.vector_store %arg10[%parallel_loop3A_308, %parallel_loop3A_309], %parallel_loop3A_312 {strides = array<i32>} : memref<64x128xf32, #tpu.memory_space<vmem>>, vector<1x16xf32>,
        %parallel_loop3A_313 = arith.index_cast %parallel_loop3A_228 : i32 to index
        %parallel_loop3A_314 = arith.constant 96 : index
        %parallel_loop3A_315 = tpu.vector_load %arg10[%parallel_loop3A_313, %parallel_loop3A_314] {strides = array<i32>} : memref<64x128xf32, #tpu.memory_space<vmem>>, vector<1x16xf32>,
        %parallel_loop3A_316 = vector.shape_cast %parallel_loop3A_315 : vector<1x16xf32> to vector<16xf32>
        %parallel_loop3A_317 = arith.index_cast %parallel_loop3A_228 : i32 to index
        %parallel_loop3A_318 = arith.constant 96 : index
        %parallel_loop3A_319 = tpu.vector_load %arg12[%parallel_loop3A_317, %parallel_loop3A_318] {strides = array<i32>} : memref<64x128xf32, #tpu.memory_space<vmem>>, vector<1x16xf32>,
        %parallel_loop3A_320 = vector.shape_cast %parallel_loop3A_319 : vector<1x16xf32> to vector<16xf32>
        %parallel_loop3A_321 = arith.mulf %parallel_loop3A_316, %parallel_loop3A_320 : vector<16xf32>
        %parallel_loop3A_322 = arith.index_cast %parallel_loop3A_228 : i32 to index
        %parallel_loop3A_323 = arith.constant 96 : index
        %parallel_loop3A_324 = tpu.vector_load %arg10[%parallel_loop3A_322, %parallel_loop3A_323] {strides = array<i32>} : memref<64x128xf32, #tpu.memory_space<vmem>>, vector<1x16xf32>,
        %parallel_loop3A_325 = vector.shape_cast %parallel_loop3A_324 : vector<1x16xf32> to vector<16xf32>
        %parallel_loop3A_326 = vector.shape_cast %parallel_loop3A_321 : vector<16xf32> to vector<1x16xf32>
        tpu.vector_store %arg10[%parallel_loop3A_322, %parallel_loop3A_323], %parallel_loop3A_326 {strides = array<i32>} : memref<64x128xf32, #tpu.memory_space<vmem>>, vector<1x16xf32>,
        %parallel_loop3A_327 = arith.index_cast %parallel_loop3A_228 : i32 to index
        %parallel_loop3A_328 = arith.constant 112 : index
        %parallel_loop3A_329 = tpu.vector_load %arg10[%parallel_loop3A_327, %parallel_loop3A_328] {strides = array<i32>} : memref<64x128xf32, #tpu.memory_space<vmem>>, vector<1x16xf32>,
        %parallel_loop3A_330 = vector.shape_cast %parallel_loop3A_329 : vector<1x16xf32> to vector<16xf32>
        %parallel_loop3A_331 = arith.index_cast %parallel_loop3A_228 : i32 to index
        %parallel_loop3A_332 = arith.constant 112 : index
        %parallel_loop3A_333 = tpu.vector_load %arg12[%parallel_loop3A_331, %parallel_loop3A_332] {strides = array<i32>} : memref<64x128xf32, #tpu.memory_space<vmem>>, vector<1x16xf32>,
        %parallel_loop3A_334 = vector.shape_cast %parallel_loop3A_333 : vector<1x16xf32> to vector<16xf32>
        %parallel_loop3A_335 = arith.mulf %parallel_loop3A_330, %parallel_loop3A_334 : vector<16xf32>
        %parallel_loop3A_336 = arith.index_cast %parallel_loop3A_228 : i32 to index
        %parallel_loop3A_337 = arith.constant 112 : index
        %parallel_loop3A_338 = tpu.vector_load %arg10[%parallel_loop3A_336, %parallel_loop3A_337] {strides = array<i32>} : memref<64x128xf32, #tpu.memory_space<vmem>>, vector<1x16xf32>,
        %parallel_loop3A_339 = vector.shape_cast %parallel_loop3A_338 : vector<1x16xf32> to vector<16xf32>
        %parallel_loop3A_340 = vector.shape_cast %parallel_loop3A_335 : vector<16xf32> to vector<1x16xf32>
        tpu.vector_store %arg10[%parallel_loop3A_336, %parallel_loop3A_337], %parallel_loop3A_340 {strides = array<i32>} : memref<64x128xf32, #tpu.memory_space<vmem>>, vector<1x16xf32>,
      } {sc.loop_unroll_factor = 4 : i64, sc.parallel_access}
      "tpu.region"() ({
        %run_scoped3A = tpu.sem_alloc : memref<!tpu.dma_semaphore, #tpu.memory_space<semaphore_mem>>
        %dma_start3A_228 = arith.constant 0 : i32
        %dma_start3A_229 = tpu.memref_slice %arg8[%add3A_224, %dma_start3A_228] : memref<40x64xi32, #tpu.memory_space<vmem>> -> memref<1x64xi32, #tpu.memory_space<vmem>>
        %dma_start3A_230 = tpu.memref_squeeze %dma_start3A_229 : memref<1x64xi32, #tpu.memory_space<vmem>> -> memref<64xi32, #tpu.memory_space<vmem>>
        %dma_start3A_231 = arith.constant 0 : i32
        %dma_start3A_232 = arith.constant 0 : i32
        %dma_start3A_233 = tpu.memref_slice %arg13[%dma_start3A_231, %dma_start3A_232] : memref<10240x128xf32, #tpu.memory_space<vmem_shared>> -> memref<10240x128xf32, #tpu.memory_space<vmem_shared>>
        tpu.enqueue_indirect_dma source(%arg10 : memref<64x128xf32, #tpu.memory_space<vmem>>) target(%dma_start3A_233 : memref<10240x128xf32, #tpu.memory_space<vmem_shared>>) offsets(%dma_start3A_230 : memref<64xi32, #tpu.memory_space<vmem>>) semaphore(%run_scoped3A : memref<!tpu.dma_semaphore, #tpu.memory_space<semaphore_mem>>) {add = true}
        %dma_wait3A_234 = arith.constant 0 : i32
        %dma_wait3A_235 = tpu.memref_slice %arg8[%add3A_224, %dma_wait3A_234] : memref<40x64xi32, #tpu.memory_space<vmem>> -> memref<1x64xi32, #tpu.memory_space<vmem>>
        %dma_wait3A_236 = tpu.memref_squeeze %dma_wait3A_235 : memref<1x64xi32, #tpu.memory_space<vmem>> -> memref<64xi32, #tpu.memory_space<vmem>>
        %dma_wait3A_237 = arith.constant 0 : i32
        %dma_wait3A_238 = arith.constant 0 : i32
        %dma_wait3A_239 = tpu.memref_slice %arg13[%dma_wait3A_237, %dma_wait3A_238] : memref<10240x128xf32, #tpu.memory_space<vmem_shared>> -> memref<10240x128xf32, #tpu.memory_space<vmem_shared>>
        tpu.wait_indirect_dma semaphore(%run_scoped3A : memref<!tpu.dma_semaphore, #tpu.memory_space<semaphore_mem>>) src(%arg10 : memref<64x128xf32, #tpu.memory_space<vmem>>) dst(%dma_wait3A_239 : memref<10240x128xf32, #tpu.memory_space<vmem_shared>>)
        tpu.yield
      }) : () -> ()
    }
    %scan3A_57 = arith.constant 20 : i32
    %mul3A_58 = arith.constant 160 : i32
    %mul3A_59 = arith.muli %add3A, %mul3A_58 : i32
    %add3A_60 = arith.constant 40 : i32
    %add3A_61 = arith.addi %mul3A_59, %add3A_60 : i32
    "tpu.region"() ({
      %run_scoped3A = tpu.sem_alloc : memref<!tpu.dma_semaphore, #tpu.memory_space<semaphore_mem>>
      %dma_start3A_172 = arith.constant 0 : i32
      %dma_start3A_173 = tpu.memref_slice %arg4[%add3A_61, %dma_start3A_172] : memref<5120x64xi32, #tpu.memory_space<hbm>> -> memref<40x64xi32, #tpu.memory_space<hbm>>
      %dma_start3A_174 = arith.constant 0 : i32
      %dma_start3A_175 = tpu.memref_slice %arg4[%add3A_61, %dma_start3A_174] : memref<5120x64xi32, #tpu.memory_space<hbm>> -> memref<40x64xi32, #tpu.memory_space<hbm>>
      tpu.enqueue_dma source(%dma_start3A_175 : memref<40x64xi32, #tpu.memory_space<hbm>>) target(%arg7 : memref<40x64xi32, #tpu.memory_space<vmem>>) target_semaphore(%run_scoped3A : memref<!tpu.dma_semaphore, #tpu.memory_space<semaphore_mem>>)
      %dma_wait3A = arith.constant 0 : i32
      %dma_wait3A_176 = tpu.memref_slice %arg4[%add3A_61, %dma_wait3A] : memref<5120x64xi32, #tpu.memory_space<hbm>> -> memref<40x64xi32, #tpu.memory_space<hbm>>
      %dma_wait3A_177 = arith.constant 0 : i32
      %dma_wait3A_178 = tpu.memref_slice %arg4[%add3A_61, %dma_wait3A_177] : memref<5120x64xi32, #tpu.memory_space<hbm>> -> memref<40x64xi32, #tpu.memory_space<hbm>>
      tpu.wait_dma2 semaphore(%run_scoped3A : memref<!tpu.dma_semaphore, #tpu.memory_space<semaphore_mem>>) src(%dma_wait3A_178 : memref<40x64xi32, #tpu.memory_space<hbm>>) dst(%arg7 : memref<40x64xi32, #tpu.memory_space<vmem>>)
      tpu.yield
    }) : () -> ()
    %mul3A_62 = arith.constant 160 : i32
    %mul3A_63 = arith.muli %add3A, %mul3A_62 : i32
    %add3A_64 = arith.constant 40 : i32
    %add3A_65 = arith.addi %mul3A_63, %add3A_64 : i32
    "tpu.region"() ({
      %run_scoped3A = tpu.sem_alloc : memref<!tpu.dma_semaphore, #tpu.memory_space<semaphore_mem>>
      %dma_start3A_172 = arith.constant 0 : i32
      %dma_start3A_173 = tpu.memref_slice %arg5[%add3A_65, %dma_start3A_172] : memref<5120x64xi32, #tpu.memory_space<hbm>> -> memref<40x64xi32, #tpu.memory_space<hbm>>
      %dma_start3A_174 = arith.constant 0 : i32
      %dma_start3A_175 = tpu.memref_slice %arg5[%add3A_65, %dma_start3A_174] : memref<5120x64xi32, #tpu.memory_space<hbm>> -> memref<40x64xi32, #tpu.memory_space<hbm>>
      tpu.enqueue_dma source(%dma_start3A_175 : memref<40x64xi32, #tpu.memory_space<hbm>>) target(%arg8 : memref<40x64xi32, #tpu.memory_space<vmem>>) target_semaphore(%run_scoped3A : memref<!tpu.dma_semaphore, #tpu.memory_space<semaphore_mem>>)
      %dma_wait3A = arith.constant 0 : i32
      %dma_wait3A_176 = tpu.memref_slice %arg5[%add3A_65, %dma_wait3A] : memref<5120x64xi32, #tpu.memory_space<hbm>> -> memref<40x64xi32, #tpu.memory_space<hbm>>
      %dma_wait3A_177 = arith.constant 0 : i32
      %dma_wait3A_178 = tpu.memref_slice %arg5[%add3A_65, %dma_wait3A_177] : memref<5120x64xi32, #tpu.memory_space<hbm>> -> memref<40x64xi32, #tpu.memory_space<hbm>>
      tpu.wait_dma2 semaphore(%run_scoped3A : memref<!tpu.dma_semaphore, #tpu.memory_space<semaphore_mem>>) src(%dma_wait3A_178 : memref<40x64xi32, #tpu.memory_space<hbm>>) dst(%arg8 : memref<40x64xi32, #tpu.memory_space<vmem>>)
      tpu.yield
    }) : () -> ()
    %mul3A_66 = arith.constant 10240 : i32
    %mul3A_67 = arith.muli %add3A, %mul3A_66 : i32
    %add3A_68 = arith.constant 2560 : i32
    %add3A_69 = arith.addi %mul3A_67, %add3A_68 : i32
    %dma_start3A_70 = arith.constant 0 : i32
    %dma_start3A_71 = arith.constant 0 : i32
    %dma_start3A_72 = tpu.memref_slice %arg7[%dma_start3A_70, %dma_start3A_71] : memref<40x64xi32, #tpu.memory_space<vmem>> -> memref<1x64xi32, #tpu.memory_space<vmem>>
    %dma_start3A_73 = tpu.memref_squeeze %dma_start3A_72 : memref<1x64xi32, #tpu.memory_space<vmem>> -> memref<64xi32, #tpu.memory_space<vmem>>
    %dma_start3A_74 = arith.constant 0 : i32
    %dma_start3A_75 = arith.constant 0 : i32
    %dma_start3A_76 = tpu.memref_slice %arg2[%dma_start3A_74, %dma_start3A_75] : memref<10000x128xf32, #tpu.memory_space<hbm>> -> memref<10000x128xf32, #tpu.memory_space<hbm>>
    tpu.enqueue_indirect_dma source(%dma_start3A_76 : memref<10000x128xf32, #tpu.memory_space<hbm>>) target(%arg9 : memref<64x128xf32, #tpu.memory_space<vmem>>) offsets(%dma_start3A_73 : memref<64xi32, #tpu.memory_space<vmem>>) semaphore(%arg14 : memref<!tpu.dma_semaphore, #tpu.memory_space<semaphore_mem>>)
    %add3A_77 = arith.constant 0 : i32
    %add3A_78 = arith.addi %add3A_69, %add3A_77 : i32
    %dma_start3A_79 = arith.constant 0 : i32
    %dma_start3A_80 = tpu.memref_slice %arg3[%add3A_78, %dma_start3A_79] : memref<327680x128xf32, #tpu.memory_space<hbm>> -> memref<64x128xf32, #tpu.memory_space<hbm>>
    %dma_start3A_81 = arith.constant 0 : i32
    %dma_start3A_82 = tpu.memref_slice %arg3[%add3A_78, %dma_start3A_81] : memref<327680x128xf32, #tpu.memory_space<hbm>> -> memref<64x128xf32, #tpu.memory_space<hbm>>
    tpu.enqueue_dma source(%dma_start3A_82 : memref<64x128xf32, #tpu.memory_space<hbm>>) target(%arg11 : memref<64x128xf32, #tpu.memory_space<vmem>>) target_semaphore(%arg16 : memref<!tpu.dma_semaphore, #tpu.memory_space<semaphore_mem>>)
    %scan3A_83 = arith.constant 0 : i32
    %scan3A_84 = arith.constant 0 : i32
    %scan3A_85 = arith.constant 20 : i32
    %scan3A_86 = arith.addi %scan3A_84, %scan3A_85 : i32
    %scan3A_87 = arith.constant 1 : i32
    scf.for %scan3A_172 = %scan3A_84 to %scan3A_86 step %scan3A_87  : i32 {
      %mul3A_173 = arith.constant 2 : i32
      %mul3A_174 = arith.muli %mul3A_173, %scan3A_172 : i32
      %add3A_175 = arith.constant 1 : i32
      %add3A_176 = arith.addi %mul3A_174, %add3A_175 : i32
      %mul3A_177 = arith.constant 10240 : i32
      %mul3A_178 = arith.muli %add3A, %mul3A_177 : i32
      %add3A_179 = arith.constant 2560 : i32
      %add3A_180 = arith.addi %mul3A_178, %add3A_179 : i32
      %dma_start3A_181 = arith.constant 0 : i32
      %dma_start3A_182 = tpu.memref_slice %arg7[%add3A_176, %dma_start3A_181] : memref<40x64xi32, #tpu.memory_space<vmem>> -> memref<1x64xi32, #tpu.memory_space<vmem>>
      %dma_start3A_183 = tpu.memref_squeeze %dma_start3A_182 : memref<1x64xi32, #tpu.memory_space<vmem>> -> memref<64xi32, #tpu.memory_space<vmem>>
      %dma_start3A_184 = arith.constant 0 : i32
      %dma_start3A_185 = arith.constant 0 : i32
      %dma_start3A_186 = tpu.memref_slice %arg2[%dma_start3A_184, %dma_start3A_185] : memref<10000x128xf32, #tpu.memory_space<hbm>> -> memref<10000x128xf32, #tpu.memory_space<hbm>>
      tpu.enqueue_indirect_dma source(%dma_start3A_186 : memref<10000x128xf32, #tpu.memory_space<hbm>>) target(%arg10 : memref<64x128xf32, #tpu.memory_space<vmem>>) offsets(%dma_start3A_183 : memref<64xi32, #tpu.memory_space<vmem>>) semaphore(%arg15 : memref<!tpu.dma_semaphore, #tpu.memory_space<semaphore_mem>>)
      %mul3A_187 = arith.constant 64 : i32
      %mul3A_188 = arith.muli %add3A_176, %mul3A_187 : i32
      %add3A_189 = arith.addi %add3A_180, %mul3A_188 : i32
      %dma_start3A_190 = arith.constant 0 : i32
      %dma_start3A_191 = tpu.memref_slice %arg3[%add3A_189, %dma_start3A_190] : memref<327680x128xf32, #tpu.memory_space<hbm>> -> memref<64x128xf32, #tpu.memory_space<hbm>>
      %dma_start3A_192 = arith.constant 0 : i32
      %dma_start3A_193 = tpu.memref_slice %arg3[%add3A_189, %dma_start3A_192] : memref<327680x128xf32, #tpu.memory_space<hbm>> -> memref<64x128xf32, #tpu.memory_space<hbm>>
      tpu.enqueue_dma source(%dma_start3A_193 : memref<64x128xf32, #tpu.memory_space<hbm>>) target(%arg12 : memref<64x128xf32, #tpu.memory_space<vmem>>) target_semaphore(%arg17 : memref<!tpu.dma_semaphore, #tpu.memory_space<semaphore_mem>>)
      %dma_wait3A = arith.constant 0 : i32
      %dma_wait3A_194 = arith.constant 0 : i32
      %dma_wait3A_195 = tpu.memref_slice %arg7[%dma_wait3A, %dma_wait3A_194] : memref<40x64xi32, #tpu.memory_space<vmem>> -> memref<1x64xi32, #tpu.memory_space<vmem>>
      %dma_wait3A_196 = tpu.memref_squeeze %dma_wait3A_195 : memref<1x64xi32, #tpu.memory_space<vmem>> -> memref<64xi32, #tpu.memory_space<vmem>>
      %dma_wait3A_197 = arith.constant 0 : i32
      %dma_wait3A_198 = arith.constant 0 : i32
      %dma_wait3A_199 = tpu.memref_slice %arg2[%dma_wait3A_197, %dma_wait3A_198] : memref<10000x128xf32, #tpu.memory_space<hbm>> -> memref<10000x128xf32, #tpu.memory_space<hbm>>
      tpu.wait_indirect_dma semaphore(%arg14 : memref<!tpu.dma_semaphore, #tpu.memory_space<semaphore_mem>>) src(%dma_wait3A_199 : memref<10000x128xf32, #tpu.memory_space<hbm>>) dst(%arg9 : memref<64x128xf32, #tpu.memory_space<vmem>>)
      %dma_wait3A_200 = arith.constant 0 : i32
      %dma_wait3A_201 = arith.constant 0 : i32
      %dma_wait3A_202 = tpu.memref_slice %arg3[%dma_wait3A_200, %dma_wait3A_201] : memref<327680x128xf32, #tpu.memory_space<hbm>> -> memref<64x128xf32, #tpu.memory_space<hbm>>
      %dma_wait3A_203 = arith.constant 0 : i32
      %dma_wait3A_204 = arith.constant 0 : i32
      %dma_wait3A_205 = tpu.memref_slice %arg3[%dma_wait3A_203, %dma_wait3A_204] : memref<327680x128xf32, #tpu.memory_space<hbm>> -> memref<64x128xf32, #tpu.memory_space<hbm>>
      tpu.wait_dma2 semaphore(%arg16 : memref<!tpu.dma_semaphore, #tpu.memory_space<semaphore_mem>>) src(%dma_wait3A_205 : memref<64x128xf32, #tpu.memory_space<hbm>>) dst(%arg11 : memref<64x128xf32, #tpu.memory_space<vmem>>)
      %parallel_loop3A = arith.constant 0 : i32
      %parallel_loop3A_206 = arith.constant 64 : i32
      %parallel_loop3A_207 = arith.constant 1 : i32
      scf.for %parallel_loop3A_228 = %parallel_loop3A to %parallel_loop3A_206 step %parallel_loop3A_207  : i32 {
        %parallel_loop3A_229 = arith.index_cast %parallel_loop3A_228 : i32 to index
        %parallel_loop3A_230 = arith.constant 0 : index
        %parallel_loop3A_231 = tpu.vector_load %arg9[%parallel_loop3A_229, %parallel_loop3A_230] {strides = array<i32>} : memref<64x128xf32, #tpu.memory_space<vmem>>, vector<1x16xf32>,
        %parallel_loop3A_232 = vector.shape_cast %parallel_loop3A_231 : vector<1x16xf32> to vector<16xf32>
        %parallel_loop3A_233 = arith.index_cast %parallel_loop3A_228 : i32 to index
        %parallel_loop3A_234 = arith.constant 0 : index
        %parallel_loop3A_235 = tpu.vector_load %arg11[%parallel_loop3A_233, %parallel_loop3A_234] {strides = array<i32>} : memref<64x128xf32, #tpu.memory_space<vmem>>, vector<1x16xf32>,
        %parallel_loop3A_236 = vector.shape_cast %parallel_loop3A_235 : vector<1x16xf32> to vector<16xf32>
        %parallel_loop3A_237 = arith.mulf %parallel_loop3A_232, %parallel_loop3A_236 : vector<16xf32>
        %parallel_loop3A_238 = arith.index_cast %parallel_loop3A_228 : i32 to index
        %parallel_loop3A_239 = arith.constant 0 : index
        %parallel_loop3A_240 = tpu.vector_load %arg9[%parallel_loop3A_238, %parallel_loop3A_239] {strides = array<i32>} : memref<64x128xf32, #tpu.memory_space<vmem>>, vector<1x16xf32>,
        %parallel_loop3A_241 = vector.shape_cast %parallel_loop3A_240 : vector<1x16xf32> to vector<16xf32>
        %parallel_loop3A_242 = vector.shape_cast %parallel_loop3A_237 : vector<16xf32> to vector<1x16xf32>
        tpu.vector_store %arg9[%parallel_loop3A_238, %parallel_loop3A_239], %parallel_loop3A_242 {strides = array<i32>} : memref<64x128xf32, #tpu.memory_space<vmem>>, vector<1x16xf32>,
        %parallel_loop3A_243 = arith.index_cast %parallel_loop3A_228 : i32 to index
        %parallel_loop3A_244 = arith.constant 16 : index
        %parallel_loop3A_245 = tpu.vector_load %arg9[%parallel_loop3A_243, %parallel_loop3A_244] {strides = array<i32>} : memref<64x128xf32, #tpu.memory_space<vmem>>, vector<1x16xf32>,
        %parallel_loop3A_246 = vector.shape_cast %parallel_loop3A_245 : vector<1x16xf32> to vector<16xf32>
        %parallel_loop3A_247 = arith.index_cast %parallel_loop3A_228 : i32 to index
        %parallel_loop3A_248 = arith.constant 16 : index
        %parallel_loop3A_249 = tpu.vector_load %arg11[%parallel_loop3A_247, %parallel_loop3A_248] {strides = array<i32>} : memref<64x128xf32, #tpu.memory_space<vmem>>, vector<1x16xf32>,
        %parallel_loop3A_250 = vector.shape_cast %parallel_loop3A_249 : vector<1x16xf32> to vector<16xf32>
        %parallel_loop3A_251 = arith.mulf %parallel_loop3A_246, %parallel_loop3A_250 : vector<16xf32>
        %parallel_loop3A_252 = arith.index_cast %parallel_loop3A_228 : i32 to index
        %parallel_loop3A_253 = arith.constant 16 : index
        %parallel_loop3A_254 = tpu.vector_load %arg9[%parallel_loop3A_252, %parallel_loop3A_253] {strides = array<i32>} : memref<64x128xf32, #tpu.memory_space<vmem>>, vector<1x16xf32>,
        %parallel_loop3A_255 = vector.shape_cast %parallel_loop3A_254 : vector<1x16xf32> to vector<16xf32>
        %parallel_loop3A_256 = vector.shape_cast %parallel_loop3A_251 : vector<16xf32> to vector<1x16xf32>
        tpu.vector_store %arg9[%parallel_loop3A_252, %parallel_loop3A_253], %parallel_loop3A_256 {strides = array<i32>} : memref<64x128xf32, #tpu.memory_space<vmem>>, vector<1x16xf32>,
        %parallel_loop3A_257 = arith.index_cast %parallel_loop3A_228 : i32 to index
        %parallel_loop3A_258 = arith.constant 32 : index
        %parallel_loop3A_259 = tpu.vector_load %arg9[%parallel_loop3A_257, %parallel_loop3A_258] {strides = array<i32>} : memref<64x128xf32, #tpu.memory_space<vmem>>, vector<1x16xf32>,
        %parallel_loop3A_260 = vector.shape_cast %parallel_loop3A_259 : vector<1x16xf32> to vector<16xf32>
        %parallel_loop3A_261 = arith.index_cast %parallel_loop3A_228 : i32 to index
        %parallel_loop3A_262 = arith.constant 32 : index
        %parallel_loop3A_263 = tpu.vector_load %arg11[%parallel_loop3A_261, %parallel_loop3A_262] {strides = array<i32>} : memref<64x128xf32, #tpu.memory_space<vmem>>, vector<1x16xf32>,
        %parallel_loop3A_264 = vector.shape_cast %parallel_loop3A_263 : vector<1x16xf32> to vector<16xf32>
        %parallel_loop3A_265 = arith.mulf %parallel_loop3A_260, %parallel_loop3A_264 : vector<16xf32>
        %parallel_loop3A_266 = arith.index_cast %parallel_loop3A_228 : i32 to index
        %parallel_loop3A_267 = arith.constant 32 : index
        %parallel_loop3A_268 = tpu.vector_load %arg9[%parallel_loop3A_266, %parallel_loop3A_267] {strides = array<i32>} : memref<64x128xf32, #tpu.memory_space<vmem>>, vector<1x16xf32>,
        %parallel_loop3A_269 = vector.shape_cast %parallel_loop3A_268 : vector<1x16xf32> to vector<16xf32>
        %parallel_loop3A_270 = vector.shape_cast %parallel_loop3A_265 : vector<16xf32> to vector<1x16xf32>
        tpu.vector_store %arg9[%parallel_loop3A_266, %parallel_loop3A_267], %parallel_loop3A_270 {strides = array<i32>} : memref<64x128xf32, #tpu.memory_space<vmem>>, vector<1x16xf32>,
        %parallel_loop3A_271 = arith.index_cast %parallel_loop3A_228 : i32 to index
        %parallel_loop3A_272 = arith.constant 48 : index
        %parallel_loop3A_273 = tpu.vector_load %arg9[%parallel_loop3A_271, %parallel_loop3A_272] {strides = array<i32>} : memref<64x128xf32, #tpu.memory_space<vmem>>, vector<1x16xf32>,
        %parallel_loop3A_274 = vector.shape_cast %parallel_loop3A_273 : vector<1x16xf32> to vector<16xf32>
        %parallel_loop3A_275 = arith.index_cast %parallel_loop3A_228 : i32 to index
        %parallel_loop3A_276 = arith.constant 48 : index
        %parallel_loop3A_277 = tpu.vector_load %arg11[%parallel_loop3A_275, %parallel_loop3A_276] {strides = array<i32>} : memref<64x128xf32, #tpu.memory_space<vmem>>, vector<1x16xf32>,
        %parallel_loop3A_278 = vector.shape_cast %parallel_loop3A_277 : vector<1x16xf32> to vector<16xf32>
        %parallel_loop3A_279 = arith.mulf %parallel_loop3A_274, %parallel_loop3A_278 : vector<16xf32>
        %parallel_loop3A_280 = arith.index_cast %parallel_loop3A_228 : i32 to index
        %parallel_loop3A_281 = arith.constant 48 : index
        %parallel_loop3A_282 = tpu.vector_load %arg9[%parallel_loop3A_280, %parallel_loop3A_281] {strides = array<i32>} : memref<64x128xf32, #tpu.memory_space<vmem>>, vector<1x16xf32>,
        %parallel_loop3A_283 = vector.shape_cast %parallel_loop3A_282 : vector<1x16xf32> to vector<16xf32>
        %parallel_loop3A_284 = vector.shape_cast %parallel_loop3A_279 : vector<16xf32> to vector<1x16xf32>
        tpu.vector_store %arg9[%parallel_loop3A_280, %parallel_loop3A_281], %parallel_loop3A_284 {strides = array<i32>} : memref<64x128xf32, #tpu.memory_space<vmem>>, vector<1x16xf32>,
        %parallel_loop3A_285 = arith.index_cast %parallel_loop3A_228 : i32 to index
        %parallel_loop3A_286 = arith.constant 64 : index
        %parallel_loop3A_287 = tpu.vector_load %arg9[%parallel_loop3A_285, %parallel_loop3A_286] {strides = array<i32>} : memref<64x128xf32, #tpu.memory_space<vmem>>, vector<1x16xf32>,
        %parallel_loop3A_288 = vector.shape_cast %parallel_loop3A_287 : vector<1x16xf32> to vector<16xf32>
        %parallel_loop3A_289 = arith.index_cast %parallel_loop3A_228 : i32 to index
        %parallel_loop3A_290 = arith.constant 64 : index
        %parallel_loop3A_291 = tpu.vector_load %arg11[%parallel_loop3A_289, %parallel_loop3A_290] {strides = array<i32>} : memref<64x128xf32, #tpu.memory_space<vmem>>, vector<1x16xf32>,
        %parallel_loop3A_292 = vector.shape_cast %parallel_loop3A_291 : vector<1x16xf32> to vector<16xf32>
        %parallel_loop3A_293 = arith.mulf %parallel_loop3A_288, %parallel_loop3A_292 : vector<16xf32>
        %parallel_loop3A_294 = arith.index_cast %parallel_loop3A_228 : i32 to index
        %parallel_loop3A_295 = arith.constant 64 : index
        %parallel_loop3A_296 = tpu.vector_load %arg9[%parallel_loop3A_294, %parallel_loop3A_295] {strides = array<i32>} : memref<64x128xf32, #tpu.memory_space<vmem>>, vector<1x16xf32>,
        %parallel_loop3A_297 = vector.shape_cast %parallel_loop3A_296 : vector<1x16xf32> to vector<16xf32>
        %parallel_loop3A_298 = vector.shape_cast %parallel_loop3A_293 : vector<16xf32> to vector<1x16xf32>
        tpu.vector_store %arg9[%parallel_loop3A_294, %parallel_loop3A_295], %parallel_loop3A_298 {strides = array<i32>} : memref<64x128xf32, #tpu.memory_space<vmem>>, vector<1x16xf32>,
        %parallel_loop3A_299 = arith.index_cast %parallel_loop3A_228 : i32 to index
        %parallel_loop3A_300 = arith.constant 80 : index
        %parallel_loop3A_301 = tpu.vector_load %arg9[%parallel_loop3A_299, %parallel_loop3A_300] {strides = array<i32>} : memref<64x128xf32, #tpu.memory_space<vmem>>, vector<1x16xf32>,
        %parallel_loop3A_302 = vector.shape_cast %parallel_loop3A_301 : vector<1x16xf32> to vector<16xf32>
        %parallel_loop3A_303 = arith.index_cast %parallel_loop3A_228 : i32 to index
        %parallel_loop3A_304 = arith.constant 80 : index
        %parallel_loop3A_305 = tpu.vector_load %arg11[%parallel_loop3A_303, %parallel_loop3A_304] {strides = array<i32>} : memref<64x128xf32, #tpu.memory_space<vmem>>, vector<1x16xf32>,
        %parallel_loop3A_306 = vector.shape_cast %parallel_loop3A_305 : vector<1x16xf32> to vector<16xf32>
        %parallel_loop3A_307 = arith.mulf %parallel_loop3A_302, %parallel_loop3A_306 : vector<16xf32>
        %parallel_loop3A_308 = arith.index_cast %parallel_loop3A_228 : i32 to index
        %parallel_loop3A_309 = arith.constant 80 : index
        %parallel_loop3A_310 = tpu.vector_load %arg9[%parallel_loop3A_308, %parallel_loop3A_309] {strides = array<i32>} : memref<64x128xf32, #tpu.memory_space<vmem>>, vector<1x16xf32>,
        %parallel_loop3A_311 = vector.shape_cast %parallel_loop3A_310 : vector<1x16xf32> to vector<16xf32>
        %parallel_loop3A_312 = vector.shape_cast %parallel_loop3A_307 : vector<16xf32> to vector<1x16xf32>
        tpu.vector_store %arg9[%parallel_loop3A_308, %parallel_loop3A_309], %parallel_loop3A_312 {strides = array<i32>} : memref<64x128xf32, #tpu.memory_space<vmem>>, vector<1x16xf32>,
        %parallel_loop3A_313 = arith.index_cast %parallel_loop3A_228 : i32 to index
        %parallel_loop3A_314 = arith.constant 96 : index
        %parallel_loop3A_315 = tpu.vector_load %arg9[%parallel_loop3A_313, %parallel_loop3A_314] {strides = array<i32>} : memref<64x128xf32, #tpu.memory_space<vmem>>, vector<1x16xf32>,
        %parallel_loop3A_316 = vector.shape_cast %parallel_loop3A_315 : vector<1x16xf32> to vector<16xf32>
        %parallel_loop3A_317 = arith.index_cast %parallel_loop3A_228 : i32 to index
        %parallel_loop3A_318 = arith.constant 96 : index
        %parallel_loop3A_319 = tpu.vector_load %arg11[%parallel_loop3A_317, %parallel_loop3A_318] {strides = array<i32>} : memref<64x128xf32, #tpu.memory_space<vmem>>, vector<1x16xf32>,
        %parallel_loop3A_320 = vector.shape_cast %parallel_loop3A_319 : vector<1x16xf32> to vector<16xf32>
        %parallel_loop3A_321 = arith.mulf %parallel_loop3A_316, %parallel_loop3A_320 : vector<16xf32>
        %parallel_loop3A_322 = arith.index_cast %parallel_loop3A_228 : i32 to index
        %parallel_loop3A_323 = arith.constant 96 : index
        %parallel_loop3A_324 = tpu.vector_load %arg9[%parallel_loop3A_322, %parallel_loop3A_323] {strides = array<i32>} : memref<64x128xf32, #tpu.memory_space<vmem>>, vector<1x16xf32>,
        %parallel_loop3A_325 = vector.shape_cast %parallel_loop3A_324 : vector<1x16xf32> to vector<16xf32>
        %parallel_loop3A_326 = vector.shape_cast %parallel_loop3A_321 : vector<16xf32> to vector<1x16xf32>
        tpu.vector_store %arg9[%parallel_loop3A_322, %parallel_loop3A_323], %parallel_loop3A_326 {strides = array<i32>} : memref<64x128xf32, #tpu.memory_space<vmem>>, vector<1x16xf32>,
        %parallel_loop3A_327 = arith.index_cast %parallel_loop3A_228 : i32 to index
        %parallel_loop3A_328 = arith.constant 112 : index
        %parallel_loop3A_329 = tpu.vector_load %arg9[%parallel_loop3A_327, %parallel_loop3A_328] {strides = array<i32>} : memref<64x128xf32, #tpu.memory_space<vmem>>, vector<1x16xf32>,
        %parallel_loop3A_330 = vector.shape_cast %parallel_loop3A_329 : vector<1x16xf32> to vector<16xf32>
        %parallel_loop3A_331 = arith.index_cast %parallel_loop3A_228 : i32 to index
        %parallel_loop3A_332 = arith.constant 112 : index
        %parallel_loop3A_333 = tpu.vector_load %arg11[%parallel_loop3A_331, %parallel_loop3A_332] {strides = array<i32>} : memref<64x128xf32, #tpu.memory_space<vmem>>, vector<1x16xf32>,
        %parallel_loop3A_334 = vector.shape_cast %parallel_loop3A_333 : vector<1x16xf32> to vector<16xf32>
        %parallel_loop3A_335 = arith.mulf %parallel_loop3A_330, %parallel_loop3A_334 : vector<16xf32>
        %parallel_loop3A_336 = arith.index_cast %parallel_loop3A_228 : i32 to index
        %parallel_loop3A_337 = arith.constant 112 : index
        %parallel_loop3A_338 = tpu.vector_load %arg9[%parallel_loop3A_336, %parallel_loop3A_337] {strides = array<i32>} : memref<64x128xf32, #tpu.memory_space<vmem>>, vector<1x16xf32>,
        %parallel_loop3A_339 = vector.shape_cast %parallel_loop3A_338 : vector<1x16xf32> to vector<16xf32>
        %parallel_loop3A_340 = vector.shape_cast %parallel_loop3A_335 : vector<16xf32> to vector<1x16xf32>
        tpu.vector_store %arg9[%parallel_loop3A_336, %parallel_loop3A_337], %parallel_loop3A_340 {strides = array<i32>} : memref<64x128xf32, #tpu.memory_space<vmem>>, vector<1x16xf32>,
      } {sc.loop_unroll_factor = 4 : i64, sc.parallel_access}
      "tpu.region"() ({
        %run_scoped3A = tpu.sem_alloc : memref<!tpu.dma_semaphore, #tpu.memory_space<semaphore_mem>>
        %dma_start3A_228 = arith.constant 0 : i32
        %dma_start3A_229 = tpu.memref_slice %arg8[%mul3A_174, %dma_start3A_228] : memref<40x64xi32, #tpu.memory_space<vmem>> -> memref<1x64xi32, #tpu.memory_space<vmem>>
        %dma_start3A_230 = tpu.memref_squeeze %dma_start3A_229 : memref<1x64xi32, #tpu.memory_space<vmem>> -> memref<64xi32, #tpu.memory_space<vmem>>
        %dma_start3A_231 = arith.constant 0 : i32
        %dma_start3A_232 = arith.constant 0 : i32
        %dma_start3A_233 = tpu.memref_slice %arg13[%dma_start3A_231, %dma_start3A_232] : memref<10240x128xf32, #tpu.memory_space<vmem_shared>> -> memref<10240x128xf32, #tpu.memory_space<vmem_shared>>
        tpu.enqueue_indirect_dma source(%arg9 : memref<64x128xf32, #tpu.memory_space<vmem>>) target(%dma_start3A_233 : memref<10240x128xf32, #tpu.memory_space<vmem_shared>>) offsets(%dma_start3A_230 : memref<64xi32, #tpu.memory_space<vmem>>) semaphore(%run_scoped3A : memref<!tpu.dma_semaphore, #tpu.memory_space<semaphore_mem>>) {add = true}
        %dma_wait3A_234 = arith.constant 0 : i32
        %dma_wait3A_235 = tpu.memref_slice %arg8[%mul3A_174, %dma_wait3A_234] : memref<40x64xi32, #tpu.memory_space<vmem>> -> memref<1x64xi32, #tpu.memory_space<vmem>>
        %dma_wait3A_236 = tpu.memref_squeeze %dma_wait3A_235 : memref<1x64xi32, #tpu.memory_space<vmem>> -> memref<64xi32, #tpu.memory_space<vmem>>
        %dma_wait3A_237 = arith.constant 0 : i32
        %dma_wait3A_238 = arith.constant 0 : i32
        %dma_wait3A_239 = tpu.memref_slice %arg13[%dma_wait3A_237, %dma_wait3A_238] : memref<10240x128xf32, #tpu.memory_space<vmem_shared>> -> memref<10240x128xf32, #tpu.memory_space<vmem_shared>>
        tpu.wait_indirect_dma semaphore(%run_scoped3A : memref<!tpu.dma_semaphore, #tpu.memory_space<semaphore_mem>>) src(%arg9 : memref<64x128xf32, #tpu.memory_space<vmem>>) dst(%dma_wait3A_239 : memref<10240x128xf32, #tpu.memory_space<vmem_shared>>)
        tpu.yield
      }) : () -> ()
      %lt3A = arith.constant 19 : i32
      %lt3A_208 = arith.cmpi slt, %scan3A_172, %lt3A : i32
      %convert_element_type3A = arith.extui %lt3A_208 : i1 to i32
      %cond3A = arith.constant 0 : i32
      %cond3A_209 = arith.cmpi ne, %convert_element_type3A, %cond3A : i32
      scf.if %cond3A_209 {
        %add3A_228 = arith.constant 2 : i32
        %add3A_229 = arith.addi %mul3A_174, %add3A_228 : i32
        %mul3A_230 = arith.constant 10240 : i32
        %mul3A_231 = arith.muli %add3A, %mul3A_230 : i32
        %add3A_232 = arith.constant 2560 : i32
        %add3A_233 = arith.addi %mul3A_231, %add3A_232 : i32
        %dma_start3A_234 = arith.constant 0 : i32
        %dma_start3A_235 = tpu.memref_slice %arg7[%add3A_229, %dma_start3A_234] : memref<40x64xi32, #tpu.memory_space<vmem>> -> memref<1x64xi32, #tpu.memory_space<vmem>>
        %dma_start3A_236 = tpu.memref_squeeze %dma_start3A_235 : memref<1x64xi32, #tpu.memory_space<vmem>> -> memref<64xi32, #tpu.memory_space<vmem>>
        %dma_start3A_237 = arith.constant 0 : i32
        %dma_start3A_238 = arith.constant 0 : i32
        %dma_start3A_239 = tpu.memref_slice %arg2[%dma_start3A_237, %dma_start3A_238] : memref<10000x128xf32, #tpu.memory_space<hbm>> -> memref<10000x128xf32, #tpu.memory_space<hbm>>
        tpu.enqueue_indirect_dma source(%dma_start3A_239 : memref<10000x128xf32, #tpu.memory_space<hbm>>) target(%arg9 : memref<64x128xf32, #tpu.memory_space<vmem>>) offsets(%dma_start3A_236 : memref<64xi32, #tpu.memory_space<vmem>>) semaphore(%arg14 : memref<!tpu.dma_semaphore, #tpu.memory_space<semaphore_mem>>)
        %mul3A_240 = arith.constant 64 : i32
        %mul3A_241 = arith.muli %add3A_229, %mul3A_240 : i32
        %add3A_242 = arith.addi %add3A_233, %mul3A_241 : i32
        %dma_start3A_243 = arith.constant 0 : i32
        %dma_start3A_244 = tpu.memref_slice %arg3[%add3A_242, %dma_start3A_243] : memref<327680x128xf32, #tpu.memory_space<hbm>> -> memref<64x128xf32, #tpu.memory_space<hbm>>
        %dma_start3A_245 = arith.constant 0 : i32
        %dma_start3A_246 = tpu.memref_slice %arg3[%add3A_242, %dma_start3A_245] : memref<327680x128xf32, #tpu.memory_space<hbm>> -> memref<64x128xf32, #tpu.memory_space<hbm>>
        tpu.enqueue_dma source(%dma_start3A_246 : memref<64x128xf32, #tpu.memory_space<hbm>>) target(%arg11 : memref<64x128xf32, #tpu.memory_space<vmem>>) target_semaphore(%arg16 : memref<!tpu.dma_semaphore, #tpu.memory_space<semaphore_mem>>)
      } else {
      }
      %dma_wait3A_210 = arith.constant 0 : i32
      %dma_wait3A_211 = arith.constant 0 : i32
      %dma_wait3A_212 = tpu.memref_slice %arg7[%dma_wait3A_210, %dma_wait3A_211] : memref<40x64xi32, #tpu.memory_space<vmem>> -> memref<1x64xi32, #tpu.memory_space<vmem>>
      %dma_wait3A_213 = tpu.memref_squeeze %dma_wait3A_212 : memref<1x64xi32, #tpu.memory_space<vmem>> -> memref<64xi32, #tpu.memory_space<vmem>>
      %dma_wait3A_214 = arith.constant 0 : i32
      %dma_wait3A_215 = arith.constant 0 : i32
      %dma_wait3A_216 = tpu.memref_slice %arg2[%dma_wait3A_214, %dma_wait3A_215] : memref<10000x128xf32, #tpu.memory_space<hbm>> -> memref<10000x128xf32, #tpu.memory_space<hbm>>
      tpu.wait_indirect_dma semaphore(%arg15 : memref<!tpu.dma_semaphore, #tpu.memory_space<semaphore_mem>>) src(%dma_wait3A_216 : memref<10000x128xf32, #tpu.memory_space<hbm>>) dst(%arg10 : memref<64x128xf32, #tpu.memory_space<vmem>>)
      %dma_wait3A_217 = arith.constant 0 : i32
      %dma_wait3A_218 = arith.constant 0 : i32
      %dma_wait3A_219 = tpu.memref_slice %arg3[%dma_wait3A_217, %dma_wait3A_218] : memref<327680x128xf32, #tpu.memory_space<hbm>> -> memref<64x128xf32, #tpu.memory_space<hbm>>
      %dma_wait3A_220 = arith.constant 0 : i32
      %dma_wait3A_221 = arith.constant 0 : i32
      %dma_wait3A_222 = tpu.memref_slice %arg3[%dma_wait3A_220, %dma_wait3A_221] : memref<327680x128xf32, #tpu.memory_space<hbm>> -> memref<64x128xf32, #tpu.memory_space<hbm>>
      tpu.wait_dma2 semaphore(%arg17 : memref<!tpu.dma_semaphore, #tpu.memory_space<semaphore_mem>>) src(%dma_wait3A_222 : memref<64x128xf32, #tpu.memory_space<hbm>>) dst(%arg12 : memref<64x128xf32, #tpu.memory_space<vmem>>)
      %add3A_223 = arith.constant 1 : i32
      %add3A_224 = arith.addi %mul3A_174, %add3A_223 : i32
      %parallel_loop3A_225 = arith.constant 0 : i32
      %parallel_loop3A_226 = arith.constant 64 : i32
      %parallel_loop3A_227 = arith.constant 1 : i32
      scf.for %parallel_loop3A_228 = %parallel_loop3A_225 to %parallel_loop3A_226 step %parallel_loop3A_227  : i32 {
        %parallel_loop3A_229 = arith.index_cast %parallel_loop3A_228 : i32 to index
        %parallel_loop3A_230 = arith.constant 0 : index
        %parallel_loop3A_231 = tpu.vector_load %arg10[%parallel_loop3A_229, %parallel_loop3A_230] {strides = array<i32>} : memref<64x128xf32, #tpu.memory_space<vmem>>, vector<1x16xf32>,
        %parallel_loop3A_232 = vector.shape_cast %parallel_loop3A_231 : vector<1x16xf32> to vector<16xf32>
        %parallel_loop3A_233 = arith.index_cast %parallel_loop3A_228 : i32 to index
        %parallel_loop3A_234 = arith.constant 0 : index
        %parallel_loop3A_235 = tpu.vector_load %arg12[%parallel_loop3A_233, %parallel_loop3A_234] {strides = array<i32>} : memref<64x128xf32, #tpu.memory_space<vmem>>, vector<1x16xf32>,
        %parallel_loop3A_236 = vector.shape_cast %parallel_loop3A_235 : vector<1x16xf32> to vector<16xf32>
        %parallel_loop3A_237 = arith.mulf %parallel_loop3A_232, %parallel_loop3A_236 : vector<16xf32>
        %parallel_loop3A_238 = arith.index_cast %parallel_loop3A_228 : i32 to index
        %parallel_loop3A_239 = arith.constant 0 : index
        %parallel_loop3A_240 = tpu.vector_load %arg10[%parallel_loop3A_238, %parallel_loop3A_239] {strides = array<i32>} : memref<64x128xf32, #tpu.memory_space<vmem>>, vector<1x16xf32>,
        %parallel_loop3A_241 = vector.shape_cast %parallel_loop3A_240 : vector<1x16xf32> to vector<16xf32>
        %parallel_loop3A_242 = vector.shape_cast %parallel_loop3A_237 : vector<16xf32> to vector<1x16xf32>
        tpu.vector_store %arg10[%parallel_loop3A_238, %parallel_loop3A_239], %parallel_loop3A_242 {strides = array<i32>} : memref<64x128xf32, #tpu.memory_space<vmem>>, vector<1x16xf32>,
        %parallel_loop3A_243 = arith.index_cast %parallel_loop3A_228 : i32 to index
        %parallel_loop3A_244 = arith.constant 16 : index
        %parallel_loop3A_245 = tpu.vector_load %arg10[%parallel_loop3A_243, %parallel_loop3A_244] {strides = array<i32>} : memref<64x128xf32, #tpu.memory_space<vmem>>, vector<1x16xf32>,
        %parallel_loop3A_246 = vector.shape_cast %parallel_loop3A_245 : vector<1x16xf32> to vector<16xf32>
        %parallel_loop3A_247 = arith.index_cast %parallel_loop3A_228 : i32 to index
        %parallel_loop3A_248 = arith.constant 16 : index
        %parallel_loop3A_249 = tpu.vector_load %arg12[%parallel_loop3A_247, %parallel_loop3A_248] {strides = array<i32>} : memref<64x128xf32, #tpu.memory_space<vmem>>, vector<1x16xf32>,
        %parallel_loop3A_250 = vector.shape_cast %parallel_loop3A_249 : vector<1x16xf32> to vector<16xf32>
        %parallel_loop3A_251 = arith.mulf %parallel_loop3A_246, %parallel_loop3A_250 : vector<16xf32>
        %parallel_loop3A_252 = arith.index_cast %parallel_loop3A_228 : i32 to index
        %parallel_loop3A_253 = arith.constant 16 : index
        %parallel_loop3A_254 = tpu.vector_load %arg10[%parallel_loop3A_252, %parallel_loop3A_253] {strides = array<i32>} : memref<64x128xf32, #tpu.memory_space<vmem>>, vector<1x16xf32>,
        %parallel_loop3A_255 = vector.shape_cast %parallel_loop3A_254 : vector<1x16xf32> to vector<16xf32>
        %parallel_loop3A_256 = vector.shape_cast %parallel_loop3A_251 : vector<16xf32> to vector<1x16xf32>
        tpu.vector_store %arg10[%parallel_loop3A_252, %parallel_loop3A_253], %parallel_loop3A_256 {strides = array<i32>} : memref<64x128xf32, #tpu.memory_space<vmem>>, vector<1x16xf32>,
        %parallel_loop3A_257 = arith.index_cast %parallel_loop3A_228 : i32 to index
        %parallel_loop3A_258 = arith.constant 32 : index
        %parallel_loop3A_259 = tpu.vector_load %arg10[%parallel_loop3A_257, %parallel_loop3A_258] {strides = array<i32>} : memref<64x128xf32, #tpu.memory_space<vmem>>, vector<1x16xf32>,
        %parallel_loop3A_260 = vector.shape_cast %parallel_loop3A_259 : vector<1x16xf32> to vector<16xf32>
        %parallel_loop3A_261 = arith.index_cast %parallel_loop3A_228 : i32 to index
        %parallel_loop3A_262 = arith.constant 32 : index
        %parallel_loop3A_263 = tpu.vector_load %arg12[%parallel_loop3A_261, %parallel_loop3A_262] {strides = array<i32>} : memref<64x128xf32, #tpu.memory_space<vmem>>, vector<1x16xf32>,
        %parallel_loop3A_264 = vector.shape_cast %parallel_loop3A_263 : vector<1x16xf32> to vector<16xf32>
        %parallel_loop3A_265 = arith.mulf %parallel_loop3A_260, %parallel_loop3A_264 : vector<16xf32>
        %parallel_loop3A_266 = arith.index_cast %parallel_loop3A_228 : i32 to index
        %parallel_loop3A_267 = arith.constant 32 : index
        %parallel_loop3A_268 = tpu.vector_load %arg10[%parallel_loop3A_266, %parallel_loop3A_267] {strides = array<i32>} : memref<64x128xf32, #tpu.memory_space<vmem>>, vector<1x16xf32>,
        %parallel_loop3A_269 = vector.shape_cast %parallel_loop3A_268 : vector<1x16xf32> to vector<16xf32>
        %parallel_loop3A_270 = vector.shape_cast %parallel_loop3A_265 : vector<16xf32> to vector<1x16xf32>
        tpu.vector_store %arg10[%parallel_loop3A_266, %parallel_loop3A_267], %parallel_loop3A_270 {strides = array<i32>} : memref<64x128xf32, #tpu.memory_space<vmem>>, vector<1x16xf32>,
        %parallel_loop3A_271 = arith.index_cast %parallel_loop3A_228 : i32 to index
        %parallel_loop3A_272 = arith.constant 48 : index
        %parallel_loop3A_273 = tpu.vector_load %arg10[%parallel_loop3A_271, %parallel_loop3A_272] {strides = array<i32>} : memref<64x128xf32, #tpu.memory_space<vmem>>, vector<1x16xf32>,
        %parallel_loop3A_274 = vector.shape_cast %parallel_loop3A_273 : vector<1x16xf32> to vector<16xf32>
        %parallel_loop3A_275 = arith.index_cast %parallel_loop3A_228 : i32 to index
        %parallel_loop3A_276 = arith.constant 48 : index
        %parallel_loop3A_277 = tpu.vector_load %arg12[%parallel_loop3A_275, %parallel_loop3A_276] {strides = array<i32>} : memref<64x128xf32, #tpu.memory_space<vmem>>, vector<1x16xf32>,
        %parallel_loop3A_278 = vector.shape_cast %parallel_loop3A_277 : vector<1x16xf32> to vector<16xf32>
        %parallel_loop3A_279 = arith.mulf %parallel_loop3A_274, %parallel_loop3A_278 : vector<16xf32>
        %parallel_loop3A_280 = arith.index_cast %parallel_loop3A_228 : i32 to index
        %parallel_loop3A_281 = arith.constant 48 : index
        %parallel_loop3A_282 = tpu.vector_load %arg10[%parallel_loop3A_280, %parallel_loop3A_281] {strides = array<i32>} : memref<64x128xf32, #tpu.memory_space<vmem>>, vector<1x16xf32>,
        %parallel_loop3A_283 = vector.shape_cast %parallel_loop3A_282 : vector<1x16xf32> to vector<16xf32>
        %parallel_loop3A_284 = vector.shape_cast %parallel_loop3A_279 : vector<16xf32> to vector<1x16xf32>
        tpu.vector_store %arg10[%parallel_loop3A_280, %parallel_loop3A_281], %parallel_loop3A_284 {strides = array<i32>} : memref<64x128xf32, #tpu.memory_space<vmem>>, vector<1x16xf32>,
        %parallel_loop3A_285 = arith.index_cast %parallel_loop3A_228 : i32 to index
        %parallel_loop3A_286 = arith.constant 64 : index
        %parallel_loop3A_287 = tpu.vector_load %arg10[%parallel_loop3A_285, %parallel_loop3A_286] {strides = array<i32>} : memref<64x128xf32, #tpu.memory_space<vmem>>, vector<1x16xf32>,
        %parallel_loop3A_288 = vector.shape_cast %parallel_loop3A_287 : vector<1x16xf32> to vector<16xf32>
        %parallel_loop3A_289 = arith.index_cast %parallel_loop3A_228 : i32 to index
        %parallel_loop3A_290 = arith.constant 64 : index
        %parallel_loop3A_291 = tpu.vector_load %arg12[%parallel_loop3A_289, %parallel_loop3A_290] {strides = array<i32>} : memref<64x128xf32, #tpu.memory_space<vmem>>, vector<1x16xf32>,
        %parallel_loop3A_292 = vector.shape_cast %parallel_loop3A_291 : vector<1x16xf32> to vector<16xf32>
        %parallel_loop3A_293 = arith.mulf %parallel_loop3A_288, %parallel_loop3A_292 : vector<16xf32>
        %parallel_loop3A_294 = arith.index_cast %parallel_loop3A_228 : i32 to index
        %parallel_loop3A_295 = arith.constant 64 : index
        %parallel_loop3A_296 = tpu.vector_load %arg10[%parallel_loop3A_294, %parallel_loop3A_295] {strides = array<i32>} : memref<64x128xf32, #tpu.memory_space<vmem>>, vector<1x16xf32>,
        %parallel_loop3A_297 = vector.shape_cast %parallel_loop3A_296 : vector<1x16xf32> to vector<16xf32>
        %parallel_loop3A_298 = vector.shape_cast %parallel_loop3A_293 : vector<16xf32> to vector<1x16xf32>
        tpu.vector_store %arg10[%parallel_loop3A_294, %parallel_loop3A_295], %parallel_loop3A_298 {strides = array<i32>} : memref<64x128xf32, #tpu.memory_space<vmem>>, vector<1x16xf32>,
        %parallel_loop3A_299 = arith.index_cast %parallel_loop3A_228 : i32 to index
        %parallel_loop3A_300 = arith.constant 80 : index
        %parallel_loop3A_301 = tpu.vector_load %arg10[%parallel_loop3A_299, %parallel_loop3A_300] {strides = array<i32>} : memref<64x128xf32, #tpu.memory_space<vmem>>, vector<1x16xf32>,
        %parallel_loop3A_302 = vector.shape_cast %parallel_loop3A_301 : vector<1x16xf32> to vector<16xf32>
        %parallel_loop3A_303 = arith.index_cast %parallel_loop3A_228 : i32 to index
        %parallel_loop3A_304 = arith.constant 80 : index
        %parallel_loop3A_305 = tpu.vector_load %arg12[%parallel_loop3A_303, %parallel_loop3A_304] {strides = array<i32>} : memref<64x128xf32, #tpu.memory_space<vmem>>, vector<1x16xf32>,
        %parallel_loop3A_306 = vector.shape_cast %parallel_loop3A_305 : vector<1x16xf32> to vector<16xf32>
        %parallel_loop3A_307 = arith.mulf %parallel_loop3A_302, %parallel_loop3A_306 : vector<16xf32>
        %parallel_loop3A_308 = arith.index_cast %parallel_loop3A_228 : i32 to index
        %parallel_loop3A_309 = arith.constant 80 : index
        %parallel_loop3A_310 = tpu.vector_load %arg10[%parallel_loop3A_308, %parallel_loop3A_309] {strides = array<i32>} : memref<64x128xf32, #tpu.memory_space<vmem>>, vector<1x16xf32>,
        %parallel_loop3A_311 = vector.shape_cast %parallel_loop3A_310 : vector<1x16xf32> to vector<16xf32>
        %parallel_loop3A_312 = vector.shape_cast %parallel_loop3A_307 : vector<16xf32> to vector<1x16xf32>
        tpu.vector_store %arg10[%parallel_loop3A_308, %parallel_loop3A_309], %parallel_loop3A_312 {strides = array<i32>} : memref<64x128xf32, #tpu.memory_space<vmem>>, vector<1x16xf32>,
        %parallel_loop3A_313 = arith.index_cast %parallel_loop3A_228 : i32 to index
        %parallel_loop3A_314 = arith.constant 96 : index
        %parallel_loop3A_315 = tpu.vector_load %arg10[%parallel_loop3A_313, %parallel_loop3A_314] {strides = array<i32>} : memref<64x128xf32, #tpu.memory_space<vmem>>, vector<1x16xf32>,
        %parallel_loop3A_316 = vector.shape_cast %parallel_loop3A_315 : vector<1x16xf32> to vector<16xf32>
        %parallel_loop3A_317 = arith.index_cast %parallel_loop3A_228 : i32 to index
        %parallel_loop3A_318 = arith.constant 96 : index
        %parallel_loop3A_319 = tpu.vector_load %arg12[%parallel_loop3A_317, %parallel_loop3A_318] {strides = array<i32>} : memref<64x128xf32, #tpu.memory_space<vmem>>, vector<1x16xf32>,
        %parallel_loop3A_320 = vector.shape_cast %parallel_loop3A_319 : vector<1x16xf32> to vector<16xf32>
        %parallel_loop3A_321 = arith.mulf %parallel_loop3A_316, %parallel_loop3A_320 : vector<16xf32>
        %parallel_loop3A_322 = arith.index_cast %parallel_loop3A_228 : i32 to index
        %parallel_loop3A_323 = arith.constant 96 : index
        %parallel_loop3A_324 = tpu.vector_load %arg10[%parallel_loop3A_322, %parallel_loop3A_323] {strides = array<i32>} : memref<64x128xf32, #tpu.memory_space<vmem>>, vector<1x16xf32>,
        %parallel_loop3A_325 = vector.shape_cast %parallel_loop3A_324 : vector<1x16xf32> to vector<16xf32>
        %parallel_loop3A_326 = vector.shape_cast %parallel_loop3A_321 : vector<16xf32> to vector<1x16xf32>
        tpu.vector_store %arg10[%parallel_loop3A_322, %parallel_loop3A_323], %parallel_loop3A_326 {strides = array<i32>} : memref<64x128xf32, #tpu.memory_space<vmem>>, vector<1x16xf32>,
        %parallel_loop3A_327 = arith.index_cast %parallel_loop3A_228 : i32 to index
        %parallel_loop3A_328 = arith.constant 112 : index
        %parallel_loop3A_329 = tpu.vector_load %arg10[%parallel_loop3A_327, %parallel_loop3A_328] {strides = array<i32>} : memref<64x128xf32, #tpu.memory_space<vmem>>, vector<1x16xf32>,
        %parallel_loop3A_330 = vector.shape_cast %parallel_loop3A_329 : vector<1x16xf32> to vector<16xf32>
        %parallel_loop3A_331 = arith.index_cast %parallel_loop3A_228 : i32 to index
        %parallel_loop3A_332 = arith.constant 112 : index
        %parallel_loop3A_333 = tpu.vector_load %arg12[%parallel_loop3A_331, %parallel_loop3A_332] {strides = array<i32>} : memref<64x128xf32, #tpu.memory_space<vmem>>, vector<1x16xf32>,
        %parallel_loop3A_334 = vector.shape_cast %parallel_loop3A_333 : vector<1x16xf32> to vector<16xf32>
        %parallel_loop3A_335 = arith.mulf %parallel_loop3A_330, %parallel_loop3A_334 : vector<16xf32>
        %parallel_loop3A_336 = arith.index_cast %parallel_loop3A_228 : i32 to index
        %parallel_loop3A_337 = arith.constant 112 : index
        %parallel_loop3A_338 = tpu.vector_load %arg10[%parallel_loop3A_336, %parallel_loop3A_337] {strides = array<i32>} : memref<64x128xf32, #tpu.memory_space<vmem>>, vector<1x16xf32>,
        %parallel_loop3A_339 = vector.shape_cast %parallel_loop3A_338 : vector<1x16xf32> to vector<16xf32>
        %parallel_loop3A_340 = vector.shape_cast %parallel_loop3A_335 : vector<16xf32> to vector<1x16xf32>
        tpu.vector_store %arg10[%parallel_loop3A_336, %parallel_loop3A_337], %parallel_loop3A_340 {strides = array<i32>} : memref<64x128xf32, #tpu.memory_space<vmem>>, vector<1x16xf32>,
      } {sc.loop_unroll_factor = 4 : i64, sc.parallel_access}
      "tpu.region"() ({
        %run_scoped3A = tpu.sem_alloc : memref<!tpu.dma_semaphore, #tpu.memory_space<semaphore_mem>>
        %dma_start3A_228 = arith.constant 0 : i32
        %dma_start3A_229 = tpu.memref_slice %arg8[%add3A_224, %dma_start3A_228] : memref<40x64xi32, #tpu.memory_space<vmem>> -> memref<1x64xi32, #tpu.memory_space<vmem>>
        %dma_start3A_230 = tpu.memref_squeeze %dma_start3A_229 : memref<1x64xi32, #tpu.memory_space<vmem>> -> memref<64xi32, #tpu.memory_space<vmem>>
        %dma_start3A_231 = arith.constant 0 : i32
        %dma_start3A_232 = arith.constant 0 : i32
        %dma_start3A_233 = tpu.memref_slice %arg13[%dma_start3A_231, %dma_start3A_232] : memref<10240x128xf32, #tpu.memory_space<vmem_shared>> -> memref<10240x128xf32, #tpu.memory_space<vmem_shared>>
        tpu.enqueue_indirect_dma source(%arg10 : memref<64x128xf32, #tpu.memory_space<vmem>>) target(%dma_start3A_233 : memref<10240x128xf32, #tpu.memory_space<vmem_shared>>) offsets(%dma_start3A_230 : memref<64xi32, #tpu.memory_space<vmem>>) semaphore(%run_scoped3A : memref<!tpu.dma_semaphore, #tpu.memory_space<semaphore_mem>>) {add = true}
        %dma_wait3A_234 = arith.constant 0 : i32
        %dma_wait3A_235 = tpu.memref_slice %arg8[%add3A_224, %dma_wait3A_234] : memref<40x64xi32, #tpu.memory_space<vmem>> -> memref<1x64xi32, #tpu.memory_space<vmem>>
        %dma_wait3A_236 = tpu.memref_squeeze %dma_wait3A_235 : memref<1x64xi32, #tpu.memory_space<vmem>> -> memref<64xi32, #tpu.memory_space<vmem>>
        %dma_wait3A_237 = arith.constant 0 : i32
        %dma_wait3A_238 = arith.constant 0 : i32
        %dma_wait3A_239 = tpu.memref_slice %arg13[%dma_wait3A_237, %dma_wait3A_238] : memref<10240x128xf32, #tpu.memory_space<vmem_shared>> -> memref<10240x128xf32, #tpu.memory_space<vmem_shared>>
        tpu.wait_indirect_dma semaphore(%run_scoped3A : memref<!tpu.dma_semaphore, #tpu.memory_space<semaphore_mem>>) src(%arg10 : memref<64x128xf32, #tpu.memory_space<vmem>>) dst(%dma_wait3A_239 : memref<10240x128xf32, #tpu.memory_space<vmem_shared>>)
        tpu.yield
      }) : () -> ()
    }
    %scan3A_88 = arith.constant 20 : i32
    %mul3A_89 = arith.constant 160 : i32
    %mul3A_90 = arith.muli %add3A, %mul3A_89 : i32
    %add3A_91 = arith.constant 80 : i32
    %add3A_92 = arith.addi %mul3A_90, %add3A_91 : i32
    "tpu.region"() ({
      %run_scoped3A = tpu.sem_alloc : memref<!tpu.dma_semaphore, #tpu.memory_space<semaphore_mem>>
      %dma_start3A_172 = arith.constant 0 : i32
      %dma_start3A_173 = tpu.memref_slice %arg4[%add3A_92, %dma_start3A_172] : memref<5120x64xi32, #tpu.memory_space<hbm>> -> memref<40x64xi32, #tpu.memory_space<hbm>>
      %dma_start3A_174 = arith.constant 0 : i32
      %dma_start3A_175 = tpu.memref_slice %arg4[%add3A_92, %dma_start3A_174] : memref<5120x64xi32, #tpu.memory_space<hbm>> -> memref<40x64xi32, #tpu.memory_space<hbm>>
      tpu.enqueue_dma source(%dma_start3A_175 : memref<40x64xi32, #tpu.memory_space<hbm>>) target(%arg7 : memref<40x64xi32, #tpu.memory_space<vmem>>) target_semaphore(%run_scoped3A : memref<!tpu.dma_semaphore, #tpu.memory_space<semaphore_mem>>)
      %dma_wait3A = arith.constant 0 : i32
      %dma_wait3A_176 = tpu.memref_slice %arg4[%add3A_92, %dma_wait3A] : memref<5120x64xi32, #tpu.memory_space<hbm>> -> memref<40x64xi32, #tpu.memory_space<hbm>>
      %dma_wait3A_177 = arith.constant 0 : i32
      %dma_wait3A_178 = tpu.memref_slice %arg4[%add3A_92, %dma_wait3A_177] : memref<5120x64xi32, #tpu.memory_space<hbm>> -> memref<40x64xi32, #tpu.memory_space<hbm>>
      tpu.wait_dma2 semaphore(%run_scoped3A : memref<!tpu.dma_semaphore, #tpu.memory_space<semaphore_mem>>) src(%dma_wait3A_178 : memref<40x64xi32, #tpu.memory_space<hbm>>) dst(%arg7 : memref<40x64xi32, #tpu.memory_space<vmem>>)
      tpu.yield
    }) : () -> ()
    %mul3A_93 = arith.constant 160 : i32
    %mul3A_94 = arith.muli %add3A, %mul3A_93 : i32
    %add3A_95 = arith.constant 80 : i32
    %add3A_96 = arith.addi %mul3A_94, %add3A_95 : i32
    "tpu.region"() ({
      %run_scoped3A = tpu.sem_alloc : memref<!tpu.dma_semaphore, #tpu.memory_space<semaphore_mem>>
      %dma_start3A_172 = arith.constant 0 : i32
      %dma_start3A_173 = tpu.memref_slice %arg5[%add3A_96, %dma_start3A_172] : memref<5120x64xi32, #tpu.memory_space<hbm>> -> memref<40x64xi32, #tpu.memory_space<hbm>>
      %dma_start3A_174 = arith.constant 0 : i32
      %dma_start3A_175 = tpu.memref_slice %arg5[%add3A_96, %dma_start3A_174] : memref<5120x64xi32, #tpu.memory_space<hbm>> -> memref<40x64xi32, #tpu.memory_space<hbm>>
      tpu.enqueue_dma source(%dma_start3A_175 : memref<40x64xi32, #tpu.memory_space<hbm>>) target(%arg8 : memref<40x64xi32, #tpu.memory_space<vmem>>) target_semaphore(%run_scoped3A : memref<!tpu.dma_semaphore, #tpu.memory_space<semaphore_mem>>)
      %dma_wait3A = arith.constant 0 : i32
      %dma_wait3A_176 = tpu.memref_slice %arg5[%add3A_96, %dma_wait3A] : memref<5120x64xi32, #tpu.memory_space<hbm>> -> memref<40x64xi32, #tpu.memory_space<hbm>>
      %dma_wait3A_177 = arith.constant 0 : i32
      %dma_wait3A_178 = tpu.memref_slice %arg5[%add3A_96, %dma_wait3A_177] : memref<5120x64xi32, #tpu.memory_space<hbm>> -> memref<40x64xi32, #tpu.memory_space<hbm>>
      tpu.wait_dma2 semaphore(%run_scoped3A : memref<!tpu.dma_semaphore, #tpu.memory_space<semaphore_mem>>) src(%dma_wait3A_178 : memref<40x64xi32, #tpu.memory_space<hbm>>) dst(%arg8 : memref<40x64xi32, #tpu.memory_space<vmem>>)
      tpu.yield
    }) : () -> ()
    %mul3A_97 = arith.constant 10240 : i32
    %mul3A_98 = arith.muli %add3A, %mul3A_97 : i32
    %add3A_99 = arith.constant 5120 : i32
    %add3A_100 = arith.addi %mul3A_98, %add3A_99 : i32
    %dma_start3A_101 = arith.constant 0 : i32
    %dma_start3A_102 = arith.constant 0 : i32
    %dma_start3A_103 = tpu.memref_slice %arg7[%dma_start3A_101, %dma_start3A_102] : memref<40x64xi32, #tpu.memory_space<vmem>> -> memref<1x64xi32, #tpu.memory_space<vmem>>
    %dma_start3A_104 = tpu.memref_squeeze %dma_start3A_103 : memref<1x64xi32, #tpu.memory_space<vmem>> -> memref<64xi32, #tpu.memory_space<vmem>>
    %dma_start3A_105 = arith.constant 0 : i32
    %dma_start3A_106 = arith.constant 0 : i32
    %dma_start3A_107 = tpu.memref_slice %arg2[%dma_start3A_105, %dma_start3A_106] : memref<10000x128xf32, #tpu.memory_space<hbm>> -> memref<10000x128xf32, #tpu.memory_space<hbm>>
    tpu.enqueue_indirect_dma source(%dma_start3A_107 : memref<10000x128xf32, #tpu.memory_space<hbm>>) target(%arg9 : memref<64x128xf32, #tpu.memory_space<vmem>>) offsets(%dma_start3A_104 : memref<64xi32, #tpu.memory_space<vmem>>) semaphore(%arg14 : memref<!tpu.dma_semaphore, #tpu.memory_space<semaphore_mem>>)
    %add3A_108 = arith.constant 0 : i32
    %add3A_109 = arith.addi %add3A_100, %add3A_108 : i32
    %dma_start3A_110 = arith.constant 0 : i32
    %dma_start3A_111 = tpu.memref_slice %arg3[%add3A_109, %dma_start3A_110] : memref<327680x128xf32, #tpu.memory_space<hbm>> -> memref<64x128xf32, #tpu.memory_space<hbm>>
    %dma_start3A_112 = arith.constant 0 : i32
    %dma_start3A_113 = tpu.memref_slice %arg3[%add3A_109, %dma_start3A_112] : memref<327680x128xf32, #tpu.memory_space<hbm>> -> memref<64x128xf32, #tpu.memory_space<hbm>>
    tpu.enqueue_dma source(%dma_start3A_113 : memref<64x128xf32, #tpu.memory_space<hbm>>) target(%arg11 : memref<64x128xf32, #tpu.memory_space<vmem>>) target_semaphore(%arg16 : memref<!tpu.dma_semaphore, #tpu.memory_space<semaphore_mem>>)
    %scan3A_114 = arith.constant 0 : i32
    %scan3A_115 = arith.constant 0 : i32
    %scan3A_116 = arith.constant 20 : i32
    %scan3A_117 = arith.addi %scan3A_115, %scan3A_116 : i32
    %scan3A_118 = arith.constant 1 : i32
    scf.for %scan3A_172 = %scan3A_115 to %scan3A_117 step %scan3A_118  : i32 {
      %mul3A_173 = arith.constant 2 : i32
      %mul3A_174 = arith.muli %mul3A_173, %scan3A_172 : i32
      %add3A_175 = arith.constant 1 : i32
      %add3A_176 = arith.addi %mul3A_174, %add3A_175 : i32
      %mul3A_177 = arith.constant 10240 : i32
      %mul3A_178 = arith.muli %add3A, %mul3A_177 : i32
      %add3A_179 = arith.constant 5120 : i32
      %add3A_180 = arith.addi %mul3A_178, %add3A_179 : i32
      %dma_start3A_181 = arith.constant 0 : i32
      %dma_start3A_182 = tpu.memref_slice %arg7[%add3A_176, %dma_start3A_181] : memref<40x64xi32, #tpu.memory_space<vmem>> -> memref<1x64xi32, #tpu.memory_space<vmem>>
      %dma_start3A_183 = tpu.memref_squeeze %dma_start3A_182 : memref<1x64xi32, #tpu.memory_space<vmem>> -> memref<64xi32, #tpu.memory_space<vmem>>
      %dma_start3A_184 = arith.constant 0 : i32
      %dma_start3A_185 = arith.constant 0 : i32
      %dma_start3A_186 = tpu.memref_slice %arg2[%dma_start3A_184, %dma_start3A_185] : memref<10000x128xf32, #tpu.memory_space<hbm>> -> memref<10000x128xf32, #tpu.memory_space<hbm>>
      tpu.enqueue_indirect_dma source(%dma_start3A_186 : memref<10000x128xf32, #tpu.memory_space<hbm>>) target(%arg10 : memref<64x128xf32, #tpu.memory_space<vmem>>) offsets(%dma_start3A_183 : memref<64xi32, #tpu.memory_space<vmem>>) semaphore(%arg15 : memref<!tpu.dma_semaphore, #tpu.memory_space<semaphore_mem>>)
      %mul3A_187 = arith.constant 64 : i32
      %mul3A_188 = arith.muli %add3A_176, %mul3A_187 : i32
      %add3A_189 = arith.addi %add3A_180, %mul3A_188 : i32
      %dma_start3A_190 = arith.constant 0 : i32
      %dma_start3A_191 = tpu.memref_slice %arg3[%add3A_189, %dma_start3A_190] : memref<327680x128xf32, #tpu.memory_space<hbm>> -> memref<64x128xf32, #tpu.memory_space<hbm>>
      %dma_start3A_192 = arith.constant 0 : i32
      %dma_start3A_193 = tpu.memref_slice %arg3[%add3A_189, %dma_start3A_192] : memref<327680x128xf32, #tpu.memory_space<hbm>> -> memref<64x128xf32, #tpu.memory_space<hbm>>
      tpu.enqueue_dma source(%dma_start3A_193 : memref<64x128xf32, #tpu.memory_space<hbm>>) target(%arg12 : memref<64x128xf32, #tpu.memory_space<vmem>>) target_semaphore(%arg17 : memref<!tpu.dma_semaphore, #tpu.memory_space<semaphore_mem>>)
      %dma_wait3A = arith.constant 0 : i32
      %dma_wait3A_194 = arith.constant 0 : i32
      %dma_wait3A_195 = tpu.memref_slice %arg7[%dma_wait3A, %dma_wait3A_194] : memref<40x64xi32, #tpu.memory_space<vmem>> -> memref<1x64xi32, #tpu.memory_space<vmem>>
      %dma_wait3A_196 = tpu.memref_squeeze %dma_wait3A_195 : memref<1x64xi32, #tpu.memory_space<vmem>> -> memref<64xi32, #tpu.memory_space<vmem>>
      %dma_wait3A_197 = arith.constant 0 : i32
      %dma_wait3A_198 = arith.constant 0 : i32
      %dma_wait3A_199 = tpu.memref_slice %arg2[%dma_wait3A_197, %dma_wait3A_198] : memref<10000x128xf32, #tpu.memory_space<hbm>> -> memref<10000x128xf32, #tpu.memory_space<hbm>>
      tpu.wait_indirect_dma semaphore(%arg14 : memref<!tpu.dma_semaphore, #tpu.memory_space<semaphore_mem>>) src(%dma_wait3A_199 : memref<10000x128xf32, #tpu.memory_space<hbm>>) dst(%arg9 : memref<64x128xf32, #tpu.memory_space<vmem>>)
      %dma_wait3A_200 = arith.constant 0 : i32
      %dma_wait3A_201 = arith.constant 0 : i32
      %dma_wait3A_202 = tpu.memref_slice %arg3[%dma_wait3A_200, %dma_wait3A_201] : memref<327680x128xf32, #tpu.memory_space<hbm>> -> memref<64x128xf32, #tpu.memory_space<hbm>>
      %dma_wait3A_203 = arith.constant 0 : i32
      %dma_wait3A_204 = arith.constant 0 : i32
      %dma_wait3A_205 = tpu.memref_slice %arg3[%dma_wait3A_203, %dma_wait3A_204] : memref<327680x128xf32, #tpu.memory_space<hbm>> -> memref<64x128xf32, #tpu.memory_space<hbm>>
      tpu.wait_dma2 semaphore(%arg16 : memref<!tpu.dma_semaphore, #tpu.memory_space<semaphore_mem>>) src(%dma_wait3A_205 : memref<64x128xf32, #tpu.memory_space<hbm>>) dst(%arg11 : memref<64x128xf32, #tpu.memory_space<vmem>>)
      %parallel_loop3A = arith.constant 0 : i32
      %parallel_loop3A_206 = arith.constant 64 : i32
      %parallel_loop3A_207 = arith.constant 1 : i32
      scf.for %parallel_loop3A_228 = %parallel_loop3A to %parallel_loop3A_206 step %parallel_loop3A_207  : i32 {
        %parallel_loop3A_229 = arith.index_cast %parallel_loop3A_228 : i32 to index
        %parallel_loop3A_230 = arith.constant 0 : index
        %parallel_loop3A_231 = tpu.vector_load %arg9[%parallel_loop3A_229, %parallel_loop3A_230] {strides = array<i32>} : memref<64x128xf32, #tpu.memory_space<vmem>>, vector<1x16xf32>,
        %parallel_loop3A_232 = vector.shape_cast %parallel_loop3A_231 : vector<1x16xf32> to vector<16xf32>
        %parallel_loop3A_233 = arith.index_cast %parallel_loop3A_228 : i32 to index
        %parallel_loop3A_234 = arith.constant 0 : index
        %parallel_loop3A_235 = tpu.vector_load %arg11[%parallel_loop3A_233, %parallel_loop3A_234] {strides = array<i32>} : memref<64x128xf32, #tpu.memory_space<vmem>>, vector<1x16xf32>,
        %parallel_loop3A_236 = vector.shape_cast %parallel_loop3A_235 : vector<1x16xf32> to vector<16xf32>
        %parallel_loop3A_237 = arith.mulf %parallel_loop3A_232, %parallel_loop3A_236 : vector<16xf32>
        %parallel_loop3A_238 = arith.index_cast %parallel_loop3A_228 : i32 to index
        %parallel_loop3A_239 = arith.constant 0 : index
        %parallel_loop3A_240 = tpu.vector_load %arg9[%parallel_loop3A_238, %parallel_loop3A_239] {strides = array<i32>} : memref<64x128xf32, #tpu.memory_space<vmem>>, vector<1x16xf32>,
        %parallel_loop3A_241 = vector.shape_cast %parallel_loop3A_240 : vector<1x16xf32> to vector<16xf32>
        %parallel_loop3A_242 = vector.shape_cast %parallel_loop3A_237 : vector<16xf32> to vector<1x16xf32>
        tpu.vector_store %arg9[%parallel_loop3A_238, %parallel_loop3A_239], %parallel_loop3A_242 {strides = array<i32>} : memref<64x128xf32, #tpu.memory_space<vmem>>, vector<1x16xf32>,
        %parallel_loop3A_243 = arith.index_cast %parallel_loop3A_228 : i32 to index
        %parallel_loop3A_244 = arith.constant 16 : index
        %parallel_loop3A_245 = tpu.vector_load %arg9[%parallel_loop3A_243, %parallel_loop3A_244] {strides = array<i32>} : memref<64x128xf32, #tpu.memory_space<vmem>>, vector<1x16xf32>,
        %parallel_loop3A_246 = vector.shape_cast %parallel_loop3A_245 : vector<1x16xf32> to vector<16xf32>
        %parallel_loop3A_247 = arith.index_cast %parallel_loop3A_228 : i32 to index
        %parallel_loop3A_248 = arith.constant 16 : index
        %parallel_loop3A_249 = tpu.vector_load %arg11[%parallel_loop3A_247, %parallel_loop3A_248] {strides = array<i32>} : memref<64x128xf32, #tpu.memory_space<vmem>>, vector<1x16xf32>,
        %parallel_loop3A_250 = vector.shape_cast %parallel_loop3A_249 : vector<1x16xf32> to vector<16xf32>
        %parallel_loop3A_251 = arith.mulf %parallel_loop3A_246, %parallel_loop3A_250 : vector<16xf32>
        %parallel_loop3A_252 = arith.index_cast %parallel_loop3A_228 : i32 to index
        %parallel_loop3A_253 = arith.constant 16 : index
        %parallel_loop3A_254 = tpu.vector_load %arg9[%parallel_loop3A_252, %parallel_loop3A_253] {strides = array<i32>} : memref<64x128xf32, #tpu.memory_space<vmem>>, vector<1x16xf32>,
        %parallel_loop3A_255 = vector.shape_cast %parallel_loop3A_254 : vector<1x16xf32> to vector<16xf32>
        %parallel_loop3A_256 = vector.shape_cast %parallel_loop3A_251 : vector<16xf32> to vector<1x16xf32>
        tpu.vector_store %arg9[%parallel_loop3A_252, %parallel_loop3A_253], %parallel_loop3A_256 {strides = array<i32>} : memref<64x128xf32, #tpu.memory_space<vmem>>, vector<1x16xf32>,
        %parallel_loop3A_257 = arith.index_cast %parallel_loop3A_228 : i32 to index
        %parallel_loop3A_258 = arith.constant 32 : index
        %parallel_loop3A_259 = tpu.vector_load %arg9[%parallel_loop3A_257, %parallel_loop3A_258] {strides = array<i32>} : memref<64x128xf32, #tpu.memory_space<vmem>>, vector<1x16xf32>,
        %parallel_loop3A_260 = vector.shape_cast %parallel_loop3A_259 : vector<1x16xf32> to vector<16xf32>
        %parallel_loop3A_261 = arith.index_cast %parallel_loop3A_228 : i32 to index
        %parallel_loop3A_262 = arith.constant 32 : index
        %parallel_loop3A_263 = tpu.vector_load %arg11[%parallel_loop3A_261, %parallel_loop3A_262] {strides = array<i32>} : memref<64x128xf32, #tpu.memory_space<vmem>>, vector<1x16xf32>,
        %parallel_loop3A_264 = vector.shape_cast %parallel_loop3A_263 : vector<1x16xf32> to vector<16xf32>
        %parallel_loop3A_265 = arith.mulf %parallel_loop3A_260, %parallel_loop3A_264 : vector<16xf32>
        %parallel_loop3A_266 = arith.index_cast %parallel_loop3A_228 : i32 to index
        %parallel_loop3A_267 = arith.constant 32 : index
        %parallel_loop3A_268 = tpu.vector_load %arg9[%parallel_loop3A_266, %parallel_loop3A_267] {strides = array<i32>} : memref<64x128xf32, #tpu.memory_space<vmem>>, vector<1x16xf32>,
        %parallel_loop3A_269 = vector.shape_cast %parallel_loop3A_268 : vector<1x16xf32> to vector<16xf32>
        %parallel_loop3A_270 = vector.shape_cast %parallel_loop3A_265 : vector<16xf32> to vector<1x16xf32>
        tpu.vector_store %arg9[%parallel_loop3A_266, %parallel_loop3A_267], %parallel_loop3A_270 {strides = array<i32>} : memref<64x128xf32, #tpu.memory_space<vmem>>, vector<1x16xf32>,
        %parallel_loop3A_271 = arith.index_cast %parallel_loop3A_228 : i32 to index
        %parallel_loop3A_272 = arith.constant 48 : index
        %parallel_loop3A_273 = tpu.vector_load %arg9[%parallel_loop3A_271, %parallel_loop3A_272] {strides = array<i32>} : memref<64x128xf32, #tpu.memory_space<vmem>>, vector<1x16xf32>,
        %parallel_loop3A_274 = vector.shape_cast %parallel_loop3A_273 : vector<1x16xf32> to vector<16xf32>
        %parallel_loop3A_275 = arith.index_cast %parallel_loop3A_228 : i32 to index
        %parallel_loop3A_276 = arith.constant 48 : index
        %parallel_loop3A_277 = tpu.vector_load %arg11[%parallel_loop3A_275, %parallel_loop3A_276] {strides = array<i32>} : memref<64x128xf32, #tpu.memory_space<vmem>>, vector<1x16xf32>,
        %parallel_loop3A_278 = vector.shape_cast %parallel_loop3A_277 : vector<1x16xf32> to vector<16xf32>
        %parallel_loop3A_279 = arith.mulf %parallel_loop3A_274, %parallel_loop3A_278 : vector<16xf32>
        %parallel_loop3A_280 = arith.index_cast %parallel_loop3A_228 : i32 to index
        %parallel_loop3A_281 = arith.constant 48 : index
        %parallel_loop3A_282 = tpu.vector_load %arg9[%parallel_loop3A_280, %parallel_loop3A_281] {strides = array<i32>} : memref<64x128xf32, #tpu.memory_space<vmem>>, vector<1x16xf32>,
        %parallel_loop3A_283 = vector.shape_cast %parallel_loop3A_282 : vector<1x16xf32> to vector<16xf32>
        %parallel_loop3A_284 = vector.shape_cast %parallel_loop3A_279 : vector<16xf32> to vector<1x16xf32>
        tpu.vector_store %arg9[%parallel_loop3A_280, %parallel_loop3A_281], %parallel_loop3A_284 {strides = array<i32>} : memref<64x128xf32, #tpu.memory_space<vmem>>, vector<1x16xf32>,
        %parallel_loop3A_285 = arith.index_cast %parallel_loop3A_228 : i32 to index
        %parallel_loop3A_286 = arith.constant 64 : index
        %parallel_loop3A_287 = tpu.vector_load %arg9[%parallel_loop3A_285, %parallel_loop3A_286] {strides = array<i32>} : memref<64x128xf32, #tpu.memory_space<vmem>>, vector<1x16xf32>,
        %parallel_loop3A_288 = vector.shape_cast %parallel_loop3A_287 : vector<1x16xf32> to vector<16xf32>
        %parallel_loop3A_289 = arith.index_cast %parallel_loop3A_228 : i32 to index
        %parallel_loop3A_290 = arith.constant 64 : index
        %parallel_loop3A_291 = tpu.vector_load %arg11[%parallel_loop3A_289, %parallel_loop3A_290] {strides = array<i32>} : memref<64x128xf32, #tpu.memory_space<vmem>>, vector<1x16xf32>,
        %parallel_loop3A_292 = vector.shape_cast %parallel_loop3A_291 : vector<1x16xf32> to vector<16xf32>
        %parallel_loop3A_293 = arith.mulf %parallel_loop3A_288, %parallel_loop3A_292 : vector<16xf32>
        %parallel_loop3A_294 = arith.index_cast %parallel_loop3A_228 : i32 to index
        %parallel_loop3A_295 = arith.constant 64 : index
        %parallel_loop3A_296 = tpu.vector_load %arg9[%parallel_loop3A_294, %parallel_loop3A_295] {strides = array<i32>} : memref<64x128xf32, #tpu.memory_space<vmem>>, vector<1x16xf32>,
        %parallel_loop3A_297 = vector.shape_cast %parallel_loop3A_296 : vector<1x16xf32> to vector<16xf32>
        %parallel_loop3A_298 = vector.shape_cast %parallel_loop3A_293 : vector<16xf32> to vector<1x16xf32>
        tpu.vector_store %arg9[%parallel_loop3A_294, %parallel_loop3A_295], %parallel_loop3A_298 {strides = array<i32>} : memref<64x128xf32, #tpu.memory_space<vmem>>, vector<1x16xf32>,
        %parallel_loop3A_299 = arith.index_cast %parallel_loop3A_228 : i32 to index
        %parallel_loop3A_300 = arith.constant 80 : index
        %parallel_loop3A_301 = tpu.vector_load %arg9[%parallel_loop3A_299, %parallel_loop3A_300] {strides = array<i32>} : memref<64x128xf32, #tpu.memory_space<vmem>>, vector<1x16xf32>,
        %parallel_loop3A_302 = vector.shape_cast %parallel_loop3A_301 : vector<1x16xf32> to vector<16xf32>
        %parallel_loop3A_303 = arith.index_cast %parallel_loop3A_228 : i32 to index
        %parallel_loop3A_304 = arith.constant 80 : index
        %parallel_loop3A_305 = tpu.vector_load %arg11[%parallel_loop3A_303, %parallel_loop3A_304] {strides = array<i32>} : memref<64x128xf32, #tpu.memory_space<vmem>>, vector<1x16xf32>,
        %parallel_loop3A_306 = vector.shape_cast %parallel_loop3A_305 : vector<1x16xf32> to vector<16xf32>
        %parallel_loop3A_307 = arith.mulf %parallel_loop3A_302, %parallel_loop3A_306 : vector<16xf32>
        %parallel_loop3A_308 = arith.index_cast %parallel_loop3A_228 : i32 to index
        %parallel_loop3A_309 = arith.constant 80 : index
        %parallel_loop3A_310 = tpu.vector_load %arg9[%parallel_loop3A_308, %parallel_loop3A_309] {strides = array<i32>} : memref<64x128xf32, #tpu.memory_space<vmem>>, vector<1x16xf32>,
        %parallel_loop3A_311 = vector.shape_cast %parallel_loop3A_310 : vector<1x16xf32> to vector<16xf32>
        %parallel_loop3A_312 = vector.shape_cast %parallel_loop3A_307 : vector<16xf32> to vector<1x16xf32>
        tpu.vector_store %arg9[%parallel_loop3A_308, %parallel_loop3A_309], %parallel_loop3A_312 {strides = array<i32>} : memref<64x128xf32, #tpu.memory_space<vmem>>, vector<1x16xf32>,
        %parallel_loop3A_313 = arith.index_cast %parallel_loop3A_228 : i32 to index
        %parallel_loop3A_314 = arith.constant 96 : index
        %parallel_loop3A_315 = tpu.vector_load %arg9[%parallel_loop3A_313, %parallel_loop3A_314] {strides = array<i32>} : memref<64x128xf32, #tpu.memory_space<vmem>>, vector<1x16xf32>,
        %parallel_loop3A_316 = vector.shape_cast %parallel_loop3A_315 : vector<1x16xf32> to vector<16xf32>
        %parallel_loop3A_317 = arith.index_cast %parallel_loop3A_228 : i32 to index
        %parallel_loop3A_318 = arith.constant 96 : index
        %parallel_loop3A_319 = tpu.vector_load %arg11[%parallel_loop3A_317, %parallel_loop3A_318] {strides = array<i32>} : memref<64x128xf32, #tpu.memory_space<vmem>>, vector<1x16xf32>,
        %parallel_loop3A_320 = vector.shape_cast %parallel_loop3A_319 : vector<1x16xf32> to vector<16xf32>
        %parallel_loop3A_321 = arith.mulf %parallel_loop3A_316, %parallel_loop3A_320 : vector<16xf32>
        %parallel_loop3A_322 = arith.index_cast %parallel_loop3A_228 : i32 to index
        %parallel_loop3A_323 = arith.constant 96 : index
        %parallel_loop3A_324 = tpu.vector_load %arg9[%parallel_loop3A_322, %parallel_loop3A_323] {strides = array<i32>} : memref<64x128xf32, #tpu.memory_space<vmem>>, vector<1x16xf32>,
        %parallel_loop3A_325 = vector.shape_cast %parallel_loop3A_324 : vector<1x16xf32> to vector<16xf32>
        %parallel_loop3A_326 = vector.shape_cast %parallel_loop3A_321 : vector<16xf32> to vector<1x16xf32>
        tpu.vector_store %arg9[%parallel_loop3A_322, %parallel_loop3A_323], %parallel_loop3A_326 {strides = array<i32>} : memref<64x128xf32, #tpu.memory_space<vmem>>, vector<1x16xf32>,
        %parallel_loop3A_327 = arith.index_cast %parallel_loop3A_228 : i32 to index
        %parallel_loop3A_328 = arith.constant 112 : index
        %parallel_loop3A_329 = tpu.vector_load %arg9[%parallel_loop3A_327, %parallel_loop3A_328] {strides = array<i32>} : memref<64x128xf32, #tpu.memory_space<vmem>>, vector<1x16xf32>,
        %parallel_loop3A_330 = vector.shape_cast %parallel_loop3A_329 : vector<1x16xf32> to vector<16xf32>
        %parallel_loop3A_331 = arith.index_cast %parallel_loop3A_228 : i32 to index
        %parallel_loop3A_332 = arith.constant 112 : index
        %parallel_loop3A_333 = tpu.vector_load %arg11[%parallel_loop3A_331, %parallel_loop3A_332] {strides = array<i32>} : memref<64x128xf32, #tpu.memory_space<vmem>>, vector<1x16xf32>,
        %parallel_loop3A_334 = vector.shape_cast %parallel_loop3A_333 : vector<1x16xf32> to vector<16xf32>
        %parallel_loop3A_335 = arith.mulf %parallel_loop3A_330, %parallel_loop3A_334 : vector<16xf32>
        %parallel_loop3A_336 = arith.index_cast %parallel_loop3A_228 : i32 to index
        %parallel_loop3A_337 = arith.constant 112 : index
        %parallel_loop3A_338 = tpu.vector_load %arg9[%parallel_loop3A_336, %parallel_loop3A_337] {strides = array<i32>} : memref<64x128xf32, #tpu.memory_space<vmem>>, vector<1x16xf32>,
        %parallel_loop3A_339 = vector.shape_cast %parallel_loop3A_338 : vector<1x16xf32> to vector<16xf32>
        %parallel_loop3A_340 = vector.shape_cast %parallel_loop3A_335 : vector<16xf32> to vector<1x16xf32>
        tpu.vector_store %arg9[%parallel_loop3A_336, %parallel_loop3A_337], %parallel_loop3A_340 {strides = array<i32>} : memref<64x128xf32, #tpu.memory_space<vmem>>, vector<1x16xf32>,
      } {sc.loop_unroll_factor = 4 : i64, sc.parallel_access}
      "tpu.region"() ({
        %run_scoped3A = tpu.sem_alloc : memref<!tpu.dma_semaphore, #tpu.memory_space<semaphore_mem>>
        %dma_start3A_228 = arith.constant 0 : i32
        %dma_start3A_229 = tpu.memref_slice %arg8[%mul3A_174, %dma_start3A_228] : memref<40x64xi32, #tpu.memory_space<vmem>> -> memref<1x64xi32, #tpu.memory_space<vmem>>
        %dma_start3A_230 = tpu.memref_squeeze %dma_start3A_229 : memref<1x64xi32, #tpu.memory_space<vmem>> -> memref<64xi32, #tpu.memory_space<vmem>>
        %dma_start3A_231 = arith.constant 0 : i32
        %dma_start3A_232 = arith.constant 0 : i32
        %dma_start3A_233 = tpu.memref_slice %arg13[%dma_start3A_231, %dma_start3A_232] : memref<10240x128xf32, #tpu.memory_space<vmem_shared>> -> memref<10240x128xf32, #tpu.memory_space<vmem_shared>>
        tpu.enqueue_indirect_dma source(%arg9 : memref<64x128xf32, #tpu.memory_space<vmem>>) target(%dma_start3A_233 : memref<10240x128xf32, #tpu.memory_space<vmem_shared>>) offsets(%dma_start3A_230 : memref<64xi32, #tpu.memory_space<vmem>>) semaphore(%run_scoped3A : memref<!tpu.dma_semaphore, #tpu.memory_space<semaphore_mem>>) {add = true}
        %dma_wait3A_234 = arith.constant 0 : i32
        %dma_wait3A_235 = tpu.memref_slice %arg8[%mul3A_174, %dma_wait3A_234] : memref<40x64xi32, #tpu.memory_space<vmem>> -> memref<1x64xi32, #tpu.memory_space<vmem>>
        %dma_wait3A_236 = tpu.memref_squeeze %dma_wait3A_235 : memref<1x64xi32, #tpu.memory_space<vmem>> -> memref<64xi32, #tpu.memory_space<vmem>>
        %dma_wait3A_237 = arith.constant 0 : i32
        %dma_wait3A_238 = arith.constant 0 : i32
        %dma_wait3A_239 = tpu.memref_slice %arg13[%dma_wait3A_237, %dma_wait3A_238] : memref<10240x128xf32, #tpu.memory_space<vmem_shared>> -> memref<10240x128xf32, #tpu.memory_space<vmem_shared>>
        tpu.wait_indirect_dma semaphore(%run_scoped3A : memref<!tpu.dma_semaphore, #tpu.memory_space<semaphore_mem>>) src(%arg9 : memref<64x128xf32, #tpu.memory_space<vmem>>) dst(%dma_wait3A_239 : memref<10240x128xf32, #tpu.memory_space<vmem_shared>>)
        tpu.yield
      }) : () -> ()
      %lt3A = arith.constant 19 : i32
      %lt3A_208 = arith.cmpi slt, %scan3A_172, %lt3A : i32
      %convert_element_type3A = arith.extui %lt3A_208 : i1 to i32
      %cond3A = arith.constant 0 : i32
      %cond3A_209 = arith.cmpi ne, %convert_element_type3A, %cond3A : i32
      scf.if %cond3A_209 {
        %add3A_228 = arith.constant 2 : i32
        %add3A_229 = arith.addi %mul3A_174, %add3A_228 : i32
        %mul3A_230 = arith.constant 10240 : i32
        %mul3A_231 = arith.muli %add3A, %mul3A_230 : i32
        %add3A_232 = arith.constant 5120 : i32
        %add3A_233 = arith.addi %mul3A_231, %add3A_232 : i32
        %dma_start3A_234 = arith.constant 0 : i32
        %dma_start3A_235 = tpu.memref_slice %arg7[%add3A_229, %dma_start3A_234] : memref<40x64xi32, #tpu.memory_space<vmem>> -> memref<1x64xi32, #tpu.memory_space<vmem>>
        %dma_start3A_236 = tpu.memref_squeeze %dma_start3A_235 : memref<1x64xi32, #tpu.memory_space<vmem>> -> memref<64xi32, #tpu.memory_space<vmem>>
        %dma_start3A_237 = arith.constant 0 : i32
        %dma_start3A_238 = arith.constant 0 : i32
        %dma_start3A_239 = tpu.memref_slice %arg2[%dma_start3A_237, %dma_start3A_238] : memref<10000x128xf32, #tpu.memory_space<hbm>> -> memref<10000x128xf32, #tpu.memory_space<hbm>>
        tpu.enqueue_indirect_dma source(%dma_start3A_239 : memref<10000x128xf32, #tpu.memory_space<hbm>>) target(%arg9 : memref<64x128xf32, #tpu.memory_space<vmem>>) offsets(%dma_start3A_236 : memref<64xi32, #tpu.memory_space<vmem>>) semaphore(%arg14 : memref<!tpu.dma_semaphore, #tpu.memory_space<semaphore_mem>>)
        %mul3A_240 = arith.constant 64 : i32
        %mul3A_241 = arith.muli %add3A_229, %mul3A_240 : i32
        %add3A_242 = arith.addi %add3A_233, %mul3A_241 : i32
        %dma_start3A_243 = arith.constant 0 : i32
        %dma_start3A_244 = tpu.memref_slice %arg3[%add3A_242, %dma_start3A_243] : memref<327680x128xf32, #tpu.memory_space<hbm>> -> memref<64x128xf32, #tpu.memory_space<hbm>>
        %dma_start3A_245 = arith.constant 0 : i32
        %dma_start3A_246 = tpu.memref_slice %arg3[%add3A_242, %dma_start3A_245] : memref<327680x128xf32, #tpu.memory_space<hbm>> -> memref<64x128xf32, #tpu.memory_space<hbm>>
        tpu.enqueue_dma source(%dma_start3A_246 : memref<64x128xf32, #tpu.memory_space<hbm>>) target(%arg11 : memref<64x128xf32, #tpu.memory_space<vmem>>) target_semaphore(%arg16 : memref<!tpu.dma_semaphore, #tpu.memory_space<semaphore_mem>>)
      } else {
      }
      %dma_wait3A_210 = arith.constant 0 : i32
      %dma_wait3A_211 = arith.constant 0 : i32
      %dma_wait3A_212 = tpu.memref_slice %arg7[%dma_wait3A_210, %dma_wait3A_211] : memref<40x64xi32, #tpu.memory_space<vmem>> -> memref<1x64xi32, #tpu.memory_space<vmem>>
      %dma_wait3A_213 = tpu.memref_squeeze %dma_wait3A_212 : memref<1x64xi32, #tpu.memory_space<vmem>> -> memref<64xi32, #tpu.memory_space<vmem>>
      %dma_wait3A_214 = arith.constant 0 : i32
      %dma_wait3A_215 = arith.constant 0 : i32
      %dma_wait3A_216 = tpu.memref_slice %arg2[%dma_wait3A_214, %dma_wait3A_215] : memref<10000x128xf32, #tpu.memory_space<hbm>> -> memref<10000x128xf32, #tpu.memory_space<hbm>>
      tpu.wait_indirect_dma semaphore(%arg15 : memref<!tpu.dma_semaphore, #tpu.memory_space<semaphore_mem>>) src(%dma_wait3A_216 : memref<10000x128xf32, #tpu.memory_space<hbm>>) dst(%arg10 : memref<64x128xf32, #tpu.memory_space<vmem>>)
      %dma_wait3A_217 = arith.constant 0 : i32
      %dma_wait3A_218 = arith.constant 0 : i32
      %dma_wait3A_219 = tpu.memref_slice %arg3[%dma_wait3A_217, %dma_wait3A_218] : memref<327680x128xf32, #tpu.memory_space<hbm>> -> memref<64x128xf32, #tpu.memory_space<hbm>>
      %dma_wait3A_220 = arith.constant 0 : i32
      %dma_wait3A_221 = arith.constant 0 : i32
      %dma_wait3A_222 = tpu.memref_slice %arg3[%dma_wait3A_220, %dma_wait3A_221] : memref<327680x128xf32, #tpu.memory_space<hbm>> -> memref<64x128xf32, #tpu.memory_space<hbm>>
      tpu.wait_dma2 semaphore(%arg17 : memref<!tpu.dma_semaphore, #tpu.memory_space<semaphore_mem>>) src(%dma_wait3A_222 : memref<64x128xf32, #tpu.memory_space<hbm>>) dst(%arg12 : memref<64x128xf32, #tpu.memory_space<vmem>>)
      %add3A_223 = arith.constant 1 : i32
      %add3A_224 = arith.addi %mul3A_174, %add3A_223 : i32
      %parallel_loop3A_225 = arith.constant 0 : i32
      %parallel_loop3A_226 = arith.constant 64 : i32
      %parallel_loop3A_227 = arith.constant 1 : i32
      scf.for %parallel_loop3A_228 = %parallel_loop3A_225 to %parallel_loop3A_226 step %parallel_loop3A_227  : i32 {
        %parallel_loop3A_229 = arith.index_cast %parallel_loop3A_228 : i32 to index
        %parallel_loop3A_230 = arith.constant 0 : index
        %parallel_loop3A_231 = tpu.vector_load %arg10[%parallel_loop3A_229, %parallel_loop3A_230] {strides = array<i32>} : memref<64x128xf32, #tpu.memory_space<vmem>>, vector<1x16xf32>,
        %parallel_loop3A_232 = vector.shape_cast %parallel_loop3A_231 : vector<1x16xf32> to vector<16xf32>
        %parallel_loop3A_233 = arith.index_cast %parallel_loop3A_228 : i32 to index
        %parallel_loop3A_234 = arith.constant 0 : index
        %parallel_loop3A_235 = tpu.vector_load %arg12[%parallel_loop3A_233, %parallel_loop3A_234] {strides = array<i32>} : memref<64x128xf32, #tpu.memory_space<vmem>>, vector<1x16xf32>,
        %parallel_loop3A_236 = vector.shape_cast %parallel_loop3A_235 : vector<1x16xf32> to vector<16xf32>
        %parallel_loop3A_237 = arith.mulf %parallel_loop3A_232, %parallel_loop3A_236 : vector<16xf32>
        %parallel_loop3A_238 = arith.index_cast %parallel_loop3A_228 : i32 to index
        %parallel_loop3A_239 = arith.constant 0 : index
        %parallel_loop3A_240 = tpu.vector_load %arg10[%parallel_loop3A_238, %parallel_loop3A_239] {strides = array<i32>} : memref<64x128xf32, #tpu.memory_space<vmem>>, vector<1x16xf32>,
        %parallel_loop3A_241 = vector.shape_cast %parallel_loop3A_240 : vector<1x16xf32> to vector<16xf32>
        %parallel_loop3A_242 = vector.shape_cast %parallel_loop3A_237 : vector<16xf32> to vector<1x16xf32>
        tpu.vector_store %arg10[%parallel_loop3A_238, %parallel_loop3A_239], %parallel_loop3A_242 {strides = array<i32>} : memref<64x128xf32, #tpu.memory_space<vmem>>, vector<1x16xf32>,
        %parallel_loop3A_243 = arith.index_cast %parallel_loop3A_228 : i32 to index
        %parallel_loop3A_244 = arith.constant 16 : index
        %parallel_loop3A_245 = tpu.vector_load %arg10[%parallel_loop3A_243, %parallel_loop3A_244] {strides = array<i32>} : memref<64x128xf32, #tpu.memory_space<vmem>>, vector<1x16xf32>,
        %parallel_loop3A_246 = vector.shape_cast %parallel_loop3A_245 : vector<1x16xf32> to vector<16xf32>
        %parallel_loop3A_247 = arith.index_cast %parallel_loop3A_228 : i32 to index
        %parallel_loop3A_248 = arith.constant 16 : index
        %parallel_loop3A_249 = tpu.vector_load %arg12[%parallel_loop3A_247, %parallel_loop3A_248] {strides = array<i32>} : memref<64x128xf32, #tpu.memory_space<vmem>>, vector<1x16xf32>,
        %parallel_loop3A_250 = vector.shape_cast %parallel_loop3A_249 : vector<1x16xf32> to vector<16xf32>
        %parallel_loop3A_251 = arith.mulf %parallel_loop3A_246, %parallel_loop3A_250 : vector<16xf32>
        %parallel_loop3A_252 = arith.index_cast %parallel_loop3A_228 : i32 to index
        %parallel_loop3A_253 = arith.constant 16 : index
        %parallel_loop3A_254 = tpu.vector_load %arg10[%parallel_loop3A_252, %parallel_loop3A_253] {strides = array<i32>} : memref<64x128xf32, #tpu.memory_space<vmem>>, vector<1x16xf32>,
        %parallel_loop3A_255 = vector.shape_cast %parallel_loop3A_254 : vector<1x16xf32> to vector<16xf32>
        %parallel_loop3A_256 = vector.shape_cast %parallel_loop3A_251 : vector<16xf32> to vector<1x16xf32>
        tpu.vector_store %arg10[%parallel_loop3A_252, %parallel_loop3A_253], %parallel_loop3A_256 {strides = array<i32>} : memref<64x128xf32, #tpu.memory_space<vmem>>, vector<1x16xf32>,
        %parallel_loop3A_257 = arith.index_cast %parallel_loop3A_228 : i32 to index
        %parallel_loop3A_258 = arith.constant 32 : index
        %parallel_loop3A_259 = tpu.vector_load %arg10[%parallel_loop3A_257, %parallel_loop3A_258] {strides = array<i32>} : memref<64x128xf32, #tpu.memory_space<vmem>>, vector<1x16xf32>,
        %parallel_loop3A_260 = vector.shape_cast %parallel_loop3A_259 : vector<1x16xf32> to vector<16xf32>
        %parallel_loop3A_261 = arith.index_cast %parallel_loop3A_228 : i32 to index
        %parallel_loop3A_262 = arith.constant 32 : index
        %parallel_loop3A_263 = tpu.vector_load %arg12[%parallel_loop3A_261, %parallel_loop3A_262] {strides = array<i32>} : memref<64x128xf32, #tpu.memory_space<vmem>>, vector<1x16xf32>,
        %parallel_loop3A_264 = vector.shape_cast %parallel_loop3A_263 : vector<1x16xf32> to vector<16xf32>
        %parallel_loop3A_265 = arith.mulf %parallel_loop3A_260, %parallel_loop3A_264 : vector<16xf32>
        %parallel_loop3A_266 = arith.index_cast %parallel_loop3A_228 : i32 to index
        %parallel_loop3A_267 = arith.constant 32 : index
        %parallel_loop3A_268 = tpu.vector_load %arg10[%parallel_loop3A_266, %parallel_loop3A_267] {strides = array<i32>} : memref<64x128xf32, #tpu.memory_space<vmem>>, vector<1x16xf32>,
        %parallel_loop3A_269 = vector.shape_cast %parallel_loop3A_268 : vector<1x16xf32> to vector<16xf32>
        %parallel_loop3A_270 = vector.shape_cast %parallel_loop3A_265 : vector<16xf32> to vector<1x16xf32>
        tpu.vector_store %arg10[%parallel_loop3A_266, %parallel_loop3A_267], %parallel_loop3A_270 {strides = array<i32>} : memref<64x128xf32, #tpu.memory_space<vmem>>, vector<1x16xf32>,
        %parallel_loop3A_271 = arith.index_cast %parallel_loop3A_228 : i32 to index
        %parallel_loop3A_272 = arith.constant 48 : index
        %parallel_loop3A_273 = tpu.vector_load %arg10[%parallel_loop3A_271, %parallel_loop3A_272] {strides = array<i32>} : memref<64x128xf32, #tpu.memory_space<vmem>>, vector<1x16xf32>,
        %parallel_loop3A_274 = vector.shape_cast %parallel_loop3A_273 : vector<1x16xf32> to vector<16xf32>
        %parallel_loop3A_275 = arith.index_cast %parallel_loop3A_228 : i32 to index
        %parallel_loop3A_276 = arith.constant 48 : index
        %parallel_loop3A_277 = tpu.vector_load %arg12[%parallel_loop3A_275, %parallel_loop3A_276] {strides = array<i32>} : memref<64x128xf32, #tpu.memory_space<vmem>>, vector<1x16xf32>,
        %parallel_loop3A_278 = vector.shape_cast %parallel_loop3A_277 : vector<1x16xf32> to vector<16xf32>
        %parallel_loop3A_279 = arith.mulf %parallel_loop3A_274, %parallel_loop3A_278 : vector<16xf32>
        %parallel_loop3A_280 = arith.index_cast %parallel_loop3A_228 : i32 to index
        %parallel_loop3A_281 = arith.constant 48 : index
        %parallel_loop3A_282 = tpu.vector_load %arg10[%parallel_loop3A_280, %parallel_loop3A_281] {strides = array<i32>} : memref<64x128xf32, #tpu.memory_space<vmem>>, vector<1x16xf32>,
        %parallel_loop3A_283 = vector.shape_cast %parallel_loop3A_282 : vector<1x16xf32> to vector<16xf32>
        %parallel_loop3A_284 = vector.shape_cast %parallel_loop3A_279 : vector<16xf32> to vector<1x16xf32>
        tpu.vector_store %arg10[%parallel_loop3A_280, %parallel_loop3A_281], %parallel_loop3A_284 {strides = array<i32>} : memref<64x128xf32, #tpu.memory_space<vmem>>, vector<1x16xf32>,
        %parallel_loop3A_285 = arith.index_cast %parallel_loop3A_228 : i32 to index
        %parallel_loop3A_286 = arith.constant 64 : index
        %parallel_loop3A_287 = tpu.vector_load %arg10[%parallel_loop3A_285, %parallel_loop3A_286] {strides = array<i32>} : memref<64x128xf32, #tpu.memory_space<vmem>>, vector<1x16xf32>,
        %parallel_loop3A_288 = vector.shape_cast %parallel_loop3A_287 : vector<1x16xf32> to vector<16xf32>
        %parallel_loop3A_289 = arith.index_cast %parallel_loop3A_228 : i32 to index
        %parallel_loop3A_290 = arith.constant 64 : index
        %parallel_loop3A_291 = tpu.vector_load %arg12[%parallel_loop3A_289, %parallel_loop3A_290] {strides = array<i32>} : memref<64x128xf32, #tpu.memory_space<vmem>>, vector<1x16xf32>,
        %parallel_loop3A_292 = vector.shape_cast %parallel_loop3A_291 : vector<1x16xf32> to vector<16xf32>
        %parallel_loop3A_293 = arith.mulf %parallel_loop3A_288, %parallel_loop3A_292 : vector<16xf32>
        %parallel_loop3A_294 = arith.index_cast %parallel_loop3A_228 : i32 to index
        %parallel_loop3A_295 = arith.constant 64 : index
        %parallel_loop3A_296 = tpu.vector_load %arg10[%parallel_loop3A_294, %parallel_loop3A_295] {strides = array<i32>} : memref<64x128xf32, #tpu.memory_space<vmem>>, vector<1x16xf32>,
        %parallel_loop3A_297 = vector.shape_cast %parallel_loop3A_296 : vector<1x16xf32> to vector<16xf32>
        %parallel_loop3A_298 = vector.shape_cast %parallel_loop3A_293 : vector<16xf32> to vector<1x16xf32>
        tpu.vector_store %arg10[%parallel_loop3A_294, %parallel_loop3A_295], %parallel_loop3A_298 {strides = array<i32>} : memref<64x128xf32, #tpu.memory_space<vmem>>, vector<1x16xf32>,
        %parallel_loop3A_299 = arith.index_cast %parallel_loop3A_228 : i32 to index
        %parallel_loop3A_300 = arith.constant 80 : index
        %parallel_loop3A_301 = tpu.vector_load %arg10[%parallel_loop3A_299, %parallel_loop3A_300] {strides = array<i32>} : memref<64x128xf32, #tpu.memory_space<vmem>>, vector<1x16xf32>,
        %parallel_loop3A_302 = vector.shape_cast %parallel_loop3A_301 : vector<1x16xf32> to vector<16xf32>
        %parallel_loop3A_303 = arith.index_cast %parallel_loop3A_228 : i32 to index
        %parallel_loop3A_304 = arith.constant 80 : index
        %parallel_loop3A_305 = tpu.vector_load %arg12[%parallel_loop3A_303, %parallel_loop3A_304] {strides = array<i32>} : memref<64x128xf32, #tpu.memory_space<vmem>>, vector<1x16xf32>,
        %parallel_loop3A_306 = vector.shape_cast %parallel_loop3A_305 : vector<1x16xf32> to vector<16xf32>
        %parallel_loop3A_307 = arith.mulf %parallel_loop3A_302, %parallel_loop3A_306 : vector<16xf32>
        %parallel_loop3A_308 = arith.index_cast %parallel_loop3A_228 : i32 to index
        %parallel_loop3A_309 = arith.constant 80 : index
        %parallel_loop3A_310 = tpu.vector_load %arg10[%parallel_loop3A_308, %parallel_loop3A_309] {strides = array<i32>} : memref<64x128xf32, #tpu.memory_space<vmem>>, vector<1x16xf32>,
        %parallel_loop3A_311 = vector.shape_cast %parallel_loop3A_310 : vector<1x16xf32> to vector<16xf32>
        %parallel_loop3A_312 = vector.shape_cast %parallel_loop3A_307 : vector<16xf32> to vector<1x16xf32>
        tpu.vector_store %arg10[%parallel_loop3A_308, %parallel_loop3A_309], %parallel_loop3A_312 {strides = array<i32>} : memref<64x128xf32, #tpu.memory_space<vmem>>, vector<1x16xf32>,
        %parallel_loop3A_313 = arith.index_cast %parallel_loop3A_228 : i32 to index
        %parallel_loop3A_314 = arith.constant 96 : index
        %parallel_loop3A_315 = tpu.vector_load %arg10[%parallel_loop3A_313, %parallel_loop3A_314] {strides = array<i32>} : memref<64x128xf32, #tpu.memory_space<vmem>>, vector<1x16xf32>,
        %parallel_loop3A_316 = vector.shape_cast %parallel_loop3A_315 : vector<1x16xf32> to vector<16xf32>
        %parallel_loop3A_317 = arith.index_cast %parallel_loop3A_228 : i32 to index
        %parallel_loop3A_318 = arith.constant 96 : index
        %parallel_loop3A_319 = tpu.vector_load %arg12[%parallel_loop3A_317, %parallel_loop3A_318] {strides = array<i32>} : memref<64x128xf32, #tpu.memory_space<vmem>>, vector<1x16xf32>,
        %parallel_loop3A_320 = vector.shape_cast %parallel_loop3A_319 : vector<1x16xf32> to vector<16xf32>
        %parallel_loop3A_321 = arith.mulf %parallel_loop3A_316, %parallel_loop3A_320 : vector<16xf32>
        %parallel_loop3A_322 = arith.index_cast %parallel_loop3A_228 : i32 to index
        %parallel_loop3A_323 = arith.constant 96 : index
        %parallel_loop3A_324 = tpu.vector_load %arg10[%parallel_loop3A_322, %parallel_loop3A_323] {strides = array<i32>} : memref<64x128xf32, #tpu.memory_space<vmem>>, vector<1x16xf32>,
        %parallel_loop3A_325 = vector.shape_cast %parallel_loop3A_324 : vector<1x16xf32> to vector<16xf32>
        %parallel_loop3A_326 = vector.shape_cast %parallel_loop3A_321 : vector<16xf32> to vector<1x16xf32>
        tpu.vector_store %arg10[%parallel_loop3A_322, %parallel_loop3A_323], %parallel_loop3A_326 {strides = array<i32>} : memref<64x128xf32, #tpu.memory_space<vmem>>, vector<1x16xf32>,
        %parallel_loop3A_327 = arith.index_cast %parallel_loop3A_228 : i32 to index
        %parallel_loop3A_328 = arith.constant 112 : index
        %parallel_loop3A_329 = tpu.vector_load %arg10[%parallel_loop3A_327, %parallel_loop3A_328] {strides = array<i32>} : memref<64x128xf32, #tpu.memory_space<vmem>>, vector<1x16xf32>,
        %parallel_loop3A_330 = vector.shape_cast %parallel_loop3A_329 : vector<1x16xf32> to vector<16xf32>
        %parallel_loop3A_331 = arith.index_cast %parallel_loop3A_228 : i32 to index
        %parallel_loop3A_332 = arith.constant 112 : index
        %parallel_loop3A_333 = tpu.vector_load %arg12[%parallel_loop3A_331, %parallel_loop3A_332] {strides = array<i32>} : memref<64x128xf32, #tpu.memory_space<vmem>>, vector<1x16xf32>,
        %parallel_loop3A_334 = vector.shape_cast %parallel_loop3A_333 : vector<1x16xf32> to vector<16xf32>
        %parallel_loop3A_335 = arith.mulf %parallel_loop3A_330, %parallel_loop3A_334 : vector<16xf32>
        %parallel_loop3A_336 = arith.index_cast %parallel_loop3A_228 : i32 to index
        %parallel_loop3A_337 = arith.constant 112 : index
        %parallel_loop3A_338 = tpu.vector_load %arg10[%parallel_loop3A_336, %parallel_loop3A_337] {strides = array<i32>} : memref<64x128xf32, #tpu.memory_space<vmem>>, vector<1x16xf32>,
        %parallel_loop3A_339 = vector.shape_cast %parallel_loop3A_338 : vector<1x16xf32> to vector<16xf32>
        %parallel_loop3A_340 = vector.shape_cast %parallel_loop3A_335 : vector<16xf32> to vector<1x16xf32>
        tpu.vector_store %arg10[%parallel_loop3A_336, %parallel_loop3A_337], %parallel_loop3A_340 {strides = array<i32>} : memref<64x128xf32, #tpu.memory_space<vmem>>, vector<1x16xf32>,
      } {sc.loop_unroll_factor = 4 : i64, sc.parallel_access}
      "tpu.region"() ({
        %run_scoped3A = tpu.sem_alloc : memref<!tpu.dma_semaphore, #tpu.memory_space<semaphore_mem>>
        %dma_start3A_228 = arith.constant 0 : i32
        %dma_start3A_229 = tpu.memref_slice %arg8[%add3A_224, %dma_start3A_228] : memref<40x64xi32, #tpu.memory_space<vmem>> -> memref<1x64xi32, #tpu.memory_space<vmem>>
        %dma_start3A_230 = tpu.memref_squeeze %dma_start3A_229 : memref<1x64xi32, #tpu.memory_space<vmem>> -> memref<64xi32, #tpu.memory_space<vmem>>
        %dma_start3A_231 = arith.constant 0 : i32
        %dma_start3A_232 = arith.constant 0 : i32
        %dma_start3A_233 = tpu.memref_slice %arg13[%dma_start3A_231, %dma_start3A_232] : memref<10240x128xf32, #tpu.memory_space<vmem_shared>> -> memref<10240x128xf32, #tpu.memory_space<vmem_shared>>
        tpu.enqueue_indirect_dma source(%arg10 : memref<64x128xf32, #tpu.memory_space<vmem>>) target(%dma_start3A_233 : memref<10240x128xf32, #tpu.memory_space<vmem_shared>>) offsets(%dma_start3A_230 : memref<64xi32, #tpu.memory_space<vmem>>) semaphore(%run_scoped3A : memref<!tpu.dma_semaphore, #tpu.memory_space<semaphore_mem>>) {add = true}
        %dma_wait3A_234 = arith.constant 0 : i32
        %dma_wait3A_235 = tpu.memref_slice %arg8[%add3A_224, %dma_wait3A_234] : memref<40x64xi32, #tpu.memory_space<vmem>> -> memref<1x64xi32, #tpu.memory_space<vmem>>
        %dma_wait3A_236 = tpu.memref_squeeze %dma_wait3A_235 : memref<1x64xi32, #tpu.memory_space<vmem>> -> memref<64xi32, #tpu.memory_space<vmem>>
        %dma_wait3A_237 = arith.constant 0 : i32
        %dma_wait3A_238 = arith.constant 0 : i32
        %dma_wait3A_239 = tpu.memref_slice %arg13[%dma_wait3A_237, %dma_wait3A_238] : memref<10240x128xf32, #tpu.memory_space<vmem_shared>> -> memref<10240x128xf32, #tpu.memory_space<vmem_shared>>
        tpu.wait_indirect_dma semaphore(%run_scoped3A : memref<!tpu.dma_semaphore, #tpu.memory_space<semaphore_mem>>) src(%arg10 : memref<64x128xf32, #tpu.memory_space<vmem>>) dst(%dma_wait3A_239 : memref<10240x128xf32, #tpu.memory_space<vmem_shared>>)
        tpu.yield
      }) : () -> ()
    }
    %scan3A_119 = arith.constant 20 : i32
    %mul3A_120 = arith.constant 160 : i32
    %mul3A_121 = arith.muli %add3A, %mul3A_120 : i32
    %add3A_122 = arith.constant 120 : i32
    %add3A_123 = arith.addi %mul3A_121, %add3A_122 : i32
    "tpu.region"() ({
      %run_scoped3A = tpu.sem_alloc : memref<!tpu.dma_semaphore, #tpu.memory_space<semaphore_mem>>
      %dma_start3A_172 = arith.constant 0 : i32
      %dma_start3A_173 = tpu.memref_slice %arg4[%add3A_123, %dma_start3A_172] : memref<5120x64xi32, #tpu.memory_space<hbm>> -> memref<40x64xi32, #tpu.memory_space<hbm>>
      %dma_start3A_174 = arith.constant 0 : i32
      %dma_start3A_175 = tpu.memref_slice %arg4[%add3A_123, %dma_start3A_174] : memref<5120x64xi32, #tpu.memory_space<hbm>> -> memref<40x64xi32, #tpu.memory_space<hbm>>
      tpu.enqueue_dma source(%dma_start3A_175 : memref<40x64xi32, #tpu.memory_space<hbm>>) target(%arg7 : memref<40x64xi32, #tpu.memory_space<vmem>>) target_semaphore(%run_scoped3A : memref<!tpu.dma_semaphore, #tpu.memory_space<semaphore_mem>>)
      %dma_wait3A = arith.constant 0 : i32
      %dma_wait3A_176 = tpu.memref_slice %arg4[%add3A_123, %dma_wait3A] : memref<5120x64xi32, #tpu.memory_space<hbm>> -> memref<40x64xi32, #tpu.memory_space<hbm>>
      %dma_wait3A_177 = arith.constant 0 : i32
      %dma_wait3A_178 = tpu.memref_slice %arg4[%add3A_123, %dma_wait3A_177] : memref<5120x64xi32, #tpu.memory_space<hbm>> -> memref<40x64xi32, #tpu.memory_space<hbm>>
      tpu.wait_dma2 semaphore(%run_scoped3A : memref<!tpu.dma_semaphore, #tpu.memory_space<semaphore_mem>>) src(%dma_wait3A_178 : memref<40x64xi32, #tpu.memory_space<hbm>>) dst(%arg7 : memref<40x64xi32, #tpu.memory_space<vmem>>)
      tpu.yield
    }) : () -> ()
    %mul3A_124 = arith.constant 160 : i32
    %mul3A_125 = arith.muli %add3A, %mul3A_124 : i32
    %add3A_126 = arith.constant 120 : i32
    %add3A_127 = arith.addi %mul3A_125, %add3A_126 : i32
    "tpu.region"() ({
      %run_scoped3A = tpu.sem_alloc : memref<!tpu.dma_semaphore, #tpu.memory_space<semaphore_mem>>
      %dma_start3A_172 = arith.constant 0 : i32
      %dma_start3A_173 = tpu.memref_slice %arg5[%add3A_127, %dma_start3A_172] : memref<5120x64xi32, #tpu.memory_space<hbm>> -> memref<40x64xi32, #tpu.memory_space<hbm>>
      %dma_start3A_174 = arith.constant 0 : i32
      %dma_start3A_175 = tpu.memref_slice %arg5[%add3A_127, %dma_start3A_174] : memref<5120x64xi32, #tpu.memory_space<hbm>> -> memref<40x64xi32, #tpu.memory_space<hbm>>
      tpu.enqueue_dma source(%dma_start3A_175 : memref<40x64xi32, #tpu.memory_space<hbm>>) target(%arg8 : memref<40x64xi32, #tpu.memory_space<vmem>>) target_semaphore(%run_scoped3A : memref<!tpu.dma_semaphore, #tpu.memory_space<semaphore_mem>>)
      %dma_wait3A = arith.constant 0 : i32
      %dma_wait3A_176 = tpu.memref_slice %arg5[%add3A_127, %dma_wait3A] : memref<5120x64xi32, #tpu.memory_space<hbm>> -> memref<40x64xi32, #tpu.memory_space<hbm>>
      %dma_wait3A_177 = arith.constant 0 : i32
      %dma_wait3A_178 = tpu.memref_slice %arg5[%add3A_127, %dma_wait3A_177] : memref<5120x64xi32, #tpu.memory_space<hbm>> -> memref<40x64xi32, #tpu.memory_space<hbm>>
      tpu.wait_dma2 semaphore(%run_scoped3A : memref<!tpu.dma_semaphore, #tpu.memory_space<semaphore_mem>>) src(%dma_wait3A_178 : memref<40x64xi32, #tpu.memory_space<hbm>>) dst(%arg8 : memref<40x64xi32, #tpu.memory_space<vmem>>)
      tpu.yield
    }) : () -> ()
    %mul3A_128 = arith.constant 10240 : i32
    %mul3A_129 = arith.muli %add3A, %mul3A_128 : i32
    %add3A_130 = arith.constant 7680 : i32
    %add3A_131 = arith.addi %mul3A_129, %add3A_130 : i32
    %dma_start3A_132 = arith.constant 0 : i32
    %dma_start3A_133 = arith.constant 0 : i32
    %dma_start3A_134 = tpu.memref_slice %arg7[%dma_start3A_132, %dma_start3A_133] : memref<40x64xi32, #tpu.memory_space<vmem>> -> memref<1x64xi32, #tpu.memory_space<vmem>>
    %dma_start3A_135 = tpu.memref_squeeze %dma_start3A_134 : memref<1x64xi32, #tpu.memory_space<vmem>> -> memref<64xi32, #tpu.memory_space<vmem>>
    %dma_start3A_136 = arith.constant 0 : i32
    %dma_start3A_137 = arith.constant 0 : i32
    %dma_start3A_138 = tpu.memref_slice %arg2[%dma_start3A_136, %dma_start3A_137] : memref<10000x128xf32, #tpu.memory_space<hbm>> -> memref<10000x128xf32, #tpu.memory_space<hbm>>
    tpu.enqueue_indirect_dma source(%dma_start3A_138 : memref<10000x128xf32, #tpu.memory_space<hbm>>) target(%arg9 : memref<64x128xf32, #tpu.memory_space<vmem>>) offsets(%dma_start3A_135 : memref<64xi32, #tpu.memory_space<vmem>>) semaphore(%arg14 : memref<!tpu.dma_semaphore, #tpu.memory_space<semaphore_mem>>)
    %add3A_139 = arith.constant 0 : i32
    %add3A_140 = arith.addi %add3A_131, %add3A_139 : i32
    %dma_start3A_141 = arith.constant 0 : i32
    %dma_start3A_142 = tpu.memref_slice %arg3[%add3A_140, %dma_start3A_141] : memref<327680x128xf32, #tpu.memory_space<hbm>> -> memref<64x128xf32, #tpu.memory_space<hbm>>
    %dma_start3A_143 = arith.constant 0 : i32
    %dma_start3A_144 = tpu.memref_slice %arg3[%add3A_140, %dma_start3A_143] : memref<327680x128xf32, #tpu.memory_space<hbm>> -> memref<64x128xf32, #tpu.memory_space<hbm>>
    tpu.enqueue_dma source(%dma_start3A_144 : memref<64x128xf32, #tpu.memory_space<hbm>>) target(%arg11 : memref<64x128xf32, #tpu.memory_space<vmem>>) target_semaphore(%arg16 : memref<!tpu.dma_semaphore, #tpu.memory_space<semaphore_mem>>)
    %scan3A_145 = arith.constant 0 : i32
    %scan3A_146 = arith.constant 0 : i32
    %scan3A_147 = arith.constant 20 : i32
    %scan3A_148 = arith.addi %scan3A_146, %scan3A_147 : i32
    %scan3A_149 = arith.constant 1 : i32
    scf.for %scan3A_172 = %scan3A_146 to %scan3A_148 step %scan3A_149  : i32 {
      %mul3A_173 = arith.constant 2 : i32
      %mul3A_174 = arith.muli %mul3A_173, %scan3A_172 : i32
      %add3A_175 = arith.constant 1 : i32
      %add3A_176 = arith.addi %mul3A_174, %add3A_175 : i32
      %mul3A_177 = arith.constant 10240 : i32
      %mul3A_178 = arith.muli %add3A, %mul3A_177 : i32
      %add3A_179 = arith.constant 7680 : i32
      %add3A_180 = arith.addi %mul3A_178, %add3A_179 : i32
      %dma_start3A_181 = arith.constant 0 : i32
      %dma_start3A_182 = tpu.memref_slice %arg7[%add3A_176, %dma_start3A_181] : memref<40x64xi32, #tpu.memory_space<vmem>> -> memref<1x64xi32, #tpu.memory_space<vmem>>
      %dma_start3A_183 = tpu.memref_squeeze %dma_start3A_182 : memref<1x64xi32, #tpu.memory_space<vmem>> -> memref<64xi32, #tpu.memory_space<vmem>>
      %dma_start3A_184 = arith.constant 0 : i32
      %dma_start3A_185 = arith.constant 0 : i32
      %dma_start3A_186 = tpu.memref_slice %arg2[%dma_start3A_184, %dma_start3A_185] : memref<10000x128xf32, #tpu.memory_space<hbm>> -> memref<10000x128xf32, #tpu.memory_space<hbm>>
      tpu.enqueue_indirect_dma source(%dma_start3A_186 : memref<10000x128xf32, #tpu.memory_space<hbm>>) target(%arg10 : memref<64x128xf32, #tpu.memory_space<vmem>>) offsets(%dma_start3A_183 : memref<64xi32, #tpu.memory_space<vmem>>) semaphore(%arg15 : memref<!tpu.dma_semaphore, #tpu.memory_space<semaphore_mem>>)
      %mul3A_187 = arith.constant 64 : i32
      %mul3A_188 = arith.muli %add3A_176, %mul3A_187 : i32
      %add3A_189 = arith.addi %add3A_180, %mul3A_188 : i32
      %dma_start3A_190 = arith.constant 0 : i32
      %dma_start3A_191 = tpu.memref_slice %arg3[%add3A_189, %dma_start3A_190] : memref<327680x128xf32, #tpu.memory_space<hbm>> -> memref<64x128xf32, #tpu.memory_space<hbm>>
      %dma_start3A_192 = arith.constant 0 : i32
      %dma_start3A_193 = tpu.memref_slice %arg3[%add3A_189, %dma_start3A_192] : memref<327680x128xf32, #tpu.memory_space<hbm>> -> memref<64x128xf32, #tpu.memory_space<hbm>>
      tpu.enqueue_dma source(%dma_start3A_193 : memref<64x128xf32, #tpu.memory_space<hbm>>) target(%arg12 : memref<64x128xf32, #tpu.memory_space<vmem>>) target_semaphore(%arg17 : memref<!tpu.dma_semaphore, #tpu.memory_space<semaphore_mem>>)
      %dma_wait3A = arith.constant 0 : i32
      %dma_wait3A_194 = arith.constant 0 : i32
      %dma_wait3A_195 = tpu.memref_slice %arg7[%dma_wait3A, %dma_wait3A_194] : memref<40x64xi32, #tpu.memory_space<vmem>> -> memref<1x64xi32, #tpu.memory_space<vmem>>
      %dma_wait3A_196 = tpu.memref_squeeze %dma_wait3A_195 : memref<1x64xi32, #tpu.memory_space<vmem>> -> memref<64xi32, #tpu.memory_space<vmem>>
      %dma_wait3A_197 = arith.constant 0 : i32
      %dma_wait3A_198 = arith.constant 0 : i32
      %dma_wait3A_199 = tpu.memref_slice %arg2[%dma_wait3A_197, %dma_wait3A_198] : memref<10000x128xf32, #tpu.memory_space<hbm>> -> memref<10000x128xf32, #tpu.memory_space<hbm>>
      tpu.wait_indirect_dma semaphore(%arg14 : memref<!tpu.dma_semaphore, #tpu.memory_space<semaphore_mem>>) src(%dma_wait3A_199 : memref<10000x128xf32, #tpu.memory_space<hbm>>) dst(%arg9 : memref<64x128xf32, #tpu.memory_space<vmem>>)
      %dma_wait3A_200 = arith.constant 0 : i32
      %dma_wait3A_201 = arith.constant 0 : i32
      %dma_wait3A_202 = tpu.memref_slice %arg3[%dma_wait3A_200, %dma_wait3A_201] : memref<327680x128xf32, #tpu.memory_space<hbm>> -> memref<64x128xf32, #tpu.memory_space<hbm>>
      %dma_wait3A_203 = arith.constant 0 : i32
      %dma_wait3A_204 = arith.constant 0 : i32
      %dma_wait3A_205 = tpu.memref_slice %arg3[%dma_wait3A_203, %dma_wait3A_204] : memref<327680x128xf32, #tpu.memory_space<hbm>> -> memref<64x128xf32, #tpu.memory_space<hbm>>
      tpu.wait_dma2 semaphore(%arg16 : memref<!tpu.dma_semaphore, #tpu.memory_space<semaphore_mem>>) src(%dma_wait3A_205 : memref<64x128xf32, #tpu.memory_space<hbm>>) dst(%arg11 : memref<64x128xf32, #tpu.memory_space<vmem>>)
      %parallel_loop3A = arith.constant 0 : i32
      %parallel_loop3A_206 = arith.constant 64 : i32
      %parallel_loop3A_207 = arith.constant 1 : i32
      scf.for %parallel_loop3A_228 = %parallel_loop3A to %parallel_loop3A_206 step %parallel_loop3A_207  : i32 {
        %parallel_loop3A_229 = arith.index_cast %parallel_loop3A_228 : i32 to index
        %parallel_loop3A_230 = arith.constant 0 : index
        %parallel_loop3A_231 = tpu.vector_load %arg9[%parallel_loop3A_229, %parallel_loop3A_230] {strides = array<i32>} : memref<64x128xf32, #tpu.memory_space<vmem>>, vector<1x16xf32>,
        %parallel_loop3A_232 = vector.shape_cast %parallel_loop3A_231 : vector<1x16xf32> to vector<16xf32>
        %parallel_loop3A_233 = arith.index_cast %parallel_loop3A_228 : i32 to index
        %parallel_loop3A_234 = arith.constant 0 : index
        %parallel_loop3A_235 = tpu.vector_load %arg11[%parallel_loop3A_233, %parallel_loop3A_234] {strides = array<i32>} : memref<64x128xf32, #tpu.memory_space<vmem>>, vector<1x16xf32>,
        %parallel_loop3A_236 = vector.shape_cast %parallel_loop3A_235 : vector<1x16xf32> to vector<16xf32>
        %parallel_loop3A_237 = arith.mulf %parallel_loop3A_232, %parallel_loop3A_236 : vector<16xf32>
        %parallel_loop3A_238 = arith.index_cast %parallel_loop3A_228 : i32 to index
        %parallel_loop3A_239 = arith.constant 0 : index
        %parallel_loop3A_240 = tpu.vector_load %arg9[%parallel_loop3A_238, %parallel_loop3A_239] {strides = array<i32>} : memref<64x128xf32, #tpu.memory_space<vmem>>, vector<1x16xf32>,
        %parallel_loop3A_241 = vector.shape_cast %parallel_loop3A_240 : vector<1x16xf32> to vector<16xf32>
        %parallel_loop3A_242 = vector.shape_cast %parallel_loop3A_237 : vector<16xf32> to vector<1x16xf32>
        tpu.vector_store %arg9[%parallel_loop3A_238, %parallel_loop3A_239], %parallel_loop3A_242 {strides = array<i32>} : memref<64x128xf32, #tpu.memory_space<vmem>>, vector<1x16xf32>,
        %parallel_loop3A_243 = arith.index_cast %parallel_loop3A_228 : i32 to index
        %parallel_loop3A_244 = arith.constant 16 : index
        %parallel_loop3A_245 = tpu.vector_load %arg9[%parallel_loop3A_243, %parallel_loop3A_244] {strides = array<i32>} : memref<64x128xf32, #tpu.memory_space<vmem>>, vector<1x16xf32>,
        %parallel_loop3A_246 = vector.shape_cast %parallel_loop3A_245 : vector<1x16xf32> to vector<16xf32>
        %parallel_loop3A_247 = arith.index_cast %parallel_loop3A_228 : i32 to index
        %parallel_loop3A_248 = arith.constant 16 : index
        %parallel_loop3A_249 = tpu.vector_load %arg11[%parallel_loop3A_247, %parallel_loop3A_248] {strides = array<i32>} : memref<64x128xf32, #tpu.memory_space<vmem>>, vector<1x16xf32>,
        %parallel_loop3A_250 = vector.shape_cast %parallel_loop3A_249 : vector<1x16xf32> to vector<16xf32>
        %parallel_loop3A_251 = arith.mulf %parallel_loop3A_246, %parallel_loop3A_250 : vector<16xf32>
        %parallel_loop3A_252 = arith.index_cast %parallel_loop3A_228 : i32 to index
        %parallel_loop3A_253 = arith.constant 16 : index
        %parallel_loop3A_254 = tpu.vector_load %arg9[%parallel_loop3A_252, %parallel_loop3A_253] {strides = array<i32>} : memref<64x128xf32, #tpu.memory_space<vmem>>, vector<1x16xf32>,
        %parallel_loop3A_255 = vector.shape_cast %parallel_loop3A_254 : vector<1x16xf32> to vector<16xf32>
        %parallel_loop3A_256 = vector.shape_cast %parallel_loop3A_251 : vector<16xf32> to vector<1x16xf32>
        tpu.vector_store %arg9[%parallel_loop3A_252, %parallel_loop3A_253], %parallel_loop3A_256 {strides = array<i32>} : memref<64x128xf32, #tpu.memory_space<vmem>>, vector<1x16xf32>,
        %parallel_loop3A_257 = arith.index_cast %parallel_loop3A_228 : i32 to index
        %parallel_loop3A_258 = arith.constant 32 : index
        %parallel_loop3A_259 = tpu.vector_load %arg9[%parallel_loop3A_257, %parallel_loop3A_258] {strides = array<i32>} : memref<64x128xf32, #tpu.memory_space<vmem>>, vector<1x16xf32>,
        %parallel_loop3A_260 = vector.shape_cast %parallel_loop3A_259 : vector<1x16xf32> to vector<16xf32>
        %parallel_loop3A_261 = arith.index_cast %parallel_loop3A_228 : i32 to index
        %parallel_loop3A_262 = arith.constant 32 : index
        %parallel_loop3A_263 = tpu.vector_load %arg11[%parallel_loop3A_261, %parallel_loop3A_262] {strides = array<i32>} : memref<64x128xf32, #tpu.memory_space<vmem>>, vector<1x16xf32>,
        %parallel_loop3A_264 = vector.shape_cast %parallel_loop3A_263 : vector<1x16xf32> to vector<16xf32>
        %parallel_loop3A_265 = arith.mulf %parallel_loop3A_260, %parallel_loop3A_264 : vector<16xf32>
        %parallel_loop3A_266 = arith.index_cast %parallel_loop3A_228 : i32 to index
        %parallel_loop3A_267 = arith.constant 32 : index
        %parallel_loop3A_268 = tpu.vector_load %arg9[%parallel_loop3A_266, %parallel_loop3A_267] {strides = array<i32>} : memref<64x128xf32, #tpu.memory_space<vmem>>, vector<1x16xf32>,
        %parallel_loop3A_269 = vector.shape_cast %parallel_loop3A_268 : vector<1x16xf32> to vector<16xf32>
        %parallel_loop3A_270 = vector.shape_cast %parallel_loop3A_265 : vector<16xf32> to vector<1x16xf32>
        tpu.vector_store %arg9[%parallel_loop3A_266, %parallel_loop3A_267], %parallel_loop3A_270 {strides = array<i32>} : memref<64x128xf32, #tpu.memory_space<vmem>>, vector<1x16xf32>,
        %parallel_loop3A_271 = arith.index_cast %parallel_loop3A_228 : i32 to index
        %parallel_loop3A_272 = arith.constant 48 : index
        %parallel_loop3A_273 = tpu.vector_load %arg9[%parallel_loop3A_271, %parallel_loop3A_272] {strides = array<i32>} : memref<64x128xf32, #tpu.memory_space<vmem>>, vector<1x16xf32>,
        %parallel_loop3A_274 = vector.shape_cast %parallel_loop3A_273 : vector<1x16xf32> to vector<16xf32>
        %parallel_loop3A_275 = arith.index_cast %parallel_loop3A_228 : i32 to index
        %parallel_loop3A_276 = arith.constant 48 : index
        %parallel_loop3A_277 = tpu.vector_load %arg11[%parallel_loop3A_275, %parallel_loop3A_276] {strides = array<i32>} : memref<64x128xf32, #tpu.memory_space<vmem>>, vector<1x16xf32>,
        %parallel_loop3A_278 = vector.shape_cast %parallel_loop3A_277 : vector<1x16xf32> to vector<16xf32>
        %parallel_loop3A_279 = arith.mulf %parallel_loop3A_274, %parallel_loop3A_278 : vector<16xf32>
        %parallel_loop3A_280 = arith.index_cast %parallel_loop3A_228 : i32 to index
        %parallel_loop3A_281 = arith.constant 48 : index
        %parallel_loop3A_282 = tpu.vector_load %arg9[%parallel_loop3A_280, %parallel_loop3A_281] {strides = array<i32>} : memref<64x128xf32, #tpu.memory_space<vmem>>, vector<1x16xf32>,
        %parallel_loop3A_283 = vector.shape_cast %parallel_loop3A_282 : vector<1x16xf32> to vector<16xf32>
        %parallel_loop3A_284 = vector.shape_cast %parallel_loop3A_279 : vector<16xf32> to vector<1x16xf32>
        tpu.vector_store %arg9[%parallel_loop3A_280, %parallel_loop3A_281], %parallel_loop3A_284 {strides = array<i32>} : memref<64x128xf32, #tpu.memory_space<vmem>>, vector<1x16xf32>,
        %parallel_loop3A_285 = arith.index_cast %parallel_loop3A_228 : i32 to index
        %parallel_loop3A_286 = arith.constant 64 : index
        %parallel_loop3A_287 = tpu.vector_load %arg9[%parallel_loop3A_285, %parallel_loop3A_286] {strides = array<i32>} : memref<64x128xf32, #tpu.memory_space<vmem>>, vector<1x16xf32>,
        %parallel_loop3A_288 = vector.shape_cast %parallel_loop3A_287 : vector<1x16xf32> to vector<16xf32>
        %parallel_loop3A_289 = arith.index_cast %parallel_loop3A_228 : i32 to index
        %parallel_loop3A_290 = arith.constant 64 : index
        %parallel_loop3A_291 = tpu.vector_load %arg11[%parallel_loop3A_289, %parallel_loop3A_290] {strides = array<i32>} : memref<64x128xf32, #tpu.memory_space<vmem>>, vector<1x16xf32>,
        %parallel_loop3A_292 = vector.shape_cast %parallel_loop3A_291 : vector<1x16xf32> to vector<16xf32>
        %parallel_loop3A_293 = arith.mulf %parallel_loop3A_288, %parallel_loop3A_292 : vector<16xf32>
        %parallel_loop3A_294 = arith.index_cast %parallel_loop3A_228 : i32 to index
        %parallel_loop3A_295 = arith.constant 64 : index
        %parallel_loop3A_296 = tpu.vector_load %arg9[%parallel_loop3A_294, %parallel_loop3A_295] {strides = array<i32>} : memref<64x128xf32, #tpu.memory_space<vmem>>, vector<1x16xf32>,
        %parallel_loop3A_297 = vector.shape_cast %parallel_loop3A_296 : vector<1x16xf32> to vector<16xf32>
        %parallel_loop3A_298 = vector.shape_cast %parallel_loop3A_293 : vector<16xf32> to vector<1x16xf32>
        tpu.vector_store %arg9[%parallel_loop3A_294, %parallel_loop3A_295], %parallel_loop3A_298 {strides = array<i32>} : memref<64x128xf32, #tpu.memory_space<vmem>>, vector<1x16xf32>,
        %parallel_loop3A_299 = arith.index_cast %parallel_loop3A_228 : i32 to index
        %parallel_loop3A_300 = arith.constant 80 : index
        %parallel_loop3A_301 = tpu.vector_load %arg9[%parallel_loop3A_299, %parallel_loop3A_300] {strides = array<i32>} : memref<64x128xf32, #tpu.memory_space<vmem>>, vector<1x16xf32>,
        %parallel_loop3A_302 = vector.shape_cast %parallel_loop3A_301 : vector<1x16xf32> to vector<16xf32>
        %parallel_loop3A_303 = arith.index_cast %parallel_loop3A_228 : i32 to index
        %parallel_loop3A_304 = arith.constant 80 : index
        %parallel_loop3A_305 = tpu.vector_load %arg11[%parallel_loop3A_303, %parallel_loop3A_304] {strides = array<i32>} : memref<64x128xf32, #tpu.memory_space<vmem>>, vector<1x16xf32>,
        %parallel_loop3A_306 = vector.shape_cast %parallel_loop3A_305 : vector<1x16xf32> to vector<16xf32>
        %parallel_loop3A_307 = arith.mulf %parallel_loop3A_302, %parallel_loop3A_306 : vector<16xf32>
        %parallel_loop3A_308 = arith.index_cast %parallel_loop3A_228 : i32 to index
        %parallel_loop3A_309 = arith.constant 80 : index
        %parallel_loop3A_310 = tpu.vector_load %arg9[%parallel_loop3A_308, %parallel_loop3A_309] {strides = array<i32>} : memref<64x128xf32, #tpu.memory_space<vmem>>, vector<1x16xf32>,
        %parallel_loop3A_311 = vector.shape_cast %parallel_loop3A_310 : vector<1x16xf32> to vector<16xf32>
        %parallel_loop3A_312 = vector.shape_cast %parallel_loop3A_307 : vector<16xf32> to vector<1x16xf32>
        tpu.vector_store %arg9[%parallel_loop3A_308, %parallel_loop3A_309], %parallel_loop3A_312 {strides = array<i32>} : memref<64x128xf32, #tpu.memory_space<vmem>>, vector<1x16xf32>,
        %parallel_loop3A_313 = arith.index_cast %parallel_loop3A_228 : i32 to index
        %parallel_loop3A_314 = arith.constant 96 : index
        %parallel_loop3A_315 = tpu.vector_load %arg9[%parallel_loop3A_313, %parallel_loop3A_314] {strides = array<i32>} : memref<64x128xf32, #tpu.memory_space<vmem>>, vector<1x16xf32>,
        %parallel_loop3A_316 = vector.shape_cast %parallel_loop3A_315 : vector<1x16xf32> to vector<16xf32>
        %parallel_loop3A_317 = arith.index_cast %parallel_loop3A_228 : i32 to index
        %parallel_loop3A_318 = arith.constant 96 : index
        %parallel_loop3A_319 = tpu.vector_load %arg11[%parallel_loop3A_317, %parallel_loop3A_318] {strides = array<i32>} : memref<64x128xf32, #tpu.memory_space<vmem>>, vector<1x16xf32>,
        %parallel_loop3A_320 = vector.shape_cast %parallel_loop3A_319 : vector<1x16xf32> to vector<16xf32>
        %parallel_loop3A_321 = arith.mulf %parallel_loop3A_316, %parallel_loop3A_320 : vector<16xf32>
        %parallel_loop3A_322 = arith.index_cast %parallel_loop3A_228 : i32 to index
        %parallel_loop3A_323 = arith.constant 96 : index
        %parallel_loop3A_324 = tpu.vector_load %arg9[%parallel_loop3A_322, %parallel_loop3A_323] {strides = array<i32>} : memref<64x128xf32, #tpu.memory_space<vmem>>, vector<1x16xf32>,
        %parallel_loop3A_325 = vector.shape_cast %parallel_loop3A_324 : vector<1x16xf32> to vector<16xf32>
        %parallel_loop3A_326 = vector.shape_cast %parallel_loop3A_321 : vector<16xf32> to vector<1x16xf32>
        tpu.vector_store %arg9[%parallel_loop3A_322, %parallel_loop3A_323], %parallel_loop3A_326 {strides = array<i32>} : memref<64x128xf32, #tpu.memory_space<vmem>>, vector<1x16xf32>,
        %parallel_loop3A_327 = arith.index_cast %parallel_loop3A_228 : i32 to index
        %parallel_loop3A_328 = arith.constant 112 : index
        %parallel_loop3A_329 = tpu.vector_load %arg9[%parallel_loop3A_327, %parallel_loop3A_328] {strides = array<i32>} : memref<64x128xf32, #tpu.memory_space<vmem>>, vector<1x16xf32>,
        %parallel_loop3A_330 = vector.shape_cast %parallel_loop3A_329 : vector<1x16xf32> to vector<16xf32>
        %parallel_loop3A_331 = arith.index_cast %parallel_loop3A_228 : i32 to index
        %parallel_loop3A_332 = arith.constant 112 : index
        %parallel_loop3A_333 = tpu.vector_load %arg11[%parallel_loop3A_331, %parallel_loop3A_332] {strides = array<i32>} : memref<64x128xf32, #tpu.memory_space<vmem>>, vector<1x16xf32>,
        %parallel_loop3A_334 = vector.shape_cast %parallel_loop3A_333 : vector<1x16xf32> to vector<16xf32>
        %parallel_loop3A_335 = arith.mulf %parallel_loop3A_330, %parallel_loop3A_334 : vector<16xf32>
        %parallel_loop3A_336 = arith.index_cast %parallel_loop3A_228 : i32 to index
        %parallel_loop3A_337 = arith.constant 112 : index
        %parallel_loop3A_338 = tpu.vector_load %arg9[%parallel_loop3A_336, %parallel_loop3A_337] {strides = array<i32>} : memref<64x128xf32, #tpu.memory_space<vmem>>, vector<1x16xf32>,
        %parallel_loop3A_339 = vector.shape_cast %parallel_loop3A_338 : vector<1x16xf32> to vector<16xf32>
        %parallel_loop3A_340 = vector.shape_cast %parallel_loop3A_335 : vector<16xf32> to vector<1x16xf32>
        tpu.vector_store %arg9[%parallel_loop3A_336, %parallel_loop3A_337], %parallel_loop3A_340 {strides = array<i32>} : memref<64x128xf32, #tpu.memory_space<vmem>>, vector<1x16xf32>,
      } {sc.loop_unroll_factor = 4 : i64, sc.parallel_access}
      "tpu.region"() ({
        %run_scoped3A = tpu.sem_alloc : memref<!tpu.dma_semaphore, #tpu.memory_space<semaphore_mem>>
        %dma_start3A_228 = arith.constant 0 : i32
        %dma_start3A_229 = tpu.memref_slice %arg8[%mul3A_174, %dma_start3A_228] : memref<40x64xi32, #tpu.memory_space<vmem>> -> memref<1x64xi32, #tpu.memory_space<vmem>>
        %dma_start3A_230 = tpu.memref_squeeze %dma_start3A_229 : memref<1x64xi32, #tpu.memory_space<vmem>> -> memref<64xi32, #tpu.memory_space<vmem>>
        %dma_start3A_231 = arith.constant 0 : i32
        %dma_start3A_232 = arith.constant 0 : i32
        %dma_start3A_233 = tpu.memref_slice %arg13[%dma_start3A_231, %dma_start3A_232] : memref<10240x128xf32, #tpu.memory_space<vmem_shared>> -> memref<10240x128xf32, #tpu.memory_space<vmem_shared>>
        tpu.enqueue_indirect_dma source(%arg9 : memref<64x128xf32, #tpu.memory_space<vmem>>) target(%dma_start3A_233 : memref<10240x128xf32, #tpu.memory_space<vmem_shared>>) offsets(%dma_start3A_230 : memref<64xi32, #tpu.memory_space<vmem>>) semaphore(%run_scoped3A : memref<!tpu.dma_semaphore, #tpu.memory_space<semaphore_mem>>) {add = true}
        %dma_wait3A_234 = arith.constant 0 : i32
        %dma_wait3A_235 = tpu.memref_slice %arg8[%mul3A_174, %dma_wait3A_234] : memref<40x64xi32, #tpu.memory_space<vmem>> -> memref<1x64xi32, #tpu.memory_space<vmem>>
        %dma_wait3A_236 = tpu.memref_squeeze %dma_wait3A_235 : memref<1x64xi32, #tpu.memory_space<vmem>> -> memref<64xi32, #tpu.memory_space<vmem>>
        %dma_wait3A_237 = arith.constant 0 : i32
        %dma_wait3A_238 = arith.constant 0 : i32
        %dma_wait3A_239 = tpu.memref_slice %arg13[%dma_wait3A_237, %dma_wait3A_238] : memref<10240x128xf32, #tpu.memory_space<vmem_shared>> -> memref<10240x128xf32, #tpu.memory_space<vmem_shared>>
        tpu.wait_indirect_dma semaphore(%run_scoped3A : memref<!tpu.dma_semaphore, #tpu.memory_space<semaphore_mem>>) src(%arg9 : memref<64x128xf32, #tpu.memory_space<vmem>>) dst(%dma_wait3A_239 : memref<10240x128xf32, #tpu.memory_space<vmem_shared>>)
        tpu.yield
      }) : () -> ()
      %lt3A = arith.constant 19 : i32
      %lt3A_208 = arith.cmpi slt, %scan3A_172, %lt3A : i32
      %convert_element_type3A = arith.extui %lt3A_208 : i1 to i32
      %cond3A = arith.constant 0 : i32
      %cond3A_209 = arith.cmpi ne, %convert_element_type3A, %cond3A : i32
      scf.if %cond3A_209 {
        %add3A_228 = arith.constant 2 : i32
        %add3A_229 = arith.addi %mul3A_174, %add3A_228 : i32
        %mul3A_230 = arith.constant 10240 : i32
        %mul3A_231 = arith.muli %add3A, %mul3A_230 : i32
        %add3A_232 = arith.constant 7680 : i32
        %add3A_233 = arith.addi %mul3A_231, %add3A_232 : i32
        %dma_start3A_234 = arith.constant 0 : i32
        %dma_start3A_235 = tpu.memref_slice %arg7[%add3A_229, %dma_start3A_234] : memref<40x64xi32, #tpu.memory_space<vmem>> -> memref<1x64xi32, #tpu.memory_space<vmem>>
        %dma_start3A_236 = tpu.memref_squeeze %dma_start3A_235 : memref<1x64xi32, #tpu.memory_space<vmem>> -> memref<64xi32, #tpu.memory_space<vmem>>
        %dma_start3A_237 = arith.constant 0 : i32
        %dma_start3A_238 = arith.constant 0 : i32
        %dma_start3A_239 = tpu.memref_slice %arg2[%dma_start3A_237, %dma_start3A_238] : memref<10000x128xf32, #tpu.memory_space<hbm>> -> memref<10000x128xf32, #tpu.memory_space<hbm>>
        tpu.enqueue_indirect_dma source(%dma_start3A_239 : memref<10000x128xf32, #tpu.memory_space<hbm>>) target(%arg9 : memref<64x128xf32, #tpu.memory_space<vmem>>) offsets(%dma_start3A_236 : memref<64xi32, #tpu.memory_space<vmem>>) semaphore(%arg14 : memref<!tpu.dma_semaphore, #tpu.memory_space<semaphore_mem>>)
        %mul3A_240 = arith.constant 64 : i32
        %mul3A_241 = arith.muli %add3A_229, %mul3A_240 : i32
        %add3A_242 = arith.addi %add3A_233, %mul3A_241 : i32
        %dma_start3A_243 = arith.constant 0 : i32
        %dma_start3A_244 = tpu.memref_slice %arg3[%add3A_242, %dma_start3A_243] : memref<327680x128xf32, #tpu.memory_space<hbm>> -> memref<64x128xf32, #tpu.memory_space<hbm>>
        %dma_start3A_245 = arith.constant 0 : i32
        %dma_start3A_246 = tpu.memref_slice %arg3[%add3A_242, %dma_start3A_245] : memref<327680x128xf32, #tpu.memory_space<hbm>> -> memref<64x128xf32, #tpu.memory_space<hbm>>
        tpu.enqueue_dma source(%dma_start3A_246 : memref<64x128xf32, #tpu.memory_space<hbm>>) target(%arg11 : memref<64x128xf32, #tpu.memory_space<vmem>>) target_semaphore(%arg16 : memref<!tpu.dma_semaphore, #tpu.memory_space<semaphore_mem>>)
      } else {
      }
      %dma_wait3A_210 = arith.constant 0 : i32
      %dma_wait3A_211 = arith.constant 0 : i32
      %dma_wait3A_212 = tpu.memref_slice %arg7[%dma_wait3A_210, %dma_wait3A_211] : memref<40x64xi32, #tpu.memory_space<vmem>> -> memref<1x64xi32, #tpu.memory_space<vmem>>
      %dma_wait3A_213 = tpu.memref_squeeze %dma_wait3A_212 : memref<1x64xi32, #tpu.memory_space<vmem>> -> memref<64xi32, #tpu.memory_space<vmem>>
      %dma_wait3A_214 = arith.constant 0 : i32
      %dma_wait3A_215 = arith.constant 0 : i32
      %dma_wait3A_216 = tpu.memref_slice %arg2[%dma_wait3A_214, %dma_wait3A_215] : memref<10000x128xf32, #tpu.memory_space<hbm>> -> memref<10000x128xf32, #tpu.memory_space<hbm>>
      tpu.wait_indirect_dma semaphore(%arg15 : memref<!tpu.dma_semaphore, #tpu.memory_space<semaphore_mem>>) src(%dma_wait3A_216 : memref<10000x128xf32, #tpu.memory_space<hbm>>) dst(%arg10 : memref<64x128xf32, #tpu.memory_space<vmem>>)
      %dma_wait3A_217 = arith.constant 0 : i32
      %dma_wait3A_218 = arith.constant 0 : i32
      %dma_wait3A_219 = tpu.memref_slice %arg3[%dma_wait3A_217, %dma_wait3A_218] : memref<327680x128xf32, #tpu.memory_space<hbm>> -> memref<64x128xf32, #tpu.memory_space<hbm>>
      %dma_wait3A_220 = arith.constant 0 : i32
      %dma_wait3A_221 = arith.constant 0 : i32
      %dma_wait3A_222 = tpu.memref_slice %arg3[%dma_wait3A_220, %dma_wait3A_221] : memref<327680x128xf32, #tpu.memory_space<hbm>> -> memref<64x128xf32, #tpu.memory_space<hbm>>
      tpu.wait_dma2 semaphore(%arg17 : memref<!tpu.dma_semaphore, #tpu.memory_space<semaphore_mem>>) src(%dma_wait3A_222 : memref<64x128xf32, #tpu.memory_space<hbm>>) dst(%arg12 : memref<64x128xf32, #tpu.memory_space<vmem>>)
      %add3A_223 = arith.constant 1 : i32
      %add3A_224 = arith.addi %mul3A_174, %add3A_223 : i32
      %parallel_loop3A_225 = arith.constant 0 : i32
      %parallel_loop3A_226 = arith.constant 64 : i32
      %parallel_loop3A_227 = arith.constant 1 : i32
      scf.for %parallel_loop3A_228 = %parallel_loop3A_225 to %parallel_loop3A_226 step %parallel_loop3A_227  : i32 {
        %parallel_loop3A_229 = arith.index_cast %parallel_loop3A_228 : i32 to index
        %parallel_loop3A_230 = arith.constant 0 : index
        %parallel_loop3A_231 = tpu.vector_load %arg10[%parallel_loop3A_229, %parallel_loop3A_230] {strides = array<i32>} : memref<64x128xf32, #tpu.memory_space<vmem>>, vector<1x16xf32>,
        %parallel_loop3A_232 = vector.shape_cast %parallel_loop3A_231 : vector<1x16xf32> to vector<16xf32>
        %parallel_loop3A_233 = arith.index_cast %parallel_loop3A_228 : i32 to index
        %parallel_loop3A_234 = arith.constant 0 : index
        %parallel_loop3A_235 = tpu.vector_load %arg12[%parallel_loop3A_233, %parallel_loop3A_234] {strides = array<i32>} : memref<64x128xf32, #tpu.memory_space<vmem>>, vector<1x16xf32>,
        %parallel_loop3A_236 = vector.shape_cast %parallel_loop3A_235 : vector<1x16xf32> to vector<16xf32>
        %parallel_loop3A_237 = arith.mulf %parallel_loop3A_232, %parallel_loop3A_236 : vector<16xf32>
        %parallel_loop3A_238 = arith.index_cast %parallel_loop3A_228 : i32 to index
        %parallel_loop3A_239 = arith.constant 0 : index
        %parallel_loop3A_240 = tpu.vector_load %arg10[%parallel_loop3A_238, %parallel_loop3A_239] {strides = array<i32>} : memref<64x128xf32, #tpu.memory_space<vmem>>, vector<1x16xf32>,
        %parallel_loop3A_241 = vector.shape_cast %parallel_loop3A_240 : vector<1x16xf32> to vector<16xf32>
        %parallel_loop3A_242 = vector.shape_cast %parallel_loop3A_237 : vector<16xf32> to vector<1x16xf32>
        tpu.vector_store %arg10[%parallel_loop3A_238, %parallel_loop3A_239], %parallel_loop3A_242 {strides = array<i32>} : memref<64x128xf32, #tpu.memory_space<vmem>>, vector<1x16xf32>,
        %parallel_loop3A_243 = arith.index_cast %parallel_loop3A_228 : i32 to index
        %parallel_loop3A_244 = arith.constant 16 : index
        %parallel_loop3A_245 = tpu.vector_load %arg10[%parallel_loop3A_243, %parallel_loop3A_244] {strides = array<i32>} : memref<64x128xf32, #tpu.memory_space<vmem>>, vector<1x16xf32>,
        %parallel_loop3A_246 = vector.shape_cast %parallel_loop3A_245 : vector<1x16xf32> to vector<16xf32>
        %parallel_loop3A_247 = arith.index_cast %parallel_loop3A_228 : i32 to index
        %parallel_loop3A_248 = arith.constant 16 : index
        %parallel_loop3A_249 = tpu.vector_load %arg12[%parallel_loop3A_247, %parallel_loop3A_248] {strides = array<i32>} : memref<64x128xf32, #tpu.memory_space<vmem>>, vector<1x16xf32>,
        %parallel_loop3A_250 = vector.shape_cast %parallel_loop3A_249 : vector<1x16xf32> to vector<16xf32>
        %parallel_loop3A_251 = arith.mulf %parallel_loop3A_246, %parallel_loop3A_250 : vector<16xf32>
        %parallel_loop3A_252 = arith.index_cast %parallel_loop3A_228 : i32 to index
        %parallel_loop3A_253 = arith.constant 16 : index
        %parallel_loop3A_254 = tpu.vector_load %arg10[%parallel_loop3A_252, %parallel_loop3A_253] {strides = array<i32>} : memref<64x128xf32, #tpu.memory_space<vmem>>, vector<1x16xf32>,
        %parallel_loop3A_255 = vector.shape_cast %parallel_loop3A_254 : vector<1x16xf32> to vector<16xf32>
        %parallel_loop3A_256 = vector.shape_cast %parallel_loop3A_251 : vector<16xf32> to vector<1x16xf32>
        tpu.vector_store %arg10[%parallel_loop3A_252, %parallel_loop3A_253], %parallel_loop3A_256 {strides = array<i32>} : memref<64x128xf32, #tpu.memory_space<vmem>>, vector<1x16xf32>,
        %parallel_loop3A_257 = arith.index_cast %parallel_loop3A_228 : i32 to index
        %parallel_loop3A_258 = arith.constant 32 : index
        %parallel_loop3A_259 = tpu.vector_load %arg10[%parallel_loop3A_257, %parallel_loop3A_258] {strides = array<i32>} : memref<64x128xf32, #tpu.memory_space<vmem>>, vector<1x16xf32>,
        %parallel_loop3A_260 = vector.shape_cast %parallel_loop3A_259 : vector<1x16xf32> to vector<16xf32>
        %parallel_loop3A_261 = arith.index_cast %parallel_loop3A_228 : i32 to index
        %parallel_loop3A_262 = arith.constant 32 : index
        %parallel_loop3A_263 = tpu.vector_load %arg12[%parallel_loop3A_261, %parallel_loop3A_262] {strides = array<i32>} : memref<64x128xf32, #tpu.memory_space<vmem>>, vector<1x16xf32>,
        %parallel_loop3A_264 = vector.shape_cast %parallel_loop3A_263 : vector<1x16xf32> to vector<16xf32>
        %parallel_loop3A_265 = arith.mulf %parallel_loop3A_260, %parallel_loop3A_264 : vector<16xf32>
        %parallel_loop3A_266 = arith.index_cast %parallel_loop3A_228 : i32 to index
        %parallel_loop3A_267 = arith.constant 32 : index
        %parallel_loop3A_268 = tpu.vector_load %arg10[%parallel_loop3A_266, %parallel_loop3A_267] {strides = array<i32>} : memref<64x128xf32, #tpu.memory_space<vmem>>, vector<1x16xf32>,
        %parallel_loop3A_269 = vector.shape_cast %parallel_loop3A_268 : vector<1x16xf32> to vector<16xf32>
        %parallel_loop3A_270 = vector.shape_cast %parallel_loop3A_265 : vector<16xf32> to vector<1x16xf32>
        tpu.vector_store %arg10[%parallel_loop3A_266, %parallel_loop3A_267], %parallel_loop3A_270 {strides = array<i32>} : memref<64x128xf32, #tpu.memory_space<vmem>>, vector<1x16xf32>,
        %parallel_loop3A_271 = arith.index_cast %parallel_loop3A_228 : i32 to index
        %parallel_loop3A_272 = arith.constant 48 : index
        %parallel_loop3A_273 = tpu.vector_load %arg10[%parallel_loop3A_271, %parallel_loop3A_272] {strides = array<i32>} : memref<64x128xf32, #tpu.memory_space<vmem>>, vector<1x16xf32>,
        %parallel_loop3A_274 = vector.shape_cast %parallel_loop3A_273 : vector<1x16xf32> to vector<16xf32>
        %parallel_loop3A_275 = arith.index_cast %parallel_loop3A_228 : i32 to index
        %parallel_loop3A_276 = arith.constant 48 : index
        %parallel_loop3A_277 = tpu.vector_load %arg12[%parallel_loop3A_275, %parallel_loop3A_276] {strides = array<i32>} : memref<64x128xf32, #tpu.memory_space<vmem>>, vector<1x16xf32>,
        %parallel_loop3A_278 = vector.shape_cast %parallel_loop3A_277 : vector<1x16xf32> to vector<16xf32>
        %parallel_loop3A_279 = arith.mulf %parallel_loop3A_274, %parallel_loop3A_278 : vector<16xf32>
        %parallel_loop3A_280 = arith.index_cast %parallel_loop3A_228 : i32 to index
        %parallel_loop3A_281 = arith.constant 48 : index
        %parallel_loop3A_282 = tpu.vector_load %arg10[%parallel_loop3A_280, %parallel_loop3A_281] {strides = array<i32>} : memref<64x128xf32, #tpu.memory_space<vmem>>, vector<1x16xf32>,
        %parallel_loop3A_283 = vector.shape_cast %parallel_loop3A_282 : vector<1x16xf32> to vector<16xf32>
        %parallel_loop3A_284 = vector.shape_cast %parallel_loop3A_279 : vector<16xf32> to vector<1x16xf32>
        tpu.vector_store %arg10[%parallel_loop3A_280, %parallel_loop3A_281], %parallel_loop3A_284 {strides = array<i32>} : memref<64x128xf32, #tpu.memory_space<vmem>>, vector<1x16xf32>,
        %parallel_loop3A_285 = arith.index_cast %parallel_loop3A_228 : i32 to index
        %parallel_loop3A_286 = arith.constant 64 : index
        %parallel_loop3A_287 = tpu.vector_load %arg10[%parallel_loop3A_285, %parallel_loop3A_286] {strides = array<i32>} : memref<64x128xf32, #tpu.memory_space<vmem>>, vector<1x16xf32>,
        %parallel_loop3A_288 = vector.shape_cast %parallel_loop3A_287 : vector<1x16xf32> to vector<16xf32>
        %parallel_loop3A_289 = arith.index_cast %parallel_loop3A_228 : i32 to index
        %parallel_loop3A_290 = arith.constant 64 : index
        %parallel_loop3A_291 = tpu.vector_load %arg12[%parallel_loop3A_289, %parallel_loop3A_290] {strides = array<i32>} : memref<64x128xf32, #tpu.memory_space<vmem>>, vector<1x16xf32>,
        %parallel_loop3A_292 = vector.shape_cast %parallel_loop3A_291 : vector<1x16xf32> to vector<16xf32>
        %parallel_loop3A_293 = arith.mulf %parallel_loop3A_288, %parallel_loop3A_292 : vector<16xf32>
        %parallel_loop3A_294 = arith.index_cast %parallel_loop3A_228 : i32 to index
        %parallel_loop3A_295 = arith.constant 64 : index
        %parallel_loop3A_296 = tpu.vector_load %arg10[%parallel_loop3A_294, %parallel_loop3A_295] {strides = array<i32>} : memref<64x128xf32, #tpu.memory_space<vmem>>, vector<1x16xf32>,
        %parallel_loop3A_297 = vector.shape_cast %parallel_loop3A_296 : vector<1x16xf32> to vector<16xf32>
        %parallel_loop3A_298 = vector.shape_cast %parallel_loop3A_293 : vector<16xf32> to vector<1x16xf32>
        tpu.vector_store %arg10[%parallel_loop3A_294, %parallel_loop3A_295], %parallel_loop3A_298 {strides = array<i32>} : memref<64x128xf32, #tpu.memory_space<vmem>>, vector<1x16xf32>,
        %parallel_loop3A_299 = arith.index_cast %parallel_loop3A_228 : i32 to index
        %parallel_loop3A_300 = arith.constant 80 : index
        %parallel_loop3A_301 = tpu.vector_load %arg10[%parallel_loop3A_299, %parallel_loop3A_300] {strides = array<i32>} : memref<64x128xf32, #tpu.memory_space<vmem>>, vector<1x16xf32>,
        %parallel_loop3A_302 = vector.shape_cast %parallel_loop3A_301 : vector<1x16xf32> to vector<16xf32>
        %parallel_loop3A_303 = arith.index_cast %parallel_loop3A_228 : i32 to index
        %parallel_loop3A_304 = arith.constant 80 : index
        %parallel_loop3A_305 = tpu.vector_load %arg12[%parallel_loop3A_303, %parallel_loop3A_304] {strides = array<i32>} : memref<64x128xf32, #tpu.memory_space<vmem>>, vector<1x16xf32>,
        %parallel_loop3A_306 = vector.shape_cast %parallel_loop3A_305 : vector<1x16xf32> to vector<16xf32>
        %parallel_loop3A_307 = arith.mulf %parallel_loop3A_302, %parallel_loop3A_306 : vector<16xf32>
        %parallel_loop3A_308 = arith.index_cast %parallel_loop3A_228 : i32 to index
        %parallel_loop3A_309 = arith.constant 80 : index
        %parallel_loop3A_310 = tpu.vector_load %arg10[%parallel_loop3A_308, %parallel_loop3A_309] {strides = array<i32>} : memref<64x128xf32, #tpu.memory_space<vmem>>, vector<1x16xf32>,
        %parallel_loop3A_311 = vector.shape_cast %parallel_loop3A_310 : vector<1x16xf32> to vector<16xf32>
        %parallel_loop3A_312 = vector.shape_cast %parallel_loop3A_307 : vector<16xf32> to vector<1x16xf32>
        tpu.vector_store %arg10[%parallel_loop3A_308, %parallel_loop3A_309], %parallel_loop3A_312 {strides = array<i32>} : memref<64x128xf32, #tpu.memory_space<vmem>>, vector<1x16xf32>,
        %parallel_loop3A_313 = arith.index_cast %parallel_loop3A_228 : i32 to index
        %parallel_loop3A_314 = arith.constant 96 : index
        %parallel_loop3A_315 = tpu.vector_load %arg10[%parallel_loop3A_313, %parallel_loop3A_314] {strides = array<i32>} : memref<64x128xf32, #tpu.memory_space<vmem>>, vector<1x16xf32>,
        %parallel_loop3A_316 = vector.shape_cast %parallel_loop3A_315 : vector<1x16xf32> to vector<16xf32>
        %parallel_loop3A_317 = arith.index_cast %parallel_loop3A_228 : i32 to index
        %parallel_loop3A_318 = arith.constant 96 : index
        %parallel_loop3A_319 = tpu.vector_load %arg12[%parallel_loop3A_317, %parallel_loop3A_318] {strides = array<i32>} : memref<64x128xf32, #tpu.memory_space<vmem>>, vector<1x16xf32>,
        %parallel_loop3A_320 = vector.shape_cast %parallel_loop3A_319 : vector<1x16xf32> to vector<16xf32>
        %parallel_loop3A_321 = arith.mulf %parallel_loop3A_316, %parallel_loop3A_320 : vector<16xf32>
        %parallel_loop3A_322 = arith.index_cast %parallel_loop3A_228 : i32 to index
        %parallel_loop3A_323 = arith.constant 96 : index
        %parallel_loop3A_324 = tpu.vector_load %arg10[%parallel_loop3A_322, %parallel_loop3A_323] {strides = array<i32>} : memref<64x128xf32, #tpu.memory_space<vmem>>, vector<1x16xf32>,
        %parallel_loop3A_325 = vector.shape_cast %parallel_loop3A_324 : vector<1x16xf32> to vector<16xf32>
        %parallel_loop3A_326 = vector.shape_cast %parallel_loop3A_321 : vector<16xf32> to vector<1x16xf32>
        tpu.vector_store %arg10[%parallel_loop3A_322, %parallel_loop3A_323], %parallel_loop3A_326 {strides = array<i32>} : memref<64x128xf32, #tpu.memory_space<vmem>>, vector<1x16xf32>,
        %parallel_loop3A_327 = arith.index_cast %parallel_loop3A_228 : i32 to index
        %parallel_loop3A_328 = arith.constant 112 : index
        %parallel_loop3A_329 = tpu.vector_load %arg10[%parallel_loop3A_327, %parallel_loop3A_328] {strides = array<i32>} : memref<64x128xf32, #tpu.memory_space<vmem>>, vector<1x16xf32>,
        %parallel_loop3A_330 = vector.shape_cast %parallel_loop3A_329 : vector<1x16xf32> to vector<16xf32>
        %parallel_loop3A_331 = arith.index_cast %parallel_loop3A_228 : i32 to index
        %parallel_loop3A_332 = arith.constant 112 : index
        %parallel_loop3A_333 = tpu.vector_load %arg12[%parallel_loop3A_331, %parallel_loop3A_332] {strides = array<i32>} : memref<64x128xf32, #tpu.memory_space<vmem>>, vector<1x16xf32>,
        %parallel_loop3A_334 = vector.shape_cast %parallel_loop3A_333 : vector<1x16xf32> to vector<16xf32>
        %parallel_loop3A_335 = arith.mulf %parallel_loop3A_330, %parallel_loop3A_334 : vector<16xf32>
        %parallel_loop3A_336 = arith.index_cast %parallel_loop3A_228 : i32 to index
        %parallel_loop3A_337 = arith.constant 112 : index
        %parallel_loop3A_338 = tpu.vector_load %arg10[%parallel_loop3A_336, %parallel_loop3A_337] {strides = array<i32>} : memref<64x128xf32, #tpu.memory_space<vmem>>, vector<1x16xf32>,
        %parallel_loop3A_339 = vector.shape_cast %parallel_loop3A_338 : vector<1x16xf32> to vector<16xf32>
        %parallel_loop3A_340 = vector.shape_cast %parallel_loop3A_335 : vector<16xf32> to vector<1x16xf32>
        tpu.vector_store %arg10[%parallel_loop3A_336, %parallel_loop3A_337], %parallel_loop3A_340 {strides = array<i32>} : memref<64x128xf32, #tpu.memory_space<vmem>>, vector<1x16xf32>,
      } {sc.loop_unroll_factor = 4 : i64, sc.parallel_access}
      "tpu.region"() ({
        %run_scoped3A = tpu.sem_alloc : memref<!tpu.dma_semaphore, #tpu.memory_space<semaphore_mem>>
        %dma_start3A_228 = arith.constant 0 : i32
        %dma_start3A_229 = tpu.memref_slice %arg8[%add3A_224, %dma_start3A_228] : memref<40x64xi32, #tpu.memory_space<vmem>> -> memref<1x64xi32, #tpu.memory_space<vmem>>
        %dma_start3A_230 = tpu.memref_squeeze %dma_start3A_229 : memref<1x64xi32, #tpu.memory_space<vmem>> -> memref<64xi32, #tpu.memory_space<vmem>>
        %dma_start3A_231 = arith.constant 0 : i32
        %dma_start3A_232 = arith.constant 0 : i32
        %dma_start3A_233 = tpu.memref_slice %arg13[%dma_start3A_231, %dma_start3A_232] : memref<10240x128xf32, #tpu.memory_space<vmem_shared>> -> memref<10240x128xf32, #tpu.memory_space<vmem_shared>>
        tpu.enqueue_indirect_dma source(%arg10 : memref<64x128xf32, #tpu.memory_space<vmem>>) target(%dma_start3A_233 : memref<10240x128xf32, #tpu.memory_space<vmem_shared>>) offsets(%dma_start3A_230 : memref<64xi32, #tpu.memory_space<vmem>>) semaphore(%run_scoped3A : memref<!tpu.dma_semaphore, #tpu.memory_space<semaphore_mem>>) {add = true}
        %dma_wait3A_234 = arith.constant 0 : i32
        %dma_wait3A_235 = tpu.memref_slice %arg8[%add3A_224, %dma_wait3A_234] : memref<40x64xi32, #tpu.memory_space<vmem>> -> memref<1x64xi32, #tpu.memory_space<vmem>>
        %dma_wait3A_236 = tpu.memref_squeeze %dma_wait3A_235 : memref<1x64xi32, #tpu.memory_space<vmem>> -> memref<64xi32, #tpu.memory_space<vmem>>
        %dma_wait3A_237 = arith.constant 0 : i32
        %dma_wait3A_238 = arith.constant 0 : i32
        %dma_wait3A_239 = tpu.memref_slice %arg13[%dma_wait3A_237, %dma_wait3A_238] : memref<10240x128xf32, #tpu.memory_space<vmem_shared>> -> memref<10240x128xf32, #tpu.memory_space<vmem_shared>>
        tpu.wait_indirect_dma semaphore(%run_scoped3A : memref<!tpu.dma_semaphore, #tpu.memory_space<semaphore_mem>>) src(%arg10 : memref<64x128xf32, #tpu.memory_space<vmem>>) dst(%dma_wait3A_239 : memref<10240x128xf32, #tpu.memory_space<vmem_shared>>)
        tpu.yield
      }) : () -> ()
    }
    %scan3A_150 = arith.constant 20 : i32
    %barrier3A_151 = arith.constant 0 : index
    tpu.barrier barrier_id(%barrier3A_151)
    %add3A_152 = arith.constant 0 : i32
    %add3A_153 = arith.addi %mul3A_7, %add3A_152 : i32
    "tpu.region"() ({
      %run_scoped3A = tpu.sem_alloc : memref<!tpu.dma_semaphore, #tpu.memory_space<semaphore_mem>>
      %dma_start3A_172 = arith.constant 0 : i32
      %dma_start3A_173 = tpu.memref_slice %arg13[%add3A_153, %dma_start3A_172] : memref<10240x128xf32, #tpu.memory_space<vmem_shared>> -> memref<64x128xf32, #tpu.memory_space<vmem_shared>>
      %dma_start3A_174 = arith.constant 0 : i32
      %dma_start3A_175 = tpu.memref_slice %arg13[%add3A_153, %dma_start3A_174] : memref<10240x128xf32, #tpu.memory_space<vmem_shared>> -> memref<64x128xf32, #tpu.memory_space<vmem_shared>>
      tpu.enqueue_dma source(%dma_start3A_175 : memref<64x128xf32, #tpu.memory_space<vmem_shared>>) target(%arg9 : memref<64x128xf32, #tpu.memory_space<vmem>>) target_semaphore(%run_scoped3A : memref<!tpu.dma_semaphore, #tpu.memory_space<semaphore_mem>>)
      %dma_wait3A = arith.constant 0 : i32
      %dma_wait3A_176 = tpu.memref_slice %arg13[%add3A_153, %dma_wait3A] : memref<10240x128xf32, #tpu.memory_space<vmem_shared>> -> memref<64x128xf32, #tpu.memory_space<vmem_shared>>
      %dma_wait3A_177 = arith.constant 0 : i32
      %dma_wait3A_178 = tpu.memref_slice %arg13[%add3A_153, %dma_wait3A_177] : memref<10240x128xf32, #tpu.memory_space<vmem_shared>> -> memref<64x128xf32, #tpu.memory_space<vmem_shared>>
      tpu.wait_dma2 semaphore(%run_scoped3A : memref<!tpu.dma_semaphore, #tpu.memory_space<semaphore_mem>>) src(%dma_wait3A_178 : memref<64x128xf32, #tpu.memory_space<vmem_shared>>) dst(%arg9 : memref<64x128xf32, #tpu.memory_space<vmem>>)
      tpu.yield
    }) : () -> ()
    "tpu.region"() ({
      %run_scoped3A = tpu.sem_alloc : memref<!tpu.dma_semaphore, #tpu.memory_space<semaphore_mem>>
      %dma_start3A_172 = arith.constant 0 : i32
      %dma_start3A_173 = arith.constant 0 : i32
      %dma_start3A_174 = tpu.memref_slice %arg6[%arg0, %dma_start3A_172, %dma_start3A_173] : memref<2x10240x128xf32, #tpu.memory_space<hbm>> -> memref<1x10240x128xf32, #tpu.memory_space<hbm>>
      %dma_start3A_175 = tpu.memref_squeeze %dma_start3A_174 : memref<1x10240x128xf32, #tpu.memory_space<hbm>> -> memref<10240x128xf32, #tpu.memory_space<hbm>>
      %dma_start3A_176 = arith.constant 0 : i32
      %dma_start3A_177 = tpu.memref_slice %dma_start3A_175[%add3A_153, %dma_start3A_176] : memref<10240x128xf32, #tpu.memory_space<hbm>> -> memref<64x128xf32, #tpu.memory_space<hbm>>
      %dma_start3A_178 = arith.constant 0 : i32
      %dma_start3A_179 = arith.constant 0 : i32
      %dma_start3A_180 = tpu.memref_slice %arg6[%arg0, %dma_start3A_178, %dma_start3A_179] : memref<2x10240x128xf32, #tpu.memory_space<hbm>> -> memref<1x10240x128xf32, #tpu.memory_space<hbm>>
      %dma_start3A_181 = tpu.memref_squeeze %dma_start3A_180 : memref<1x10240x128xf32, #tpu.memory_space<hbm>> -> memref<10240x128xf32, #tpu.memory_space<hbm>>
      %dma_start3A_182 = arith.constant 0 : i32
      %dma_start3A_183 = tpu.memref_slice %dma_start3A_181[%add3A_153, %dma_start3A_182] : memref<10240x128xf32, #tpu.memory_space<hbm>> -> memref<64x128xf32, #tpu.memory_space<hbm>>
      tpu.enqueue_dma source(%arg9 : memref<64x128xf32, #tpu.memory_space<vmem>>) target(%dma_start3A_183 : memref<64x128xf32, #tpu.memory_space<hbm>>) target_semaphore(%run_scoped3A : memref<!tpu.dma_semaphore, #tpu.memory_space<semaphore_mem>>)
      %dma_wait3A = arith.constant 0 : i32
      %dma_wait3A_184 = arith.constant 0 : i32
      %dma_wait3A_185 = tpu.memref_slice %arg6[%arg0, %dma_wait3A, %dma_wait3A_184] : memref<2x10240x128xf32, #tpu.memory_space<hbm>> -> memref<1x10240x128xf32, #tpu.memory_space<hbm>>
      %dma_wait3A_186 = tpu.memref_squeeze %dma_wait3A_185 : memref<1x10240x128xf32, #tpu.memory_space<hbm>> -> memref<10240x128xf32, #tpu.memory_space<hbm>>
      %dma_wait3A_187 = arith.constant 0 : i32
      %dma_wait3A_188 = tpu.memref_slice %dma_wait3A_186[%add3A_153, %dma_wait3A_187] : memref<10240x128xf32, #tpu.memory_space<hbm>> -> memref<64x128xf32, #tpu.memory_space<hbm>>
      %dma_wait3A_189 = arith.constant 0 : i32
      %dma_wait3A_190 = arith.constant 0 : i32
      %dma_wait3A_191 = tpu.memref_slice %arg6[%arg0, %dma_wait3A_189, %dma_wait3A_190] : memref<2x10240x128xf32, #tpu.memory_space<hbm>> -> memref<1x10240x128xf32, #tpu.memory_space<hbm>>
      %dma_wait3A_192 = tpu.memref_squeeze %dma_wait3A_191 : memref<1x10240x128xf32, #tpu.memory_space<hbm>> -> memref<10240x128xf32, #tpu.memory_space<hbm>>
      %dma_wait3A_193 = arith.constant 0 : i32
      %dma_wait3A_194 = tpu.memref_slice %dma_wait3A_192[%add3A_153, %dma_wait3A_193] : memref<10240x128xf32, #tpu.memory_space<hbm>> -> memref<64x128xf32, #tpu.memory_space<hbm>>
      tpu.wait_dma2 semaphore(%run_scoped3A : memref<!tpu.dma_semaphore, #tpu.memory_space<semaphore_mem>>) src(%arg9 : memref<64x128xf32, #tpu.memory_space<vmem>>) dst(%dma_wait3A_194 : memref<64x128xf32, #tpu.memory_space<hbm>>)
      tpu.yield
    }) : () -> ()
    %add3A_154 = arith.constant 64 : i32
    %add3A_155 = arith.addi %mul3A_7, %add3A_154 : i32
    "tpu.region"() ({
      %run_scoped3A = tpu.sem_alloc : memref<!tpu.dma_semaphore, #tpu.memory_space<semaphore_mem>>
      %dma_start3A_172 = arith.constant 0 : i32
      %dma_start3A_173 = tpu.memref_slice %arg13[%add3A_155, %dma_start3A_172] : memref<10240x128xf32, #tpu.memory_space<vmem_shared>> -> memref<64x128xf32, #tpu.memory_space<vmem_shared>>
      %dma_start3A_174 = arith.constant 0 : i32
      %dma_start3A_175 = tpu.memref_slice %arg13[%add3A_155, %dma_start3A_174] : memref<10240x128xf32, #tpu.memory_space<vmem_shared>> -> memref<64x128xf32, #tpu.memory_space<vmem_shared>>
      tpu.enqueue_dma source(%dma_start3A_175 : memref<64x128xf32, #tpu.memory_space<vmem_shared>>) target(%arg9 : memref<64x128xf32, #tpu.memory_space<vmem>>) target_semaphore(%run_scoped3A : memref<!tpu.dma_semaphore, #tpu.memory_space<semaphore_mem>>)
      %dma_wait3A = arith.constant 0 : i32
      %dma_wait3A_176 = tpu.memref_slice %arg13[%add3A_155, %dma_wait3A] : memref<10240x128xf32, #tpu.memory_space<vmem_shared>> -> memref<64x128xf32, #tpu.memory_space<vmem_shared>>
      %dma_wait3A_177 = arith.constant 0 : i32
      %dma_wait3A_178 = tpu.memref_slice %arg13[%add3A_155, %dma_wait3A_177] : memref<10240x128xf32, #tpu.memory_space<vmem_shared>> -> memref<64x128xf32, #tpu.memory_space<vmem_shared>>
      tpu.wait_dma2 semaphore(%run_scoped3A : memref<!tpu.dma_semaphore, #tpu.memory_space<semaphore_mem>>) src(%dma_wait3A_178 : memref<64x128xf32, #tpu.memory_space<vmem_shared>>) dst(%arg9 : memref<64x128xf32, #tpu.memory_space<vmem>>)
      tpu.yield
    }) : () -> ()
    "tpu.region"() ({
      %run_scoped3A = tpu.sem_alloc : memref<!tpu.dma_semaphore, #tpu.memory_space<semaphore_mem>>
      %dma_start3A_172 = arith.constant 0 : i32
      %dma_start3A_173 = arith.constant 0 : i32
      %dma_start3A_174 = tpu.memref_slice %arg6[%arg0, %dma_start3A_172, %dma_start3A_173] : memref<2x10240x128xf32, #tpu.memory_space<hbm>> -> memref<1x10240x128xf32, #tpu.memory_space<hbm>>
      %dma_start3A_175 = tpu.memref_squeeze %dma_start3A_174 : memref<1x10240x128xf32, #tpu.memory_space<hbm>> -> memref<10240x128xf32, #tpu.memory_space<hbm>>
      %dma_start3A_176 = arith.constant 0 : i32
      %dma_start3A_177 = tpu.memref_slice %dma_start3A_175[%add3A_155, %dma_start3A_176] : memref<10240x128xf32, #tpu.memory_space<hbm>> -> memref<64x128xf32, #tpu.memory_space<hbm>>
      %dma_start3A_178 = arith.constant 0 : i32
      %dma_start3A_179 = arith.constant 0 : i32
      %dma_start3A_180 = tpu.memref_slice %arg6[%arg0, %dma_start3A_178, %dma_start3A_179] : memref<2x10240x128xf32, #tpu.memory_space<hbm>> -> memref<1x10240x128xf32, #tpu.memory_space<hbm>>
      %dma_start3A_181 = tpu.memref_squeeze %dma_start3A_180 : memref<1x10240x128xf32, #tpu.memory_space<hbm>> -> memref<10240x128xf32, #tpu.memory_space<hbm>>
      %dma_start3A_182 = arith.constant 0 : i32
      %dma_start3A_183 = tpu.memref_slice %dma_start3A_181[%add3A_155, %dma_start3A_182] : memref<10240x128xf32, #tpu.memory_space<hbm>> -> memref<64x128xf32, #tpu.memory_space<hbm>>
      tpu.enqueue_dma source(%arg9 : memref<64x128xf32, #tpu.memory_space<vmem>>) target(%dma_start3A_183 : memref<64x128xf32, #tpu.memory_space<hbm>>) target_semaphore(%run_scoped3A : memref<!tpu.dma_semaphore, #tpu.memory_space<semaphore_mem>>)
      %dma_wait3A = arith.constant 0 : i32
      %dma_wait3A_184 = arith.constant 0 : i32
      %dma_wait3A_185 = tpu.memref_slice %arg6[%arg0, %dma_wait3A, %dma_wait3A_184] : memref<2x10240x128xf32, #tpu.memory_space<hbm>> -> memref<1x10240x128xf32, #tpu.memory_space<hbm>>
      %dma_wait3A_186 = tpu.memref_squeeze %dma_wait3A_185 : memref<1x10240x128xf32, #tpu.memory_space<hbm>> -> memref<10240x128xf32, #tpu.memory_space<hbm>>
      %dma_wait3A_187 = arith.constant 0 : i32
      %dma_wait3A_188 = tpu.memref_slice %dma_wait3A_186[%add3A_155, %dma_wait3A_187] : memref<10240x128xf32, #tpu.memory_space<hbm>> -> memref<64x128xf32, #tpu.memory_space<hbm>>
      %dma_wait3A_189 = arith.constant 0 : i32
      %dma_wait3A_190 = arith.constant 0 : i32
      %dma_wait3A_191 = tpu.memref_slice %arg6[%arg0, %dma_wait3A_189, %dma_wait3A_190] : memref<2x10240x128xf32, #tpu.memory_space<hbm>> -> memref<1x10240x128xf32, #tpu.memory_space<hbm>>
      %dma_wait3A_192 = tpu.memref_squeeze %dma_wait3A_191 : memref<1x10240x128xf32, #tpu.memory_space<hbm>> -> memref<10240x128xf32, #tpu.memory_space<hbm>>
      %dma_wait3A_193 = arith.constant 0 : i32
      %dma_wait3A_194 = tpu.memref_slice %dma_wait3A_192[%add3A_155, %dma_wait3A_193] : memref<10240x128xf32, #tpu.memory_space<hbm>> -> memref<64x128xf32, #tpu.memory_space<hbm>>
      tpu.wait_dma2 semaphore(%run_scoped3A : memref<!tpu.dma_semaphore, #tpu.memory_space<semaphore_mem>>) src(%arg9 : memref<64x128xf32, #tpu.memory_space<vmem>>) dst(%dma_wait3A_194 : memref<64x128xf32, #tpu.memory_space<hbm>>)
      tpu.yield
    }) : () -> ()
    %add3A_156 = arith.constant 128 : i32
    %add3A_157 = arith.addi %mul3A_7, %add3A_156 : i32
    "tpu.region"() ({
      %run_scoped3A = tpu.sem_alloc : memref<!tpu.dma_semaphore, #tpu.memory_space<semaphore_mem>>
      %dma_start3A_172 = arith.constant 0 : i32
      %dma_start3A_173 = tpu.memref_slice %arg13[%add3A_157, %dma_start3A_172] : memref<10240x128xf32, #tpu.memory_space<vmem_shared>> -> memref<64x128xf32, #tpu.memory_space<vmem_shared>>
      %dma_start3A_174 = arith.constant 0 : i32
      %dma_start3A_175 = tpu.memref_slice %arg13[%add3A_157, %dma_start3A_174] : memref<10240x128xf32, #tpu.memory_space<vmem_shared>> -> memref<64x128xf32, #tpu.memory_space<vmem_shared>>
      tpu.enqueue_dma source(%dma_start3A_175 : memref<64x128xf32, #tpu.memory_space<vmem_shared>>) target(%arg9 : memref<64x128xf32, #tpu.memory_space<vmem>>) target_semaphore(%run_scoped3A : memref<!tpu.dma_semaphore, #tpu.memory_space<semaphore_mem>>)
      %dma_wait3A = arith.constant 0 : i32
      %dma_wait3A_176 = tpu.memref_slice %arg13[%add3A_157, %dma_wait3A] : memref<10240x128xf32, #tpu.memory_space<vmem_shared>> -> memref<64x128xf32, #tpu.memory_space<vmem_shared>>
      %dma_wait3A_177 = arith.constant 0 : i32
      %dma_wait3A_178 = tpu.memref_slice %arg13[%add3A_157, %dma_wait3A_177] : memref<10240x128xf32, #tpu.memory_space<vmem_shared>> -> memref<64x128xf32, #tpu.memory_space<vmem_shared>>
      tpu.wait_dma2 semaphore(%run_scoped3A : memref<!tpu.dma_semaphore, #tpu.memory_space<semaphore_mem>>) src(%dma_wait3A_178 : memref<64x128xf32, #tpu.memory_space<vmem_shared>>) dst(%arg9 : memref<64x128xf32, #tpu.memory_space<vmem>>)
      tpu.yield
    }) : () -> ()
    "tpu.region"() ({
      %run_scoped3A = tpu.sem_alloc : memref<!tpu.dma_semaphore, #tpu.memory_space<semaphore_mem>>
      %dma_start3A_172 = arith.constant 0 : i32
      %dma_start3A_173 = arith.constant 0 : i32
      %dma_start3A_174 = tpu.memref_slice %arg6[%arg0, %dma_start3A_172, %dma_start3A_173] : memref<2x10240x128xf32, #tpu.memory_space<hbm>> -> memref<1x10240x128xf32, #tpu.memory_space<hbm>>
      %dma_start3A_175 = tpu.memref_squeeze %dma_start3A_174 : memref<1x10240x128xf32, #tpu.memory_space<hbm>> -> memref<10240x128xf32, #tpu.memory_space<hbm>>
      %dma_start3A_176 = arith.constant 0 : i32
      %dma_start3A_177 = tpu.memref_slice %dma_start3A_175[%add3A_157, %dma_start3A_176] : memref<10240x128xf32, #tpu.memory_space<hbm>> -> memref<64x128xf32, #tpu.memory_space<hbm>>
      %dma_start3A_178 = arith.constant 0 : i32
      %dma_start3A_179 = arith.constant 0 : i32
      %dma_start3A_180 = tpu.memref_slice %arg6[%arg0, %dma_start3A_178, %dma_start3A_179] : memref<2x10240x128xf32, #tpu.memory_space<hbm>> -> memref<1x10240x128xf32, #tpu.memory_space<hbm>>
      %dma_start3A_181 = tpu.memref_squeeze %dma_start3A_180 : memref<1x10240x128xf32, #tpu.memory_space<hbm>> -> memref<10240x128xf32, #tpu.memory_space<hbm>>
      %dma_start3A_182 = arith.constant 0 : i32
      %dma_start3A_183 = tpu.memref_slice %dma_start3A_181[%add3A_157, %dma_start3A_182] : memref<10240x128xf32, #tpu.memory_space<hbm>> -> memref<64x128xf32, #tpu.memory_space<hbm>>
      tpu.enqueue_dma source(%arg9 : memref<64x128xf32, #tpu.memory_space<vmem>>) target(%dma_start3A_183 : memref<64x128xf32, #tpu.memory_space<hbm>>) target_semaphore(%run_scoped3A : memref<!tpu.dma_semaphore, #tpu.memory_space<semaphore_mem>>)
      %dma_wait3A = arith.constant 0 : i32
      %dma_wait3A_184 = arith.constant 0 : i32
      %dma_wait3A_185 = tpu.memref_slice %arg6[%arg0, %dma_wait3A, %dma_wait3A_184] : memref<2x10240x128xf32, #tpu.memory_space<hbm>> -> memref<1x10240x128xf32, #tpu.memory_space<hbm>>
      %dma_wait3A_186 = tpu.memref_squeeze %dma_wait3A_185 : memref<1x10240x128xf32, #tpu.memory_space<hbm>> -> memref<10240x128xf32, #tpu.memory_space<hbm>>
      %dma_wait3A_187 = arith.constant 0 : i32
      %dma_wait3A_188 = tpu.memref_slice %dma_wait3A_186[%add3A_157, %dma_wait3A_187] : memref<10240x128xf32, #tpu.memory_space<hbm>> -> memref<64x128xf32, #tpu.memory_space<hbm>>
      %dma_wait3A_189 = arith.constant 0 : i32
      %dma_wait3A_190 = arith.constant 0 : i32
      %dma_wait3A_191 = tpu.memref_slice %arg6[%arg0, %dma_wait3A_189, %dma_wait3A_190] : memref<2x10240x128xf32, #tpu.memory_space<hbm>> -> memref<1x10240x128xf32, #tpu.memory_space<hbm>>
      %dma_wait3A_192 = tpu.memref_squeeze %dma_wait3A_191 : memref<1x10240x128xf32, #tpu.memory_space<hbm>> -> memref<10240x128xf32, #tpu.memory_space<hbm>>
      %dma_wait3A_193 = arith.constant 0 : i32
      %dma_wait3A_194 = tpu.memref_slice %dma_wait3A_192[%add3A_157, %dma_wait3A_193] : memref<10240x128xf32, #tpu.memory_space<hbm>> -> memref<64x128xf32, #tpu.memory_space<hbm>>
      tpu.wait_dma2 semaphore(%run_scoped3A : memref<!tpu.dma_semaphore, #tpu.memory_space<semaphore_mem>>) src(%arg9 : memref<64x128xf32, #tpu.memory_space<vmem>>) dst(%dma_wait3A_194 : memref<64x128xf32, #tpu.memory_space<hbm>>)
      tpu.yield
    }) : () -> ()
    %add3A_158 = arith.constant 192 : i32
    %add3A_159 = arith.addi %mul3A_7, %add3A_158 : i32
    "tpu.region"() ({
      %run_scoped3A = tpu.sem_alloc : memref<!tpu.dma_semaphore, #tpu.memory_space<semaphore_mem>>
      %dma_start3A_172 = arith.constant 0 : i32
      %dma_start3A_173 = tpu.memref_slice %arg13[%add3A_159, %dma_start3A_172] : memref<10240x128xf32, #tpu.memory_space<vmem_shared>> -> memref<64x128xf32, #tpu.memory_space<vmem_shared>>
      %dma_start3A_174 = arith.constant 0 : i32
      %dma_start3A_175 = tpu.memref_slice %arg13[%add3A_159, %dma_start3A_174] : memref<10240x128xf32, #tpu.memory_space<vmem_shared>> -> memref<64x128xf32, #tpu.memory_space<vmem_shared>>
      tpu.enqueue_dma source(%dma_start3A_175 : memref<64x128xf32, #tpu.memory_space<vmem_shared>>) target(%arg9 : memref<64x128xf32, #tpu.memory_space<vmem>>) target_semaphore(%run_scoped3A : memref<!tpu.dma_semaphore, #tpu.memory_space<semaphore_mem>>)
      %dma_wait3A = arith.constant 0 : i32
      %dma_wait3A_176 = tpu.memref_slice %arg13[%add3A_159, %dma_wait3A] : memref<10240x128xf32, #tpu.memory_space<vmem_shared>> -> memref<64x128xf32, #tpu.memory_space<vmem_shared>>
      %dma_wait3A_177 = arith.constant 0 : i32
      %dma_wait3A_178 = tpu.memref_slice %arg13[%add3A_159, %dma_wait3A_177] : memref<10240x128xf32, #tpu.memory_space<vmem_shared>> -> memref<64x128xf32, #tpu.memory_space<vmem_shared>>
      tpu.wait_dma2 semaphore(%run_scoped3A : memref<!tpu.dma_semaphore, #tpu.memory_space<semaphore_mem>>) src(%dma_wait3A_178 : memref<64x128xf32, #tpu.memory_space<vmem_shared>>) dst(%arg9 : memref<64x128xf32, #tpu.memory_space<vmem>>)
      tpu.yield
    }) : () -> ()
    "tpu.region"() ({
      %run_scoped3A = tpu.sem_alloc : memref<!tpu.dma_semaphore, #tpu.memory_space<semaphore_mem>>
      %dma_start3A_172 = arith.constant 0 : i32
      %dma_start3A_173 = arith.constant 0 : i32
      %dma_start3A_174 = tpu.memref_slice %arg6[%arg0, %dma_start3A_172, %dma_start3A_173] : memref<2x10240x128xf32, #tpu.memory_space<hbm>> -> memref<1x10240x128xf32, #tpu.memory_space<hbm>>
      %dma_start3A_175 = tpu.memref_squeeze %dma_start3A_174 : memref<1x10240x128xf32, #tpu.memory_space<hbm>> -> memref<10240x128xf32, #tpu.memory_space<hbm>>
      %dma_start3A_176 = arith.constant 0 : i32
      %dma_start3A_177 = tpu.memref_slice %dma_start3A_175[%add3A_159, %dma_start3A_176] : memref<10240x128xf32, #tpu.memory_space<hbm>> -> memref<64x128xf32, #tpu.memory_space<hbm>>
      %dma_start3A_178 = arith.constant 0 : i32
      %dma_start3A_179 = arith.constant 0 : i32
      %dma_start3A_180 = tpu.memref_slice %arg6[%arg0, %dma_start3A_178, %dma_start3A_179] : memref<2x10240x128xf32, #tpu.memory_space<hbm>> -> memref<1x10240x128xf32, #tpu.memory_space<hbm>>
      %dma_start3A_181 = tpu.memref_squeeze %dma_start3A_180 : memref<1x10240x128xf32, #tpu.memory_space<hbm>> -> memref<10240x128xf32, #tpu.memory_space<hbm>>
      %dma_start3A_182 = arith.constant 0 : i32
      %dma_start3A_183 = tpu.memref_slice %dma_start3A_181[%add3A_159, %dma_start3A_182] : memref<10240x128xf32, #tpu.memory_space<hbm>> -> memref<64x128xf32, #tpu.memory_space<hbm>>
      tpu.enqueue_dma source(%arg9 : memref<64x128xf32, #tpu.memory_space<vmem>>) target(%dma_start3A_183 : memref<64x128xf32, #tpu.memory_space<hbm>>) target_semaphore(%run_scoped3A : memref<!tpu.dma_semaphore, #tpu.memory_space<semaphore_mem>>)
      %dma_wait3A = arith.constant 0 : i32
      %dma_wait3A_184 = arith.constant 0 : i32
      %dma_wait3A_185 = tpu.memref_slice %arg6[%arg0, %dma_wait3A, %dma_wait3A_184] : memref<2x10240x128xf32, #tpu.memory_space<hbm>> -> memref<1x10240x128xf32, #tpu.memory_space<hbm>>
      %dma_wait3A_186 = tpu.memref_squeeze %dma_wait3A_185 : memref<1x10240x128xf32, #tpu.memory_space<hbm>> -> memref<10240x128xf32, #tpu.memory_space<hbm>>
      %dma_wait3A_187 = arith.constant 0 : i32
      %dma_wait3A_188 = tpu.memref_slice %dma_wait3A_186[%add3A_159, %dma_wait3A_187] : memref<10240x128xf32, #tpu.memory_space<hbm>> -> memref<64x128xf32, #tpu.memory_space<hbm>>
      %dma_wait3A_189 = arith.constant 0 : i32
      %dma_wait3A_190 = arith.constant 0 : i32
      %dma_wait3A_191 = tpu.memref_slice %arg6[%arg0, %dma_wait3A_189, %dma_wait3A_190] : memref<2x10240x128xf32, #tpu.memory_space<hbm>> -> memref<1x10240x128xf32, #tpu.memory_space<hbm>>
      %dma_wait3A_192 = tpu.memref_squeeze %dma_wait3A_191 : memref<1x10240x128xf32, #tpu.memory_space<hbm>> -> memref<10240x128xf32, #tpu.memory_space<hbm>>
      %dma_wait3A_193 = arith.constant 0 : i32
      %dma_wait3A_194 = tpu.memref_slice %dma_wait3A_192[%add3A_159, %dma_wait3A_193] : memref<10240x128xf32, #tpu.memory_space<hbm>> -> memref<64x128xf32, #tpu.memory_space<hbm>>
      tpu.wait_dma2 semaphore(%run_scoped3A : memref<!tpu.dma_semaphore, #tpu.memory_space<semaphore_mem>>) src(%arg9 : memref<64x128xf32, #tpu.memory_space<vmem>>) dst(%dma_wait3A_194 : memref<64x128xf32, #tpu.memory_space<hbm>>)
      tpu.yield
    }) : () -> ()
    %add3A_160 = arith.constant 256 : i32
    %add3A_161 = arith.addi %mul3A_7, %add3A_160 : i32
    "tpu.region"() ({
      %run_scoped3A = tpu.sem_alloc : memref<!tpu.dma_semaphore, #tpu.memory_space<semaphore_mem>>
      %dma_start3A_172 = arith.constant 0 : i32
      %dma_start3A_173 = tpu.memref_slice %arg13[%add3A_161, %dma_start3A_172] : memref<10240x128xf32, #tpu.memory_space<vmem_shared>> -> memref<64x128xf32, #tpu.memory_space<vmem_shared>>
      %dma_start3A_174 = arith.constant 0 : i32
      %dma_start3A_175 = tpu.memref_slice %arg13[%add3A_161, %dma_start3A_174] : memref<10240x128xf32, #tpu.memory_space<vmem_shared>> -> memref<64x128xf32, #tpu.memory_space<vmem_shared>>
      tpu.enqueue_dma source(%dma_start3A_175 : memref<64x128xf32, #tpu.memory_space<vmem_shared>>) target(%arg9 : memref<64x128xf32, #tpu.memory_space<vmem>>) target_semaphore(%run_scoped3A : memref<!tpu.dma_semaphore, #tpu.memory_space<semaphore_mem>>)
      %dma_wait3A = arith.constant 0 : i32
      %dma_wait3A_176 = tpu.memref_slice %arg13[%add3A_161, %dma_wait3A] : memref<10240x128xf32, #tpu.memory_space<vmem_shared>> -> memref<64x128xf32, #tpu.memory_space<vmem_shared>>
      %dma_wait3A_177 = arith.constant 0 : i32
      %dma_wait3A_178 = tpu.memref_slice %arg13[%add3A_161, %dma_wait3A_177] : memref<10240x128xf32, #tpu.memory_space<vmem_shared>> -> memref<64x128xf32, #tpu.memory_space<vmem_shared>>
      tpu.wait_dma2 semaphore(%run_scoped3A : memref<!tpu.dma_semaphore, #tpu.memory_space<semaphore_mem>>) src(%dma_wait3A_178 : memref<64x128xf32, #tpu.memory_space<vmem_shared>>) dst(%arg9 : memref<64x128xf32, #tpu.memory_space<vmem>>)
      tpu.yield
    }) : () -> ()
    "tpu.region"() ({
      %run_scoped3A = tpu.sem_alloc : memref<!tpu.dma_semaphore, #tpu.memory_space<semaphore_mem>>
      %dma_start3A_172 = arith.constant 0 : i32
      %dma_start3A_173 = arith.constant 0 : i32
      %dma_start3A_174 = tpu.memref_slice %arg6[%arg0, %dma_start3A_172, %dma_start3A_173] : memref<2x10240x128xf32, #tpu.memory_space<hbm>> -> memref<1x10240x128xf32, #tpu.memory_space<hbm>>
      %dma_start3A_175 = tpu.memref_squeeze %dma_start3A_174 : memref<1x10240x128xf32, #tpu.memory_space<hbm>> -> memref<10240x128xf32, #tpu.memory_space<hbm>>
      %dma_start3A_176 = arith.constant 0 : i32
      %dma_start3A_177 = tpu.memref_slice %dma_start3A_175[%add3A_161, %dma_start3A_176] : memref<10240x128xf32, #tpu.memory_space<hbm>> -> memref<64x128xf32, #tpu.memory_space<hbm>>
      %dma_start3A_178 = arith.constant 0 : i32
      %dma_start3A_179 = arith.constant 0 : i32
      %dma_start3A_180 = tpu.memref_slice %arg6[%arg0, %dma_start3A_178, %dma_start3A_179] : memref<2x10240x128xf32, #tpu.memory_space<hbm>> -> memref<1x10240x128xf32, #tpu.memory_space<hbm>>
      %dma_start3A_181 = tpu.memref_squeeze %dma_start3A_180 : memref<1x10240x128xf32, #tpu.memory_space<hbm>> -> memref<10240x128xf32, #tpu.memory_space<hbm>>
      %dma_start3A_182 = arith.constant 0 : i32
      %dma_start3A_183 = tpu.memref_slice %dma_start3A_181[%add3A_161, %dma_start3A_182] : memref<10240x128xf32, #tpu.memory_space<hbm>> -> memref<64x128xf32, #tpu.memory_space<hbm>>
      tpu.enqueue_dma source(%arg9 : memref<64x128xf32, #tpu.memory_space<vmem>>) target(%dma_start3A_183 : memref<64x128xf32, #tpu.memory_space<hbm>>) target_semaphore(%run_scoped3A : memref<!tpu.dma_semaphore, #tpu.memory_space<semaphore_mem>>)
      %dma_wait3A = arith.constant 0 : i32
      %dma_wait3A_184 = arith.constant 0 : i32
      %dma_wait3A_185 = tpu.memref_slice %arg6[%arg0, %dma_wait3A, %dma_wait3A_184] : memref<2x10240x128xf32, #tpu.memory_space<hbm>> -> memref<1x10240x128xf32, #tpu.memory_space<hbm>>
      %dma_wait3A_186 = tpu.memref_squeeze %dma_wait3A_185 : memref<1x10240x128xf32, #tpu.memory_space<hbm>> -> memref<10240x128xf32, #tpu.memory_space<hbm>>
      %dma_wait3A_187 = arith.constant 0 : i32
      %dma_wait3A_188 = tpu.memref_slice %dma_wait3A_186[%add3A_161, %dma_wait3A_187] : memref<10240x128xf32, #tpu.memory_space<hbm>> -> memref<64x128xf32, #tpu.memory_space<hbm>>
      %dma_wait3A_189 = arith.constant 0 : i32
      %dma_wait3A_190 = arith.constant 0 : i32
      %dma_wait3A_191 = tpu.memref_slice %arg6[%arg0, %dma_wait3A_189, %dma_wait3A_190] : memref<2x10240x128xf32, #tpu.memory_space<hbm>> -> memref<1x10240x128xf32, #tpu.memory_space<hbm>>
      %dma_wait3A_192 = tpu.memref_squeeze %dma_wait3A_191 : memref<1x10240x128xf32, #tpu.memory_space<hbm>> -> memref<10240x128xf32, #tpu.memory_space<hbm>>
      %dma_wait3A_193 = arith.constant 0 : i32
      %dma_wait3A_194 = tpu.memref_slice %dma_wait3A_192[%add3A_161, %dma_wait3A_193] : memref<10240x128xf32, #tpu.memory_space<hbm>> -> memref<64x128xf32, #tpu.memory_space<hbm>>
      tpu.wait_dma2 semaphore(%run_scoped3A : memref<!tpu.dma_semaphore, #tpu.memory_space<semaphore_mem>>) src(%arg9 : memref<64x128xf32, #tpu.memory_space<vmem>>) dst(%dma_wait3A_194 : memref<64x128xf32, #tpu.memory_space<hbm>>)
      tpu.yield
    }) : () -> ()
    %add3A_162 = arith.constant 320 : i32
    %add3A_163 = arith.addi %mul3A_7, %add3A_162 : i32
    "tpu.region"() ({
      %run_scoped3A = tpu.sem_alloc : memref<!tpu.dma_semaphore, #tpu.memory_space<semaphore_mem>>
      %dma_start3A_172 = arith.constant 0 : i32
      %dma_start3A_173 = tpu.memref_slice %arg13[%add3A_163, %dma_start3A_172] : memref<10240x128xf32, #tpu.memory_space<vmem_shared>> -> memref<64x128xf32, #tpu.memory_space<vmem_shared>>
      %dma_start3A_174 = arith.constant 0 : i32
      %dma_start3A_175 = tpu.memref_slice %arg13[%add3A_163, %dma_start3A_174] : memref<10240x128xf32, #tpu.memory_space<vmem_shared>> -> memref<64x128xf32, #tpu.memory_space<vmem_shared>>
      tpu.enqueue_dma source(%dma_start3A_175 : memref<64x128xf32, #tpu.memory_space<vmem_shared>>) target(%arg9 : memref<64x128xf32, #tpu.memory_space<vmem>>) target_semaphore(%run_scoped3A : memref<!tpu.dma_semaphore, #tpu.memory_space<semaphore_mem>>)
      %dma_wait3A = arith.constant 0 : i32
      %dma_wait3A_176 = tpu.memref_slice %arg13[%add3A_163, %dma_wait3A] : memref<10240x128xf32, #tpu.memory_space<vmem_shared>> -> memref<64x128xf32, #tpu.memory_space<vmem_shared>>
      %dma_wait3A_177 = arith.constant 0 : i32
      %dma_wait3A_178 = tpu.memref_slice %arg13[%add3A_163, %dma_wait3A_177] : memref<10240x128xf32, #tpu.memory_space<vmem_shared>> -> memref<64x128xf32, #tpu.memory_space<vmem_shared>>
      tpu.wait_dma2 semaphore(%run_scoped3A : memref<!tpu.dma_semaphore, #tpu.memory_space<semaphore_mem>>) src(%dma_wait3A_178 : memref<64x128xf32, #tpu.memory_space<vmem_shared>>) dst(%arg9 : memref<64x128xf32, #tpu.memory_space<vmem>>)
      tpu.yield
    }) : () -> ()
    "tpu.region"() ({
      %run_scoped3A = tpu.sem_alloc : memref<!tpu.dma_semaphore, #tpu.memory_space<semaphore_mem>>
      %dma_start3A_172 = arith.constant 0 : i32
      %dma_start3A_173 = arith.constant 0 : i32
      %dma_start3A_174 = tpu.memref_slice %arg6[%arg0, %dma_start3A_172, %dma_start3A_173] : memref<2x10240x128xf32, #tpu.memory_space<hbm>> -> memref<1x10240x128xf32, #tpu.memory_space<hbm>>
      %dma_start3A_175 = tpu.memref_squeeze %dma_start3A_174 : memref<1x10240x128xf32, #tpu.memory_space<hbm>> -> memref<10240x128xf32, #tpu.memory_space<hbm>>
      %dma_start3A_176 = arith.constant 0 : i32
      %dma_start3A_177 = tpu.memref_slice %dma_start3A_175[%add3A_163, %dma_start3A_176] : memref<10240x128xf32, #tpu.memory_space<hbm>> -> memref<64x128xf32, #tpu.memory_space<hbm>>
      %dma_start3A_178 = arith.constant 0 : i32
      %dma_start3A_179 = arith.constant 0 : i32
      %dma_start3A_180 = tpu.memref_slice %arg6[%arg0, %dma_start3A_178, %dma_start3A_179] : memref<2x10240x128xf32, #tpu.memory_space<hbm>> -> memref<1x10240x128xf32, #tpu.memory_space<hbm>>
      %dma_start3A_181 = tpu.memref_squeeze %dma_start3A_180 : memref<1x10240x128xf32, #tpu.memory_space<hbm>> -> memref<10240x128xf32, #tpu.memory_space<hbm>>
      %dma_start3A_182 = arith.constant 0 : i32
      %dma_start3A_183 = tpu.memref_slice %dma_start3A_181[%add3A_163, %dma_start3A_182] : memref<10240x128xf32, #tpu.memory_space<hbm>> -> memref<64x128xf32, #tpu.memory_space<hbm>>
      tpu.enqueue_dma source(%arg9 : memref<64x128xf32, #tpu.memory_space<vmem>>) target(%dma_start3A_183 : memref<64x128xf32, #tpu.memory_space<hbm>>) target_semaphore(%run_scoped3A : memref<!tpu.dma_semaphore, #tpu.memory_space<semaphore_mem>>)
      %dma_wait3A = arith.constant 0 : i32
      %dma_wait3A_184 = arith.constant 0 : i32
      %dma_wait3A_185 = tpu.memref_slice %arg6[%arg0, %dma_wait3A, %dma_wait3A_184] : memref<2x10240x128xf32, #tpu.memory_space<hbm>> -> memref<1x10240x128xf32, #tpu.memory_space<hbm>>
      %dma_wait3A_186 = tpu.memref_squeeze %dma_wait3A_185 : memref<1x10240x128xf32, #tpu.memory_space<hbm>> -> memref<10240x128xf32, #tpu.memory_space<hbm>>
      %dma_wait3A_187 = arith.constant 0 : i32
      %dma_wait3A_188 = tpu.memref_slice %dma_wait3A_186[%add3A_163, %dma_wait3A_187] : memref<10240x128xf32, #tpu.memory_space<hbm>> -> memref<64x128xf32, #tpu.memory_space<hbm>>
      %dma_wait3A_189 = arith.constant 0 : i32
      %dma_wait3A_190 = arith.constant 0 : i32
      %dma_wait3A_191 = tpu.memref_slice %arg6[%arg0, %dma_wait3A_189, %dma_wait3A_190] : memref<2x10240x128xf32, #tpu.memory_space<hbm>> -> memref<1x10240x128xf32, #tpu.memory_space<hbm>>
      %dma_wait3A_192 = tpu.memref_squeeze %dma_wait3A_191 : memref<1x10240x128xf32, #tpu.memory_space<hbm>> -> memref<10240x128xf32, #tpu.memory_space<hbm>>
      %dma_wait3A_193 = arith.constant 0 : i32
      %dma_wait3A_194 = tpu.memref_slice %dma_wait3A_192[%add3A_163, %dma_wait3A_193] : memref<10240x128xf32, #tpu.memory_space<hbm>> -> memref<64x128xf32, #tpu.memory_space<hbm>>
      tpu.wait_dma2 semaphore(%run_scoped3A : memref<!tpu.dma_semaphore, #tpu.memory_space<semaphore_mem>>) src(%arg9 : memref<64x128xf32, #tpu.memory_space<vmem>>) dst(%dma_wait3A_194 : memref<64x128xf32, #tpu.memory_space<hbm>>)
      tpu.yield
    }) : () -> ()
    %add3A_164 = arith.constant 384 : i32
    %add3A_165 = arith.addi %mul3A_7, %add3A_164 : i32
    "tpu.region"() ({
      %run_scoped3A = tpu.sem_alloc : memref<!tpu.dma_semaphore, #tpu.memory_space<semaphore_mem>>
      %dma_start3A_172 = arith.constant 0 : i32
      %dma_start3A_173 = tpu.memref_slice %arg13[%add3A_165, %dma_start3A_172] : memref<10240x128xf32, #tpu.memory_space<vmem_shared>> -> memref<64x128xf32, #tpu.memory_space<vmem_shared>>
      %dma_start3A_174 = arith.constant 0 : i32
      %dma_start3A_175 = tpu.memref_slice %arg13[%add3A_165, %dma_start3A_174] : memref<10240x128xf32, #tpu.memory_space<vmem_shared>> -> memref<64x128xf32, #tpu.memory_space<vmem_shared>>
      tpu.enqueue_dma source(%dma_start3A_175 : memref<64x128xf32, #tpu.memory_space<vmem_shared>>) target(%arg9 : memref<64x128xf32, #tpu.memory_space<vmem>>) target_semaphore(%run_scoped3A : memref<!tpu.dma_semaphore, #tpu.memory_space<semaphore_mem>>)
      %dma_wait3A = arith.constant 0 : i32
      %dma_wait3A_176 = tpu.memref_slice %arg13[%add3A_165, %dma_wait3A] : memref<10240x128xf32, #tpu.memory_space<vmem_shared>> -> memref<64x128xf32, #tpu.memory_space<vmem_shared>>
      %dma_wait3A_177 = arith.constant 0 : i32
      %dma_wait3A_178 = tpu.memref_slice %arg13[%add3A_165, %dma_wait3A_177] : memref<10240x128xf32, #tpu.memory_space<vmem_shared>> -> memref<64x128xf32, #tpu.memory_space<vmem_shared>>
      tpu.wait_dma2 semaphore(%run_scoped3A : memref<!tpu.dma_semaphore, #tpu.memory_space<semaphore_mem>>) src(%dma_wait3A_178 : memref<64x128xf32, #tpu.memory_space<vmem_shared>>) dst(%arg9 : memref<64x128xf32, #tpu.memory_space<vmem>>)
      tpu.yield
    }) : () -> ()
    "tpu.region"() ({
      %run_scoped3A = tpu.sem_alloc : memref<!tpu.dma_semaphore, #tpu.memory_space<semaphore_mem>>
      %dma_start3A_172 = arith.constant 0 : i32
      %dma_start3A_173 = arith.constant 0 : i32
      %dma_start3A_174 = tpu.memref_slice %arg6[%arg0, %dma_start3A_172, %dma_start3A_173] : memref<2x10240x128xf32, #tpu.memory_space<hbm>> -> memref<1x10240x128xf32, #tpu.memory_space<hbm>>
      %dma_start3A_175 = tpu.memref_squeeze %dma_start3A_174 : memref<1x10240x128xf32, #tpu.memory_space<hbm>> -> memref<10240x128xf32, #tpu.memory_space<hbm>>
      %dma_start3A_176 = arith.constant 0 : i32
      %dma_start3A_177 = tpu.memref_slice %dma_start3A_175[%add3A_165, %dma_start3A_176] : memref<10240x128xf32, #tpu.memory_space<hbm>> -> memref<64x128xf32, #tpu.memory_space<hbm>>
      %dma_start3A_178 = arith.constant 0 : i32
      %dma_start3A_179 = arith.constant 0 : i32
      %dma_start3A_180 = tpu.memref_slice %arg6[%arg0, %dma_start3A_178, %dma_start3A_179] : memref<2x10240x128xf32, #tpu.memory_space<hbm>> -> memref<1x10240x128xf32, #tpu.memory_space<hbm>>
      %dma_start3A_181 = tpu.memref_squeeze %dma_start3A_180 : memref<1x10240x128xf32, #tpu.memory_space<hbm>> -> memref<10240x128xf32, #tpu.memory_space<hbm>>
      %dma_start3A_182 = arith.constant 0 : i32
      %dma_start3A_183 = tpu.memref_slice %dma_start3A_181[%add3A_165, %dma_start3A_182] : memref<10240x128xf32, #tpu.memory_space<hbm>> -> memref<64x128xf32, #tpu.memory_space<hbm>>
      tpu.enqueue_dma source(%arg9 : memref<64x128xf32, #tpu.memory_space<vmem>>) target(%dma_start3A_183 : memref<64x128xf32, #tpu.memory_space<hbm>>) target_semaphore(%run_scoped3A : memref<!tpu.dma_semaphore, #tpu.memory_space<semaphore_mem>>)
      %dma_wait3A = arith.constant 0 : i32
      %dma_wait3A_184 = arith.constant 0 : i32
      %dma_wait3A_185 = tpu.memref_slice %arg6[%arg0, %dma_wait3A, %dma_wait3A_184] : memref<2x10240x128xf32, #tpu.memory_space<hbm>> -> memref<1x10240x128xf32, #tpu.memory_space<hbm>>
      %dma_wait3A_186 = tpu.memref_squeeze %dma_wait3A_185 : memref<1x10240x128xf32, #tpu.memory_space<hbm>> -> memref<10240x128xf32, #tpu.memory_space<hbm>>
      %dma_wait3A_187 = arith.constant 0 : i32
      %dma_wait3A_188 = tpu.memref_slice %dma_wait3A_186[%add3A_165, %dma_wait3A_187] : memref<10240x128xf32, #tpu.memory_space<hbm>> -> memref<64x128xf32, #tpu.memory_space<hbm>>
      %dma_wait3A_189 = arith.constant 0 : i32
      %dma_wait3A_190 = arith.constant 0 : i32
      %dma_wait3A_191 = tpu.memref_slice %arg6[%arg0, %dma_wait3A_189, %dma_wait3A_190] : memref<2x10240x128xf32, #tpu.memory_space<hbm>> -> memref<1x10240x128xf32, #tpu.memory_space<hbm>>
      %dma_wait3A_192 = tpu.memref_squeeze %dma_wait3A_191 : memref<1x10240x128xf32, #tpu.memory_space<hbm>> -> memref<10240x128xf32, #tpu.memory_space<hbm>>
      %dma_wait3A_193 = arith.constant 0 : i32
      %dma_wait3A_194 = tpu.memref_slice %dma_wait3A_192[%add3A_165, %dma_wait3A_193] : memref<10240x128xf32, #tpu.memory_space<hbm>> -> memref<64x128xf32, #tpu.memory_space<hbm>>
      tpu.wait_dma2 semaphore(%run_scoped3A : memref<!tpu.dma_semaphore, #tpu.memory_space<semaphore_mem>>) src(%arg9 : memref<64x128xf32, #tpu.memory_space<vmem>>) dst(%dma_wait3A_194 : memref<64x128xf32, #tpu.memory_space<hbm>>)
      tpu.yield
    }) : () -> ()
    %add3A_166 = arith.constant 448 : i32
    %add3A_167 = arith.addi %mul3A_7, %add3A_166 : i32
    "tpu.region"() ({
      %run_scoped3A = tpu.sem_alloc : memref<!tpu.dma_semaphore, #tpu.memory_space<semaphore_mem>>
      %dma_start3A_172 = arith.constant 0 : i32
      %dma_start3A_173 = tpu.memref_slice %arg13[%add3A_167, %dma_start3A_172] : memref<10240x128xf32, #tpu.memory_space<vmem_shared>> -> memref<64x128xf32, #tpu.memory_space<vmem_shared>>
      %dma_start3A_174 = arith.constant 0 : i32
      %dma_start3A_175 = tpu.memref_slice %arg13[%add3A_167, %dma_start3A_174] : memref<10240x128xf32, #tpu.memory_space<vmem_shared>> -> memref<64x128xf32, #tpu.memory_space<vmem_shared>>
      tpu.enqueue_dma source(%dma_start3A_175 : memref<64x128xf32, #tpu.memory_space<vmem_shared>>) target(%arg9 : memref<64x128xf32, #tpu.memory_space<vmem>>) target_semaphore(%run_scoped3A : memref<!tpu.dma_semaphore, #tpu.memory_space<semaphore_mem>>)
      %dma_wait3A = arith.constant 0 : i32
      %dma_wait3A_176 = tpu.memref_slice %arg13[%add3A_167, %dma_wait3A] : memref<10240x128xf32, #tpu.memory_space<vmem_shared>> -> memref<64x128xf32, #tpu.memory_space<vmem_shared>>
      %dma_wait3A_177 = arith.constant 0 : i32
      %dma_wait3A_178 = tpu.memref_slice %arg13[%add3A_167, %dma_wait3A_177] : memref<10240x128xf32, #tpu.memory_space<vmem_shared>> -> memref<64x128xf32, #tpu.memory_space<vmem_shared>>
      tpu.wait_dma2 semaphore(%run_scoped3A : memref<!tpu.dma_semaphore, #tpu.memory_space<semaphore_mem>>) src(%dma_wait3A_178 : memref<64x128xf32, #tpu.memory_space<vmem_shared>>) dst(%arg9 : memref<64x128xf32, #tpu.memory_space<vmem>>)
      tpu.yield
    }) : () -> ()
    "tpu.region"() ({
      %run_scoped3A = tpu.sem_alloc : memref<!tpu.dma_semaphore, #tpu.memory_space<semaphore_mem>>
      %dma_start3A_172 = arith.constant 0 : i32
      %dma_start3A_173 = arith.constant 0 : i32
      %dma_start3A_174 = tpu.memref_slice %arg6[%arg0, %dma_start3A_172, %dma_start3A_173] : memref<2x10240x128xf32, #tpu.memory_space<hbm>> -> memref<1x10240x128xf32, #tpu.memory_space<hbm>>
      %dma_start3A_175 = tpu.memref_squeeze %dma_start3A_174 : memref<1x10240x128xf32, #tpu.memory_space<hbm>> -> memref<10240x128xf32, #tpu.memory_space<hbm>>
      %dma_start3A_176 = arith.constant 0 : i32
      %dma_start3A_177 = tpu.memref_slice %dma_start3A_175[%add3A_167, %dma_start3A_176] : memref<10240x128xf32, #tpu.memory_space<hbm>> -> memref<64x128xf32, #tpu.memory_space<hbm>>
      %dma_start3A_178 = arith.constant 0 : i32
      %dma_start3A_179 = arith.constant 0 : i32
      %dma_start3A_180 = tpu.memref_slice %arg6[%arg0, %dma_start3A_178, %dma_start3A_179] : memref<2x10240x128xf32, #tpu.memory_space<hbm>> -> memref<1x10240x128xf32, #tpu.memory_space<hbm>>
      %dma_start3A_181 = tpu.memref_squeeze %dma_start3A_180 : memref<1x10240x128xf32, #tpu.memory_space<hbm>> -> memref<10240x128xf32, #tpu.memory_space<hbm>>
      %dma_start3A_182 = arith.constant 0 : i32
      %dma_start3A_183 = tpu.memref_slice %dma_start3A_181[%add3A_167, %dma_start3A_182] : memref<10240x128xf32, #tpu.memory_space<hbm>> -> memref<64x128xf32, #tpu.memory_space<hbm>>
      tpu.enqueue_dma source(%arg9 : memref<64x128xf32, #tpu.memory_space<vmem>>) target(%dma_start3A_183 : memref<64x128xf32, #tpu.memory_space<hbm>>) target_semaphore(%run_scoped3A : memref<!tpu.dma_semaphore, #tpu.memory_space<semaphore_mem>>)
      %dma_wait3A = arith.constant 0 : i32
      %dma_wait3A_184 = arith.constant 0 : i32
      %dma_wait3A_185 = tpu.memref_slice %arg6[%arg0, %dma_wait3A, %dma_wait3A_184] : memref<2x10240x128xf32, #tpu.memory_space<hbm>> -> memref<1x10240x128xf32, #tpu.memory_space<hbm>>
      %dma_wait3A_186 = tpu.memref_squeeze %dma_wait3A_185 : memref<1x10240x128xf32, #tpu.memory_space<hbm>> -> memref<10240x128xf32, #tpu.memory_space<hbm>>
      %dma_wait3A_187 = arith.constant 0 : i32
      %dma_wait3A_188 = tpu.memref_slice %dma_wait3A_186[%add3A_167, %dma_wait3A_187] : memref<10240x128xf32, #tpu.memory_space<hbm>> -> memref<64x128xf32, #tpu.memory_space<hbm>>
      %dma_wait3A_189 = arith.constant 0 : i32
      %dma_wait3A_190 = arith.constant 0 : i32
      %dma_wait3A_191 = tpu.memref_slice %arg6[%arg0, %dma_wait3A_189, %dma_wait3A_190] : memref<2x10240x128xf32, #tpu.memory_space<hbm>> -> memref<1x10240x128xf32, #tpu.memory_space<hbm>>
      %dma_wait3A_192 = tpu.memref_squeeze %dma_wait3A_191 : memref<1x10240x128xf32, #tpu.memory_space<hbm>> -> memref<10240x128xf32, #tpu.memory_space<hbm>>
      %dma_wait3A_193 = arith.constant 0 : i32
      %dma_wait3A_194 = tpu.memref_slice %dma_wait3A_192[%add3A_167, %dma_wait3A_193] : memref<10240x128xf32, #tpu.memory_space<hbm>> -> memref<64x128xf32, #tpu.memory_space<hbm>>
      tpu.wait_dma2 semaphore(%run_scoped3A : memref<!tpu.dma_semaphore, #tpu.memory_space<semaphore_mem>>) src(%arg9 : memref<64x128xf32, #tpu.memory_space<vmem>>) dst(%dma_wait3A_194 : memref<64x128xf32, #tpu.memory_space<hbm>>)
      tpu.yield
    }) : () -> ()
    %add3A_168 = arith.constant 512 : i32
    %add3A_169 = arith.addi %mul3A_7, %add3A_168 : i32
    "tpu.region"() ({
      %run_scoped3A = tpu.sem_alloc : memref<!tpu.dma_semaphore, #tpu.memory_space<semaphore_mem>>
      %dma_start3A_172 = arith.constant 0 : i32
      %dma_start3A_173 = tpu.memref_slice %arg13[%add3A_169, %dma_start3A_172] : memref<10240x128xf32, #tpu.memory_space<vmem_shared>> -> memref<64x128xf32, #tpu.memory_space<vmem_shared>>
      %dma_start3A_174 = arith.constant 0 : i32
      %dma_start3A_175 = tpu.memref_slice %arg13[%add3A_169, %dma_start3A_174] : memref<10240x128xf32, #tpu.memory_space<vmem_shared>> -> memref<64x128xf32, #tpu.memory_space<vmem_shared>>
      tpu.enqueue_dma source(%dma_start3A_175 : memref<64x128xf32, #tpu.memory_space<vmem_shared>>) target(%arg9 : memref<64x128xf32, #tpu.memory_space<vmem>>) target_semaphore(%run_scoped3A : memref<!tpu.dma_semaphore, #tpu.memory_space<semaphore_mem>>)
      %dma_wait3A = arith.constant 0 : i32
      %dma_wait3A_176 = tpu.memref_slice %arg13[%add3A_169, %dma_wait3A] : memref<10240x128xf32, #tpu.memory_space<vmem_shared>> -> memref<64x128xf32, #tpu.memory_space<vmem_shared>>
      %dma_wait3A_177 = arith.constant 0 : i32
      %dma_wait3A_178 = tpu.memref_slice %arg13[%add3A_169, %dma_wait3A_177] : memref<10240x128xf32, #tpu.memory_space<vmem_shared>> -> memref<64x128xf32, #tpu.memory_space<vmem_shared>>
      tpu.wait_dma2 semaphore(%run_scoped3A : memref<!tpu.dma_semaphore, #tpu.memory_space<semaphore_mem>>) src(%dma_wait3A_178 : memref<64x128xf32, #tpu.memory_space<vmem_shared>>) dst(%arg9 : memref<64x128xf32, #tpu.memory_space<vmem>>)
      tpu.yield
    }) : () -> ()
    "tpu.region"() ({
      %run_scoped3A = tpu.sem_alloc : memref<!tpu.dma_semaphore, #tpu.memory_space<semaphore_mem>>
      %dma_start3A_172 = arith.constant 0 : i32
      %dma_start3A_173 = arith.constant 0 : i32
      %dma_start3A_174 = tpu.memref_slice %arg6[%arg0, %dma_start3A_172, %dma_start3A_173] : memref<2x10240x128xf32, #tpu.memory_space<hbm>> -> memref<1x10240x128xf32, #tpu.memory_space<hbm>>
      %dma_start3A_175 = tpu.memref_squeeze %dma_start3A_174 : memref<1x10240x128xf32, #tpu.memory_space<hbm>> -> memref<10240x128xf32, #tpu.memory_space<hbm>>
      %dma_start3A_176 = arith.constant 0 : i32
      %dma_start3A_177 = tpu.memref_slice %dma_start3A_175[%add3A_169, %dma_start3A_176] : memref<10240x128xf32, #tpu.memory_space<hbm>> -> memref<64x128xf32, #tpu.memory_space<hbm>>
      %dma_start3A_178 = arith.constant 0 : i32
      %dma_start3A_179 = arith.constant 0 : i32
      %dma_start3A_180 = tpu.memref_slice %arg6[%arg0, %dma_start3A_178, %dma_start3A_179] : memref<2x10240x128xf32, #tpu.memory_space<hbm>> -> memref<1x10240x128xf32, #tpu.memory_space<hbm>>
      %dma_start3A_181 = tpu.memref_squeeze %dma_start3A_180 : memref<1x10240x128xf32, #tpu.memory_space<hbm>> -> memref<10240x128xf32, #tpu.memory_space<hbm>>
      %dma_start3A_182 = arith.constant 0 : i32
      %dma_start3A_183 = tpu.memref_slice %dma_start3A_181[%add3A_169, %dma_start3A_182] : memref<10240x128xf32, #tpu.memory_space<hbm>> -> memref<64x128xf32, #tpu.memory_space<hbm>>
      tpu.enqueue_dma source(%arg9 : memref<64x128xf32, #tpu.memory_space<vmem>>) target(%dma_start3A_183 : memref<64x128xf32, #tpu.memory_space<hbm>>) target_semaphore(%run_scoped3A : memref<!tpu.dma_semaphore, #tpu.memory_space<semaphore_mem>>)
      %dma_wait3A = arith.constant 0 : i32
      %dma_wait3A_184 = arith.constant 0 : i32
      %dma_wait3A_185 = tpu.memref_slice %arg6[%arg0, %dma_wait3A, %dma_wait3A_184] : memref<2x10240x128xf32, #tpu.memory_space<hbm>> -> memref<1x10240x128xf32, #tpu.memory_space<hbm>>
      %dma_wait3A_186 = tpu.memref_squeeze %dma_wait3A_185 : memref<1x10240x128xf32, #tpu.memory_space<hbm>> -> memref<10240x128xf32, #tpu.memory_space<hbm>>
      %dma_wait3A_187 = arith.constant 0 : i32
      %dma_wait3A_188 = tpu.memref_slice %dma_wait3A_186[%add3A_169, %dma_wait3A_187] : memref<10240x128xf32, #tpu.memory_space<hbm>> -> memref<64x128xf32, #tpu.memory_space<hbm>>
      %dma_wait3A_189 = arith.constant 0 : i32
      %dma_wait3A_190 = arith.constant 0 : i32
      %dma_wait3A_191 = tpu.memref_slice %arg6[%arg0, %dma_wait3A_189, %dma_wait3A_190] : memref<2x10240x128xf32, #tpu.memory_space<hbm>> -> memref<1x10240x128xf32, #tpu.memory_space<hbm>>
      %dma_wait3A_192 = tpu.memref_squeeze %dma_wait3A_191 : memref<1x10240x128xf32, #tpu.memory_space<hbm>> -> memref<10240x128xf32, #tpu.memory_space<hbm>>
      %dma_wait3A_193 = arith.constant 0 : i32
      %dma_wait3A_194 = tpu.memref_slice %dma_wait3A_192[%add3A_169, %dma_wait3A_193] : memref<10240x128xf32, #tpu.memory_space<hbm>> -> memref<64x128xf32, #tpu.memory_space<hbm>>
      tpu.wait_dma2 semaphore(%run_scoped3A : memref<!tpu.dma_semaphore, #tpu.memory_space<semaphore_mem>>) src(%arg9 : memref<64x128xf32, #tpu.memory_space<vmem>>) dst(%dma_wait3A_194 : memref<64x128xf32, #tpu.memory_space<hbm>>)
      tpu.yield
    }) : () -> ()
    %add3A_170 = arith.constant 576 : i32
    %add3A_171 = arith.addi %mul3A_7, %add3A_170 : i32
    "tpu.region"() ({
      %run_scoped3A = tpu.sem_alloc : memref<!tpu.dma_semaphore, #tpu.memory_space<semaphore_mem>>
      %dma_start3A_172 = arith.constant 0 : i32
      %dma_start3A_173 = tpu.memref_slice %arg13[%add3A_171, %dma_start3A_172] : memref<10240x128xf32, #tpu.memory_space<vmem_shared>> -> memref<64x128xf32, #tpu.memory_space<vmem_shared>>
      %dma_start3A_174 = arith.constant 0 : i32
      %dma_start3A_175 = tpu.memref_slice %arg13[%add3A_171, %dma_start3A_174] : memref<10240x128xf32, #tpu.memory_space<vmem_shared>> -> memref<64x128xf32, #tpu.memory_space<vmem_shared>>
      tpu.enqueue_dma source(%dma_start3A_175 : memref<64x128xf32, #tpu.memory_space<vmem_shared>>) target(%arg9 : memref<64x128xf32, #tpu.memory_space<vmem>>) target_semaphore(%run_scoped3A : memref<!tpu.dma_semaphore, #tpu.memory_space<semaphore_mem>>)
      %dma_wait3A = arith.constant 0 : i32
      %dma_wait3A_176 = tpu.memref_slice %arg13[%add3A_171, %dma_wait3A] : memref<10240x128xf32, #tpu.memory_space<vmem_shared>> -> memref<64x128xf32, #tpu.memory_space<vmem_shared>>
      %dma_wait3A_177 = arith.constant 0 : i32
      %dma_wait3A_178 = tpu.memref_slice %arg13[%add3A_171, %dma_wait3A_177] : memref<10240x128xf32, #tpu.memory_space<vmem_shared>> -> memref<64x128xf32, #tpu.memory_space<vmem_shared>>
      tpu.wait_dma2 semaphore(%run_scoped3A : memref<!tpu.dma_semaphore, #tpu.memory_space<semaphore_mem>>) src(%dma_wait3A_178 : memref<64x128xf32, #tpu.memory_space<vmem_shared>>) dst(%arg9 : memref<64x128xf32, #tpu.memory_space<vmem>>)
      tpu.yield
    }) : () -> ()
    "tpu.region"() ({
      %run_scoped3A = tpu.sem_alloc : memref<!tpu.dma_semaphore, #tpu.memory_space<semaphore_mem>>
      %dma_start3A_172 = arith.constant 0 : i32
      %dma_start3A_173 = arith.constant 0 : i32
      %dma_start3A_174 = tpu.memref_slice %arg6[%arg0, %dma_start3A_172, %dma_start3A_173] : memref<2x10240x128xf32, #tpu.memory_space<hbm>> -> memref<1x10240x128xf32, #tpu.memory_space<hbm>>
      %dma_start3A_175 = tpu.memref_squeeze %dma_start3A_174 : memref<1x10240x128xf32, #tpu.memory_space<hbm>> -> memref<10240x128xf32, #tpu.memory_space<hbm>>
      %dma_start3A_176 = arith.constant 0 : i32
      %dma_start3A_177 = tpu.memref_slice %dma_start3A_175[%add3A_171, %dma_start3A_176] : memref<10240x128xf32, #tpu.memory_space<hbm>> -> memref<64x128xf32, #tpu.memory_space<hbm>>
      %dma_start3A_178 = arith.constant 0 : i32
      %dma_start3A_179 = arith.constant 0 : i32
      %dma_start3A_180 = tpu.memref_slice %arg6[%arg0, %dma_start3A_178, %dma_start3A_179] : memref<2x10240x128xf32, #tpu.memory_space<hbm>> -> memref<1x10240x128xf32, #tpu.memory_space<hbm>>
      %dma_start3A_181 = tpu.memref_squeeze %dma_start3A_180 : memref<1x10240x128xf32, #tpu.memory_space<hbm>> -> memref<10240x128xf32, #tpu.memory_space<hbm>>
      %dma_start3A_182 = arith.constant 0 : i32
      %dma_start3A_183 = tpu.memref_slice %dma_start3A_181[%add3A_171, %dma_start3A_182] : memref<10240x128xf32, #tpu.memory_space<hbm>> -> memref<64x128xf32, #tpu.memory_space<hbm>>
      tpu.enqueue_dma source(%arg9 : memref<64x128xf32, #tpu.memory_space<vmem>>) target(%dma_start3A_183 : memref<64x128xf32, #tpu.memory_space<hbm>>) target_semaphore(%run_scoped3A : memref<!tpu.dma_semaphore, #tpu.memory_space<semaphore_mem>>)
      %dma_wait3A = arith.constant 0 : i32
      %dma_wait3A_184 = arith.constant 0 : i32
      %dma_wait3A_185 = tpu.memref_slice %arg6[%arg0, %dma_wait3A, %dma_wait3A_184] : memref<2x10240x128xf32, #tpu.memory_space<hbm>> -> memref<1x10240x128xf32, #tpu.memory_space<hbm>>
      %dma_wait3A_186 = tpu.memref_squeeze %dma_wait3A_185 : memref<1x10240x128xf32, #tpu.memory_space<hbm>> -> memref<10240x128xf32, #tpu.memory_space<hbm>>
      %dma_wait3A_187 = arith.constant 0 : i32
      %dma_wait3A_188 = tpu.memref_slice %dma_wait3A_186[%add3A_171, %dma_wait3A_187] : memref<10240x128xf32, #tpu.memory_space<hbm>> -> memref<64x128xf32, #tpu.memory_space<hbm>>
      %dma_wait3A_189 = arith.constant 0 : i32
      %dma_wait3A_190 = arith.constant 0 : i32
      %dma_wait3A_191 = tpu.memref_slice %arg6[%arg0, %dma_wait3A_189, %dma_wait3A_190] : memref<2x10240x128xf32, #tpu.memory_space<hbm>> -> memref<1x10240x128xf32, #tpu.memory_space<hbm>>
      %dma_wait3A_192 = tpu.memref_squeeze %dma_wait3A_191 : memref<1x10240x128xf32, #tpu.memory_space<hbm>> -> memref<10240x128xf32, #tpu.memory_space<hbm>>
      %dma_wait3A_193 = arith.constant 0 : i32
      %dma_wait3A_194 = tpu.memref_slice %dma_wait3A_192[%add3A_171, %dma_wait3A_193] : memref<10240x128xf32, #tpu.memory_space<hbm>> -> memref<64x128xf32, #tpu.memory_space<hbm>>
      tpu.wait_dma2 semaphore(%run_scoped3A : memref<!tpu.dma_semaphore, #tpu.memory_space<semaphore_mem>>) src(%arg9 : memref<64x128xf32, #tpu.memory_space<vmem>>) dst(%dma_wait3A_194 : memref<64x128xf32, #tpu.memory_space<hbm>>)
      tpu.yield
    }) : () -> ()
    return
  }
}

module attributes {stable_mosaic.version = 14 : i64} {
  func.func @_node_up_body(%arg0: i32, %arg1: memref<1000x128xf32, #tpu.memory_space<vmem>>, %arg2: memref<128x128xf32, #tpu.memory_space<vmem>>, %arg3: memref<1000x128xf32, #tpu.memory_space<vmem>>) attributes {dimension_semantics = [#tpu.dimension_semantics<arbitrary>], iteration_bounds = array<i64: 10>, scalar_prefetch = 0 : i64, scratch_operands = 0 : i64, tpu.core_type = #tpu.core_type<tc>, window_params = [{transform_indices = @transform_0, window_bounds = array<i64: 1000, 128>}, {pipeline_mode = #tpu.pipeline_mode<synchronous>, transform_indices = @transform_1, window_bounds = array<i64: 128, 128>}, {transform_indices = @transform_2, window_bounds = array<i64: 1000, 128>}]} {
    %get3A = arith.constant 0 : index
    %get3A_0 = arith.constant 0 : index
    %get3A_1 = vector.load %arg1[%get3A, %get3A_0] : memref<1000x128xf32, #tpu.memory_space<vmem>>, vector<1000x128xf32>
    %get3A_2 = arith.constant 0 : index
    %get3A_3 = arith.constant 0 : index
    %get3A_4 = vector.load %arg2[%get3A_2, %get3A_3] : memref<128x128xf32, #tpu.memory_space<vmem>>, vector<128x128xf32>
    %dot_general3A = arith.constant dense<0.000000e+00> : vector<1000x128xf32>
    %dot_general3A_5 = tpu.matmul %get3A_1, %get3A_4, %dot_general3A {dimension_numbers = #tpu.dot_dimension_numbers<[1], [0], [0], [1], [0, 0, 1, 1], [], []>, transpose_lhs_hint = false} : vector<1000x128xf32>, vector<128x128xf32>, vector<1000x128xf32> -> vector<1000x128xf32>
    %mul3A = arith.constant 0.0883883461 : f32
    %mul3A_6 = vector.broadcast %mul3A : f32 to vector<1000x128xf32>
    %mul3A_7 = arith.mulf %dot_general3A_5, %mul3A_6 : vector<1000x128xf32>
    %swap3A = arith.constant 0 : index
    %swap3A_8 = arith.constant 0 : index
    %swap3A_9 = vector.load %arg3[%swap3A, %swap3A_8] : memref<1000x128xf32, #tpu.memory_space<vmem>>, vector<1000x128xf32>
    tpu.vector_store %arg3[%swap3A, %swap3A_8], %mul3A_7 {strides = array<i32>} : memref<1000x128xf32, #tpu.memory_space<vmem>>, vector<1000x128xf32>,
    return
  }
  func.func @transform_0(%arg0: i32) -> (i32, i32) {
    %c0_i32 = arith.constant 0 : i32
    %c0_i32_0 = arith.constant 0 : i32
    return %arg0, %c0_i32 : i32, i32
  }
  func.func @transform_1(%arg0: i32) -> (i32, i32) {
    %c0_i32 = arith.constant 0 : i32
    %c0_i32_0 = arith.constant 0 : i32
    %c0_i32_1 = arith.constant 0 : i32
    return %c0_i32, %c0_i32_0 : i32, i32
  }
  func.func @transform_2(%arg0: i32) -> (i32, i32) {
    %c0_i32 = arith.constant 0 : i32
    %c0_i32_0 = arith.constant 0 : i32
    return %arg0, %c0_i32 : i32, i32
  }
}

module attributes {stable_mosaic.version = 14 : i64} {
  func.func @_edge_mlp_body(%arg0: i32, %arg1: memref<8x4096xf32, #tpu.memory_space<vmem>>, %arg2: memref<1x4096xf32, #tpu.memory_space<vmem>>, %arg3: memref<8x64xf32, #tpu.memory_space<vmem>>, %arg4: memref<64x64xf32, #tpu.memory_space<vmem>>, %arg5: memref<64x64xf32, #tpu.memory_space<vmem>>, %arg6: memref<64x128xf32, #tpu.memory_space<vmem>>, %arg7: memref<4096x128xf32, #tpu.memory_space<vmem>>) attributes {dimension_semantics = [#tpu.dimension_semantics<arbitrary>], iteration_bounds = array<i64: 80>, scalar_prefetch = 0 : i64, scratch_operands = 0 : i64, tpu.core_type = #tpu.core_type<tc>, window_params = [{transform_indices = @transform_0, window_bounds = array<i64: 8, 4096>}, {transform_indices = @transform_1, window_bounds = array<i64: 1, 4096>}, {pipeline_mode = #tpu.pipeline_mode<synchronous>, transform_indices = @transform_2, window_bounds = array<i64: 8, 64>}, {pipeline_mode = #tpu.pipeline_mode<synchronous>, transform_indices = @transform_3, window_bounds = array<i64: 64, 64>}, {pipeline_mode = #tpu.pipeline_mode<synchronous>, transform_indices = @transform_4, window_bounds = array<i64: 64, 64>}, {pipeline_mode = #tpu.pipeline_mode<synchronous>, transform_indices = @transform_5, window_bounds = array<i64: 64, 128>}, {transform_indices = @transform_6, window_bounds = array<i64: 4096, 128>}]} {
    %get3A = arith.constant 0 : index
    %get3A_0 = arith.constant 0 : index
    %get3A_1 = vector.load %arg3[%get3A, %get3A_0] : memref<8x64xf32, #tpu.memory_space<vmem>>, vector<8x64xf32>
    %get3A_2 = arith.constant 0 : index
    %get3A_3 = arith.constant 0 : index
    %get3A_4 = vector.load %arg1[%get3A_2, %get3A_3] : memref<8x4096xf32, #tpu.memory_space<vmem>>, vector<8x4096xf32>
    %dot_general3A = arith.constant dense<0.000000e+00> : vector<64x4096xf32>
    %dot_general3A_5 = tpu.matmul %get3A_1, %get3A_4, %dot_general3A {dimension_numbers = #tpu.dot_dimension_numbers<[0], [0], [1], [1], [0, 1, 1, 1], [], []>, transpose_lhs_hint = false} : vector<8x64xf32>, vector<8x4096xf32>, vector<64x4096xf32> -> vector<64x4096xf32>
    %mul3A = arith.constant 0.353553385 : f32
    %mul3A_6 = vector.broadcast %mul3A : f32 to vector<64x4096xf32>
    %mul3A_7 = arith.mulf %dot_general3A_5, %mul3A_6 : vector<64x4096xf32>
    %mul3A_8 = arith.constant 5.000000e-01 : f32
    %mul3A_9 = vector.broadcast %mul3A_8 : f32 to vector<64x4096xf32>
    %mul3A_10 = arith.mulf %mul3A_9, %mul3A_7 : vector<64x4096xf32>
    %tanh3A = math.tanh %mul3A_10 : vector<64x4096xf32>
    %mul3A_11 = arith.constant 5.000000e-01 : f32
    %mul3A_12 = vector.broadcast %mul3A_11 : f32 to vector<64x4096xf32>
    %mul3A_13 = arith.mulf %mul3A_12, %tanh3A : vector<64x4096xf32>
    %add3A = arith.constant 5.000000e-01 : f32
    %add3A_14 = vector.broadcast %add3A : f32 to vector<64x4096xf32>
    %add3A_15 = arith.addf %add3A_14, %mul3A_13 : vector<64x4096xf32>
    %mul3A_16 = arith.mulf %mul3A_7, %add3A_15 : vector<64x4096xf32>
    %get3A_17 = arith.constant 0 : index
    %get3A_18 = arith.constant 0 : index
    %get3A_19 = vector.load %arg4[%get3A_17, %get3A_18] : memref<64x64xf32, #tpu.memory_space<vmem>>, vector<64x64xf32>
    %dot_general3A_20 = arith.constant dense<0.000000e+00> : vector<64x4096xf32>
    %dot_general3A_21 = tpu.matmul %get3A_19, %mul3A_16, %dot_general3A_20 {dimension_numbers = #tpu.dot_dimension_numbers<[0], [0], [1], [1], [0, 1, 1, 1], [], []>, transpose_lhs_hint = false} : vector<64x64xf32>, vector<64x4096xf32>, vector<64x4096xf32> -> vector<64x4096xf32>
    %mul3A_22 = arith.constant 1.250000e-01 : f32
    %mul3A_23 = vector.broadcast %mul3A_22 : f32 to vector<64x4096xf32>
    %mul3A_24 = arith.mulf %dot_general3A_21, %mul3A_23 : vector<64x4096xf32>
    %mul3A_25 = arith.constant 5.000000e-01 : f32
    %mul3A_26 = vector.broadcast %mul3A_25 : f32 to vector<64x4096xf32>
    %mul3A_27 = arith.mulf %mul3A_26, %mul3A_24 : vector<64x4096xf32>
    %tanh3A_28 = math.tanh %mul3A_27 : vector<64x4096xf32>
    %mul3A_29 = arith.constant 5.000000e-01 : f32
    %mul3A_30 = vector.broadcast %mul3A_29 : f32 to vector<64x4096xf32>
    %mul3A_31 = arith.mulf %mul3A_30, %tanh3A_28 : vector<64x4096xf32>
    %add3A_32 = arith.constant 5.000000e-01 : f32
    %add3A_33 = vector.broadcast %add3A_32 : f32 to vector<64x4096xf32>
    %add3A_34 = arith.addf %add3A_33, %mul3A_31 : vector<64x4096xf32>
    %mul3A_35 = arith.mulf %mul3A_24, %add3A_34 : vector<64x4096xf32>
    %get3A_36 = arith.constant 0 : index
    %get3A_37 = arith.constant 0 : index
    %get3A_38 = vector.load %arg5[%get3A_36, %get3A_37] : memref<64x64xf32, #tpu.memory_space<vmem>>, vector<64x64xf32>
    %dot_general3A_39 = arith.constant dense<0.000000e+00> : vector<64x4096xf32>
    %dot_general3A_40 = tpu.matmul %get3A_38, %mul3A_35, %dot_general3A_39 {dimension_numbers = #tpu.dot_dimension_numbers<[0], [0], [1], [1], [0, 1, 1, 1], [], []>, transpose_lhs_hint = false} : vector<64x64xf32>, vector<64x4096xf32>, vector<64x4096xf32> -> vector<64x4096xf32>
    %mul3A_41 = arith.constant 1.250000e-01 : f32
    %mul3A_42 = vector.broadcast %mul3A_41 : f32 to vector<64x4096xf32>
    %mul3A_43 = arith.mulf %dot_general3A_40, %mul3A_42 : vector<64x4096xf32>
    %mul3A_44 = arith.constant 5.000000e-01 : f32
    %mul3A_45 = vector.broadcast %mul3A_44 : f32 to vector<64x4096xf32>
    %mul3A_46 = arith.mulf %mul3A_45, %mul3A_43 : vector<64x4096xf32>
    %tanh3A_47 = math.tanh %mul3A_46 : vector<64x4096xf32>
    %mul3A_48 = arith.constant 5.000000e-01 : f32
    %mul3A_49 = vector.broadcast %mul3A_48 : f32 to vector<64x4096xf32>
    %mul3A_50 = arith.mulf %mul3A_49, %tanh3A_47 : vector<64x4096xf32>
    %add3A_51 = arith.constant 5.000000e-01 : f32
    %add3A_52 = vector.broadcast %add3A_51 : f32 to vector<64x4096xf32>
    %add3A_53 = arith.addf %add3A_52, %mul3A_50 : vector<64x4096xf32>
    %mul3A_54 = arith.mulf %mul3A_43, %add3A_53 : vector<64x4096xf32>
    %get3A_55 = arith.constant 0 : index
    %get3A_56 = arith.constant 0 : index
    %get3A_57 = vector.load %arg2[%get3A_55, %get3A_56] : memref<1x4096xf32, #tpu.memory_space<vmem>>, vector<1x4096xf32>
    %mul3A_58 = vector.broadcast %get3A_57 : vector<1x4096xf32> to vector<64x4096xf32>
    %mul3A_59 = arith.mulf %mul3A_54, %mul3A_58 : vector<64x4096xf32>
    %get3A_60 = arith.constant 0 : index
    %get3A_61 = arith.constant 0 : index
    %get3A_62 = vector.load %arg6[%get3A_60, %get3A_61] : memref<64x128xf32, #tpu.memory_space<vmem>>, vector<64x128xf32>
    %dot_general3A_63 = arith.constant dense<0.000000e+00> : vector<4096x128xf32>
    %dot_general3A_64 = tpu.matmul %mul3A_59, %get3A_62, %dot_general3A_63 {dimension_numbers = #tpu.dot_dimension_numbers<[0], [0], [1], [1], [0, 1, 1, 1], [], []>, transpose_lhs_hint = false} : vector<64x4096xf32>, vector<64x128xf32>, vector<4096x128xf32> -> vector<4096x128xf32>
    %mul3A_65 = arith.constant 1.250000e-01 : f32
    %mul3A_66 = vector.broadcast %mul3A_65 : f32 to vector<4096x128xf32>
    %mul3A_67 = arith.mulf %dot_general3A_64, %mul3A_66 : vector<4096x128xf32>
    %swap3A = arith.constant 0 : index
    %swap3A_68 = arith.constant 0 : index
    %swap3A_69 = vector.load %arg7[%swap3A, %swap3A_68] : memref<4096x128xf32, #tpu.memory_space<vmem>>, vector<4096x128xf32>
    tpu.vector_store %arg7[%swap3A, %swap3A_68], %mul3A_67 {strides = array<i32>} : memref<4096x128xf32, #tpu.memory_space<vmem>>, vector<4096x128xf32>,
    return
  }
  func.func @transform_0(%arg0: i32) -> (i32, i32) {
    %c0_i32 = arith.constant 0 : i32
    %c0_i32_0 = arith.constant 0 : i32
    return %c0_i32, %arg0 : i32, i32
  }
  func.func @transform_1(%arg0: i32) -> (i32, i32) {
    %c0_i32 = arith.constant 0 : i32
    %c0_i32_0 = arith.constant 0 : i32
    return %c0_i32, %arg0 : i32, i32
  }
  func.func @transform_2(%arg0: i32) -> (i32, i32) {
    %c0_i32 = arith.constant 0 : i32
    %c0_i32_0 = arith.constant 0 : i32
    %c0_i32_1 = arith.constant 0 : i32
    return %c0_i32, %c0_i32_0 : i32, i32
  }
  func.func @transform_3(%arg0: i32) -> (i32, i32) {
    %c0_i32 = arith.constant 0 : i32
    %c0_i32_0 = arith.constant 0 : i32
    %c0_i32_1 = arith.constant 0 : i32
    return %c0_i32, %c0_i32_0 : i32, i32
  }
  func.func @transform_4(%arg0: i32) -> (i32, i32) {
    %c0_i32 = arith.constant 0 : i32
    %c0_i32_0 = arith.constant 0 : i32
    %c0_i32_1 = arith.constant 0 : i32
    return %c0_i32, %c0_i32_0 : i32, i32
  }
  func.func @transform_5(%arg0: i32) -> (i32, i32) {
    %c0_i32 = arith.constant 0 : i32
    %c0_i32_0 = arith.constant 0 : i32
    %c0_i32_1 = arith.constant 0 : i32
    return %c0_i32, %c0_i32_0 : i32, i32
  }
  func.func @transform_6(%arg0: i32) -> (i32, i32) {
    %c0_i32 = arith.constant 0 : i32
    %c0_i32_0 = arith.constant 0 : i32
    return %arg0, %c0_i32 : i32, i32
  }
}

module attributes {stable_mosaic.version = 14 : i64} {
  func.func @_finish_body(%arg0: i32, %arg1: memref<2x1000x128xf32, #tpu.memory_space<vmem>>, %arg2: memref<1000x10xf32, #tpu.memory_space<vmem>>, %arg3: memref<128x128xf32, #tpu.memory_space<vmem>>, %arg4: memref<10x128x128xf32, #tpu.memory_space<vmem>>, %arg5: memref<1000x128xf32, #tpu.memory_space<vmem>>) attributes {dimension_semantics = [#tpu.dimension_semantics<arbitrary>], iteration_bounds = array<i64: 10>, scalar_prefetch = 0 : i64, scratch_operands = 0 : i64, tpu.core_type = #tpu.core_type<tc>, window_params = [{transform_indices = @transform_0, window_bounds = array<i64: 2, 1000, 128>}, {transform_indices = @transform_1, window_bounds = array<i64: 1000, 10>}, {pipeline_mode = #tpu.pipeline_mode<synchronous>, transform_indices = @transform_2, window_bounds = array<i64: 128, 128>}, {pipeline_mode = #tpu.pipeline_mode<synchronous>, transform_indices = @transform_3, window_bounds = array<i64: 10, 128, 128>}, {transform_indices = @transform_4, window_bounds = array<i64: 1000, 128>}]} {
    %get3A = arith.constant 0 : index
    %get3A_0 = arith.constant 0 : index
    %get3A_1 = arith.constant 0 : index
    %get3A_2 = vector.load %arg1[%get3A, %get3A_0, %get3A_1] : memref<2x1000x128xf32, #tpu.memory_space<vmem>>, vector<1x1000x128xf32>
    %get3A_3 = vector.shape_cast %get3A_2 : vector<1x1000x128xf32> to vector<1000x128xf32>
    %get3A_4 = arith.constant 1 : index
    %get3A_5 = arith.constant 0 : index
    %get3A_6 = arith.constant 0 : index
    %get3A_7 = vector.load %arg1[%get3A_4, %get3A_5, %get3A_6] : memref<2x1000x128xf32, #tpu.memory_space<vmem>>, vector<1x1000x128xf32>
    %get3A_8 = vector.shape_cast %get3A_7 : vector<1x1000x128xf32> to vector<1000x128xf32>
    %add3A = arith.addf %get3A_3, %get3A_8 : vector<1000x128xf32>
    %get3A_9 = arith.constant 0 : index
    %get3A_10 = arith.constant 0 : index
    %get3A_11 = vector.load %arg3[%get3A_9, %get3A_10] : memref<128x128xf32, #tpu.memory_space<vmem>>, vector<128x128xf32>
    %dot_general3A = arith.constant dense<0.000000e+00> : vector<1000x128xf32>
    %dot_general3A_12 = tpu.matmul %add3A, %get3A_11, %dot_general3A {dimension_numbers = #tpu.dot_dimension_numbers<[1], [0], [0], [1], [0, 0, 1, 1], [], []>, transpose_lhs_hint = false} : vector<1000x128xf32>, vector<128x128xf32>, vector<1000x128xf32> -> vector<1000x128xf32>
    %mul3A = arith.constant 0.00276213582 : f32
    %mul3A_13 = vector.broadcast %mul3A : f32 to vector<1000x128xf32>
    %mul3A_14 = arith.mulf %dot_general3A_12, %mul3A_13 : vector<1000x128xf32>
    %broadcast_in_dim3A = arith.constant 0.000000e+00 : f32
    %broadcast_in_dim3A_15 = vector.broadcast %broadcast_in_dim3A : f32 to vector<1000x128xf32>
    %get3A_16 = arith.constant 0 : index
    %get3A_17 = arith.constant 0 : index
    %get3A_18 = vector.load %arg2[%get3A_16, %get3A_17] : memref<1000x10xf32, #tpu.memory_space<vmem>>, vector<1000x1xf32>
    %get3A_19 = arith.constant 0 : index
    %get3A_20 = arith.constant 0 : index
    %get3A_21 = arith.constant 0 : index
    %get3A_22 = vector.load %arg4[%get3A_19, %get3A_20, %get3A_21] : memref<10x128x128xf32, #tpu.memory_space<vmem>>, vector<1x128x128xf32>
    %get3A_23 = vector.shape_cast %get3A_22 : vector<1x128x128xf32> to vector<128x128xf32>
    %dot_general3A_24 = arith.constant dense<0.000000e+00> : vector<1000x128xf32>
    %dot_general3A_25 = tpu.matmul %mul3A_14, %get3A_23, %dot_general3A_24 {dimension_numbers = #tpu.dot_dimension_numbers<[1], [0], [0], [1], [0, 0, 1, 1], [], []>, transpose_lhs_hint = false} : vector<1000x128xf32>, vector<128x128xf32>, vector<1000x128xf32> -> vector<1000x128xf32>
    %mul3A_26 = vector.broadcast %get3A_18 : vector<1000x1xf32> to vector<1000x128xf32>
    %mul3A_27 = arith.mulf %mul3A_26, %dot_general3A_25 : vector<1000x128xf32>
    %add3A_28 = arith.addf %broadcast_in_dim3A_15, %mul3A_27 : vector<1000x128xf32>
    %get3A_29 = arith.constant 0 : index
    %get3A_30 = arith.constant 1 : index
    %get3A_31 = vector.load %arg2[%get3A_29, %get3A_30] : memref<1000x10xf32, #tpu.memory_space<vmem>>, vector<1000x1xf32>
    %get3A_32 = arith.constant 1 : index
    %get3A_33 = arith.constant 0 : index
    %get3A_34 = arith.constant 0 : index
    %get3A_35 = vector.load %arg4[%get3A_32, %get3A_33, %get3A_34] : memref<10x128x128xf32, #tpu.memory_space<vmem>>, vector<1x128x128xf32>
    %get3A_36 = vector.shape_cast %get3A_35 : vector<1x128x128xf32> to vector<128x128xf32>
    %dot_general3A_37 = arith.constant dense<0.000000e+00> : vector<1000x128xf32>
    %dot_general3A_38 = tpu.matmul %mul3A_14, %get3A_36, %dot_general3A_37 {dimension_numbers = #tpu.dot_dimension_numbers<[1], [0], [0], [1], [0, 0, 1, 1], [], []>, transpose_lhs_hint = false} : vector<1000x128xf32>, vector<128x128xf32>, vector<1000x128xf32> -> vector<1000x128xf32>
    %mul3A_39 = vector.broadcast %get3A_31 : vector<1000x1xf32> to vector<1000x128xf32>
    %mul3A_40 = arith.mulf %mul3A_39, %dot_general3A_38 : vector<1000x128xf32>
    %add3A_41 = arith.addf %add3A_28, %mul3A_40 : vector<1000x128xf32>
    %get3A_42 = arith.constant 0 : index
    %get3A_43 = arith.constant 2 : index
    %get3A_44 = vector.load %arg2[%get3A_42, %get3A_43] : memref<1000x10xf32, #tpu.memory_space<vmem>>, vector<1000x1xf32>
    %get3A_45 = arith.constant 2 : index
    %get3A_46 = arith.constant 0 : index
    %get3A_47 = arith.constant 0 : index
    %get3A_48 = vector.load %arg4[%get3A_45, %get3A_46, %get3A_47] : memref<10x128x128xf32, #tpu.memory_space<vmem>>, vector<1x128x128xf32>
    %get3A_49 = vector.shape_cast %get3A_48 : vector<1x128x128xf32> to vector<128x128xf32>
    %dot_general3A_50 = arith.constant dense<0.000000e+00> : vector<1000x128xf32>
    %dot_general3A_51 = tpu.matmul %mul3A_14, %get3A_49, %dot_general3A_50 {dimension_numbers = #tpu.dot_dimension_numbers<[1], [0], [0], [1], [0, 0, 1, 1], [], []>, transpose_lhs_hint = false} : vector<1000x128xf32>, vector<128x128xf32>, vector<1000x128xf32> -> vector<1000x128xf32>
    %mul3A_52 = vector.broadcast %get3A_44 : vector<1000x1xf32> to vector<1000x128xf32>
    %mul3A_53 = arith.mulf %mul3A_52, %dot_general3A_51 : vector<1000x128xf32>
    %add3A_54 = arith.addf %add3A_41, %mul3A_53 : vector<1000x128xf32>
    %get3A_55 = arith.constant 0 : index
    %get3A_56 = arith.constant 3 : index
    %get3A_57 = vector.load %arg2[%get3A_55, %get3A_56] : memref<1000x10xf32, #tpu.memory_space<vmem>>, vector<1000x1xf32>
    %get3A_58 = arith.constant 3 : index
    %get3A_59 = arith.constant 0 : index
    %get3A_60 = arith.constant 0 : index
    %get3A_61 = vector.load %arg4[%get3A_58, %get3A_59, %get3A_60] : memref<10x128x128xf32, #tpu.memory_space<vmem>>, vector<1x128x128xf32>
    %get3A_62 = vector.shape_cast %get3A_61 : vector<1x128x128xf32> to vector<128x128xf32>
    %dot_general3A_63 = arith.constant dense<0.000000e+00> : vector<1000x128xf32>
    %dot_general3A_64 = tpu.matmul %mul3A_14, %get3A_62, %dot_general3A_63 {dimension_numbers = #tpu.dot_dimension_numbers<[1], [0], [0], [1], [0, 0, 1, 1], [], []>, transpose_lhs_hint = false} : vector<1000x128xf32>, vector<128x128xf32>, vector<1000x128xf32> -> vector<1000x128xf32>
    %mul3A_65 = vector.broadcast %get3A_57 : vector<1000x1xf32> to vector<1000x128xf32>
    %mul3A_66 = arith.mulf %mul3A_65, %dot_general3A_64 : vector<1000x128xf32>
    %add3A_67 = arith.addf %add3A_54, %mul3A_66 : vector<1000x128xf32>
    %get3A_68 = arith.constant 0 : index
    %get3A_69 = arith.constant 4 : index
    %get3A_70 = vector.load %arg2[%get3A_68, %get3A_69] : memref<1000x10xf32, #tpu.memory_space<vmem>>, vector<1000x1xf32>
    %get3A_71 = arith.constant 4 : index
    %get3A_72 = arith.constant 0 : index
    %get3A_73 = arith.constant 0 : index
    %get3A_74 = vector.load %arg4[%get3A_71, %get3A_72, %get3A_73] : memref<10x128x128xf32, #tpu.memory_space<vmem>>, vector<1x128x128xf32>
    %get3A_75 = vector.shape_cast %get3A_74 : vector<1x128x128xf32> to vector<128x128xf32>
    %dot_general3A_76 = arith.constant dense<0.000000e+00> : vector<1000x128xf32>
    %dot_general3A_77 = tpu.matmul %mul3A_14, %get3A_75, %dot_general3A_76 {dimension_numbers = #tpu.dot_dimension_numbers<[1], [0], [0], [1], [0, 0, 1, 1], [], []>, transpose_lhs_hint = false} : vector<1000x128xf32>, vector<128x128xf32>, vector<1000x128xf32> -> vector<1000x128xf32>
    %mul3A_78 = vector.broadcast %get3A_70 : vector<1000x1xf32> to vector<1000x128xf32>
    %mul3A_79 = arith.mulf %mul3A_78, %dot_general3A_77 : vector<1000x128xf32>
    %add3A_80 = arith.addf %add3A_67, %mul3A_79 : vector<1000x128xf32>
    %get3A_81 = arith.constant 0 : index
    %get3A_82 = arith.constant 5 : index
    %get3A_83 = vector.load %arg2[%get3A_81, %get3A_82] : memref<1000x10xf32, #tpu.memory_space<vmem>>, vector<1000x1xf32>
    %get3A_84 = arith.constant 5 : index
    %get3A_85 = arith.constant 0 : index
    %get3A_86 = arith.constant 0 : index
    %get3A_87 = vector.load %arg4[%get3A_84, %get3A_85, %get3A_86] : memref<10x128x128xf32, #tpu.memory_space<vmem>>, vector<1x128x128xf32>
    %get3A_88 = vector.shape_cast %get3A_87 : vector<1x128x128xf32> to vector<128x128xf32>
    %dot_general3A_89 = arith.constant dense<0.000000e+00> : vector<1000x128xf32>
    %dot_general3A_90 = tpu.matmul %mul3A_14, %get3A_88, %dot_general3A_89 {dimension_numbers = #tpu.dot_dimension_numbers<[1], [0], [0], [1], [0, 0, 1, 1], [], []>, transpose_lhs_hint = false} : vector<1000x128xf32>, vector<128x128xf32>, vector<1000x128xf32> -> vector<1000x128xf32>
    %mul3A_91 = vector.broadcast %get3A_83 : vector<1000x1xf32> to vector<1000x128xf32>
    %mul3A_92 = arith.mulf %mul3A_91, %dot_general3A_90 : vector<1000x128xf32>
    %add3A_93 = arith.addf %add3A_80, %mul3A_92 : vector<1000x128xf32>
    %get3A_94 = arith.constant 0 : index
    %get3A_95 = arith.constant 6 : index
    %get3A_96 = vector.load %arg2[%get3A_94, %get3A_95] : memref<1000x10xf32, #tpu.memory_space<vmem>>, vector<1000x1xf32>
    %get3A_97 = arith.constant 6 : index
    %get3A_98 = arith.constant 0 : index
    %get3A_99 = arith.constant 0 : index
    %get3A_100 = vector.load %arg4[%get3A_97, %get3A_98, %get3A_99] : memref<10x128x128xf32, #tpu.memory_space<vmem>>, vector<1x128x128xf32>
    %get3A_101 = vector.shape_cast %get3A_100 : vector<1x128x128xf32> to vector<128x128xf32>
    %dot_general3A_102 = arith.constant dense<0.000000e+00> : vector<1000x128xf32>
    %dot_general3A_103 = tpu.matmul %mul3A_14, %get3A_101, %dot_general3A_102 {dimension_numbers = #tpu.dot_dimension_numbers<[1], [0], [0], [1], [0, 0, 1, 1], [], []>, transpose_lhs_hint = false} : vector<1000x128xf32>, vector<128x128xf32>, vector<1000x128xf32> -> vector<1000x128xf32>
    %mul3A_104 = vector.broadcast %get3A_96 : vector<1000x1xf32> to vector<1000x128xf32>
    %mul3A_105 = arith.mulf %mul3A_104, %dot_general3A_103 : vector<1000x128xf32>
    %add3A_106 = arith.addf %add3A_93, %mul3A_105 : vector<1000x128xf32>
    %get3A_107 = arith.constant 0 : index
    %get3A_108 = arith.constant 7 : index
    %get3A_109 = vector.load %arg2[%get3A_107, %get3A_108] : memref<1000x10xf32, #tpu.memory_space<vmem>>, vector<1000x1xf32>
    %get3A_110 = arith.constant 7 : index
    %get3A_111 = arith.constant 0 : index
    %get3A_112 = arith.constant 0 : index
    %get3A_113 = vector.load %arg4[%get3A_110, %get3A_111, %get3A_112] : memref<10x128x128xf32, #tpu.memory_space<vmem>>, vector<1x128x128xf32>
    %get3A_114 = vector.shape_cast %get3A_113 : vector<1x128x128xf32> to vector<128x128xf32>
    %dot_general3A_115 = arith.constant dense<0.000000e+00> : vector<1000x128xf32>
    %dot_general3A_116 = tpu.matmul %mul3A_14, %get3A_114, %dot_general3A_115 {dimension_numbers = #tpu.dot_dimension_numbers<[1], [0], [0], [1], [0, 0, 1, 1], [], []>, transpose_lhs_hint = false} : vector<1000x128xf32>, vector<128x128xf32>, vector<1000x128xf32> -> vector<1000x128xf32>
    %mul3A_117 = vector.broadcast %get3A_109 : vector<1000x1xf32> to vector<1000x128xf32>
    %mul3A_118 = arith.mulf %mul3A_117, %dot_general3A_116 : vector<1000x128xf32>
    %add3A_119 = arith.addf %add3A_106, %mul3A_118 : vector<1000x128xf32>
    %get3A_120 = arith.constant 0 : index
    %get3A_121 = arith.constant 8 : index
    %get3A_122 = vector.load %arg2[%get3A_120, %get3A_121] : memref<1000x10xf32, #tpu.memory_space<vmem>>, vector<1000x1xf32>
    %get3A_123 = arith.constant 8 : index
    %get3A_124 = arith.constant 0 : index
    %get3A_125 = arith.constant 0 : index
    %get3A_126 = vector.load %arg4[%get3A_123, %get3A_124, %get3A_125] : memref<10x128x128xf32, #tpu.memory_space<vmem>>, vector<1x128x128xf32>
    %get3A_127 = vector.shape_cast %get3A_126 : vector<1x128x128xf32> to vector<128x128xf32>
    %dot_general3A_128 = arith.constant dense<0.000000e+00> : vector<1000x128xf32>
    %dot_general3A_129 = tpu.matmul %mul3A_14, %get3A_127, %dot_general3A_128 {dimension_numbers = #tpu.dot_dimension_numbers<[1], [0], [0], [1], [0, 0, 1, 1], [], []>, transpose_lhs_hint = false} : vector<1000x128xf32>, vector<128x128xf32>, vector<1000x128xf32> -> vector<1000x128xf32>
    %mul3A_130 = vector.broadcast %get3A_122 : vector<1000x1xf32> to vector<1000x128xf32>
    %mul3A_131 = arith.mulf %mul3A_130, %dot_general3A_129 : vector<1000x128xf32>
    %add3A_132 = arith.addf %add3A_119, %mul3A_131 : vector<1000x128xf32>
    %get3A_133 = arith.constant 0 : index
    %get3A_134 = arith.constant 9 : index
    %get3A_135 = vector.load %arg2[%get3A_133, %get3A_134] : memref<1000x10xf32, #tpu.memory_space<vmem>>, vector<1000x1xf32>
    %get3A_136 = arith.constant 9 : index
    %get3A_137 = arith.constant 0 : index
    %get3A_138 = arith.constant 0 : index
    %get3A_139 = vector.load %arg4[%get3A_136, %get3A_137, %get3A_138] : memref<10x128x128xf32, #tpu.memory_space<vmem>>, vector<1x128x128xf32>
    %get3A_140 = vector.shape_cast %get3A_139 : vector<1x128x128xf32> to vector<128x128xf32>
    %dot_general3A_141 = arith.constant dense<0.000000e+00> : vector<1000x128xf32>
    %dot_general3A_142 = tpu.matmul %mul3A_14, %get3A_140, %dot_general3A_141 {dimension_numbers = #tpu.dot_dimension_numbers<[1], [0], [0], [1], [0, 0, 1, 1], [], []>, transpose_lhs_hint = false} : vector<1000x128xf32>, vector<128x128xf32>, vector<1000x128xf32> -> vector<1000x128xf32>
    %mul3A_143 = vector.broadcast %get3A_135 : vector<1000x1xf32> to vector<1000x128xf32>
    %mul3A_144 = arith.mulf %mul3A_143, %dot_general3A_142 : vector<1000x128xf32>
    %add3A_145 = arith.addf %add3A_132, %mul3A_144 : vector<1000x128xf32>
    %mul3A_146 = arith.constant 0.0279508494 : f32
    %mul3A_147 = vector.broadcast %mul3A_146 : f32 to vector<1000x128xf32>
    %mul3A_148 = arith.mulf %add3A_145, %mul3A_147 : vector<1000x128xf32>
    %swap3A = arith.constant 0 : index
    %swap3A_149 = arith.constant 0 : index
    %swap3A_150 = vector.load %arg5[%swap3A, %swap3A_149] : memref<1000x128xf32, #tpu.memory_space<vmem>>, vector<1000x128xf32>
    tpu.vector_store %arg5[%swap3A, %swap3A_149], %mul3A_148 {strides = array<i32>} : memref<1000x128xf32, #tpu.memory_space<vmem>>, vector<1000x128xf32>,
    return
  }
  func.func @transform_0(%arg0: i32) -> (i32, i32, i32) {
    %c0_i32 = arith.constant 0 : i32
    %c0_i32_0 = arith.constant 0 : i32
    %c0_i32_1 = arith.constant 0 : i32
    return %c0_i32, %arg0, %c0_i32_0 : i32, i32, i32
  }
  func.func @transform_1(%arg0: i32) -> (i32, i32) {
    %c0_i32 = arith.constant 0 : i32
    %c0_i32_0 = arith.constant 0 : i32
    return %arg0, %c0_i32 : i32, i32
  }
  func.func @transform_2(%arg0: i32) -> (i32, i32) {
    %c0_i32 = arith.constant 0 : i32
    %c0_i32_0 = arith.constant 0 : i32
    %c0_i32_1 = arith.constant 0 : i32
    return %c0_i32, %c0_i32_0 : i32, i32
  }
  func.func @transform_3(%arg0: i32) -> (i32, i32, i32) {
    %c0_i32 = arith.constant 0 : i32
    %c0_i32_0 = arith.constant 0 : i32
    %c0_i32_1 = arith.constant 0 : i32
    %c0_i32_2 = arith.constant 0 : i32
    return %c0_i32, %c0_i32_0, %c0_i32_1 : i32, i32, i32
  }
  func.func @transform_4(%arg0: i32) -> (i32, i32) {
    %c0_i32 = arith.constant 0 : i32
    %c0_i32_0 = arith.constant 0 : i32
    return %arg0, %c0_i32 : i32, i32
  }
}

</mosaic_0001>

<sc_bundles>
// kernel: kernel.6.cloned.1.call-start
scs
__scs_entry_jumppad:
0x0: {  	(pc) =	sbr.rel $0x88, $3  }
0x1: {  	(tag) =	ssettag $0x0;
	lr =	simm.s32 $0x1  }
0x2: {  	[smem:$0x3F95] =	sst lr;
	_ =	strace $0xD0000000  }
0x3: {  	_ = 	snop  }
0x4: {  	_ = 	snop  }
0x5: {  	_ = 	snop  }
0x6: {  	_ = 	snop  }
0x7: {  	_ = 	snop  }
__scs_overlays_trampoline_lowered:
0x8: {  	[smem:$0x3FA4] =	sst s0  }
0x9: {  	[smem:$0x3FA5] =	sst s1  }
0xa: {  	[smem:$0x3FA6] =	sst s2  }
0xb: {  	[smem:$0x3FA7] =	sst s3  }
0xc: {  	[smem:$0x3FA8] =	sst s4  }
0xd: {  	[smem:$0x3FA9] =	sst s5  }
0xe: {  	[smem:$0x3FAA] =	sst s6  }
0xf: {  	[smem:$0x3FAB] =	sst s7  }
0x10: {  	[smem:$0x3FAC] =	sst s8  }
0x11: {  	[smem:$0x3FAD] =	sst s9;
	s0 =	simm.s32 @!p0 $0x0  }
0x12: {  	s1 =	sld [smem:$0x3F93];
	s0 =	simm.s32 @p0 $0x1  }
0x13: {  	[smem:$0x3FAE] =	sst s0;
	s0 =	simm.s32 @!p1 $0x0  }
0x14: {  	s2 =	sld [smem:$0x3F92];
	s0 =	simm.s32 @p1 $0x1  }
0x15: {  	[smem:$0x3FAF] =	sst s0;
	s0 =	simm.s32 @!p2 $0x0  }
0x16: {  	s3 =	sld [smem:$0x3FDB];
	s0 =	simm.s32 @p2 $0x1  }
0x17: {  	s4 =	simm.s32 $0x1BF5;
	[smem:$0x3FB1] =	sst s0  }
0x18: {  	s0 =	sld [smem:$0x3F94];
	_ =	swait.ge [sflag:s4], $0x0  }
0x19: {  	s7 =	sld [smem:$0x3F95]  }
0x1a: {  	s8 =	sadd.s32 $0xFFFFE003, lr  }
0x1b: {  	s9 =	sadd.s32 $0xFFFFFEF7, lr;
	s5 =	simm.s32 $0xFFFFFFFF;
	p2 =	slt.u32 s8, $0xFFFFF086  }
0x1c: {  	p1 =	slt.u32 s9, $0xF7A;
	s5 =	simm.s32 @!p2 $0x0  }
0x1d: {  	s5 =	simm.s32 @p1 $0x1;
	p0 =	seq.s32 s7, s2  }
0x1e: {  	s7 =	smul.u32 @!p0 $0xF7A, s2;
	p2 =	seq.s32 @!p0 s5, $0x0  }
0x1f: {  	s9 =	smul.u32 $0xF7A, s1;
	s8 =	simm.s32 @!p0 $0x1BF5;
	p2 =	por !p2, p0  }
0x20: {  	[sflag:s8] =	ssyncset.s32 @!p0 $0xFFFFF086;
	s6 =	sadd.s32 @!p0 s3, s7;
	s7 =	simm.s32 @!p0 $0x108  }
0x21: {  	s3 =	sadd.s32 s3, s9;
	s6 =	sadd.s32 @!p0 $0x88, s6;
	s7 =	simm.s32 @p2 $0x1082  }
0x22: {  	[simem:s7], [sflag:s8] =	dma.local @!p0 [hbm:s6], $0xF7A  }
0x23: {  	s9 =	sor.u32 $0xD0000000, s2;
	s6 =	simm.s32 $0x108;
	_ =	swait.ge @!p0 [sflag:s8], $0x0  }
0x24: {  	s3 =	sadd.s32 $0x88, s3;
	s6 =	simm.s32 @!p1 $0x1082;
	[sflag:s4] =	ssyncset.s32 $0xFFFFF086  }
0x25: {  	[simem:s6], [sflag:s4] =	dma.local [hbm:s3], $0xF7A  }
0x26: {  	[smem:$0x3F95] =	sst s1;
	(tag) =	ssettag s2;
	_ =	strace s9  }
0x27: {  	s1 =	sld [smem:$0x3FA5]  }
0x28: {  	s2 =	sld [smem:$0x3FA6]  }
0x29: {  	s4 =	sld [smem:$0x3FA8]  }
0x2a: {  	p0 =	seq.s32 s5, $0x0;
	s5 =	sld [smem:$0x3FA9]  }
0x2b: {  	s6 =	sld [smem:$0x3FAA]  }
0x2c: {  	s7 =	sld [smem:$0x3FAB]  }
0x2d: {  	s3 =	simm.s32 $0x108;
	s8 =	sld [smem:$0x3FAC]  }
0x2e: {  	s3 =	simm.s32 @!p0 $0x1082;
	s9 =	sld [smem:$0x3FAD]  }
0x2f: {  	lr =	sadd.s32 s0, s3;
	s0 =	sld [smem:$0x3FA4]  }
0x30: {  	s3 =	sld [smem:$0x3FA7]  }
0x31: {  	[smem:$0x3FB0] =	sst s10  }
0x32: {  	s10 =	sld [smem:$0x3FAE];
	_ =	sdelay $0x3  }
0x33: {  	p0 =	seq.s32 s10, $0x1;
	s10 =	sld [smem:$0x3FB0];
	_ =	sdelay $0x3  }
0x34: {  	[smem:$0x3FB0] =	sst s10  }
0x35: {  	s10 =	sld [smem:$0x3FAF];
	_ =	sdelay $0x3  }
0x36: {  	p1 =	seq.s32 s10, $0x1;
	s10 =	sld [smem:$0x3FB0];
	_ =	sdelay $0x3  }
0x37: {  	[smem:$0x3FB0] =	sst s10  }
0x38: {  	s10 =	sld [smem:$0x3FB1]  }
0x39: {  	_ = 	snop;
	(pc) =	sbr.ind lr, $3  }
0x3a: {  	_ = 	snop  }
0x3b: {  	_ = 	snop  }
0x3c: {  	p2 =	seq.s32 s10, $0x1;
	s10 =	sld [smem:$0x3FB0]  }
0x3d: {  	_ =	shalt  }
0x3e: {  	_ =	shalt  }
0x3f: {  	_ =	shalt  }
0x40: {  	_ =	shalt  }
0x41: {  	_ =	shalt  }
0x42: {  	_ =	shalt  }
0x43: {  	_ =	shalt  }
0x44: {  	_ =	shalt  }
0x45: {  	_ =	shalt  }
0x46: {  	_ =	shalt  }
0x47: {  	_ =	shalt  }
0x48: {  	_ =	shalt  }
0x49: {  	_ =	shalt  }
0x4a: {  	_ =	shalt  }
0x4b: {  	_ =	shalt  }
0x4c: {  	_ =	shalt  }
0x4d: {  	_ =	shalt  }
0x4e: {  	_ =	shalt  }
0x4f: {  	_ =	shalt  }
0x50: {  	_ =	shalt  }
0x51: {  	_ =	shalt  }
0x52: {  	_ =	shalt  }
0x53: {  	_ =	shalt  }
0x54: {  	_ =	shalt  }
0x55: {  	_ =	shalt  }
0x56: {  	_ =	shalt  }
0x57: {  	_ =	shalt  }
0x58: {  	_ =	shalt  }
0x59: {  	_ =	shalt  }
0x5a: {  	_ =	shalt  }
0x5b: {  	_ =	shalt  }
0x5c: {  	_ =	shalt  }
0x5d: {  	_ =	shalt  }
0x5e: {  	_ =	shalt  }
0x5f: {  	_ =	shalt  }
0x60: {  	_ =	shalt  }
0x61: {  	_ =	shalt  }
0x62: {  	_ =	shalt  }
0x63: {  	_ =	shalt  }
0x64: {  	_ =	shalt  }
0x65: {  	_ =	shalt  }
0x66: {  	_ =	shalt  }
0x67: {  	_ =	shalt  }
0x68: {  	_ =	shalt  }
0x69: {  	_ =	shalt  }
0x6a: {  	_ =	shalt  }
0x6b: {  	_ =	shalt  }
0x6c: {  	_ =	shalt  }
0x6d: {  	_ =	shalt  }
0x6e: {  	_ =	shalt  }
0x6f: {  	_ =	shalt  }
0x70: {  	_ =	shalt  }
0x71: {  	_ =	shalt  }
0x72: {  	_ =	shalt  }
0x73: {  	_ =	shalt  }
0x74: {  	_ =	shalt  }
0x75: {  	_ =	shalt  }
0x76: {  	_ =	shalt  }
0x77: {  	_ =	shalt  }
0x78: {  	_ =	shalt  }
0x79: {  	_ =	shalt  }
0x7a: {  	_ =	shalt  }
0x7b: {  	_ =	shalt  }
0x7c: {  	_ =	shalt  }
0x7d: {  	_ =	shalt  }
0x7e: {  	_ =	shalt  }
0x7f: {  	_ =	shalt  }
0x80: {  	_ =	shalt  }
0x81: {  	_ =	shalt  }
0x82: {  	_ =	shalt  }
0x83: {  	_ =	shalt  }
0x84: {  	_ =	shalt  }
0x85: {  	_ =	shalt  }
0x86: {  	_ =	shalt  }
0x87: {  	_ =	shalt  }
.Lfunc_end0:
.L_simem_size_0:
called_computation_lowered:
.L_overlay_start_0:
0x88: {  	s2 =	sld [smem:$0x3FD9]  }
0x89: {  	s3 =	sld [smem:$0x3FFE];
	_ =	sdelay $0x1  }
0x8a: {  	s1 =	srdreg.scid  }
0x8b: {  	s0 =	sand.u32 $0x1, s1  }
0x8c: {  	s17 =	sshll.u32 s0, $0xA;
	s2 =	sadd.s32 s3, s2  }
0x8d: {  	s2 =	sadd.s32 s2, s17  }
0x8e: {  	[smem:$0x3FBC] =	sst s2  }
0x8f: {  	_ = 	snop  }
0x90: {  	s2 =	sld [smem:$0x3FD0];
	(tm) =	ssettm $0x1  }
0x91: {  	s18 =	sld [smem:$0x3FFB];
	_ =	sdelay $0x3  }
0x92: {  	_ =	strace s18  }
0x93: {  	s3 =	sld [smem:$0x3FFC];
	_ =	sdelay $0x3  }
0x94: {  	_ =	strace s3  }
0x95: {  	s3 =	sld [smem:$0x3FFD];
	_ =	sdelay $0x3  }
0x96: {  	_ =	strace s3  }
0x97: {  	_ =	strace $0x8FFFFFFF  }
0x98: {  	s19 =	sld [smem:$0x3FDB];
	_ =	sdelay $0x1  }
0x99: {  	s4 =	simm.s32 $_scs_section_size  }
0x9a: {  	s5 =	simm.s32 $_size__tile_overlayer_lowered;
	s6 =	simm.s32 $_tile_overlayer_lowered  }
0x9b: {  	s22 =	simm.s32 $0x1BFF;
	s21 =	sshll.u32 s6, $0x1;
	s3 =	sadd.s32 s4, s19  }
0x9c: {  	s7 =	simm.s32 $0x0;
	s20 =	sshll.u32 s5, $0x1;
	s5 =	sadd.s32 s21, s3  }
0x9d: {  	[timem:s7], [sflag:s22] =	dma.local [hbm:s5], s20  }
0x9e: {  	_ =	swait.ge [sflag:s22], s20  }
0x9f: {  	s4 =	ssub.s32 $0x0, s20;
	[sflag:s22] =	ssyncset.done $0x0  }
0xa0: {  	[sflag:s22] =	ssyncadd.s32 s4;
	_ =	sdelay $0x1  }
0xa1: {  	s23 =	simm.s32 $0x1B8B  }
0xa2: {  	_ =	swait.ge [sflag:s23], $0x1  }
0xa3: {  	[sflag:s23] =	ssyncset.done $0x0  }
0xa4: {  	s25 =	simm.s32 $0x1B8E;
	s24 =	sld [smem:$0x3FFE];
	[sflag:s23] =	ssyncadd.s32 $0xFFFFFFFF  }
0xa5: {  	s26 =	simm.s32 $execute0_lowered;
	[smem:$0x3FD2] =	sst s25  }
0xa6: {  	s5 =	sshll.u32 s26, $0x1;
	_ =	strace $0x80000046;
	[dreg:$0x1] =	wrdreg $0xFFFFFFFF  }
0xa7: {  	s28 =	simm.s32 $_size_execute0_lowered;
	s3 =	sadd.s32 s3, s5;
	[dreg:$0x0] =	wrdreg $0x0  }
0xa8: {  	s5 =	sshll.u32 s28, $0x1;
	[dreg:$0x2] =	wrdreg s3  }
0xa9: {  	[dreg:$0x3] =	wrdreg s5  }
0xaa: {  	[dreg:$0x4] =	wrdreg $0xC0  }
0xab: {  	_ =	task [dreg:s7], $0x5FFFF  }
0xac: {  	[dreg:$0x1] =	wrdreg $0xFFFFFFFF  }
0xad: {  	[dreg:$0x0] =	wrdreg $0x60  }
0xae: {  	[dreg:$0x2] =	wrdreg s2  }
0xaf: {  	[dreg:$0x3] =	wrdreg s24  }
0xb0: {  	[dreg:$0x4] =	wrdreg $0xA8000  }
0xb1: {  	[dreg:$0x5] =	wrdreg $0x9  }
0xb2: {  	_ =	task.clear_ibuf [dreg:s7], $0x6FFFF;
	_ =	strace $0x90000046  }
0xb3: {  	s29 =	simm.s32 $0x9;
	_ =	strace $0x80000048  }
0xb4: {  	_ =	swait.ge [sflag:s29], $0x1  }
0xb5: {  	[sflag:s29] =	ssyncadd.s32 $0xFFFFFFFF  }
0xb6: {  	_ =	strace $0x90000048  }
0xb7: {  	_ =	sfence  }
0xb8: {  	s30 =	sld [smem:$0x0];
	_ =	sdelay $0x2  }
0xb9: {  	s31 =	sshll.u32 s1, $0xD;
	s1 =	sshrl.u32 s1, $0x2  }
0xba: {  	s3 =	sand.u32 $0x4000, s31;
	s1 =	sadd.s32 s1, s30  }
0xbb: {  	s0 =	sor.u32 s3, s0;
	s1 =	sshll.u32 s1, $0x11  }
0xbc: {  	s0 =	sor.u32 s1, s0  }
0xbd: {  	s0 =	sadd.s32 $0x8F2B, s0  }
0xbe: {  	[sflag:s0] =	ssyncadd.remote.s32 $0x1  }
0xbf: {  	_ =	sfence.sel $0xFFFF  }
0xc0: {  	[dreg:$0x0] =	wrdreg $0xFFFFFFFF;
	(pc) =	sbr.abs _section_cstart, $3  }
0xc1: {  	[dreg:$0x1] =	wrdreg $0xFFFFFFFF  }
0xc2: {  	_ =	task.clear_ibuf [dreg:s7], $0x2FFFF;
	_ =	strace $0x9FFFFFFF  }
0xc3: {  	(tm) =	ssettm $0x7FFFFFFF  }
tec
execute0_lowered:
.L_overlay_start_1:
0x0: {  	(tag) =	ssettag $0x1  }
0x1: {  	s1 =	rddreg [dreg:$0x1]  }
0x2: {  	s0 =	simm.s32 $0x0;
	s2 =	srdreg.scid;
	s21 =	stileid.u32  }
0x3: {  	[smem:$0x7FF] =	sst s0;
	s8 =	smul.u32 $0x280, s21  }
0x4: {  	s5 =	sadd.s32 $0x1C00, s1;
	s2 =	sand.u32 $0x1, s2;
	s29 =	smul.u32 $0x2800, s21  }
0x5: {  	s6 =	sadd.s32 $0x15C00, s1;
	s3 =	smul.u32 $0x28000, s2;
	s4 =	ssub.s32 $0x2, s2  }
0x6: {  	s2 =	sshll.u32 s2, $0x4;
	s7 =	sshrl.u32 s4, $0x1;
	s10 =	sadd.s32 $0xC0, s8  }
0x7: {  	s11 =	sadd.s32 $0x100, s8;
	s13 =	sadd.s32 $0x140, s8;
	s14 =	sadd.s32 $0x180, s8  }
0x8: {  	s9 =	sadd.s32 s3, s1;
	s3 =	ssub.s32 s4, s7;
	s4 =	sor.u32 s21, s2  }
0x9: {  	s16 =	sadd.s32 $0x1C0, s8;
	s17 =	sadd.s32 $0x200, s8;
	s12 =	smul.u32 $0x5000, s4  }
0xa: {  	s2 =	sor.u32 $0x40, s8;
	s7 =	sadd.s32 $0x80, s8;
	s15 =	smul.u32 $0xA00, s4  }
0xb: {  	s8 =	sadd.s32 $0x240, s8;
	s19 =	sshll.u32 s10, $0x4;
	s20 =	sshll.u32 s11, $0x4  }
0xc: {  	s10 =	sshll.u32 s10, $0x7;
	s12 =	sshrl.u32 s12, $0x3;
	s18 =	sadd.s32 s5, s15  }
0xd: {  	s15 =	sadd.s32 s6, s15;
	[dreg:$0x4] =	wrdreg s18;
	s23 =	sadd.s32 $0x280, s12  }
0xe: {  	s30 =	sshll.u32 s2, $0x4;
	[dreg:$0x5] =	wrdreg s15;
	s24 =	sadd.s32 s5, s23  }
0xf: {  	s25 =	sadd.s32 $0x500, s12;
	s18 =	sadd.s32 s6, s23;
	[dreg:$0x6] =	wrdreg s24  }
0x10: {  	s31 =	sshll.u32 s7, $0x4;
	s26 =	sadd.s32 s5, s25;
	[dreg:$0x7] =	wrdreg s18  }
0x11: {  	s12 =	sadd.s32 $0x780, s12;
	s15 =	sadd.s32 s6, s25;
	[dreg:$0x8] =	wrdreg s26  }
0x12: {  	s3 =	smax.u32 s3, $0x1;
	s5 =	sadd.s32 s5, s12;
	[dreg:$0x9] =	wrdreg s15  }
0x13: {  	s6 =	sadd.s32 s6, s12;
	s23 =	sshll.u32 s13, $0x4;
	[dreg:$0xa] =	wrdreg s5  }
0x14: {  	s25 =	sshll.u32 s16, $0x4;
	[dreg:$0xb] =	wrdreg s6;
	s6 =	sadd.s32 $0x529C00, s9  }
0x15: {  	s5 =	sadd.s32 s29, s6;
	s22 =	sadd.s32 s20, s6;
	s20 =	rddreg [dreg:$0x2]  }
0x16: {  	s12 =	sshll.u32 s11, $0x7;
	s15 =	sadd.s32 s30, s6;
	[dreg:$0xc] =	wrdreg s5  }
0x17: {  	s13 =	sshll.u32 s13, $0x7;
	s18 =	sadd.s32 s31, s6;
	[dreg:$0xd] =	wrdreg s15  }
0x18: {  	s24 =	sshll.u32 s14, $0x4;
	s14 =	sshll.u32 s14, $0x7;
	[dreg:$0xe] =	wrdreg s18  }
0x19: {  	s26 =	sadd.s32 s25, s6;
	s29 =	smul.u32 $0x50000, s21;
	[dreg:$0x10] =	wrdreg s22  }
0x1a: {  	s30 =	sshll.u32 s17, $0x4;
	s31 =	sshll.u32 s8, $0x4;
	[dreg:$0x13] =	wrdreg s26  }
0x1b: {  	s21 =	sshll.u32 s17, $0x7;
	s5 =	sadd.s32 s19, s6;
	s19 =	rddreg [dreg:$0x0]  }
0x1c: {  	s9 =	sadd.s32 s30, s6;
	s28 =	sadd.s32 s10, s20;
	s13 =	sadd.s32 s13, s20  }
0x1d: {  	s15 =	sadd.s32 s14, s20;
	s18 =	sshll.u32 s16, $0x7;
	s22 =	sshll.u32 s8, $0x7  }
0x1e: {  	s30 =	sadd.s32 s21, s20;
	s10 =	simm.s32 $0x5;
	s14 =	simm.s32 $0x4800  }
0x1f: {  	s16 =	simm.s32 $0x1;
	s21 =	simm.s32 $0x2;
	[dreg:$0xf] =	wrdreg s5  }
0x20: {  	s5 =	sadd.s32 s23, s6;
	[dreg:$0x14] =	wrdreg s9;
	s23 =	sadd.s32 $0x29C00, s1  }
0x21: {  	s9 =	sshll.u32 s7, $0x7;
	s1 =	sadd.s32 s12, s20;
	s12 =	simm.s32 $0x40  }
0x22: {  	[dreg:$0x11] =	wrdreg s5;
	s5 =	sadd.s32 s24, s6;
	s6 =	sadd.s32 s31, s6  }
0x23: {  	s26 =	sadd.s32 s9, s20;
	s9 =	simm.s32 $0x2800;
	[dreg:$0x12] =	wrdreg s5  }
0x24: {  	[dreg:$0x15] =	wrdreg s6;
	s5 =	sshrl.u32 s29, $0x2;
	s6 =	sshll.u32 s2, $0x7  }
0x25: {  	s29 =	smul.u32 $0x28000, s4;
	_ =	strace $0x80000047;
	[dreg:$0x16] =	wrdreg s1  }
0x26: {  	s2 =	sadd.s32 s22, s20;
	s4 =	smul.u32 $0x140000, s4;
	[dreg:$0x17] =	wrdreg s15  }
0x27: {  	s22 =	simm.s32 $0x4;
	s24 =	sadd.s32 s5, s20;
	[dreg:$0x19] =	wrdreg s30  }
0x28: {  	s25 =	sadd.s32 s6, s20;
	s1 =	sadd.s32 s18, s20;
	[dreg:$0x1b] =	wrdreg s3  }
0x29: {  	s15 =	simm.s32 $0x8800;
	s18 =	simm.s32 $0x3;
	s31 =	sadd.s32 s23, s29  }
0x2a: {  	s5 =	simm.s32 $0x0;
	[dreg:$0x18] =	wrdreg s1;
	s6 =	sadd.s32 $0xA000, s31  }
0x2b: {  	v0 =	vimm.f32 $0.0e+00;
	s7 =	sadd.s32 $0x14000, s31;
	[dreg:$0x1a] =	wrdreg s31;
	s8 =	sadd.s32 $0x1E000, s31  }
.LBB2_1:
0x2c: {  	s3 =	simm.s32 $0x0;
	s11 =	simm.s32 $0x200  }
.LBB2_2:
0x2d: {  	p0 =	sne.s32 s11, $0x7E00;
	[tilespmem:s3+$0x2870] =	vst v0  }
0x2e: {  	[tilespmem:s3+$0x2800] =	vst v0  }
0x2f: {  	[tilespmem:s3+$0x2810] =	vst v0  }
.Ltmp0:
0x30: {  	[tilespmem:s3+$0x2820] =	vst v0;
	(pc) =	sbr.rel @p0 .LBB2_2-.Ltmp0, $4  }
0x31: {  	[tilespmem:s3+$0x2830] =	vst v0  }
0x32: {  	[tilespmem:s3+$0x2840] =	vst v0  }
0x33: {  	[tilespmem:s3+$0x2850] =	vst v0  }
0x34: {  	[tilespmem:s3+$0x2860] =	vst v0;
	s3 =	sshra.s32 s11, $0x2;
	s11 =	sadd.s32 $0x200, s11  }
0x35: {  	[tilespmem:s3+$0x2870] =	vst v0  }
0x36: {  	[tilespmem:s3+$0x2800] =	vst v0  }
0x37: {  	[tilespmem:s3+$0x2810] =	vst v0  }
0x38: {  	[tilespmem:s3+$0x2820] =	vst v0  }
0x39: {  	[tilespmem:s3+$0x2830] =	vst v0  }
0x3a: {  	[tilespmem:s3+$0x2840] =	vst v0  }
0x3b: {  	[tilespmem:s3+$0x2850] =	vst v0  }
0x3c: {  	[tilespmem:s3+$0x2860] =	vst v0  }
0x3d: {  	[spmem:s24] =	stream.linear.scatter [tilespmem:s9], [sflag:$0x5], $0x2000, $0x38;
	[tilespmem:$0x1E800] =	vst v63  }
0x3e: {  	_ =	swait.ge [sflag:s10], $0x2000  }
0x3f: {  	[sflag:s10] =	ssyncset.done $0x0  }
0x40: {  	[sflag:s10] =	ssyncadd.s32 $0xFFFFE000  }
0x41: {  	[spmem:s25] =	stream.linear.scatter [tilespmem:s9], [sflag:$0x5], $0x2000, $0x38;
	[tilespmem:$0x1E800] =	vst v63  }
0x42: {  	_ =	swait.ge [sflag:s10], $0x2000  }
0x43: {  	[sflag:s10] =	ssyncset.done $0x0  }
0x44: {  	[sflag:s10] =	ssyncadd.s32 $0xFFFFE000  }
0x45: {  	[spmem:s26] =	stream.linear.scatter [tilespmem:s9], [sflag:$0x5], $0x2000, $0x38;
	[tilespmem:$0x1E800] =	vst v63  }
0x46: {  	_ =	swait.ge [sflag:s10], $0x2000  }
0x47: {  	[sflag:s10] =	ssyncset.done $0x0  }
0x48: {  	[sflag:s10] =	ssyncadd.s32 $0xFFFFE000  }
0x49: {  	[spmem:s28] =	stream.linear.scatter [tilespmem:s9], [sflag:$0x5], $0x2000, $0x38;
	[tilespmem:$0x1E800] =	vst v63  }
0x4a: {  	_ =	swait.ge [sflag:s10], $0x2000  }
0x4b: {  	[sflag:s10] =	ssyncset.done $0x0  }
0x4c: {  	s31 =	smov.u32 s26;
	s26 =	rddreg [dreg:$0x16];
	[sflag:s10] =	ssyncadd.s32 $0xFFFFE000  }
0x4d: {  	[spmem:s26] =	stream.linear.scatter [tilespmem:s9], [sflag:$0x5], $0x2000, $0x38;
	[tilespmem:$0x1E800] =	vst v63  }
0x4e: {  	_ =	swait.ge [sflag:s10], $0x2000  }
0x4f: {  	[sflag:s10] =	ssyncset.done $0x0  }
0x50: {  	[sflag:s10] =	ssyncadd.s32 $0xFFFFE000  }
0x51: {  	[spmem:s13] =	stream.linear.scatter [tilespmem:s9], [sflag:$0x5], $0x2000, $0x38;
	[tilespmem:$0x1E800] =	vst v63  }
0x52: {  	_ =	swait.ge [sflag:s10], $0x2000  }
0x53: {  	[sflag:s10] =	ssyncset.done $0x0  }
0x54: {  	s17 =	smov.u32 s28;
	s28 =	rddreg [dreg:$0x17];
	[sflag:s10] =	ssyncadd.s32 $0xFFFFE000  }
0x55: {  	[spmem:s28] =	stream.linear.scatter [tilespmem:s9], [sflag:$0x5], $0x2000, $0x38;
	[tilespmem:$0x1E800] =	vst v63  }
0x56: {  	_ =	swait.ge [sflag:s10], $0x2000  }
0x57: {  	[sflag:s10] =	ssyncset.done $0x0  }
0x58: {  	s11 =	rddreg [dreg:$0x18];
	[sflag:s10] =	ssyncadd.s32 $0xFFFFE000  }
0x59: {  	[spmem:s11] =	stream.linear.scatter [tilespmem:s9], [sflag:$0x5], $0x2000, $0x38;
	[tilespmem:$0x1E800] =	vst v63  }
0x5a: {  	_ =	swait.ge [sflag:s10], $0x2000  }
0x5b: {  	[sflag:s10] =	ssyncset.done $0x0  }
0x5c: {  	s1 =	smov.u32 s13;
	s13 =	rddreg [dreg:$0x19];
	[sflag:s10] =	ssyncadd.s32 $0xFFFFE000  }
0x5d: {  	[spmem:s13] =	stream.linear.scatter [tilespmem:s9], [sflag:$0x5], $0x2000, $0x38;
	[tilespmem:$0x1E800] =	vst v63  }
0x5e: {  	_ =	swait.ge [sflag:s10], $0x2000  }
0x5f: {  	[sflag:s10] =	ssyncset.done $0x0  }
0x60: {  	[sflag:s10] =	ssyncadd.s32 $0xFFFFE000  }
0x61: {  	[spmem:s2] =	stream.linear.scatter [tilespmem:s9], [sflag:$0x5], $0x2000, $0x38;
	[tilespmem:$0x1E800] =	vst v63  }
0x62: {  	_ =	swait.ge [sflag:s10], $0x2000  }
0x63: {  	[sflag:s10] =	ssyncset.done $0x0  }
0x64: {  	[sflag:s10] =	ssyncadd.s32 $0xFFFFE000  }
0x65: {  	[bflag:$0x0] =	sbarrier.arrive $0xFFFF  }
0x66: {  	s3 =	simm.s32 $0x0;
	s11 =	rddreg [dreg:$0x4]  }
0x67: {  	[tilespmem:s3], [sflag:$0x5] =	stream.linear.gather [hbm4b:s11+s3], $0x1400, $0x38;
	[tilespmem:$0x1E800] =	vst v63  }
0x68: {  	_ =	swait.ge [sflag:s10], $0x1400  }
0x69: {  	s29 =	smov.u32 s24;
	s30 =	smov.u32 s25;
	[sflag:s10] =	ssyncset.done $0x0  }
0x6a: {  	s25 =	simm.s32 $0x1400;
	s24 =	rddreg [dreg:$0x5];
	[sflag:s10] =	ssyncadd.s32 $0xFFFFEC00  }
0x6b: {  	[tilespmem:s25], [sflag:$0x5] =	stream.linear.gather [hbm4b:s24+s3], $0x1400, $0x38;
	[tilespmem:$0x1E800] =	vst v63  }
0x6c: {  	_ =	swait.ge [sflag:s10], $0x1400  }
0x6d: {  	[sflag:s10] =	ssyncset.done $0x0  }
0x6e: {  	[sflag:s10] =	ssyncadd.s32 $0xFFFFEC00  }
0x6f: {  	[tilespmem:s9], [sflag:$0x1] =	stream.indirect.gather [hbm4b:s19+s12], $0x80, s3, s12, $0xb8;
	[tilespmem:$0x1E800] =	vst v63  }
0x70: {  	s28 =	simm.s32 $0x6800;
	s26 =	rddreg [dreg:$0x1a]  }
0x71: {  	[tilespmem:s28], [sflag:$0x3] =	stream.linear.gather [hbm4b:s26+s3], $0x2000, $0x38;
	[tilespmem:$0x1E800] =	vst v63  }
.LBB2_4:
0x72: {  	s11 =	sshllo.u32 s3, $0x1  }
0x73: {  	s24 =	sshll.u32 s11, $0x7;
	s11 =	sshll.u32 s11, $0xD  }
0x74: {  	[tilespmem:s14], [sflag:$0x2] =	stream.indirect.gather [hbm4b:s19+s12], $0x80, s24, s12, $0xb8;
	[tilespmem:$0x1E800] =	vst v63  }
0x75: {  	s11 =	sadd.s32 s4, s11  }
0x76: {  	s11 =	sshrl.u32 s11, $0x3  }
0x77: {  	s11 =	sadd.s32 s23, s11  }
0x78: {  	[tilespmem:s15], [sflag:$0x4] =	stream.linear.gather [hbm4b:s11+s0], $0x2000, $0x38;
	[tilespmem:$0x1E800] =	vst v63  }
0x79: {  	_ =	swait.ge [sflag:s16], $0x2000  }
0x7a: {  	[sflag:s16] =	ssyncset.done $0x0  }
0x7b: {  	[sflag:s16] =	ssyncadd.s32 $0xFFFFE000  }
0x7c: {  	_ =	swait.ge [sflag:s18], $0x2000  }
0x7d: {  	[sflag:s18] =	ssyncset.done $0x0  }
0x7e: {  	s25 =	simm.s32 $0x2900;
	[sflag:s18] =	ssyncadd.s32 $0xFFFFE000  }
0x7f: {  	s11 =	simm.s32 $0x6900;
	v1 =	vld [tilespmem:s25+$0x80]  }
0x80: {  	v2 =	vld [tilespmem:s11+$0x80]  }
0x81: {  	v3 =	vld [tilespmem:s25+$0xFFFFFF80]  }
0x82: {  	v4 =	vld [tilespmem:s11+$0xFFFFFF80]  }
0x83: {  	v5 =	vld [tilespmem:s25+$0x0]  }
0x84: {  	v6 =	vld [tilespmem:s11+$0x0]  }
0x85: {  	v7 =	vld [tilespmem:s25+$0xFFFFFF00];
	v1 =	vmul.f32 v2, v1  }
0x86: {  	v2 =	vld [tilespmem:s11+$0xFFFFFF00]  }
0x87: {  	[tilespmem:s25+$0x80] =	vst v1;
	v1 =	vld [tilespmem:s25+$0x90]  }
0x88: {  	v3 =	vmul.f32 v4, v3;
	v4 =	vld [tilespmem:s11+$0x90]  }
0x89: {  	v8 =	vld [tilespmem:s25+$0xFFFFFF10]  }
0x8a: {  	[tilespmem:s25+$0xFFFFFF80] =	vst v3;
	v3 =	vmul.f32 v6, v5;
	v5 =	vld [tilespmem:s25+$0xFFFFFF90]  }
0x8b: {  	v6 =	vld [tilespmem:s11+$0xFFFFFF90];
	v2 =	vmul.f32 v2, v7  }
0x8c: {  	[tilespmem:s25+$0x0] =	vst v3;
	v3 =	vld [tilespmem:s25+$0x10]  }
0x8d: {  	v7 =	vld [tilespmem:s11+$0x10];
	[tilespmem:s25+$0xFFFFFF00] =	vst v2;
	v1 =	vmul.f32 v4, v1  }
0x8e: {  	v2 =	vld [tilespmem:s11+$0xFFFFFF10]  }
0x8f: {  	[tilespmem:s25+$0x90] =	vst v1;
	v1 =	vld [tilespmem:s25+$0xA0]  }
0x90: {  	v4 =	vmul.f32 v6, v5;
	v5 =	vld [tilespmem:s11+$0xA0]  }
0x91: {  	v6 =	vld [tilespmem:s25+$0xFFFFFF20]  }
0x92: {  	[tilespmem:s25+$0xFFFFFF90] =	vst v4;
	v3 =	vmul.f32 v7, v3;
	v4 =	vld [tilespmem:s25+$0xFFFFFFA0]  }
0x93: {  	v7 =	vld [tilespmem:s11+$0xFFFFFFA0];
	v2 =	vmul.f32 v2, v8  }
0x94: {  	[tilespmem:s25+$0x10] =	vst v3;
	v3 =	vld [tilespmem:s25+$0x20]  }
0x95: {  	v8 =	vld [tilespmem:s11+$0x20];
	[tilespmem:s25+$0xFFFFFF10] =	vst v2;
	v1 =	vmul.f32 v5, v1  }
0x96: {  	v2 =	vld [tilespmem:s11+$0xFFFFFF20]  }
0x97: {  	[tilespmem:s25+$0xA0] =	vst v1;
	v1 =	vld [tilespmem:s25+$0xB0]  }
0x98: {  	v4 =	vmul.f32 v7, v4;
	v5 =	vld [tilespmem:s11+$0xB0]  }
0x99: {  	v7 =	vld [tilespmem:s25+$0xFFFFFF30]  }
0x9a: {  	[tilespmem:s25+$0xFFFFFFA0] =	vst v4;
	v3 =	vmul.f32 v8, v3;
	v4 =	vld [tilespmem:s25+$0xFFFFFFB0]  }
0x9b: {  	v8 =	vld [tilespmem:s11+$0xFFFFFFB0];
	v2 =	vmul.f32 v2, v6  }
0x9c: {  	[tilespmem:s25+$0x20] =	vst v3;
	v3 =	vld [tilespmem:s25+$0x30]  }
0x9d: {  	v6 =	vld [tilespmem:s11+$0x30];
	[tilespmem:s25+$0xFFFFFF20] =	vst v2;
	v1 =	vmul.f32 v5, v1  }
0x9e: {  	v2 =	vld [tilespmem:s11+$0xFFFFFF30]  }
0x9f: {  	[tilespmem:s25+$0xB0] =	vst v1;
	v1 =	vld [tilespmem:s25+$0xC0]  }
0xa0: {  	v4 =	vmul.f32 v8, v4;
	v5 =	vld [tilespmem:s11+$0xC0]  }
0xa1: {  	v8 =	vld [tilespmem:s25+$0xFFFFFF40]  }
0xa2: {  	[tilespmem:s25+$0xFFFFFFB0] =	vst v4;
	v3 =	vmul.f32 v6, v3;
	v4 =	vld [tilespmem:s25+$0xFFFFFFC0]  }
0xa3: {  	v6 =	vld [tilespmem:s11+$0xFFFFFFC0];
	v2 =	vmul.f32 v2, v7  }
0xa4: {  	[tilespmem:s25+$0x30] =	vst v3;
	v3 =	vld [tilespmem:s25+$0x40]  }
0xa5: {  	v7 =	vld [tilespmem:s11+$0x40];
	[tilespmem:s25+$0xFFFFFF30] =	vst v2;
	v1 =	vmul.f32 v5, v1  }
0xa6: {  	v2 =	vld [tilespmem:s11+$0xFFFFFF40]  }
0xa7: {  	[tilespmem:s25+$0xC0] =	vst v1;
	v1 =	vld [tilespmem:s25+$0xD0]  }
0xa8: {  	v4 =	vmul.f32 v6, v4;
	v5 =	vld [tilespmem:s11+$0xD0]  }
0xa9: {  	v6 =	vld [tilespmem:s25+$0xFFFFFF50]  }
0xaa: {  	[tilespmem:s25+$0xFFFFFFC0] =	vst v4;
	v3 =	vmul.f32 v7, v3;
	v4 =	vld [tilespmem:s25+$0xFFFFFFD0]  }
0xab: {  	v7 =	vld [tilespmem:s11+$0xFFFFFFD0];
	v2 =	vmul.f32 v2, v8  }
0xac: {  	[tilespmem:s25+$0x40] =	vst v3;
	v3 =	vld [tilespmem:s25+$0x50]  }
0xad: {  	v8 =	vld [tilespmem:s11+$0x50];
	[tilespmem:s25+$0xFFFFFF40] =	vst v2;
	v1 =	vmul.f32 v5, v1  }
0xae: {  	v2 =	vld [tilespmem:s11+$0xFFFFFF50]  }
0xaf: {  	[tilespmem:s25+$0xD0] =	vst v1;
	v1 =	vld [tilespmem:s25+$0xE0]  }
0xb0: {  	v4 =	vmul.f32 v7, v4;
	v5 =	vld [tilespmem:s11+$0xE0]  }
0xb1: {  	v7 =	vld [tilespmem:s25+$0xFFFFFF60]  }
0xb2: {  	[tilespmem:s25+$0xFFFFFFD0] =	vst v4;
	v3 =	vmul.f32 v8, v3;
	v4 =	vld [tilespmem:s25+$0xFFFFFFE0]  }
0xb3: {  	v8 =	vld [tilespmem:s11+$0xFFFFFFE0];
	v2 =	vmul.f32 v2, v6  }
0xb4: {  	[tilespmem:s25+$0x50] =	vst v3;
	v3 =	vld [tilespmem:s25+$0x60]  }
0xb5: {  	v6 =	vld [tilespmem:s11+$0x60];
	[tilespmem:s25+$0xFFFFFF50] =	vst v2;
	v1 =	vmul.f32 v5, v1  }
0xb6: {  	v5 =	vld [tilespmem:s11+$0xFFFFFF60]  }
0xb7: {  	v9 =	vld [tilespmem:s25+$0xF0];
	[tilespmem:s25+$0xE0] =	vst v1  }
0xb8: {  	v2 =	vmul.f32 v8, v4;
	v8 =	vld [tilespmem:s11+$0xF0]  }
0xb9: {  	v1 =	vld [tilespmem:s25+$0xFFFFFF70]  }
0xba: {  	[tilespmem:s25+$0xFFFFFFE0] =	vst v2;
	v3 =	vmul.f32 v6, v3;
	v2 =	vld [tilespmem:s25+$0xFFFFFFF0]  }
0xbb: {  	v4 =	vld [tilespmem:s11+$0xFFFFFFF0];
	v5 =	vmul.f32 v5, v7  }
0xbc: {  	[tilespmem:s25+$0x60] =	vst v3;
	v3 =	vld [tilespmem:s25+$0x70]  }
0xbd: {  	[tilespmem:s25+$0xFFFFFF60] =	vst v5;
	v5 =	vld [tilespmem:s11+$0x70];
	v7 =	vmul.f32 v8, v9  }
0xbe: {  	s26 =	sshll.u32 s3, $0x1;
	s13 =	simm.s32 $0x0;
	s28 =	simm.s32 $0x2B00;
	v6 =	vld [tilespmem:s11+$0xFFFFFF70]  }
.LBB2_5:
0xbf: {  	v8 =	vld [tilespmem:s28+$0x80];
	[tilespmem:s25+$0xF0] =	vst v7;
	s11 =	sadd.s32 $0x200, s11  }
0xc0: {  	s13 =	sadd.s32 $0x4, s13;
	v7 =	vld [tilespmem:s11+$0x80];
	v2 =	vmul.f32 v4, v2  }
0xc1: {  	p0 =	slt.u32 s13, $0x3C;
	v4 =	vld [tilespmem:s11+$0xFFFFFF00]  }
0xc2: {  	v9 =	vld [tilespmem:s28+$0xFFFFFF80];
	[tilespmem:s25+$0xFFFFFFF0] =	vst v2;
	v2 =	vmul.f32 v5, v3  }
0xc3: {  	v3 =	vld [tilespmem:s11+$0xFFFFFF80];
	v1 =	vmul.f32 v6, v1  }
0xc4: {  	v5 =	vld [tilespmem:s28+$0x0];
	[tilespmem:s25+$0x70] =	vst v2  }
0xc5: {  	v2 =	vld [tilespmem:s11+$0x0];
	v6 =	vmul.f32 v7, v8;
	[tilespmem:s25+$0xFFFFFF70] =	vst v1;
	s25 =	smov.u32 s28  }
0xc6: {  	v1 =	vld [tilespmem:s28+$0xFFFFFF00]  }
0xc7: {  	[tilespmem:s28+$0x80] =	vst v6;
	v6 =	vld [tilespmem:s28+$0x90]  }
0xc8: {  	v3 =	vmul.f32 v3, v9;
	v7 =	vld [tilespmem:s11+$0x90]  }
0xc9: {  	v8 =	vld [tilespmem:s28+$0xFFFFFF10]  }
0xca: {  	[tilespmem:s28+$0xFFFFFF80] =	vst v3;
	v3 =	vld [tilespmem:s28+$0xFFFFFF90];
	v2 =	vmul.f32 v2, v5  }
0xcb: {  	v1 =	vmul.f32 v4, v1;
	v4 =	vld [tilespmem:s11+$0xFFFFFF90]  }
0xcc: {  	[tilespmem:s28+$0x0] =	vst v2;
	v2 =	vld [tilespmem:s28+$0x10]  }
0xcd: {  	[tilespmem:s28+$0xFFFFFF00] =	vst v1;
	v1 =	vld [tilespmem:s11+$0x10];
	v5 =	vmul.f32 v7, v6  }
0xce: {  	v6 =	vld [tilespmem:s11+$0xFFFFFF10]  }
0xcf: {  	[tilespmem:s28+$0x90] =	vst v5;
	v5 =	vld [tilespmem:s28+$0xA0]  }
0xd0: {  	v3 =	vmul.f32 v4, v3;
	v4 =	vld [tilespmem:s11+$0xA0]  }
0xd1: {  	v7 =	vld [tilespmem:s28+$0xFFFFFF20]  }
0xd2: {  	[tilespmem:s28+$0xFFFFFF90] =	vst v3;
	v3 =	vld [tilespmem:s28+$0xFFFFFFA0];
	v1 =	vmul.f32 v1, v2  }
0xd3: {  	v2 =	vmul.f32 v6, v8;
	v6 =	vld [tilespmem:s11+$0xFFFFFFA0]  }
0xd4: {  	[tilespmem:s28+$0x10] =	vst v1;
	v1 =	vld [tilespmem:s28+$0x20]  }
0xd5: {  	[tilespmem:s28+$0xFFFFFF10] =	vst v2;
	v2 =	vld [tilespmem:s11+$0x20];
	v4 =	vmul.f32 v4, v5  }
0xd6: {  	v5 =	vld [tilespmem:s11+$0xFFFFFF20]  }
0xd7: {  	[tilespmem:s28+$0xA0] =	vst v4;
	v4 =	vld [tilespmem:s28+$0xB0]  }
0xd8: {  	v3 =	vmul.f32 v6, v3;
	v6 =	vld [tilespmem:s11+$0xB0]  }
0xd9: {  	v8 =	vld [tilespmem:s28+$0xFFFFFF30]  }
0xda: {  	[tilespmem:s28+$0xFFFFFFA0] =	vst v3;
	v3 =	vld [tilespmem:s28+$0xFFFFFFB0];
	v1 =	vmul.f32 v2, v1  }
0xdb: {  	v2 =	vmul.f32 v5, v7;
	v5 =	vld [tilespmem:s11+$0xFFFFFFB0]  }
0xdc: {  	[tilespmem:s28+$0x20] =	vst v1;
	v1 =	vld [tilespmem:s28+$0x30]  }
0xdd: {  	[tilespmem:s28+$0xFFFFFF20] =	vst v2;
	v2 =	vld [tilespmem:s11+$0x30];
	v4 =	vmul.f32 v6, v4  }
0xde: {  	v6 =	vld [tilespmem:s11+$0xFFFFFF30]  }
0xdf: {  	[tilespmem:s28+$0xB0] =	vst v4;
	v4 =	vld [tilespmem:s28+$0xC0]  }
0xe0: {  	v3 =	vmul.f32 v5, v3;
	v5 =	vld [tilespmem:s11+$0xC0]  }
0xe1: {  	v7 =	vld [tilespmem:s28+$0xFFFFFF40]  }
0xe2: {  	[tilespmem:s28+$0xFFFFFFB0] =	vst v3;
	v3 =	vld [tilespmem:s28+$0xFFFFFFC0];
	v1 =	vmul.f32 v2, v1  }
0xe3: {  	v2 =	vmul.f32 v6, v8;
	v6 =	vld [tilespmem:s11+$0xFFFFFFC0]  }
0xe4: {  	[tilespmem:s28+$0x30] =	vst v1;
	v1 =	vld [tilespmem:s28+$0x40]  }
0xe5: {  	[tilespmem:s28+$0xFFFFFF30] =	vst v2;
	v2 =	vld [tilespmem:s11+$0x40];
	v4 =	vmul.f32 v5, v4  }
0xe6: {  	v5 =	vld [tilespmem:s11+$0xFFFFFF40]  }
0xe7: {  	[tilespmem:s28+$0xC0] =	vst v4;
	v4 =	vld [tilespmem:s28+$0xD0]  }
0xe8: {  	v3 =	vmul.f32 v6, v3;
	v6 =	vld [tilespmem:s11+$0xD0]  }
0xe9: {  	v8 =	vld [tilespmem:s28+$0xFFFFFF50]  }
0xea: {  	[tilespmem:s28+$0xFFFFFFC0] =	vst v3;
	v3 =	vld [tilespmem:s28+$0xFFFFFFD0];
	v1 =	vmul.f32 v2, v1  }
0xeb: {  	v2 =	vmul.f32 v5, v7;
	v5 =	vld [tilespmem:s11+$0xFFFFFFD0]  }
0xec: {  	[tilespmem:s28+$0x40] =	vst v1;
	v1 =	vld [tilespmem:s28+$0x50]  }
0xed: {  	[tilespmem:s28+$0xFFFFFF40] =	vst v2;
	v2 =	vld [tilespmem:s11+$0x50];
	v4 =	vmul.f32 v6, v4  }
0xee: {  	v6 =	vld [tilespmem:s11+$0xFFFFFF50]  }
0xef: {  	[tilespmem:s28+$0xD0] =	vst v4;
	v4 =	vld [tilespmem:s28+$0xE0]  }
0xf0: {  	v3 =	vmul.f32 v5, v3;
	v5 =	vld [tilespmem:s11+$0xE0]  }
0xf1: {  	v7 =	vld [tilespmem:s28+$0xFFFFFF60]  }
0xf2: {  	[tilespmem:s28+$0xFFFFFFD0] =	vst v3;
	v3 =	vld [tilespmem:s28+$0xFFFFFFE0];
	v1 =	vmul.f32 v2, v1  }
0xf3: {  	v2 =	vmul.f32 v6, v8;
	v6 =	vld [tilespmem:s11+$0xFFFFFFE0]  }
0xf4: {  	[tilespmem:s28+$0x50] =	vst v1;
	v8 =	vld [tilespmem:s28+$0x60]  }
0xf5: {  	[tilespmem:s28+$0xFFFFFF50] =	vst v2;
	v9 =	vld [tilespmem:s11+$0x60];
	v1 =	vmul.f32 v5, v4  }
0xf6: {  	v4 =	vld [tilespmem:s11+$0xFFFFFF60]  }
0xf7: {  	[tilespmem:s28+$0xE0] =	vst v1;
	v10 =	vld [tilespmem:s28+$0xF0]  }
0xf8: {  	v2 =	vmul.f32 v6, v3;
	v6 =	vld [tilespmem:s11+$0xF0]  }
0xf9: {  	v1 =	vld [tilespmem:s28+$0xFFFFFF70]  }
.Ltmp1:
0xfa: {  	[tilespmem:s28+$0xFFFFFFE0] =	vst v2;
	v2 =	vld [tilespmem:s28+$0xFFFFFFF0];
	v3 =	vmul.f32 v9, v8;
	(pc) =	sbr.rel @p0 .LBB2_5-.Ltmp1, $4  }
0xfb: {  	v5 =	vmul.f32 v4, v7;
	v4 =	vld [tilespmem:s11+$0xFFFFFFF0]  }
0xfc: {  	[tilespmem:s28+$0x60] =	vst v3;
	v3 =	vld [tilespmem:s28+$0x70]  }
0xfd: {  	[tilespmem:s28+$0xFFFFFF60] =	vst v5;
	v5 =	vld [tilespmem:s11+$0x70];
	v7 =	vmul.f32 v6, v10  }
0xfe: {  	s28 =	sadd.s32 $0x200, s28;
	v6 =	vld [tilespmem:s11+$0xFFFFFF70]  }
0xff: {  	_ =	sdelay $0x1  }
0x100: {  	v2 =	vmul.f32 v4, v2  }
0x101: {  	[tilespmem:s25+$0xF0] =	vst v7;
	v3 =	vmul.f32 v5, v3  }
0x102: {  	s11 =	sshll.u32 s3, $0x8;
	[tilespmem:s25+$0xFFFFFFF0] =	vst v2;
	v1 =	vmul.f32 v6, v1  }
0x103: {  	s11 =	sand.u32 $0x3FFFFF00, s11;
	[tilespmem:s25+$0x70] =	vst v3  }
0x104: {  	p0 =	seq.s32 s3, $0x13;
	s11 =	sadd.s32 $0x1400, s11;
	[tilespmem:s25+$0xFFFFFF70] =	vst v1  }
0x105: {  	[spmem:s20] =	stream.indirect.scatter.add.f32 [tilespmem:s9], [sflag:$0x5], $0x80, s11, s12, $0xb8;
	[tilespmem:$0x1E800] =	vst v63  }
0x106: {  	s25 =	simm.s32 @!p0 $0x40;
	s11 =	sadd.s32 @!p0 $0x2, s26  }
0x107: {  	_ =	swait.ge [sflag:s10], $0x2000;
	s13 =	sshll.u32 @!p0 s11, $0x7;
	s11 =	sshll.u32 @!p0 s11, $0xD  }
0x108: {  	s26 =	simm.s32 @!p0 $0x2800;
	[sflag:s10] =	ssyncset.done $0x0;
	s11 =	sadd.s32 @!p0 s4, s11  }
0x109: {  	s13 =	sand.u32 @!p0 $0x3FFFFF80, s13;
	[sflag:s10] =	ssyncadd.s32 $0xFFFFE000;
	s11 =	sshrl.u32 @!p0 s11, $0x3  }
0x10a: {  	[tilespmem:s26], [sflag:$0x1] =	stream.indirect.gather @!p0 [hbm4b:s19+s25], $0x80, s13, s25, $0xb8;
	[tilespmem:$0x1E800] =	vst v63  }
0x10b: {  	s11 =	sadd.s32 @!p0 s23, s11;
	s13 =	simm.s32 @!p0 $0x0;
	s25 =	simm.s32 @!p0 $0x6800  }
0x10c: {  	[tilespmem:s25], [sflag:$0x3] =	stream.linear.gather @!p0 [hbm4b:s11+s13], $0x2000, $0x38;
	[tilespmem:$0x1E800] =	vst v63  }
0x10d: {  	_ =	swait.ge [sflag:s21], $0x2000  }
0x10e: {  	[sflag:s21] =	ssyncset.done $0x0  }
0x10f: {  	[sflag:s21] =	ssyncadd.s32 $0xFFFFE000  }
0x110: {  	_ =	swait.ge [sflag:s22], $0x2000  }
0x111: {  	[sflag:s22] =	ssyncset.done $0x0  }
0x112: {  	s25 =	simm.s32 $0x4900;
	[sflag:s22] =	ssyncadd.s32 $0xFFFFE000  }
0x113: {  	s11 =	simm.s32 $0x8900;
	v1 =	vld [tilespmem:s25+$0x80]  }
0x114: {  	v2 =	vld [tilespmem:s11+$0x80]  }
0x115: {  	v3 =	vld [tilespmem:s25+$0xFFFFFF80]  }
0x116: {  	v4 =	vld [tilespmem:s11+$0xFFFFFF80]  }
0x117: {  	v5 =	vld [tilespmem:s25+$0x0]  }
0x118: {  	v6 =	vld [tilespmem:s11+$0x0]  }
0x119: {  	v7 =	vld [tilespmem:s25+$0xFFFFFF00];
	v1 =	vmul.f32 v2, v1  }
0x11a: {  	v2 =	vld [tilespmem:s11+$0xFFFFFF00]  }
0x11b: {  	[tilespmem:s25+$0x80] =	vst v1;
	v1 =	vld [tilespmem:s25+$0x90]  }
0x11c: {  	v3 =	vmul.f32 v4, v3;
	v4 =	vld [tilespmem:s11+$0x90]  }
0x11d: {  	v8 =	vld [tilespmem:s25+$0xFFFFFF10]  }
0x11e: {  	[tilespmem:s25+$0xFFFFFF80] =	vst v3;
	v3 =	vmul.f32 v6, v5;
	v5 =	vld [tilespmem:s25+$0xFFFFFF90]  }
0x11f: {  	v6 =	vld [tilespmem:s11+$0xFFFFFF90];
	v2 =	vmul.f32 v2, v7  }
0x120: {  	[tilespmem:s25+$0x0] =	vst v3;
	v3 =	vld [tilespmem:s25+$0x10]  }
0x121: {  	v7 =	vld [tilespmem:s11+$0x10];
	[tilespmem:s25+$0xFFFFFF00] =	vst v2;
	v1 =	vmul.f32 v4, v1  }
0x122: {  	v2 =	vld [tilespmem:s11+$0xFFFFFF10]  }
0x123: {  	[tilespmem:s25+$0x90] =	vst v1;
	v1 =	vld [tilespmem:s25+$0xA0]  }
0x124: {  	v4 =	vmul.f32 v6, v5;
	v5 =	vld [tilespmem:s11+$0xA0]  }
0x125: {  	v6 =	vld [tilespmem:s25+$0xFFFFFF20]  }
0x126: {  	[tilespmem:s25+$0xFFFFFF90] =	vst v4;
	v3 =	vmul.f32 v7, v3;
	v4 =	vld [tilespmem:s25+$0xFFFFFFA0]  }
0x127: {  	v7 =	vld [tilespmem:s11+$0xFFFFFFA0];
	v2 =	vmul.f32 v2, v8  }
0x128: {  	[tilespmem:s25+$0x10] =	vst v3;
	v3 =	vld [tilespmem:s25+$0x20]  }
0x129: {  	v8 =	vld [tilespmem:s11+$0x20];
	[tilespmem:s25+$0xFFFFFF10] =	vst v2;
	v1 =	vmul.f32 v5, v1  }
0x12a: {  	v2 =	vld [tilespmem:s11+$0xFFFFFF20]  }
0x12b: {  	[tilespmem:s25+$0xA0] =	vst v1;
	v1 =	vld [tilespmem:s25+$0xB0]  }
0x12c: {  	v4 =	vmul.f32 v7, v4;
	v5 =	vld [tilespmem:s11+$0xB0]  }
0x12d: {  	v7 =	vld [tilespmem:s25+$0xFFFFFF30]  }
0x12e: {  	[tilespmem:s25+$0xFFFFFFA0] =	vst v4;
	v3 =	vmul.f32 v8, v3;
	v4 =	vld [tilespmem:s25+$0xFFFFFFB0]  }
0x12f: {  	v8 =	vld [tilespmem:s11+$0xFFFFFFB0];
	v2 =	vmul.f32 v2, v6  }
0x130: {  	[tilespmem:s25+$0x20] =	vst v3;
	v3 =	vld [tilespmem:s25+$0x30]  }
0x131: {  	v6 =	vld [tilespmem:s11+$0x30];
	[tilespmem:s25+$0xFFFFFF20] =	vst v2;
	v1 =	vmul.f32 v5, v1  }
0x132: {  	v2 =	vld [tilespmem:s11+$0xFFFFFF30]  }
0x133: {  	[tilespmem:s25+$0xB0] =	vst v1;
	v1 =	vld [tilespmem:s25+$0xC0]  }
0x134: {  	v4 =	vmul.f32 v8, v4;
	v5 =	vld [tilespmem:s11+$0xC0]  }
0x135: {  	v8 =	vld [tilespmem:s25+$0xFFFFFF40]  }
0x136: {  	[tilespmem:s25+$0xFFFFFFB0] =	vst v4;
	v3 =	vmul.f32 v6, v3;
	v4 =	vld [tilespmem:s25+$0xFFFFFFC0]  }
0x137: {  	v6 =	vld [tilespmem:s11+$0xFFFFFFC0];
	v2 =	vmul.f32 v2, v7  }
0x138: {  	[tilespmem:s25+$0x30] =	vst v3;
	v3 =	vld [tilespmem:s25+$0x40]  }
0x139: {  	v7 =	vld [tilespmem:s11+$0x40];
	[tilespmem:s25+$0xFFFFFF30] =	vst v2;
	v1 =	vmul.f32 v5, v1  }
0x13a: {  	v2 =	vld [tilespmem:s11+$0xFFFFFF40]  }
0x13b: {  	[tilespmem:s25+$0xC0] =	vst v1;
	v1 =	vld [tilespmem:s25+$0xD0]  }
0x13c: {  	v4 =	vmul.f32 v6, v4;
	v5 =	vld [tilespmem:s11+$0xD0]  }
0x13d: {  	v6 =	vld [tilespmem:s25+$0xFFFFFF50]  }
0x13e: {  	[tilespmem:s25+$0xFFFFFFC0] =	vst v4;
	v3 =	vmul.f32 v7, v3;
	v4 =	vld [tilespmem:s25+$0xFFFFFFD0]  }
0x13f: {  	v7 =	vld [tilespmem:s11+$0xFFFFFFD0];
	v2 =	vmul.f32 v2, v8  }
0x140: {  	[tilespmem:s25+$0x40] =	vst v3;
	v3 =	vld [tilespmem:s25+$0x50]  }
0x141: {  	v8 =	vld [tilespmem:s11+$0x50];
	[tilespmem:s25+$0xFFFFFF40] =	vst v2;
	v1 =	vmul.f32 v5, v1  }
0x142: {  	v2 =	vld [tilespmem:s11+$0xFFFFFF50]  }
0x143: {  	[tilespmem:s25+$0xD0] =	vst v1;
	v1 =	vld [tilespmem:s25+$0xE0]  }
0x144: {  	v4 =	vmul.f32 v7, v4;
	v5 =	vld [tilespmem:s11+$0xE0]  }
0x145: {  	v7 =	vld [tilespmem:s25+$0xFFFFFF60]  }
0x146: {  	[tilespmem:s25+$0xFFFFFFD0] =	vst v4;
	v3 =	vmul.f32 v8, v3;
	v4 =	vld [tilespmem:s25+$0xFFFFFFE0]  }
0x147: {  	v8 =	vld [tilespmem:s11+$0xFFFFFFE0];
	v2 =	vmul.f32 v2, v6  }
0x148: {  	[tilespmem:s25+$0x50] =	vst v3;
	v3 =	vld [tilespmem:s25+$0x60]  }
0x149: {  	v6 =	vld [tilespmem:s11+$0x60];
	[tilespmem:s25+$0xFFFFFF50] =	vst v2;
	v1 =	vmul.f32 v5, v1  }
0x14a: {  	v5 =	vld [tilespmem:s11+$0xFFFFFF60]  }
0x14b: {  	v9 =	vld [tilespmem:s25+$0xF0];
	[tilespmem:s25+$0xE0] =	vst v1  }
0x14c: {  	v2 =	vmul.f32 v8, v4;
	v8 =	vld [tilespmem:s11+$0xF0]  }
0x14d: {  	v1 =	vld [tilespmem:s25+$0xFFFFFF70]  }
0x14e: {  	[tilespmem:s25+$0xFFFFFFE0] =	vst v2;
	v3 =	vmul.f32 v6, v3;
	v2 =	vld [tilespmem:s25+$0xFFFFFFF0]  }
0x14f: {  	v4 =	vld [tilespmem:s11+$0xFFFFFFF0];
	v5 =	vmul.f32 v5, v7  }
0x150: {  	[tilespmem:s25+$0x60] =	vst v3;
	v3 =	vld [tilespmem:s25+$0x70]  }
0x151: {  	[tilespmem:s25+$0xFFFFFF60] =	vst v5;
	v5 =	vld [tilespmem:s11+$0x70];
	v7 =	vmul.f32 v8, v9  }
0x152: {  	s26 =	simm.s32 $0x4B00;
	s13 =	simm.s32 $0x0;
	v6 =	vld [tilespmem:s11+$0xFFFFFF70]  }
.LBB2_7:
0x153: {  	v8 =	vld [tilespmem:s26+$0x80];
	[tilespmem:s25+$0xF0] =	vst v7;
	s11 =	sadd.s32 $0x200, s11  }
0x154: {  	s13 =	sadd.s32 $0x4, s13;
	v7 =	vld [tilespmem:s11+$0x80];
	v2 =	vmul.f32 v4, v2  }
0x155: {  	p0 =	slt.u32 s13, $0x3C;
	v4 =	vld [tilespmem:s11+$0xFFFFFF00]  }
0x156: {  	v9 =	vld [tilespmem:s26+$0xFFFFFF80];
	[tilespmem:s25+$0xFFFFFFF0] =	vst v2;
	v2 =	vmul.f32 v5, v3  }
0x157: {  	v3 =	vld [tilespmem:s11+$0xFFFFFF80];
	v1 =	vmul.f32 v6, v1  }
0x158: {  	v5 =	vld [tilespmem:s26+$0x0];
	[tilespmem:s25+$0x70] =	vst v2  }
0x159: {  	v2 =	vld [tilespmem:s11+$0x0];
	v6 =	vmul.f32 v7, v8;
	[tilespmem:s25+$0xFFFFFF70] =	vst v1;
	s25 =	smov.u32 s26  }
0x15a: {  	v1 =	vld [tilespmem:s26+$0xFFFFFF00]  }
0x15b: {  	[tilespmem:s26+$0x80] =	vst v6;
	v6 =	vld [tilespmem:s26+$0x90]  }
0x15c: {  	v3 =	vmul.f32 v3, v9;
	v7 =	vld [tilespmem:s11+$0x90]  }
0x15d: {  	v8 =	vld [tilespmem:s26+$0xFFFFFF10]  }
0x15e: {  	[tilespmem:s26+$0xFFFFFF80] =	vst v3;
	v3 =	vld [tilespmem:s26+$0xFFFFFF90];
	v2 =	vmul.f32 v2, v5  }
0x15f: {  	v1 =	vmul.f32 v4, v1;
	v4 =	vld [tilespmem:s11+$0xFFFFFF90]  }
0x160: {  	[tilespmem:s26+$0x0] =	vst v2;
	v2 =	vld [tilespmem:s26+$0x10]  }
0x161: {  	[tilespmem:s26+$0xFFFFFF00] =	vst v1;
	v1 =	vld [tilespmem:s11+$0x10];
	v5 =	vmul.f32 v7, v6  }
0x162: {  	v6 =	vld [tilespmem:s11+$0xFFFFFF10]  }
0x163: {  	[tilespmem:s26+$0x90] =	vst v5;
	v5 =	vld [tilespmem:s26+$0xA0]  }
0x164: {  	v3 =	vmul.f32 v4, v3;
	v4 =	vld [tilespmem:s11+$0xA0]  }
0x165: {  	v7 =	vld [tilespmem:s26+$0xFFFFFF20]  }
0x166: {  	[tilespmem:s26+$0xFFFFFF90] =	vst v3;
	v3 =	vld [tilespmem:s26+$0xFFFFFFA0];
	v1 =	vmul.f32 v1, v2  }
0x167: {  	v2 =	vmul.f32 v6, v8;
	v6 =	vld [tilespmem:s11+$0xFFFFFFA0]  }
0x168: {  	[tilespmem:s26+$0x10] =	vst v1;
	v1 =	vld [tilespmem:s26+$0x20]  }
0x169: {  	[tilespmem:s26+$0xFFFFFF10] =	vst v2;
	v2 =	vld [tilespmem:s11+$0x20];
	v4 =	vmul.f32 v4, v5  }
0x16a: {  	v5 =	vld [tilespmem:s11+$0xFFFFFF20]  }
0x16b: {  	[tilespmem:s26+$0xA0] =	vst v4;
	v4 =	vld [tilespmem:s26+$0xB0]  }
0x16c: {  	v3 =	vmul.f32 v6, v3;
	v6 =	vld [tilespmem:s11+$0xB0]  }
0x16d: {  	v8 =	vld [tilespmem:s26+$0xFFFFFF30]  }
0x16e: {  	[tilespmem:s26+$0xFFFFFFA0] =	vst v3;
	v3 =	vld [tilespmem:s26+$0xFFFFFFB0];
	v1 =	vmul.f32 v2, v1  }
0x16f: {  	v2 =	vmul.f32 v5, v7;
	v5 =	vld [tilespmem:s11+$0xFFFFFFB0]  }
0x170: {  	[tilespmem:s26+$0x20] =	vst v1;
	v1 =	vld [tilespmem:s26+$0x30]  }
0x171: {  	[tilespmem:s26+$0xFFFFFF20] =	vst v2;
	v2 =	vld [tilespmem:s11+$0x30];
	v4 =	vmul.f32 v6, v4  }
0x172: {  	v6 =	vld [tilespmem:s11+$0xFFFFFF30]  }
0x173: {  	[tilespmem:s26+$0xB0] =	vst v4;
	v4 =	vld [tilespmem:s26+$0xC0]  }
0x174: {  	v3 =	vmul.f32 v5, v3;
	v5 =	vld [tilespmem:s11+$0xC0]  }
0x175: {  	v7 =	vld [tilespmem:s26+$0xFFFFFF40]  }
0x176: {  	[tilespmem:s26+$0xFFFFFFB0] =	vst v3;
	v3 =	vld [tilespmem:s26+$0xFFFFFFC0];
	v1 =	vmul.f32 v2, v1  }
0x177: {  	v2 =	vmul.f32 v6, v8;
	v6 =	vld [tilespmem:s11+$0xFFFFFFC0]  }
0x178: {  	[tilespmem:s26+$0x30] =	vst v1;
	v1 =	vld [tilespmem:s26+$0x40]  }
0x179: {  	[tilespmem:s26+$0xFFFFFF30] =	vst v2;
	v2 =	vld [tilespmem:s11+$0x40];
	v4 =	vmul.f32 v5, v4  }
0x17a: {  	v5 =	vld [tilespmem:s11+$0xFFFFFF40]  }
0x17b: {  	[tilespmem:s26+$0xC0] =	vst v4;
	v4 =	vld [tilespmem:s26+$0xD0]  }
0x17c: {  	v3 =	vmul.f32 v6, v3;
	v6 =	vld [tilespmem:s11+$0xD0]  }
0x17d: {  	v8 =	vld [tilespmem:s26+$0xFFFFFF50]  }
0x17e: {  	[tilespmem:s26+$0xFFFFFFC0] =	vst v3;
	v3 =	vld [tilespmem:s26+$0xFFFFFFD0];
	v1 =	vmul.f32 v2, v1  }
0x17f: {  	v2 =	vmul.f32 v5, v7;
	v5 =	vld [tilespmem:s11+$0xFFFFFFD0]  }
0x180: {  	[tilespmem:s26+$0x40] =	vst v1;
	v1 =	vld [tilespmem:s26+$0x50]  }
0x181: {  	[tilespmem:s26+$0xFFFFFF40] =	vst v2;
	v2 =	vld [tilespmem:s11+$0x50];
	v4 =	vmul.f32 v6, v4  }
0x182: {  	v6 =	vld [tilespmem:s11+$0xFFFFFF50]  }
0x183: {  	[tilespmem:s26+$0xD0] =	vst v4;
	v4 =	vld [tilespmem:s26+$0xE0]  }
0x184: {  	v3 =	vmul.f32 v5, v3;
	v5 =	vld [tilespmem:s11+$0xE0]  }
0x185: {  	v7 =	vld [tilespmem:s26+$0xFFFFFF60]  }
0x186: {  	[tilespmem:s26+$0xFFFFFFD0] =	vst v3;
	v3 =	vld [tilespmem:s26+$0xFFFFFFE0];
	v1 =	vmul.f32 v2, v1  }
0x187: {  	v2 =	vmul.f32 v6, v8;
	v6 =	vld [tilespmem:s11+$0xFFFFFFE0]  }
0x188: {  	[tilespmem:s26+$0x50] =	vst v1;
	v8 =	vld [tilespmem:s26+$0x60]  }
0x189: {  	[tilespmem:s26+$0xFFFFFF50] =	vst v2;
	v9 =	vld [tilespmem:s11+$0x60];
	v1 =	vmul.f32 v5, v4  }
0x18a: {  	v4 =	vld [tilespmem:s11+$0xFFFFFF60]  }
0x18b: {  	[tilespmem:s26+$0xE0] =	vst v1;
	v10 =	vld [tilespmem:s26+$0xF0]  }
0x18c: {  	v2 =	vmul.f32 v6, v3;
	v6 =	vld [tilespmem:s11+$0xF0]  }
0x18d: {  	v1 =	vld [tilespmem:s26+$0xFFFFFF70]  }
.Ltmp2:
0x18e: {  	[tilespmem:s26+$0xFFFFFFE0] =	vst v2;
	v2 =	vld [tilespmem:s26+$0xFFFFFFF0];
	v3 =	vmul.f32 v9, v8;
	(pc) =	sbr.rel @p0 .LBB2_7-.Ltmp2, $4  }
0x18f: {  	v5 =	vmul.f32 v4, v7;
	v4 =	vld [tilespmem:s11+$0xFFFFFFF0]  }
0x190: {  	[tilespmem:s26+$0x60] =	vst v3;
	v3 =	vld [tilespmem:s26+$0x70]  }
0x191: {  	[tilespmem:s26+$0xFFFFFF60] =	vst v5;
	v5 =	vld [tilespmem:s11+$0x70];
	v7 =	vmul.f32 v6, v10  }
0x192: {  	s26 =	sadd.s32 $0x200, s26;
	v6 =	vld [tilespmem:s11+$0xFFFFFF70]  }
0x193: {  	_ =	sdelay $0x1  }
0x194: {  	v2 =	vmul.f32 v4, v2  }
0x195: {  	[tilespmem:s25+$0xF0] =	vst v7;
	v3 =	vmul.f32 v5, v3  }
0x196: {  	s3 =	sadd.s32 $0x1, s3;
	[tilespmem:s25+$0xFFFFFFF0] =	vst v2;
	v1 =	vmul.f32 v6, v1  }
0x197: {  	p0 =	sne.s32 s3, $0x14;
	[tilespmem:s25+$0x70] =	vst v3  }
.Ltmp3:
0x198: {  	s11 =	sadd.s32 $0x1400, s24;
	[tilespmem:s25+$0xFFFFFF70] =	vst v1;
	(pc) =	sbr.rel @p0 .LBB2_4-.Ltmp3, $4  }
0x199: {  	[spmem:s20] =	stream.indirect.scatter.add.f32 [tilespmem:s14], [sflag:$0x5], $0x80, s11, s12, $0xb8;
	[tilespmem:$0x1E800] =	vst v63  }
0x19a: {  	_ =	swait.ge [sflag:s10], $0x2000  }
0x19b: {  	[sflag:s10] =	ssyncset.done $0x0  }
0x19c: {  	[sflag:s10] =	ssyncadd.s32 $0xFFFFE000  }
0x19d: {  	s3 =	simm.s32 $0x0;
	s11 =	rddreg [dreg:$0x6]  }
0x19e: {  	[tilespmem:s3], [sflag:$0x5] =	stream.linear.gather [hbm4b:s11+s3], $0x1400, $0x38;
	[tilespmem:$0x1E800] =	vst v63  }
0x19f: {  	_ =	swait.ge [sflag:s10], $0x1400  }
0x1a0: {  	[sflag:s10] =	ssyncset.done $0x0  }
0x1a1: {  	s13 =	simm.s32 $0x1400;
	s26 =	rddreg [dreg:$0x7];
	[sflag:s10] =	ssyncadd.s32 $0xFFFFEC00  }
0x1a2: {  	[tilespmem:s13], [sflag:$0x5] =	stream.linear.gather [hbm4b:s26+s3], $0x1400, $0x38;
	[tilespmem:$0x1E800] =	vst v63  }
0x1a3: {  	_ =	swait.ge [sflag:s10], $0x1400  }
0x1a4: {  	[sflag:s10] =	ssyncset.done $0x0  }
0x1a5: {  	[sflag:s10] =	ssyncadd.s32 $0xFFFFEC00  }
0x1a6: {  	[tilespmem:s9], [sflag:$0x1] =	stream.indirect.gather [hbm4b:s19+s12], $0x80, s3, s12, $0xb8;
	[tilespmem:$0x1E800] =	vst v63  }
0x1a7: {  	s28 =	simm.s32 $0x6800  }
0x1a8: {  	[tilespmem:s28], [sflag:$0x3] =	stream.linear.gather [hbm4b:s6+s3], $0x2000, $0x38;
	[tilespmem:$0x1E800] =	vst v63  }
.LBB2_10:
0x1a9: {  	s11 =	sshllo.u32 s3, $0x1  }
0x1aa: {  	s24 =	sshll.u32 s11, $0x7;
	s11 =	sshll.u32 s11, $0xA  }
0x1ab: {  	[tilespmem:s14], [sflag:$0x2] =	stream.indirect.gather [hbm4b:s19+s12], $0x80, s24, s12, $0xb8;
	[tilespmem:$0x1E800] =	vst v63  }
0x1ac: {  	s11 =	sadd.s32 s11, s6  }
0x1ad: {  	[tilespmem:s15], [sflag:$0x4] =	stream.linear.gather [hbm4b:s11+s0], $0x2000, $0x38;
	[tilespmem:$0x1E800] =	vst v63  }
0x1ae: {  	_ =	swait.ge [sflag:s16], $0x2000  }
0x1af: {  	[sflag:s16] =	ssyncset.done $0x0  }
0x1b0: {  	[sflag:s16] =	ssyncadd.s32 $0xFFFFE000  }
0x1b1: {  	_ =	swait.ge [sflag:s18], $0x2000  }
0x1b2: {  	[sflag:s18] =	ssyncset.done $0x0  }
0x1b3: {  	s25 =	simm.s32 $0x2900;
	[sflag:s18] =	ssyncadd.s32 $0xFFFFE000  }
0x1b4: {  	s11 =	simm.s32 $0x6900;
	v1 =	vld [tilespmem:s25+$0x80]  }
0x1b5: {  	v2 =	vld [tilespmem:s11+$0x80]  }
0x1b6: {  	v3 =	vld [tilespmem:s25+$0xFFFFFF80]  }
0x1b7: {  	v4 =	vld [tilespmem:s11+$0xFFFFFF80]  }
0x1b8: {  	v5 =	vld [tilespmem:s25+$0x0]  }
0x1b9: {  	v6 =	vld [tilespmem:s11+$0x0]  }
0x1ba: {  	v7 =	vld [tilespmem:s25+$0xFFFFFF00];
	v1 =	vmul.f32 v2, v1  }
0x1bb: {  	v2 =	vld [tilespmem:s11+$0xFFFFFF00]  }
0x1bc: {  	[tilespmem:s25+$0x80] =	vst v1;
	v1 =	vld [tilespmem:s25+$0x90]  }
0x1bd: {  	v3 =	vmul.f32 v4, v3;
	v4 =	vld [tilespmem:s11+$0x90]  }
0x1be: {  	v8 =	vld [tilespmem:s25+$0xFFFFFF10]  }
0x1bf: {  	[tilespmem:s25+$0xFFFFFF80] =	vst v3;
	v3 =	vmul.f32 v6, v5;
	v5 =	vld [tilespmem:s25+$0xFFFFFF90]  }
0x1c0: {  	v6 =	vld [tilespmem:s11+$0xFFFFFF90];
	v2 =	vmul.f32 v2, v7  }
0x1c1: {  	[tilespmem:s25+$0x0] =	vst v3;
	v3 =	vld [tilespmem:s25+$0x10]  }
0x1c2: {  	v7 =	vld [tilespmem:s11+$0x10];
	[tilespmem:s25+$0xFFFFFF00] =	vst v2;
	v1 =	vmul.f32 v4, v1  }
0x1c3: {  	v2 =	vld [tilespmem:s11+$0xFFFFFF10]  }
0x1c4: {  	[tilespmem:s25+$0x90] =	vst v1;
	v1 =	vld [tilespmem:s25+$0xA0]  }
0x1c5: {  	v4 =	vmul.f32 v6, v5;
	v5 =	vld [tilespmem:s11+$0xA0]  }
0x1c6: {  	v6 =	vld [tilespmem:s25+$0xFFFFFF20]  }
0x1c7: {  	[tilespmem:s25+$0xFFFFFF90] =	vst v4;
	v3 =	vmul.f32 v7, v3;
	v4 =	vld [tilespmem:s25+$0xFFFFFFA0]  }
0x1c8: {  	v7 =	vld [tilespmem:s11+$0xFFFFFFA0];
	v2 =	vmul.f32 v2, v8  }
0x1c9: {  	[tilespmem:s25+$0x10] =	vst v3;
	v3 =	vld [tilespmem:s25+$0x20]  }
0x1ca: {  	v8 =	vld [tilespmem:s11+$0x20];
	[tilespmem:s25+$0xFFFFFF10] =	vst v2;
	v1 =	vmul.f32 v5, v1  }
0x1cb: {  	v2 =	vld [tilespmem:s11+$0xFFFFFF20]  }
0x1cc: {  	[tilespmem:s25+$0xA0] =	vst v1;
	v1 =	vld [tilespmem:s25+$0xB0]  }
0x1cd: {  	v4 =	vmul.f32 v7, v4;
	v5 =	vld [tilespmem:s11+$0xB0]  }
0x1ce: {  	v7 =	vld [tilespmem:s25+$0xFFFFFF30]  }
0x1cf: {  	[tilespmem:s25+$0xFFFFFFA0] =	vst v4;
	v3 =	vmul.f32 v8, v3;
	v4 =	vld [tilespmem:s25+$0xFFFFFFB0]  }
0x1d0: {  	v8 =	vld [tilespmem:s11+$0xFFFFFFB0];
	v2 =	vmul.f32 v2, v6  }
0x1d1: {  	[tilespmem:s25+$0x20] =	vst v3;
	v3 =	vld [tilespmem:s25+$0x30]  }
0x1d2: {  	v6 =	vld [tilespmem:s11+$0x30];
	[tilespmem:s25+$0xFFFFFF20] =	vst v2;
	v1 =	vmul.f32 v5, v1  }
0x1d3: {  	v2 =	vld [tilespmem:s11+$0xFFFFFF30]  }
0x1d4: {  	[tilespmem:s25+$0xB0] =	vst v1;
	v1 =	vld [tilespmem:s25+$0xC0]  }
0x1d5: {  	v4 =	vmul.f32 v8, v4;
	v5 =	vld [tilespmem:s11+$0xC0]  }
0x1d6: {  	v8 =	vld [tilespmem:s25+$0xFFFFFF40]  }
0x1d7: {  	[tilespmem:s25+$0xFFFFFFB0] =	vst v4;
	v3 =	vmul.f32 v6, v3;
	v4 =	vld [tilespmem:s25+$0xFFFFFFC0]  }
0x1d8: {  	v6 =	vld [tilespmem:s11+$0xFFFFFFC0];
	v2 =	vmul.f32 v2, v7  }
0x1d9: {  	[tilespmem:s25+$0x30] =	vst v3;
	v3 =	vld [tilespmem:s25+$0x40]  }
0x1da: {  	v7 =	vld [tilespmem:s11+$0x40];
	[tilespmem:s25+$0xFFFFFF30] =	vst v2;
	v1 =	vmul.f32 v5, v1  }
0x1db: {  	v2 =	vld [tilespmem:s11+$0xFFFFFF40]  }
0x1dc: {  	[tilespmem:s25+$0xC0] =	vst v1;
	v1 =	vld [tilespmem:s25+$0xD0]  }
0x1dd: {  	v4 =	vmul.f32 v6, v4;
	v5 =	vld [tilespmem:s11+$0xD0]  }
0x1de: {  	v6 =	vld [tilespmem:s25+$0xFFFFFF50]  }
0x1df: {  	[tilespmem:s25+$0xFFFFFFC0] =	vst v4;
	v3 =	vmul.f32 v7, v3;
	v4 =	vld [tilespmem:s25+$0xFFFFFFD0]  }
0x1e0: {  	v7 =	vld [tilespmem:s11+$0xFFFFFFD0];
	v2 =	vmul.f32 v2, v8  }
0x1e1: {  	[tilespmem:s25+$0x40] =	vst v3;
	v3 =	vld [tilespmem:s25+$0x50]  }
0x1e2: {  	v8 =	vld [tilespmem:s11+$0x50];
	[tilespmem:s25+$0xFFFFFF40] =	vst v2;
	v1 =	vmul.f32 v5, v1  }
0x1e3: {  	v2 =	vld [tilespmem:s11+$0xFFFFFF50]  }
0x1e4: {  	[tilespmem:s25+$0xD0] =	vst v1;
	v1 =	vld [tilespmem:s25+$0xE0]  }
0x1e5: {  	v4 =	vmul.f32 v7, v4;
	v5 =	vld [tilespmem:s11+$0xE0]  }
0x1e6: {  	v7 =	vld [tilespmem:s25+$0xFFFFFF60]  }
0x1e7: {  	[tilespmem:s25+$0xFFFFFFD0] =	vst v4;
	v3 =	vmul.f32 v8, v3;
	v4 =	vld [tilespmem:s25+$0xFFFFFFE0]  }
0x1e8: {  	v8 =	vld [tilespmem:s11+$0xFFFFFFE0];
	v2 =	vmul.f32 v2, v6  }
0x1e9: {  	[tilespmem:s25+$0x50] =	vst v3;
	v3 =	vld [tilespmem:s25+$0x60]  }
0x1ea: {  	v6 =	vld [tilespmem:s11+$0x60];
	[tilespmem:s25+$0xFFFFFF50] =	vst v2;
	v1 =	vmul.f32 v5, v1  }
0x1eb: {  	v5 =	vld [tilespmem:s11+$0xFFFFFF60]  }
0x1ec: {  	v9 =	vld [tilespmem:s25+$0xF0];
	[tilespmem:s25+$0xE0] =	vst v1  }
0x1ed: {  	v2 =	vmul.f32 v8, v4;
	v8 =	vld [tilespmem:s11+$0xF0]  }
0x1ee: {  	v1 =	vld [tilespmem:s25+$0xFFFFFF70]  }
0x1ef: {  	[tilespmem:s25+$0xFFFFFFE0] =	vst v2;
	v3 =	vmul.f32 v6, v3;
	v2 =	vld [tilespmem:s25+$0xFFFFFFF0]  }
0x1f0: {  	v4 =	vld [tilespmem:s11+$0xFFFFFFF0];
	v5 =	vmul.f32 v5, v7  }
0x1f1: {  	[tilespmem:s25+$0x60] =	vst v3;
	v3 =	vld [tilespmem:s25+$0x70]  }
0x1f2: {  	[tilespmem:s25+$0xFFFFFF60] =	vst v5;
	v5 =	vld [tilespmem:s11+$0x70];
	v7 =	vmul.f32 v8, v9  }
0x1f3: {  	s26 =	sshll.u32 s3, $0x1;
	s13 =	simm.s32 $0x0;
	s28 =	simm.s32 $0x2B00;
	v6 =	vld [tilespmem:s11+$0xFFFFFF70]  }
.LBB2_11:
0x1f4: {  	v8 =	vld [tilespmem:s28+$0x80];
	[tilespmem:s25+$0xF0] =	vst v7;
	s11 =	sadd.s32 $0x200, s11  }
0x1f5: {  	s13 =	sadd.s32 $0x4, s13;
	v7 =	vld [tilespmem:s11+$0x80];
	v2 =	vmul.f32 v4, v2  }
0x1f6: {  	p0 =	slt.u32 s13, $0x3C;
	v4 =	vld [tilespmem:s11+$0xFFFFFF00]  }
0x1f7: {  	v9 =	vld [tilespmem:s28+$0xFFFFFF80];
	[tilespmem:s25+$0xFFFFFFF0] =	vst v2;
	v2 =	vmul.f32 v5, v3  }
0x1f8: {  	v3 =	vld [tilespmem:s11+$0xFFFFFF80];
	v1 =	vmul.f32 v6, v1  }
0x1f9: {  	v5 =	vld [tilespmem:s28+$0x0];
	[tilespmem:s25+$0x70] =	vst v2  }
0x1fa: {  	v2 =	vld [tilespmem:s11+$0x0];
	v6 =	vmul.f32 v7, v8;
	[tilespmem:s25+$0xFFFFFF70] =	vst v1;
	s25 =	smov.u32 s28  }
0x1fb: {  	v1 =	vld [tilespmem:s28+$0xFFFFFF00]  }
0x1fc: {  	[tilespmem:s28+$0x80] =	vst v6;
	v6 =	vld [tilespmem:s28+$0x90]  }
0x1fd: {  	v3 =	vmul.f32 v3, v9;
	v7 =	vld [tilespmem:s11+$0x90]  }
0x1fe: {  	v8 =	vld [tilespmem:s28+$0xFFFFFF10]  }
0x1ff: {  	[tilespmem:s28+$0xFFFFFF80] =	vst v3;
	v3 =	vld [tilespmem:s28+$0xFFFFFF90];
	v2 =	vmul.f32 v2, v5  }
0x200: {  	v1 =	vmul.f32 v4, v1;
	v4 =	vld [tilespmem:s11+$0xFFFFFF90]  }
0x201: {  	[tilespmem:s28+$0x0] =	vst v2;
	v2 =	vld [tilespmem:s28+$0x10]  }
0x202: {  	[tilespmem:s28+$0xFFFFFF00] =	vst v1;
	v1 =	vld [tilespmem:s11+$0x10];
	v5 =	vmul.f32 v7, v6  }
0x203: {  	v6 =	vld [tilespmem:s11+$0xFFFFFF10]  }
0x204: {  	[tilespmem:s28+$0x90] =	vst v5;
	v5 =	vld [tilespmem:s28+$0xA0]  }
0x205: {  	v3 =	vmul.f32 v4, v3;
	v4 =	vld [tilespmem:s11+$0xA0]  }
0x206: {  	v7 =	vld [tilespmem:s28+$0xFFFFFF20]  }
0x207: {  	[tilespmem:s28+$0xFFFFFF90] =	vst v3;
	v3 =	vld [tilespmem:s28+$0xFFFFFFA0];
	v1 =	vmul.f32 v1, v2  }
0x208: {  	v2 =	vmul.f32 v6, v8;
	v6 =	vld [tilespmem:s11+$0xFFFFFFA0]  }
0x209: {  	[tilespmem:s28+$0x10] =	vst v1;
	v1 =	vld [tilespmem:s28+$0x20]  }
0x20a: {  	[tilespmem:s28+$0xFFFFFF10] =	vst v2;
	v2 =	vld [tilespmem:s11+$0x20];
	v4 =	vmul.f32 v4, v5  }
0x20b: {  	v5 =	vld [tilespmem:s11+$0xFFFFFF20]  }
0x20c: {  	[tilespmem:s28+$0xA0] =	vst v4;
	v4 =	vld [tilespmem:s28+$0xB0]  }
0x20d: {  	v3 =	vmul.f32 v6, v3;
	v6 =	vld [tilespmem:s11+$0xB0]  }
0x20e: {  	v8 =	vld [tilespmem:s28+$0xFFFFFF30]  }
0x20f: {  	[tilespmem:s28+$0xFFFFFFA0] =	vst v3;
	v3 =	vld [tilespmem:s28+$0xFFFFFFB0];
	v1 =	vmul.f32 v2, v1  }
0x210: {  	v2 =	vmul.f32 v5, v7;
	v5 =	vld [tilespmem:s11+$0xFFFFFFB0]  }
0x211: {  	[tilespmem:s28+$0x20] =	vst v1;
	v1 =	vld [tilespmem:s28+$0x30]  }
0x212: {  	[tilespmem:s28+$0xFFFFFF20] =	vst v2;
	v2 =	vld [tilespmem:s11+$0x30];
	v4 =	vmul.f32 v6, v4  }
0x213: {  	v6 =	vld [tilespmem:s11+$0xFFFFFF30]  }
0x214: {  	[tilespmem:s28+$0xB0] =	vst v4;
	v4 =	vld [tilespmem:s28+$0xC0]  }
0x215: {  	v3 =	vmul.f32 v5, v3;
	v5 =	vld [tilespmem:s11+$0xC0]  }
0x216: {  	v7 =	vld [tilespmem:s28+$0xFFFFFF40]  }
0x217: {  	[tilespmem:s28+$0xFFFFFFB0] =	vst v3;
	v3 =	vld [tilespmem:s28+$0xFFFFFFC0];
	v1 =	vmul.f32 v2, v1  }
0x218: {  	v2 =	vmul.f32 v6, v8;
	v6 =	vld [tilespmem:s11+$0xFFFFFFC0]  }
0x219: {  	[tilespmem:s28+$0x30] =	vst v1;
	v1 =	vld [tilespmem:s28+$0x40]  }
0x21a: {  	[tilespmem:s28+$0xFFFFFF30] =	vst v2;
	v2 =	vld [tilespmem:s11+$0x40];
	v4 =	vmul.f32 v5, v4  }
0x21b: {  	v5 =	vld [tilespmem:s11+$0xFFFFFF40]  }
0x21c: {  	[tilespmem:s28+$0xC0] =	vst v4;
	v4 =	vld [tilespmem:s28+$0xD0]  }
0x21d: {  	v3 =	vmul.f32 v6, v3;
	v6 =	vld [tilespmem:s11+$0xD0]  }
0x21e: {  	v8 =	vld [tilespmem:s28+$0xFFFFFF50]  }
0x21f: {  	[tilespmem:s28+$0xFFFFFFC0] =	vst v3;
	v3 =	vld [tilespmem:s28+$0xFFFFFFD0];
	v1 =	vmul.f32 v2, v1  }
0x220: {  	v2 =	vmul.f32 v5, v7;
	v5 =	vld [tilespmem:s11+$0xFFFFFFD0]  }
0x221: {  	[tilespmem:s28+$0x40] =	vst v1;
	v1 =	vld [tilespmem:s28+$0x50]  }
0x222: {  	[tilespmem:s28+$0xFFFFFF40] =	vst v2;
	v2 =	vld [tilespmem:s11+$0x50];
	v4 =	vmul.f32 v6, v4  }
0x223: {  	v6 =	vld [tilespmem:s11+$0xFFFFFF50]  }
0x224: {  	[tilespmem:s28+$0xD0] =	vst v4;
	v4 =	vld [tilespmem:s28+$0xE0]  }
0x225: {  	v3 =	vmul.f32 v5, v3;
	v5 =	vld [tilespmem:s11+$0xE0]  }
0x226: {  	v7 =	vld [tilespmem:s28+$0xFFFFFF60]  }
0x227: {  	[tilespmem:s28+$0xFFFFFFD0] =	vst v3;
	v3 =	vld [tilespmem:s28+$0xFFFFFFE0];
	v1 =	vmul.f32 v2, v1  }
0x228: {  	v2 =	vmul.f32 v6, v8;
	v6 =	vld [tilespmem:s11+$0xFFFFFFE0]  }
0x229: {  	[tilespmem:s28+$0x50] =	vst v1;
	v8 =	vld [tilespmem:s28+$0x60]  }
0x22a: {  	[tilespmem:s28+$0xFFFFFF50] =	vst v2;
	v9 =	vld [tilespmem:s11+$0x60];
	v1 =	vmul.f32 v5, v4  }
0x22b: {  	v4 =	vld [tilespmem:s11+$0xFFFFFF60]  }
0x22c: {  	[tilespmem:s28+$0xE0] =	vst v1;
	v10 =	vld [tilespmem:s28+$0xF0]  }
0x22d: {  	v2 =	vmul.f32 v6, v3;
	v6 =	vld [tilespmem:s11+$0xF0]  }
0x22e: {  	v1 =	vld [tilespmem:s28+$0xFFFFFF70]  }
.Ltmp4:
0x22f: {  	[tilespmem:s28+$0xFFFFFFE0] =	vst v2;
	v2 =	vld [tilespmem:s28+$0xFFFFFFF0];
	v3 =	vmul.f32 v9, v8;
	(pc) =	sbr.rel @p0 .LBB2_11-.Ltmp4, $4  }
0x230: {  	v5 =	vmul.f32 v4, v7;
	v4 =	vld [tilespmem:s11+$0xFFFFFFF0]  }
0x231: {  	[tilespmem:s28+$0x60] =	vst v3;
	v3 =	vld [tilespmem:s28+$0x70]  }
0x232: {  	[tilespmem:s28+$0xFFFFFF60] =	vst v5;
	v5 =	vld [tilespmem:s11+$0x70];
	v7 =	vmul.f32 v6, v10  }
0x233: {  	s28 =	sadd.s32 $0x200, s28;
	v6 =	vld [tilespmem:s11+$0xFFFFFF70]  }
0x234: {  	_ =	sdelay $0x1  }
0x235: {  	v2 =	vmul.f32 v4, v2  }
0x236: {  	[tilespmem:s25+$0xF0] =	vst v7;
	v3 =	vmul.f32 v5, v3  }
0x237: {  	s11 =	sshll.u32 s3, $0x8;
	[tilespmem:s25+$0xFFFFFFF0] =	vst v2;
	v1 =	vmul.f32 v6, v1  }
0x238: {  	s11 =	sand.u32 $0x3FFFFF00, s11;
	[tilespmem:s25+$0x70] =	vst v3  }
0x239: {  	p0 =	seq.s32 s3, $0x13;
	s11 =	sadd.s32 $0x1400, s11;
	[tilespmem:s25+$0xFFFFFF70] =	vst v1  }
0x23a: {  	[spmem:s20] =	stream.indirect.scatter.add.f32 [tilespmem:s9], [sflag:$0x5], $0x80, s11, s12, $0xb8;
	[tilespmem:$0x1E800] =	vst v63  }
0x23b: {  	s25 =	simm.s32 @!p0 $0x40;
	s11 =	sadd.s32 @!p0 $0x2, s26;
	_ =	swait.ge [sflag:s10], $0x2000  }
0x23c: {  	s26 =	simm.s32 @!p0 $0x2800;
	s13 =	sshll.u32 @!p0 s11, $0x7;
	[sflag:s10] =	ssyncset.done $0x0  }
0x23d: {  	s11 =	sshll.u32 @!p0 s11, $0xA;
	s13 =	sand.u32 @!p0 $0x3FFFFF80, s13;
	[sflag:s10] =	ssyncadd.s32 $0xFFFFE000  }
0x23e: {  	[tilespmem:s26], [sflag:$0x1] =	stream.indirect.gather @!p0 [hbm4b:s19+s25], $0x80, s13, s25, $0xb8;
	[tilespmem:$0x1E800] =	vst v63  }
0x23f: {  	s11 =	sadd.s32 @!p0 s11, s6;
	s13 =	simm.s32 @!p0 $0x0;
	s25 =	simm.s32 @!p0 $0x6800  }
0x240: {  	[tilespmem:s25], [sflag:$0x3] =	stream.linear.gather @!p0 [hbm4b:s11+s13], $0x2000, $0x38;
	[tilespmem:$0x1E800] =	vst v63  }
0x241: {  	_ =	swait.ge [sflag:s21], $0x2000  }
0x242: {  	[sflag:s21] =	ssyncset.done $0x0  }
0x243: {  	[sflag:s21] =	ssyncadd.s32 $0xFFFFE000  }
0x244: {  	_ =	swait.ge [sflag:s22], $0x2000  }
0x245: {  	[sflag:s22] =	ssyncset.done $0x0  }
0x246: {  	s25 =	simm.s32 $0x4900;
	[sflag:s22] =	ssyncadd.s32 $0xFFFFE000  }
0x247: {  	s11 =	simm.s32 $0x8900;
	v1 =	vld [tilespmem:s25+$0x80]  }
0x248: {  	v2 =	vld [tilespmem:s11+$0x80]  }
0x249: {  	v3 =	vld [tilespmem:s25+$0xFFFFFF80]  }
0x24a: {  	v4 =	vld [tilespmem:s11+$0xFFFFFF80]  }
0x24b: {  	v5 =	vld [tilespmem:s25+$0x0]  }
0x24c: {  	v6 =	vld [tilespmem:s11+$0x0]  }
0x24d: {  	v7 =	vld [tilespmem:s25+$0xFFFFFF00];
	v1 =	vmul.f32 v2, v1  }
0x24e: {  	v2 =	vld [tilespmem:s11+$0xFFFFFF00]  }
0x24f: {  	[tilespmem:s25+$0x80] =	vst v1;
	v1 =	vld [tilespmem:s25+$0x90]  }
0x250: {  	v3 =	vmul.f32 v4, v3;
	v4 =	vld [tilespmem:s11+$0x90]  }
0x251: {  	v8 =	vld [tilespmem:s25+$0xFFFFFF10]  }
0x252: {  	[tilespmem:s25+$0xFFFFFF80] =	vst v3;
	v3 =	vmul.f32 v6, v5;
	v5 =	vld [tilespmem:s25+$0xFFFFFF90]  }
0x253: {  	v6 =	vld [tilespmem:s11+$0xFFFFFF90];
	v2 =	vmul.f32 v2, v7  }
0x254: {  	[tilespmem:s25+$0x0] =	vst v3;
	v3 =	vld [tilespmem:s25+$0x10]  }
0x255: {  	v7 =	vld [tilespmem:s11+$0x10];
	[tilespmem:s25+$0xFFFFFF00] =	vst v2;
	v1 =	vmul.f32 v4, v1  }
0x256: {  	v2 =	vld [tilespmem:s11+$0xFFFFFF10]  }
0x257: {  	[tilespmem:s25+$0x90] =	vst v1;
	v1 =	vld [tilespmem:s25+$0xA0]  }
0x258: {  	v4 =	vmul.f32 v6, v5;
	v5 =	vld [tilespmem:s11+$0xA0]  }
0x259: {  	v6 =	vld [tilespmem:s25+$0xFFFFFF20]  }
0x25a: {  	[tilespmem:s25+$0xFFFFFF90] =	vst v4;
	v3 =	vmul.f32 v7, v3;
	v4 =	vld [tilespmem:s25+$0xFFFFFFA0]  }
0x25b: {  	v7 =	vld [tilespmem:s11+$0xFFFFFFA0];
	v2 =	vmul.f32 v2, v8  }
0x25c: {  	[tilespmem:s25+$0x10] =	vst v3;
	v3 =	vld [tilespmem:s25+$0x20]  }
0x25d: {  	v8 =	vld [tilespmem:s11+$0x20];
	[tilespmem:s25+$0xFFFFFF10] =	vst v2;
	v1 =	vmul.f32 v5, v1  }
0x25e: {  	v2 =	vld [tilespmem:s11+$0xFFFFFF20]  }
0x25f: {  	[tilespmem:s25+$0xA0] =	vst v1;
	v1 =	vld [tilespmem:s25+$0xB0]  }
0x260: {  	v4 =	vmul.f32 v7, v4;
	v5 =	vld [tilespmem:s11+$0xB0]  }
0x261: {  	v7 =	vld [tilespmem:s25+$0xFFFFFF30]  }
0x262: {  	[tilespmem:s25+$0xFFFFFFA0] =	vst v4;
	v3 =	vmul.f32 v8, v3;
	v4 =	vld [tilespmem:s25+$0xFFFFFFB0]  }
0x263: {  	v8 =	vld [tilespmem:s11+$0xFFFFFFB0];
	v2 =	vmul.f32 v2, v6  }
0x264: {  	[tilespmem:s25+$0x20] =	vst v3;
	v3 =	vld [tilespmem:s25+$0x30]  }
0x265: {  	v6 =	vld [tilespmem:s11+$0x30];
	[tilespmem:s25+$0xFFFFFF20] =	vst v2;
	v1 =	vmul.f32 v5, v1  }
0x266: {  	v2 =	vld [tilespmem:s11+$0xFFFFFF30]  }
0x267: {  	[tilespmem:s25+$0xB0] =	vst v1;
	v1 =	vld [tilespmem:s25+$0xC0]  }
0x268: {  	v4 =	vmul.f32 v8, v4;
	v5 =	vld [tilespmem:s11+$0xC0]  }
0x269: {  	v8 =	vld [tilespmem:s25+$0xFFFFFF40]  }
0x26a: {  	[tilespmem:s25+$0xFFFFFFB0] =	vst v4;
	v3 =	vmul.f32 v6, v3;
	v4 =	vld [tilespmem:s25+$0xFFFFFFC0]  }
0x26b: {  	v6 =	vld [tilespmem:s11+$0xFFFFFFC0];
	v2 =	vmul.f32 v2, v7  }
0x26c: {  	[tilespmem:s25+$0x30] =	vst v3;
	v3 =	vld [tilespmem:s25+$0x40]  }
0x26d: {  	v7 =	vld [tilespmem:s11+$0x40];
	[tilespmem:s25+$0xFFFFFF30] =	vst v2;
	v1 =	vmul.f32 v5, v1  }
0x26e: {  	v2 =	vld [tilespmem:s11+$0xFFFFFF40]  }
0x26f: {  	[tilespmem:s25+$0xC0] =	vst v1;
	v1 =	vld [tilespmem:s25+$0xD0]  }
0x270: {  	v4 =	vmul.f32 v6, v4;
	v5 =	vld [tilespmem:s11+$0xD0]  }
0x271: {  	v6 =	vld [tilespmem:s25+$0xFFFFFF50]  }
0x272: {  	[tilespmem:s25+$0xFFFFFFC0] =	vst v4;
	v3 =	vmul.f32 v7, v3;
	v4 =	vld [tilespmem:s25+$0xFFFFFFD0]  }
0x273: {  	v7 =	vld [tilespmem:s11+$0xFFFFFFD0];
	v2 =	vmul.f32 v2, v8  }
0x274: {  	[tilespmem:s25+$0x40] =	vst v3;
	v3 =	vld [tilespmem:s25+$0x50]  }
0x275: {  	v8 =	vld [tilespmem:s11+$0x50];
	[tilespmem:s25+$0xFFFFFF40] =	vst v2;
	v1 =	vmul.f32 v5, v1  }
0x276: {  	v2 =	vld [tilespmem:s11+$0xFFFFFF50]  }
0x277: {  	[tilespmem:s25+$0xD0] =	vst v1;
	v1 =	vld [tilespmem:s25+$0xE0]  }
0x278: {  	v4 =	vmul.f32 v7, v4;
	v5 =	vld [tilespmem:s11+$0xE0]  }
0x279: {  	v7 =	vld [tilespmem:s25+$0xFFFFFF60]  }
0x27a: {  	[tilespmem:s25+$0xFFFFFFD0] =	vst v4;
	v3 =	vmul.f32 v8, v3;
	v4 =	vld [tilespmem:s25+$0xFFFFFFE0]  }
0x27b: {  	v8 =	vld [tilespmem:s11+$0xFFFFFFE0];
	v2 =	vmul.f32 v2, v6  }
0x27c: {  	[tilespmem:s25+$0x50] =	vst v3;
	v3 =	vld [tilespmem:s25+$0x60]  }
0x27d: {  	v6 =	vld [tilespmem:s11+$0x60];
	[tilespmem:s25+$0xFFFFFF50] =	vst v2;
	v1 =	vmul.f32 v5, v1  }
0x27e: {  	v5 =	vld [tilespmem:s11+$0xFFFFFF60]  }
0x27f: {  	v9 =	vld [tilespmem:s25+$0xF0];
	[tilespmem:s25+$0xE0] =	vst v1  }
0x280: {  	v2 =	vmul.f32 v8, v4;
	v8 =	vld [tilespmem:s11+$0xF0]  }
0x281: {  	v1 =	vld [tilespmem:s25+$0xFFFFFF70]  }
0x282: {  	[tilespmem:s25+$0xFFFFFFE0] =	vst v2;
	v3 =	vmul.f32 v6, v3;
	v2 =	vld [tilespmem:s25+$0xFFFFFFF0]  }
0x283: {  	v4 =	vld [tilespmem:s11+$0xFFFFFFF0];
	v5 =	vmul.f32 v5, v7  }
0x284: {  	[tilespmem:s25+$0x60] =	vst v3;
	v3 =	vld [tilespmem:s25+$0x70]  }
0x285: {  	[tilespmem:s25+$0xFFFFFF60] =	vst v5;
	v5 =	vld [tilespmem:s11+$0x70];
	v7 =	vmul.f32 v8, v9  }
0x286: {  	s26 =	simm.s32 $0x4B00;
	s13 =	simm.s32 $0x0;
	v6 =	vld [tilespmem:s11+$0xFFFFFF70]  }
.LBB2_13:
0x287: {  	v8 =	vld [tilespmem:s26+$0x80];
	[tilespmem:s25+$0xF0] =	vst v7;
	s11 =	sadd.s32 $0x200, s11  }
0x288: {  	s13 =	sadd.s32 $0x4, s13;
	v7 =	vld [tilespmem:s11+$0x80];
	v2 =	vmul.f32 v4, v2  }
0x289: {  	p0 =	slt.u32 s13, $0x3C;
	v4 =	vld [tilespmem:s11+$0xFFFFFF00]  }
0x28a: {  	v9 =	vld [tilespmem:s26+$0xFFFFFF80];
	[tilespmem:s25+$0xFFFFFFF0] =	vst v2;
	v2 =	vmul.f32 v5, v3  }
0x28b: {  	v3 =	vld [tilespmem:s11+$0xFFFFFF80];
	v1 =	vmul.f32 v6, v1  }
0x28c: {  	v5 =	vld [tilespmem:s26+$0x0];
	[tilespmem:s25+$0x70] =	vst v2  }
0x28d: {  	v2 =	vld [tilespmem:s11+$0x0];
	v6 =	vmul.f32 v7, v8;
	[tilespmem:s25+$0xFFFFFF70] =	vst v1;
	s25 =	smov.u32 s26  }
0x28e: {  	v1 =	vld [tilespmem:s26+$0xFFFFFF00]  }
0x28f: {  	[tilespmem:s26+$0x80] =	vst v6;
	v6 =	vld [tilespmem:s26+$0x90]  }
0x290: {  	v3 =	vmul.f32 v3, v9;
	v7 =	vld [tilespmem:s11+$0x90]  }
0x291: {  	v8 =	vld [tilespmem:s26+$0xFFFFFF10]  }
0x292: {  	[tilespmem:s26+$0xFFFFFF80] =	vst v3;
	v3 =	vld [tilespmem:s26+$0xFFFFFF90];
	v2 =	vmul.f32 v2, v5  }
0x293: {  	v1 =	vmul.f32 v4, v1;
	v4 =	vld [tilespmem:s11+$0xFFFFFF90]  }
0x294: {  	[tilespmem:s26+$0x0] =	vst v2;
	v2 =	vld [tilespmem:s26+$0x10]  }
0x295: {  	[tilespmem:s26+$0xFFFFFF00] =	vst v1;
	v1 =	vld [tilespmem:s11+$0x10];
	v5 =	vmul.f32 v7, v6  }
0x296: {  	v6 =	vld [tilespmem:s11+$0xFFFFFF10]  }
0x297: {  	[tilespmem:s26+$0x90] =	vst v5;
	v5 =	vld [tilespmem:s26+$0xA0]  }
0x298: {  	v3 =	vmul.f32 v4, v3;
	v4 =	vld [tilespmem:s11+$0xA0]  }
0x299: {  	v7 =	vld [tilespmem:s26+$0xFFFFFF20]  }
0x29a: {  	[tilespmem:s26+$0xFFFFFF90] =	vst v3;
	v3 =	vld [tilespmem:s26+$0xFFFFFFA0];
	v1 =	vmul.f32 v1, v2  }
0x29b: {  	v2 =	vmul.f32 v6, v8;
	v6 =	vld [tilespmem:s11+$0xFFFFFFA0]  }
0x29c: {  	[tilespmem:s26+$0x10] =	vst v1;
	v1 =	vld [tilespmem:s26+$0x20]  }
0x29d: {  	[tilespmem:s26+$0xFFFFFF10] =	vst v2;
	v2 =	vld [tilespmem:s11+$0x20];
	v4 =	vmul.f32 v4, v5  }
0x29e: {  	v5 =	vld [tilespmem:s11+$0xFFFFFF20]  }
0x29f: {  	[tilespmem:s26+$0xA0] =	vst v4;
	v4 =	vld [tilespmem:s26+$0xB0]  }
0x2a0: {  	v3 =	vmul.f32 v6, v3;
	v6 =	vld [tilespmem:s11+$0xB0]  }
0x2a1: {  	v8 =	vld [tilespmem:s26+$0xFFFFFF30]  }
0x2a2: {  	[tilespmem:s26+$0xFFFFFFA0] =	vst v3;
	v3 =	vld [tilespmem:s26+$0xFFFFFFB0];
	v1 =	vmul.f32 v2, v1  }
0x2a3: {  	v2 =	vmul.f32 v5, v7;
	v5 =	vld [tilespmem:s11+$0xFFFFFFB0]  }
0x2a4: {  	[tilespmem:s26+$0x20] =	vst v1;
	v1 =	vld [tilespmem:s26+$0x30]  }
0x2a5: {  	[tilespmem:s26+$0xFFFFFF20] =	vst v2;
	v2 =	vld [tilespmem:s11+$0x30];
	v4 =	vmul.f32 v6, v4  }
0x2a6: {  	v6 =	vld [tilespmem:s11+$0xFFFFFF30]  }
0x2a7: {  	[tilespmem:s26+$0xB0] =	vst v4;
	v4 =	vld [tilespmem:s26+$0xC0]  }
0x2a8: {  	v3 =	vmul.f32 v5, v3;
	v5 =	vld [tilespmem:s11+$0xC0]  }
0x2a9: {  	v7 =	vld [tilespmem:s26+$0xFFFFFF40]  }
0x2aa: {  	[tilespmem:s26+$0xFFFFFFB0] =	vst v3;
	v3 =	vld [tilespmem:s26+$0xFFFFFFC0];
	v1 =	vmul.f32 v2, v1  }
0x2ab: {  	v2 =	vmul.f32 v6, v8;
	v6 =	vld [tilespmem:s11+$0xFFFFFFC0]  }
0x2ac: {  	[tilespmem:s26+$0x30] =	vst v1;
	v1 =	vld [tilespmem:s26+$0x40]  }
0x2ad: {  	[tilespmem:s26+$0xFFFFFF30] =	vst v2;
	v2 =	vld [tilespmem:s11+$0x40];
	v4 =	vmul.f32 v5, v4  }
0x2ae: {  	v5 =	vld [tilespmem:s11+$0xFFFFFF40]  }
0x2af: {  	[tilespmem:s26+$0xC0] =	vst v4;
	v4 =	vld [tilespmem:s26+$0xD0]  }
0x2b0: {  	v3 =	vmul.f32 v6, v3;
	v6 =	vld [tilespmem:s11+$0xD0]  }
0x2b1: {  	v8 =	vld [tilespmem:s26+$0xFFFFFF50]  }
0x2b2: {  	[tilespmem:s26+$0xFFFFFFC0] =	vst v3;
	v3 =	vld [tilespmem:s26+$0xFFFFFFD0];
	v1 =	vmul.f32 v2, v1  }
0x2b3: {  	v2 =	vmul.f32 v5, v7;
	v5 =	vld [tilespmem:s11+$0xFFFFFFD0]  }
0x2b4: {  	[tilespmem:s26+$0x40] =	vst v1;
	v1 =	vld [tilespmem:s26+$0x50]  }
0x2b5: {  	[tilespmem:s26+$0xFFFFFF40] =	vst v2;
	v2 =	vld [tilespmem:s11+$0x50];
	v4 =	vmul.f32 v6, v4  }
0x2b6: {  	v6 =	vld [tilespmem:s11+$0xFFFFFF50]  }
0x2b7: {  	[tilespmem:s26+$0xD0] =	vst v4;
	v4 =	vld [tilespmem:s26+$0xE0]  }
0x2b8: {  	v3 =	vmul.f32 v5, v3;
	v5 =	vld [tilespmem:s11+$0xE0]  }
0x2b9: {  	v7 =	vld [tilespmem:s26+$0xFFFFFF60]  }
0x2ba: {  	[tilespmem:s26+$0xFFFFFFD0] =	vst v3;
	v3 =	vld [tilespmem:s26+$0xFFFFFFE0];
	v1 =	vmul.f32 v2, v1  }
0x2bb: {  	v2 =	vmul.f32 v6, v8;
	v6 =	vld [tilespmem:s11+$0xFFFFFFE0]  }
0x2bc: {  	[tilespmem:s26+$0x50] =	vst v1;
	v8 =	vld [tilespmem:s26+$0x60]  }
0x2bd: {  	[tilespmem:s26+$0xFFFFFF50] =	vst v2;
	v9 =	vld [tilespmem:s11+$0x60];
	v1 =	vmul.f32 v5, v4  }
0x2be: {  	v4 =	vld [tilespmem:s11+$0xFFFFFF60]  }
0x2bf: {  	[tilespmem:s26+$0xE0] =	vst v1;
	v10 =	vld [tilespmem:s26+$0xF0]  }
0x2c0: {  	v2 =	vmul.f32 v6, v3;
	v6 =	vld [tilespmem:s11+$0xF0]  }
0x2c1: {  	v1 =	vld [tilespmem:s26+$0xFFFFFF70]  }
.Ltmp5:
0x2c2: {  	[tilespmem:s26+$0xFFFFFFE0] =	vst v2;
	v2 =	vld [tilespmem:s26+$0xFFFFFFF0];
	v3 =	vmul.f32 v9, v8;
	(pc) =	sbr.rel @p0 .LBB2_13-.Ltmp5, $4  }
0x2c3: {  	v5 =	vmul.f32 v4, v7;
	v4 =	vld [tilespmem:s11+$0xFFFFFFF0]  }
0x2c4: {  	[tilespmem:s26+$0x60] =	vst v3;
	v3 =	vld [tilespmem:s26+$0x70]  }
0x2c5: {  	[tilespmem:s26+$0xFFFFFF60] =	vst v5;
	v5 =	vld [tilespmem:s11+$0x70];
	v7 =	vmul.f32 v6, v10  }
0x2c6: {  	s26 =	sadd.s32 $0x200, s26;
	v6 =	vld [tilespmem:s11+$0xFFFFFF70]  }
0x2c7: {  	_ =	sdelay $0x1  }
0x2c8: {  	v2 =	vmul.f32 v4, v2  }
0x2c9: {  	[tilespmem:s25+$0xF0] =	vst v7;
	v3 =	vmul.f32 v5, v3  }
0x2ca: {  	s3 =	sadd.s32 $0x1, s3;
	[tilespmem:s25+$0xFFFFFFF0] =	vst v2;
	v1 =	vmul.f32 v6, v1  }
0x2cb: {  	p0 =	sne.s32 s3, $0x14;
	[tilespmem:s25+$0x70] =	vst v3  }
.Ltmp6:
0x2cc: {  	s11 =	sadd.s32 $0x1400, s24;
	[tilespmem:s25+$0xFFFFFF70] =	vst v1;
	(pc) =	sbr.rel @p0 .LBB2_10-.Ltmp6, $4  }
0x2cd: {  	[spmem:s20] =	stream.indirect.scatter.add.f32 [tilespmem:s14], [sflag:$0x5], $0x80, s11, s12, $0xb8;
	[tilespmem:$0x1E800] =	vst v63  }
0x2ce: {  	_ =	swait.ge [sflag:s10], $0x2000  }
0x2cf: {  	[sflag:s10] =	ssyncset.done $0x0  }
0x2d0: {  	[sflag:s10] =	ssyncadd.s32 $0xFFFFE000  }
0x2d1: {  	s3 =	simm.s32 $0x0;
	s11 =	rddreg [dreg:$0x8]  }
0x2d2: {  	[tilespmem:s3], [sflag:$0x5] =	stream.linear.gather [hbm4b:s11+s3], $0x1400, $0x38;
	[tilespmem:$0x1E800] =	vst v63  }
0x2d3: {  	_ =	swait.ge [sflag:s10], $0x1400  }
0x2d4: {  	[sflag:s10] =	ssyncset.done $0x0  }
0x2d5: {  	s13 =	simm.s32 $0x1400;
	s26 =	rddreg [dreg:$0x9];
	[sflag:s10] =	ssyncadd.s32 $0xFFFFEC00  }
0x2d6: {  	[tilespmem:s13], [sflag:$0x5] =	stream.linear.gather [hbm4b:s26+s3], $0x1400, $0x38;
	[tilespmem:$0x1E800] =	vst v63  }
0x2d7: {  	_ =	swait.ge [sflag:s10], $0x1400  }
0x2d8: {  	[sflag:s10] =	ssyncset.done $0x0  }
0x2d9: {  	[sflag:s10] =	ssyncadd.s32 $0xFFFFEC00  }
0x2da: {  	[tilespmem:s9], [sflag:$0x1] =	stream.indirect.gather [hbm4b:s19+s12], $0x80, s3, s12, $0xb8;
	[tilespmem:$0x1E800] =	vst v63  }
0x2db: {  	s28 =	simm.s32 $0x6800  }
0x2dc: {  	[tilespmem:s28], [sflag:$0x3] =	stream.linear.gather [hbm4b:s7+s3], $0x2000, $0x38;
	[tilespmem:$0x1E800] =	vst v63  }
.LBB2_16:
0x2dd: {  	s11 =	sshllo.u32 s3, $0x1  }
0x2de: {  	s24 =	sshll.u32 s11, $0x7;
	s11 =	sshll.u32 s11, $0xA  }
0x2df: {  	[tilespmem:s14], [sflag:$0x2] =	stream.indirect.gather [hbm4b:s19+s12], $0x80, s24, s12, $0xb8;
	[tilespmem:$0x1E800] =	vst v63  }
0x2e0: {  	s11 =	sadd.s32 s11, s7  }
0x2e1: {  	[tilespmem:s15], [sflag:$0x4] =	stream.linear.gather [hbm4b:s11+s0], $0x2000, $0x38;
	[tilespmem:$0x1E800] =	vst v63  }
0x2e2: {  	_ =	swait.ge [sflag:s16], $0x2000  }
0x2e3: {  	[sflag:s16] =	ssyncset.done $0x0  }
0x2e4: {  	[sflag:s16] =	ssyncadd.s32 $0xFFFFE000  }
0x2e5: {  	_ =	swait.ge [sflag:s18], $0x2000  }
0x2e6: {  	[sflag:s18] =	ssyncset.done $0x0  }
0x2e7: {  	s25 =	simm.s32 $0x2900;
	[sflag:s18] =	ssyncadd.s32 $0xFFFFE000  }
0x2e8: {  	s11 =	simm.s32 $0x6900;
	v1 =	vld [tilespmem:s25+$0x80]  }
0x2e9: {  	v2 =	vld [tilespmem:s11+$0x80]  }
0x2ea: {  	v3 =	vld [tilespmem:s25+$0xFFFFFF80]  }
0x2eb: {  	v4 =	vld [tilespmem:s11+$0xFFFFFF80]  }
0x2ec: {  	v5 =	vld [tilespmem:s25+$0x0]  }
0x2ed: {  	v6 =	vld [tilespmem:s11+$0x0]  }
0x2ee: {  	v7 =	vld [tilespmem:s25+$0xFFFFFF00];
	v1 =	vmul.f32 v2, v1  }
0x2ef: {  	v2 =	vld [tilespmem:s11+$0xFFFFFF00]  }
0x2f0: {  	[tilespmem:s25+$0x80] =	vst v1;
	v1 =	vld [tilespmem:s25+$0x90]  }
0x2f1: {  	v3 =	vmul.f32 v4, v3;
	v4 =	vld [tilespmem:s11+$0x90]  }
0x2f2: {  	v8 =	vld [tilespmem:s25+$0xFFFFFF10]  }
0x2f3: {  	[tilespmem:s25+$0xFFFFFF80] =	vst v3;
	v3 =	vmul.f32 v6, v5;
	v5 =	vld [tilespmem:s25+$0xFFFFFF90]  }
0x2f4: {  	v6 =	vld [tilespmem:s11+$0xFFFFFF90];
	v2 =	vmul.f32 v2, v7  }
0x2f5: {  	[tilespmem:s25+$0x0] =	vst v3;
	v3 =	vld [tilespmem:s25+$0x10]  }
0x2f6: {  	v7 =	vld [tilespmem:s11+$0x10];
	[tilespmem:s25+$0xFFFFFF00] =	vst v2;
	v1 =	vmul.f32 v4, v1  }
0x2f7: {  	v2 =	vld [tilespmem:s11+$0xFFFFFF10]  }
0x2f8: {  	[tilespmem:s25+$0x90] =	vst v1;
	v1 =	vld [tilespmem:s25+$0xA0]  }
0x2f9: {  	v4 =	vmul.f32 v6, v5;
	v5 =	vld [tilespmem:s11+$0xA0]  }
0x2fa: {  	v6 =	vld [tilespmem:s25+$0xFFFFFF20]  }
0x2fb: {  	[tilespmem:s25+$0xFFFFFF90] =	vst v4;
	v3 =	vmul.f32 v7, v3;
	v4 =	vld [tilespmem:s25+$0xFFFFFFA0]  }
0x2fc: {  	v7 =	vld [tilespmem:s11+$0xFFFFFFA0];
	v2 =	vmul.f32 v2, v8  }
0x2fd: {  	[tilespmem:s25+$0x10] =	vst v3;
	v3 =	vld [tilespmem:s25+$0x20]  }
0x2fe: {  	v8 =	vld [tilespmem:s11+$0x20];
	[tilespmem:s25+$0xFFFFFF10] =	vst v2;
	v1 =	vmul.f32 v5, v1  }
0x2ff: {  	v2 =	vld [tilespmem:s11+$0xFFFFFF20]  }
0x300: {  	[tilespmem:s25+$0xA0] =	vst v1;
	v1 =	vld [tilespmem:s25+$0xB0]  }
0x301: {  	v4 =	vmul.f32 v7, v4;
	v5 =	vld [tilespmem:s11+$0xB0]  }
0x302: {  	v7 =	vld [tilespmem:s25+$0xFFFFFF30]  }
0x303: {  	[tilespmem:s25+$0xFFFFFFA0] =	vst v4;
	v3 =	vmul.f32 v8, v3;
	v4 =	vld [tilespmem:s25+$0xFFFFFFB0]  }
0x304: {  	v8 =	vld [tilespmem:s11+$0xFFFFFFB0];
	v2 =	vmul.f32 v2, v6  }
0x305: {  	[tilespmem:s25+$0x20] =	vst v3;
	v3 =	vld [tilespmem:s25+$0x30]  }
0x306: {  	v6 =	vld [tilespmem:s11+$0x30];
	[tilespmem:s25+$0xFFFFFF20] =	vst v2;
	v1 =	vmul.f32 v5, v1  }
0x307: {  	v2 =	vld [tilespmem:s11+$0xFFFFFF30]  }
0x308: {  	[tilespmem:s25+$0xB0] =	vst v1;
	v1 =	vld [tilespmem:s25+$0xC0]  }
0x309: {  	v4 =	vmul.f32 v8, v4;
	v5 =	vld [tilespmem:s11+$0xC0]  }
0x30a: {  	v8 =	vld [tilespmem:s25+$0xFFFFFF40]  }
0x30b: {  	[tilespmem:s25+$0xFFFFFFB0] =	vst v4;
	v3 =	vmul.f32 v6, v3;
	v4 =	vld [tilespmem:s25+$0xFFFFFFC0]  }
0x30c: {  	v6 =	vld [tilespmem:s11+$0xFFFFFFC0];
	v2 =	vmul.f32 v2, v7  }
0x30d: {  	[tilespmem:s25+$0x30] =	vst v3;
	v3 =	vld [tilespmem:s25+$0x40]  }
0x30e: {  	v7 =	vld [tilespmem:s11+$0x40];
	[tilespmem:s25+$0xFFFFFF30] =	vst v2;
	v1 =	vmul.f32 v5, v1  }
0x30f: {  	v2 =	vld [tilespmem:s11+$0xFFFFFF40]  }
0x310: {  	[tilespmem:s25+$0xC0] =	vst v1;
	v1 =	vld [tilespmem:s25+$0xD0]  }
0x311: {  	v4 =	vmul.f32 v6, v4;
	v5 =	vld [tilespmem:s11+$0xD0]  }
0x312: {  	v6 =	vld [tilespmem:s25+$0xFFFFFF50]  }
0x313: {  	[tilespmem:s25+$0xFFFFFFC0] =	vst v4;
	v3 =	vmul.f32 v7, v3;
	v4 =	vld [tilespmem:s25+$0xFFFFFFD0]  }
0x314: {  	v7 =	vld [tilespmem:s11+$0xFFFFFFD0];
	v2 =	vmul.f32 v2, v8  }
0x315: {  	[tilespmem:s25+$0x40] =	vst v3;
	v3 =	vld [tilespmem:s25+$0x50]  }
0x316: {  	v8 =	vld [tilespmem:s11+$0x50];
	[tilespmem:s25+$0xFFFFFF40] =	vst v2;
	v1 =	vmul.f32 v5, v1  }
0x317: {  	v2 =	vld [tilespmem:s11+$0xFFFFFF50]  }
0x318: {  	[tilespmem:s25+$0xD0] =	vst v1;
	v1 =	vld [tilespmem:s25+$0xE0]  }
0x319: {  	v4 =	vmul.f32 v7, v4;
	v5 =	vld [tilespmem:s11+$0xE0]  }
0x31a: {  	v7 =	vld [tilespmem:s25+$0xFFFFFF60]  }
0x31b: {  	[tilespmem:s25+$0xFFFFFFD0] =	vst v4;
	v3 =	vmul.f32 v8, v3;
	v4 =	vld [tilespmem:s25+$0xFFFFFFE0]  }
0x31c: {  	v8 =	vld [tilespmem:s11+$0xFFFFFFE0];
	v2 =	vmul.f32 v2, v6  }
0x31d: {  	[tilespmem:s25+$0x50] =	vst v3;
	v3 =	vld [tilespmem:s25+$0x60]  }
0x31e: {  	v6 =	vld [tilespmem:s11+$0x60];
	[tilespmem:s25+$0xFFFFFF50] =	vst v2;
	v1 =	vmul.f32 v5, v1  }
0x31f: {  	v5 =	vld [tilespmem:s11+$0xFFFFFF60]  }
0x320: {  	v9 =	vld [tilespmem:s25+$0xF0];
	[tilespmem:s25+$0xE0] =	vst v1  }
0x321: {  	v2 =	vmul.f32 v8, v4;
	v8 =	vld [tilespmem:s11+$0xF0]  }
0x322: {  	v1 =	vld [tilespmem:s25+$0xFFFFFF70]  }
0x323: {  	[tilespmem:s25+$0xFFFFFFE0] =	vst v2;
	v3 =	vmul.f32 v6, v3;
	v2 =	vld [tilespmem:s25+$0xFFFFFFF0]  }
0x324: {  	v4 =	vld [tilespmem:s11+$0xFFFFFFF0];
	v5 =	vmul.f32 v5, v7  }
0x325: {  	[tilespmem:s25+$0x60] =	vst v3;
	v3 =	vld [tilespmem:s25+$0x70]  }
0x326: {  	[tilespmem:s25+$0xFFFFFF60] =	vst v5;
	v5 =	vld [tilespmem:s11+$0x70];
	v7 =	vmul.f32 v8, v9  }
0x327: {  	s26 =	sshll.u32 s3, $0x1;
	s13 =	simm.s32 $0x0;
	s28 =	simm.s32 $0x2B00;
	v6 =	vld [tilespmem:s11+$0xFFFFFF70]  }
.LBB2_17:
0x328: {  	v8 =	vld [tilespmem:s28+$0x80];
	[tilespmem:s25+$0xF0] =	vst v7;
	s11 =	sadd.s32 $0x200, s11  }
0x329: {  	s13 =	sadd.s32 $0x4, s13;
	v7 =	vld [tilespmem:s11+$0x80];
	v2 =	vmul.f32 v4, v2  }
0x32a: {  	p0 =	slt.u32 s13, $0x3C;
	v4 =	vld [tilespmem:s11+$0xFFFFFF00]  }
0x32b: {  	v9 =	vld [tilespmem:s28+$0xFFFFFF80];
	[tilespmem:s25+$0xFFFFFFF0] =	vst v2;
	v2 =	vmul.f32 v5, v3  }
0x32c: {  	v3 =	vld [tilespmem:s11+$0xFFFFFF80];
	v1 =	vmul.f32 v6, v1  }
0x32d: {  	v5 =	vld [tilespmem:s28+$0x0];
	[tilespmem:s25+$0x70] =	vst v2  }
0x32e: {  	v2 =	vld [tilespmem:s11+$0x0];
	v6 =	vmul.f32 v7, v8;
	[tilespmem:s25+$0xFFFFFF70] =	vst v1;
	s25 =	smov.u32 s28  }
0x32f: {  	v1 =	vld [tilespmem:s28+$0xFFFFFF00]  }
0x330: {  	[tilespmem:s28+$0x80] =	vst v6;
	v6 =	vld [tilespmem:s28+$0x90]  }
0x331: {  	v3 =	vmul.f32 v3, v9;
	v7 =	vld [tilespmem:s11+$0x90]  }
0x332: {  	v8 =	vld [tilespmem:s28+$0xFFFFFF10]  }
0x333: {  	[tilespmem:s28+$0xFFFFFF80] =	vst v3;
	v3 =	vld [tilespmem:s28+$0xFFFFFF90];
	v2 =	vmul.f32 v2, v5  }
0x334: {  	v1 =	vmul.f32 v4, v1;
	v4 =	vld [tilespmem:s11+$0xFFFFFF90]  }
0x335: {  	[tilespmem:s28+$0x0] =	vst v2;
	v2 =	vld [tilespmem:s28+$0x10]  }
0x336: {  	[tilespmem:s28+$0xFFFFFF00] =	vst v1;
	v1 =	vld [tilespmem:s11+$0x10];
	v5 =	vmul.f32 v7, v6  }
0x337: {  	v6 =	vld [tilespmem:s11+$0xFFFFFF10]  }
0x338: {  	[tilespmem:s28+$0x90] =	vst v5;
	v5 =	vld [tilespmem:s28+$0xA0]  }
0x339: {  	v3 =	vmul.f32 v4, v3;
	v4 =	vld [tilespmem:s11+$0xA0]  }
0x33a: {  	v7 =	vld [tilespmem:s28+$0xFFFFFF20]  }
0x33b: {  	[tilespmem:s28+$0xFFFFFF90] =	vst v3;
	v3 =	vld [tilespmem:s28+$0xFFFFFFA0];
	v1 =	vmul.f32 v1, v2  }
0x33c: {  	v2 =	vmul.f32 v6, v8;
	v6 =	vld [tilespmem:s11+$0xFFFFFFA0]  }
0x33d: {  	[tilespmem:s28+$0x10] =	vst v1;
	v1 =	vld [tilespmem:s28+$0x20]  }
0x33e: {  	[tilespmem:s28+$0xFFFFFF10] =	vst v2;
	v2 =	vld [tilespmem:s11+$0x20];
	v4 =	vmul.f32 v4, v5  }
0x33f: {  	v5 =	vld [tilespmem:s11+$0xFFFFFF20]  }
0x340: {  	[tilespmem:s28+$0xA0] =	vst v4;
	v4 =	vld [tilespmem:s28+$0xB0]  }
0x341: {  	v3 =	vmul.f32 v6, v3;
	v6 =	vld [tilespmem:s11+$0xB0]  }
0x342: {  	v8 =	vld [tilespmem:s28+$0xFFFFFF30]  }
0x343: {  	[tilespmem:s28+$0xFFFFFFA0] =	vst v3;
	v3 =	vld [tilespmem:s28+$0xFFFFFFB0];
	v1 =	vmul.f32 v2, v1  }
0x344: {  	v2 =	vmul.f32 v5, v7;
	v5 =	vld [tilespmem:s11+$0xFFFFFFB0]  }
0x345: {  	[tilespmem:s28+$0x20] =	vst v1;
	v1 =	vld [tilespmem:s28+$0x30]  }
0x346: {  	[tilespmem:s28+$0xFFFFFF20] =	vst v2;
	v2 =	vld [tilespmem:s11+$0x30];
	v4 =	vmul.f32 v6, v4  }
0x347: {  	v6 =	vld [tilespmem:s11+$0xFFFFFF30]  }
0x348: {  	[tilespmem:s28+$0xB0] =	vst v4;
	v4 =	vld [tilespmem:s28+$0xC0]  }
0x349: {  	v3 =	vmul.f32 v5, v3;
	v5 =	vld [tilespmem:s11+$0xC0]  }
0x34a: {  	v7 =	vld [tilespmem:s28+$0xFFFFFF40]  }
0x34b: {  	[tilespmem:s28+$0xFFFFFFB0] =	vst v3;
	v3 =	vld [tilespmem:s28+$0xFFFFFFC0];
	v1 =	vmul.f32 v2, v1  }
0x34c: {  	v2 =	vmul.f32 v6, v8;
	v6 =	vld [tilespmem:s11+$0xFFFFFFC0]  }
0x34d: {  	[tilespmem:s28+$0x30] =	vst v1;
	v1 =	vld [tilespmem:s28+$0x40]  }
0x34e: {  	[tilespmem:s28+$0xFFFFFF30] =	vst v2;
	v2 =	vld [tilespmem:s11+$0x40];
	v4 =	vmul.f32 v5, v4  }
0x34f: {  	v5 =	vld [tilespmem:s11+$0xFFFFFF40]  }
0x350: {  	[tilespmem:s28+$0xC0] =	vst v4;
	v4 =	vld [tilespmem:s28+$0xD0]  }
0x351: {  	v3 =	vmul.f32 v6, v3;
	v6 =	vld [tilespmem:s11+$0xD0]  }
0x352: {  	v8 =	vld [tilespmem:s28+$0xFFFFFF50]  }
0x353: {  	[tilespmem:s28+$0xFFFFFFC0] =	vst v3;
	v3 =	vld [tilespmem:s28+$0xFFFFFFD0];
	v1 =	vmul.f32 v2, v1  }
0x354: {  	v2 =	vmul.f32 v5, v7;
	v5 =	vld [tilespmem:s11+$0xFFFFFFD0]  }
0x355: {  	[tilespmem:s28+$0x40] =	vst v1;
	v1 =	vld [tilespmem:s28+$0x50]  }
0x356: {  	[tilespmem:s28+$0xFFFFFF40] =	vst v2;
	v2 =	vld [tilespmem:s11+$0x50];
	v4 =	vmul.f32 v6, v4  }
0x357: {  	v6 =	vld [tilespmem:s11+$0xFFFFFF50]  }
0x358: {  	[tilespmem:s28+$0xD0] =	vst v4;
	v4 =	vld [tilespmem:s28+$0xE0]  }
0x359: {  	v3 =	vmul.f32 v5, v3;
	v5 =	vld [tilespmem:s11+$0xE0]  }
0x35a: {  	v7 =	vld [tilespmem:s28+$0xFFFFFF60]  }
0x35b: {  	[tilespmem:s28+$0xFFFFFFD0] =	vst v3;
	v3 =	vld [tilespmem:s28+$0xFFFFFFE0];
	v1 =	vmul.f32 v2, v1  }
0x35c: {  	v2 =	vmul.f32 v6, v8;
	v6 =	vld [tilespmem:s11+$0xFFFFFFE0]  }
0x35d: {  	[tilespmem:s28+$0x50] =	vst v1;
	v8 =	vld [tilespmem:s28+$0x60]  }
0x35e: {  	[tilespmem:s28+$0xFFFFFF50] =	vst v2;
	v9 =	vld [tilespmem:s11+$0x60];
	v1 =	vmul.f32 v5, v4  }
0x35f: {  	v4 =	vld [tilespmem:s11+$0xFFFFFF60]  }
0x360: {  	[tilespmem:s28+$0xE0] =	vst v1;
	v10 =	vld [tilespmem:s28+$0xF0]  }
0x361: {  	v2 =	vmul.f32 v6, v3;
	v6 =	vld [tilespmem:s11+$0xF0]  }
0x362: {  	v1 =	vld [tilespmem:s28+$0xFFFFFF70]  }
.Ltmp7:
0x363: {  	[tilespmem:s28+$0xFFFFFFE0] =	vst v2;
	v2 =	vld [tilespmem:s28+$0xFFFFFFF0];
	v3 =	vmul.f32 v9, v8;
	(pc) =	sbr.rel @p0 .LBB2_17-.Ltmp7, $4  }
0x364: {  	v5 =	vmul.f32 v4, v7;
	v4 =	vld [tilespmem:s11+$0xFFFFFFF0]  }
0x365: {  	[tilespmem:s28+$0x60] =	vst v3;
	v3 =	vld [tilespmem:s28+$0x70]  }
0x366: {  	[tilespmem:s28+$0xFFFFFF60] =	vst v5;
	v5 =	vld [tilespmem:s11+$0x70];
	v7 =	vmul.f32 v6, v10  }
0x367: {  	s28 =	sadd.s32 $0x200, s28;
	v6 =	vld [tilespmem:s11+$0xFFFFFF70]  }
0x368: {  	_ =	sdelay $0x1  }
0x369: {  	v2 =	vmul.f32 v4, v2  }
0x36a: {  	[tilespmem:s25+$0xF0] =	vst v7;
	v3 =	vmul.f32 v5, v3  }
0x36b: {  	s11 =	sshll.u32 s3, $0x8;
	[tilespmem:s25+$0xFFFFFFF0] =	vst v2;
	v1 =	vmul.f32 v6, v1  }
0x36c: {  	s11 =	sand.u32 $0x3FFFFF00, s11;
	[tilespmem:s25+$0x70] =	vst v3  }
0x36d: {  	p0 =	seq.s32 s3, $0x13;
	s11 =	sadd.s32 $0x1400, s11;
	[tilespmem:s25+$0xFFFFFF70] =	vst v1  }
0x36e: {  	[spmem:s20] =	stream.indirect.scatter.add.f32 [tilespmem:s9], [sflag:$0x5], $0x80, s11, s12, $0xb8;
	[tilespmem:$0x1E800] =	vst v63  }
0x36f: {  	s25 =	simm.s32 @!p0 $0x40;
	s11 =	sadd.s32 @!p0 $0x2, s26;
	_ =	swait.ge [sflag:s10], $0x2000  }
0x370: {  	s26 =	simm.s32 @!p0 $0x2800;
	s13 =	sshll.u32 @!p0 s11, $0x7;
	[sflag:s10] =	ssyncset.done $0x0  }
0x371: {  	s11 =	sshll.u32 @!p0 s11, $0xA;
	s13 =	sand.u32 @!p0 $0x3FFFFF80, s13;
	[sflag:s10] =	ssyncadd.s32 $0xFFFFE000  }
0x372: {  	[tilespmem:s26], [sflag:$0x1] =	stream.indirect.gather @!p0 [hbm4b:s19+s25], $0x80, s13, s25, $0xb8;
	[tilespmem:$0x1E800] =	vst v63  }
0x373: {  	s11 =	sadd.s32 @!p0 s11, s7;
	s13 =	simm.s32 @!p0 $0x0;
	s25 =	simm.s32 @!p0 $0x6800  }
0x374: {  	[tilespmem:s25], [sflag:$0x3] =	stream.linear.gather @!p0 [hbm4b:s11+s13], $0x2000, $0x38;
	[tilespmem:$0x1E800] =	vst v63  }
0x375: {  	_ =	swait.ge [sflag:s21], $0x2000  }
0x376: {  	[sflag:s21] =	ssyncset.done $0x0  }
0x377: {  	[sflag:s21] =	ssyncadd.s32 $0xFFFFE000  }
0x378: {  	_ =	swait.ge [sflag:s22], $0x2000  }
0x379: {  	[sflag:s22] =	ssyncset.done $0x0  }
0x37a: {  	s25 =	simm.s32 $0x4900;
	[sflag:s22] =	ssyncadd.s32 $0xFFFFE000  }
0x37b: {  	s11 =	simm.s32 $0x8900;
	v1 =	vld [tilespmem:s25+$0x80]  }
0x37c: {  	v2 =	vld [tilespmem:s11+$0x80]  }
0x37d: {  	v3 =	vld [tilespmem:s25+$0xFFFFFF80]  }
0x37e: {  	v4 =	vld [tilespmem:s11+$0xFFFFFF80]  }
0x37f: {  	v5 =	vld [tilespmem:s25+$0x0]  }
0x380: {  	v6 =	vld [tilespmem:s11+$0x0]  }
0x381: {  	v7 =	vld [tilespmem:s25+$0xFFFFFF00];
	v1 =	vmul.f32 v2, v1  }
0x382: {  	v2 =	vld [tilespmem:s11+$0xFFFFFF00]  }
0x383: {  	[tilespmem:s25+$0x80] =	vst v1;
	v1 =	vld [tilespmem:s25+$0x90]  }
0x384: {  	v3 =	vmul.f32 v4, v3;
	v4 =	vld [tilespmem:s11+$0x90]  }
0x385: {  	v8 =	vld [tilespmem:s25+$0xFFFFFF10]  }
0x386: {  	[tilespmem:s25+$0xFFFFFF80] =	vst v3;
	v3 =	vmul.f32 v6, v5;
	v5 =	vld [tilespmem:s25+$0xFFFFFF90]  }
0x387: {  	v6 =	vld [tilespmem:s11+$0xFFFFFF90];
	v2 =	vmul.f32 v2, v7  }
0x388: {  	[tilespmem:s25+$0x0] =	vst v3;
	v3 =	vld [tilespmem:s25+$0x10]  }
0x389: {  	v7 =	vld [tilespmem:s11+$0x10];
	[tilespmem:s25+$0xFFFFFF00] =	vst v2;
	v1 =	vmul.f32 v4, v1  }
0x38a: {  	v2 =	vld [tilespmem:s11+$0xFFFFFF10]  }
0x38b: {  	[tilespmem:s25+$0x90] =	vst v1;
	v1 =	vld [tilespmem:s25+$0xA0]  }
0x38c: {  	v4 =	vmul.f32 v6, v5;
	v5 =	vld [tilespmem:s11+$0xA0]  }
0x38d: {  	v6 =	vld [tilespmem:s25+$0xFFFFFF20]  }
0x38e: {  	[tilespmem:s25+$0xFFFFFF90] =	vst v4;
	v3 =	vmul.f32 v7, v3;
	v4 =	vld [tilespmem:s25+$0xFFFFFFA0]  }
0x38f: {  	v7 =	vld [tilespmem:s11+$0xFFFFFFA0];
	v2 =	vmul.f32 v2, v8  }
0x390: {  	[tilespmem:s25+$0x10] =	vst v3;
	v3 =	vld [tilespmem:s25+$0x20]  }
0x391: {  	v8 =	vld [tilespmem:s11+$0x20];
	[tilespmem:s25+$0xFFFFFF10] =	vst v2;
	v1 =	vmul.f32 v5, v1  }
0x392: {  	v2 =	vld [tilespmem:s11+$0xFFFFFF20]  }
0x393: {  	[tilespmem:s25+$0xA0] =	vst v1;
	v1 =	vld [tilespmem:s25+$0xB0]  }
0x394: {  	v4 =	vmul.f32 v7, v4;
	v5 =	vld [tilespmem:s11+$0xB0]  }
0x395: {  	v7 =	vld [tilespmem:s25+$0xFFFFFF30]  }
0x396: {  	[tilespmem:s25+$0xFFFFFFA0] =	vst v4;
	v3 =	vmul.f32 v8, v3;
	v4 =	vld [tilespmem:s25+$0xFFFFFFB0]  }
0x397: {  	v8 =	vld [tilespmem:s11+$0xFFFFFFB0];
	v2 =	vmul.f32 v2, v6  }
0x398: {  	[tilespmem:s25+$0x20] =	vst v3;
	v3 =	vld [tilespmem:s25+$0x30]  }
0x399: {  	v6 =	vld [tilespmem:s11+$0x30];
	[tilespmem:s25+$0xFFFFFF20] =	vst v2;
	v1 =	vmul.f32 v5, v1  }
0x39a: {  	v2 =	vld [tilespmem:s11+$0xFFFFFF30]  }
0x39b: {  	[tilespmem:s25+$0xB0] =	vst v1;
	v1 =	vld [tilespmem:s25+$0xC0]  }
0x39c: {  	v4 =	vmul.f32 v8, v4;
	v5 =	vld [tilespmem:s11+$0xC0]  }
0x39d: {  	v8 =	vld [tilespmem:s25+$0xFFFFFF40]  }
0x39e: {  	[tilespmem:s25+$0xFFFFFFB0] =	vst v4;
	v3 =	vmul.f32 v6, v3;
	v4 =	vld [tilespmem:s25+$0xFFFFFFC0]  }
0x39f: {  	v6 =	vld [tilespmem:s11+$0xFFFFFFC0];
	v2 =	vmul.f32 v2, v7  }
0x3a0: {  	[tilespmem:s25+$0x30] =	vst v3;
	v3 =	vld [tilespmem:s25+$0x40]  }
0x3a1: {  	v7 =	vld [tilespmem:s11+$0x40];
	[tilespmem:s25+$0xFFFFFF30] =	vst v2;
	v1 =	vmul.f32 v5, v1  }
0x3a2: {  	v2 =	vld [tilespmem:s11+$0xFFFFFF40]  }
0x3a3: {  	[tilespmem:s25+$0xC0] =	vst v1;
	v1 =	vld [tilespmem:s25+$0xD0]  }
0x3a4: {  	v4 =	vmul.f32 v6, v4;
	v5 =	vld [tilespmem:s11+$0xD0]  }
0x3a5: {  	v6 =	vld [tilespmem:s25+$0xFFFFFF50]  }
0x3a6: {  	[tilespmem:s25+$0xFFFFFFC0] =	vst v4;
	v3 =	vmul.f32 v7, v3;
	v4 =	vld [tilespmem:s25+$0xFFFFFFD0]  }
0x3a7: {  	v7 =	vld [tilespmem:s11+$0xFFFFFFD0];
	v2 =	vmul.f32 v2, v8  }
0x3a8: {  	[tilespmem:s25+$0x40] =	vst v3;
	v3 =	vld [tilespmem:s25+$0x50]  }
0x3a9: {  	v8 =	vld [tilespmem:s11+$0x50];
	[tilespmem:s25+$0xFFFFFF40] =	vst v2;
	v1 =	vmul.f32 v5, v1  }
0x3aa: {  	v2 =	vld [tilespmem:s11+$0xFFFFFF50]  }
0x3ab: {  	[tilespmem:s25+$0xD0] =	vst v1;
	v1 =	vld [tilespmem:s25+$0xE0]  }
0x3ac: {  	v4 =	vmul.f32 v7, v4;
	v5 =	vld [tilespmem:s11+$0xE0]  }
0x3ad: {  	v7 =	vld [tilespmem:s25+$0xFFFFFF60]  }
0x3ae: {  	[tilespmem:s25+$0xFFFFFFD0] =	vst v4;
	v3 =	vmul.f32 v8, v3;
	v4 =	vld [tilespmem:s25+$0xFFFFFFE0]  }
0x3af: {  	v8 =	vld [tilespmem:s11+$0xFFFFFFE0];
	v2 =	vmul.f32 v2, v6  }
0x3b0: {  	[tilespmem:s25+$0x50] =	vst v3;
	v3 =	vld [tilespmem:s25+$0x60]  }
0x3b1: {  	v6 =	vld [tilespmem:s11+$0x60];
	[tilespmem:s25+$0xFFFFFF50] =	vst v2;
	v1 =	vmul.f32 v5, v1  }
0x3b2: {  	v5 =	vld [tilespmem:s11+$0xFFFFFF60]  }
0x3b3: {  	v9 =	vld [tilespmem:s25+$0xF0];
	[tilespmem:s25+$0xE0] =	vst v1  }
0x3b4: {  	v2 =	vmul.f32 v8, v4;
	v8 =	vld [tilespmem:s11+$0xF0]  }
0x3b5: {  	v1 =	vld [tilespmem:s25+$0xFFFFFF70]  }
0x3b6: {  	[tilespmem:s25+$0xFFFFFFE0] =	vst v2;
	v3 =	vmul.f32 v6, v3;
	v2 =	vld [tilespmem:s25+$0xFFFFFFF0]  }
0x3b7: {  	v4 =	vld [tilespmem:s11+$0xFFFFFFF0];
	v5 =	vmul.f32 v5, v7  }
0x3b8: {  	[tilespmem:s25+$0x60] =	vst v3;
	v3 =	vld [tilespmem:s25+$0x70]  }
0x3b9: {  	[tilespmem:s25+$0xFFFFFF60] =	vst v5;
	v5 =	vld [tilespmem:s11+$0x70];
	v7 =	vmul.f32 v8, v9  }
0x3ba: {  	s26 =	simm.s32 $0x4B00;
	s13 =	simm.s32 $0x0;
	v6 =	vld [tilespmem:s11+$0xFFFFFF70]  }
.LBB2_19:
0x3bb: {  	v8 =	vld [tilespmem:s26+$0x80];
	[tilespmem:s25+$0xF0] =	vst v7;
	s11 =	sadd.s32 $0x200, s11  }
0x3bc: {  	s13 =	sadd.s32 $0x4, s13;
	v7 =	vld [tilespmem:s11+$0x80];
	v2 =	vmul.f32 v4, v2  }
0x3bd: {  	p0 =	slt.u32 s13, $0x3C;
	v4 =	vld [tilespmem:s11+$0xFFFFFF00]  }
0x3be: {  	v9 =	vld [tilespmem:s26+$0xFFFFFF80];
	[tilespmem:s25+$0xFFFFFFF0] =	vst v2;
	v2 =	vmul.f32 v5, v3  }
0x3bf: {  	v3 =	vld [tilespmem:s11+$0xFFFFFF80];
	v1 =	vmul.f32 v6, v1  }
0x3c0: {  	v5 =	vld [tilespmem:s26+$0x0];
	[tilespmem:s25+$0x70] =	vst v2  }
0x3c1: {  	v2 =	vld [tilespmem:s11+$0x0];
	v6 =	vmul.f32 v7, v8;
	[tilespmem:s25+$0xFFFFFF70] =	vst v1;
	s25 =	smov.u32 s26  }
0x3c2: {  	v1 =	vld [tilespmem:s26+$0xFFFFFF00]  }
0x3c3: {  	[tilespmem:s26+$0x80] =	vst v6;
	v6 =	vld [tilespmem:s26+$0x90]  }
0x3c4: {  	v3 =	vmul.f32 v3, v9;
	v7 =	vld [tilespmem:s11+$0x90]  }
0x3c5: {  	v8 =	vld [tilespmem:s26+$0xFFFFFF10]  }
0x3c6: {  	[tilespmem:s26+$0xFFFFFF80] =	vst v3;
	v3 =	vld [tilespmem:s26+$0xFFFFFF90];
	v2 =	vmul.f32 v2, v5  }
0x3c7: {  	v1 =	vmul.f32 v4, v1;
	v4 =	vld [tilespmem:s11+$0xFFFFFF90]  }
0x3c8: {  	[tilespmem:s26+$0x0] =	vst v2;
	v2 =	vld [tilespmem:s26+$0x10]  }
0x3c9: {  	[tilespmem:s26+$0xFFFFFF00] =	vst v1;
	v1 =	vld [tilespmem:s11+$0x10];
	v5 =	vmul.f32 v7, v6  }
0x3ca: {  	v6 =	vld [tilespmem:s11+$0xFFFFFF10]  }
0x3cb: {  	[tilespmem:s26+$0x90] =	vst v5;
	v5 =	vld [tilespmem:s26+$0xA0]  }
0x3cc: {  	v3 =	vmul.f32 v4, v3;
	v4 =	vld [tilespmem:s11+$0xA0]  }
0x3cd: {  	v7 =	vld [tilespmem:s26+$0xFFFFFF20]  }
0x3ce: {  	[tilespmem:s26+$0xFFFFFF90] =	vst v3;
	v3 =	vld [tilespmem:s26+$0xFFFFFFA0];
	v1 =	vmul.f32 v1, v2  }
0x3cf: {  	v2 =	vmul.f32 v6, v8;
	v6 =	vld [tilespmem:s11+$0xFFFFFFA0]  }
0x3d0: {  	[tilespmem:s26+$0x10] =	vst v1;
	v1 =	vld [tilespmem:s26+$0x20]  }
0x3d1: {  	[tilespmem:s26+$0xFFFFFF10] =	vst v2;
	v2 =	vld [tilespmem:s11+$0x20];
	v4 =	vmul.f32 v4, v5  }
0x3d2: {  	v5 =	vld [tilespmem:s11+$0xFFFFFF20]  }
0x3d3: {  	[tilespmem:s26+$0xA0] =	vst v4;
	v4 =	vld [tilespmem:s26+$0xB0]  }
0x3d4: {  	v3 =	vmul.f32 v6, v3;
	v6 =	vld [tilespmem:s11+$0xB0]  }
0x3d5: {  	v8 =	vld [tilespmem:s26+$0xFFFFFF30]  }
0x3d6: {  	[tilespmem:s26+$0xFFFFFFA0] =	vst v3;
	v3 =	vld [tilespmem:s26+$0xFFFFFFB0];
	v1 =	vmul.f32 v2, v1  }
0x3d7: {  	v2 =	vmul.f32 v5, v7;
	v5 =	vld [tilespmem:s11+$0xFFFFFFB0]  }
0x3d8: {  	[tilespmem:s26+$0x20] =	vst v1;
	v1 =	vld [tilespmem:s26+$0x30]  }
0x3d9: {  	[tilespmem:s26+$0xFFFFFF20] =	vst v2;
	v2 =	vld [tilespmem:s11+$0x30];
	v4 =	vmul.f32 v6, v4  }
0x3da: {  	v6 =	vld [tilespmem:s11+$0xFFFFFF30]  }
0x3db: {  	[tilespmem:s26+$0xB0] =	vst v4;
	v4 =	vld [tilespmem:s26+$0xC0]  }
0x3dc: {  	v3 =	vmul.f32 v5, v3;
	v5 =	vld [tilespmem:s11+$0xC0]  }
0x3dd: {  	v7 =	vld [tilespmem:s26+$0xFFFFFF40]  }
0x3de: {  	[tilespmem:s26+$0xFFFFFFB0] =	vst v3;
	v3 =	vld [tilespmem:s26+$0xFFFFFFC0];
	v1 =	vmul.f32 v2, v1  }
0x3df: {  	v2 =	vmul.f32 v6, v8;
	v6 =	vld [tilespmem:s11+$0xFFFFFFC0]  }
0x3e0: {  	[tilespmem:s26+$0x30] =	vst v1;
	v1 =	vld [tilespmem:s26+$0x40]  }
0x3e1: {  	[tilespmem:s26+$0xFFFFFF30] =	vst v2;
	v2 =	vld [tilespmem:s11+$0x40];
	v4 =	vmul.f32 v5, v4  }
0x3e2: {  	v5 =	vld [tilespmem:s11+$0xFFFFFF40]  }
0x3e3: {  	[tilespmem:s26+$0xC0] =	vst v4;
	v4 =	vld [tilespmem:s26+$0xD0]  }
0x3e4: {  	v3 =	vmul.f32 v6, v3;
	v6 =	vld [tilespmem:s11+$0xD0]  }
0x3e5: {  	v8 =	vld [tilespmem:s26+$0xFFFFFF50]  }
0x3e6: {  	[tilespmem:s26+$0xFFFFFFC0] =	vst v3;
	v3 =	vld [tilespmem:s26+$0xFFFFFFD0];
	v1 =	vmul.f32 v2, v1  }
0x3e7: {  	v2 =	vmul.f32 v5, v7;
	v5 =	vld [tilespmem:s11+$0xFFFFFFD0]  }
0x3e8: {  	[tilespmem:s26+$0x40] =	vst v1;
	v1 =	vld [tilespmem:s26+$0x50]  }
0x3e9: {  	[tilespmem:s26+$0xFFFFFF40] =	vst v2;
	v2 =	vld [tilespmem:s11+$0x50];
	v4 =	vmul.f32 v6, v4  }
0x3ea: {  	v6 =	vld [tilespmem:s11+$0xFFFFFF50]  }
0x3eb: {  	[tilespmem:s26+$0xD0] =	vst v4;
	v4 =	vld [tilespmem:s26+$0xE0]  }
0x3ec: {  	v3 =	vmul.f32 v5, v3;
	v5 =	vld [tilespmem:s11+$0xE0]  }
0x3ed: {  	v7 =	vld [tilespmem:s26+$0xFFFFFF60]  }
0x3ee: {  	[tilespmem:s26+$0xFFFFFFD0] =	vst v3;
	v3 =	vld [tilespmem:s26+$0xFFFFFFE0];
	v1 =	vmul.f32 v2, v1  }
0x3ef: {  	v2 =	vmul.f32 v6, v8;
	v6 =	vld [tilespmem:s11+$0xFFFFFFE0]  }
0x3f0: {  	[tilespmem:s26+$0x50] =	vst v1;
	v8 =	vld [tilespmem:s26+$0x60]  }
0x3f1: {  	[tilespmem:s26+$0xFFFFFF50] =	vst v2;
	v9 =	vld [tilespmem:s11+$0x60];
	v1 =	vmul.f32 v5, v4  }
0x3f2: {  	v4 =	vld [tilespmem:s11+$0xFFFFFF60]  }
0x3f3: {  	[tilespmem:s26+$0xE0] =	vst v1;
	v10 =	vld [tilespmem:s26+$0xF0]  }
0x3f4: {  	v2 =	vmul.f32 v6, v3;
	v6 =	vld [tilespmem:s11+$0xF0]  }
0x3f5: {  	v1 =	vld [tilespmem:s26+$0xFFFFFF70]  }
.Ltmp8:
0x3f6: {  	[tilespmem:s26+$0xFFFFFFE0] =	vst v2;
	v2 =	vld [tilespmem:s26+$0xFFFFFFF0];
	v3 =	vmul.f32 v9, v8;
	(pc) =	sbr.rel @p0 .LBB2_19-.Ltmp8, $4  }
0x3f7: {  	v5 =	vmul.f32 v4, v7;
	v4 =	vld [tilespmem:s11+$0xFFFFFFF0]  }
0x3f8: {  	[tilespmem:s26+$0x60] =	vst v3;
	v3 =	vld [tilespmem:s26+$0x70]  }
0x3f9: {  	[tilespmem:s26+$0xFFFFFF60] =	vst v5;
	v5 =	vld [tilespmem:s11+$0x70];
	v7 =	vmul.f32 v6, v10  }
0x3fa: {  	s26 =	sadd.s32 $0x200, s26;
	v6 =	vld [tilespmem:s11+$0xFFFFFF70]  }
0x3fb: {  	_ =	sdelay $0x1  }
0x3fc: {  	v2 =	vmul.f32 v4, v2  }
0x3fd: {  	[tilespmem:s25+$0xF0] =	vst v7;
	v3 =	vmul.f32 v5, v3  }
0x3fe: {  	s3 =	sadd.s32 $0x1, s3;
	[tilespmem:s25+$0xFFFFFFF0] =	vst v2;
	v1 =	vmul.f32 v6, v1  }
0x3ff: {  	p0 =	sne.s32 s3, $0x14;
	[tilespmem:s25+$0x70] =	vst v3  }
.Ltmp9:
0x400: {  	s11 =	sadd.s32 $0x1400, s24;
	[tilespmem:s25+$0xFFFFFF70] =	vst v1;
	(pc) =	sbr.rel @p0 .LBB2_16-.Ltmp9, $4  }
0x401: {  	[spmem:s20] =	stream.indirect.scatter.add.f32 [tilespmem:s14], [sflag:$0x5], $0x80, s11, s12, $0xb8;
	[tilespmem:$0x1E800] =	vst v63  }
0x402: {  	_ =	swait.ge [sflag:s10], $0x2000  }
0x403: {  	[sflag:s10] =	ssyncset.done $0x0  }
0x404: {  	[sflag:s10] =	ssyncadd.s32 $0xFFFFE000  }
0x405: {  	s3 =	simm.s32 $0x0;
	s11 =	rddreg [dreg:$0xa]  }
0x406: {  	[tilespmem:s3], [sflag:$0x5] =	stream.linear.gather [hbm4b:s11+s3], $0x1400, $0x38;
	[tilespmem:$0x1E800] =	vst v63  }
0x407: {  	_ =	swait.ge [sflag:s10], $0x1400  }
0x408: {  	[sflag:s10] =	ssyncset.done $0x0  }
0x409: {  	s13 =	simm.s32 $0x1400;
	s26 =	rddreg [dreg:$0xb];
	[sflag:s10] =	ssyncadd.s32 $0xFFFFEC00  }
0x40a: {  	[tilespmem:s13], [sflag:$0x5] =	stream.linear.gather [hbm4b:s26+s3], $0x1400, $0x38;
	[tilespmem:$0x1E800] =	vst v63  }
0x40b: {  	_ =	swait.ge [sflag:s10], $0x1400  }
0x40c: {  	[sflag:s10] =	ssyncset.done $0x0  }
0x40d: {  	[sflag:s10] =	ssyncadd.s32 $0xFFFFEC00  }
0x40e: {  	[tilespmem:s9], [sflag:$0x1] =	stream.indirect.gather [hbm4b:s19+s12], $0x80, s3, s12, $0xb8;
	[tilespmem:$0x1E800] =	vst v63  }
0x40f: {  	s28 =	simm.s32 $0x6800  }
0x410: {  	[tilespmem:s28], [sflag:$0x3] =	stream.linear.gather [hbm4b:s8+s3], $0x2000, $0x38;
	[tilespmem:$0x1E800] =	vst v63  }
.LBB2_22:
0x411: {  	s11 =	sshllo.u32 s3, $0x1  }
0x412: {  	s24 =	sshll.u32 s11, $0x7;
	s11 =	sshll.u32 s11, $0xA  }
0x413: {  	[tilespmem:s14], [sflag:$0x2] =	stream.indirect.gather [hbm4b:s19+s12], $0x80, s24, s12, $0xb8;
	[tilespmem:$0x1E800] =	vst v63  }
0x414: {  	s11 =	sadd.s32 s11, s8  }
0x415: {  	[tilespmem:s15], [sflag:$0x4] =	stream.linear.gather [hbm4b:s11+s0], $0x2000, $0x38;
	[tilespmem:$0x1E800] =	vst v63  }
0x416: {  	_ =	swait.ge [sflag:s16], $0x2000  }
0x417: {  	[sflag:s16] =	ssyncset.done $0x0  }
0x418: {  	[sflag:s16] =	ssyncadd.s32 $0xFFFFE000  }
0x419: {  	_ =	swait.ge [sflag:s18], $0x2000  }
0x41a: {  	[sflag:s18] =	ssyncset.done $0x0  }
0x41b: {  	s25 =	simm.s32 $0x2900;
	[sflag:s18] =	ssyncadd.s32 $0xFFFFE000  }
0x41c: {  	s11 =	simm.s32 $0x6900;
	v1 =	vld [tilespmem:s25+$0x80]  }
0x41d: {  	v2 =	vld [tilespmem:s11+$0x80]  }
0x41e: {  	v3 =	vld [tilespmem:s25+$0xFFFFFF80]  }
0x41f: {  	v4 =	vld [tilespmem:s11+$0xFFFFFF80]  }
0x420: {  	v5 =	vld [tilespmem:s25+$0x0]  }
0x421: {  	v6 =	vld [tilespmem:s11+$0x0]  }
0x422: {  	v7 =	vld [tilespmem:s25+$0xFFFFFF00];
	v1 =	vmul.f32 v2, v1  }
0x423: {  	v2 =	vld [tilespmem:s11+$0xFFFFFF00]  }
0x424: {  	[tilespmem:s25+$0x80] =	vst v1;
	v1 =	vld [tilespmem:s25+$0x90]  }
0x425: {  	v3 =	vmul.f32 v4, v3;
	v4 =	vld [tilespmem:s11+$0x90]  }
0x426: {  	v8 =	vld [tilespmem:s25+$0xFFFFFF10]  }
0x427: {  	[tilespmem:s25+$0xFFFFFF80] =	vst v3;
	v3 =	vmul.f32 v6, v5;
	v5 =	vld [tilespmem:s25+$0xFFFFFF90]  }
0x428: {  	v6 =	vld [tilespmem:s11+$0xFFFFFF90];
	v2 =	vmul.f32 v2, v7  }
0x429: {  	[tilespmem:s25+$0x0] =	vst v3;
	v3 =	vld [tilespmem:s25+$0x10]  }
0x42a: {  	v7 =	vld [tilespmem:s11+$0x10];
	[tilespmem:s25+$0xFFFFFF00] =	vst v2;
	v1 =	vmul.f32 v4, v1  }
0x42b: {  	v2 =	vld [tilespmem:s11+$0xFFFFFF10]  }
0x42c: {  	[tilespmem:s25+$0x90] =	vst v1;
	v1 =	vld [tilespmem:s25+$0xA0]  }
0x42d: {  	v4 =	vmul.f32 v6, v5;
	v5 =	vld [tilespmem:s11+$0xA0]  }
0x42e: {  	v6 =	vld [tilespmem:s25+$0xFFFFFF20]  }
0x42f: {  	[tilespmem:s25+$0xFFFFFF90] =	vst v4;
	v3 =	vmul.f32 v7, v3;
	v4 =	vld [tilespmem:s25+$0xFFFFFFA0]  }
0x430: {  	v7 =	vld [tilespmem:s11+$0xFFFFFFA0];
	v2 =	vmul.f32 v2, v8  }
0x431: {  	[tilespmem:s25+$0x10] =	vst v3;
	v3 =	vld [tilespmem:s25+$0x20]  }
0x432: {  	v8 =	vld [tilespmem:s11+$0x20];
	[tilespmem:s25+$0xFFFFFF10] =	vst v2;
	v1 =	vmul.f32 v5, v1  }
0x433: {  	v2 =	vld [tilespmem:s11+$0xFFFFFF20]  }
0x434: {  	[tilespmem:s25+$0xA0] =	vst v1;
	v1 =	vld [tilespmem:s25+$0xB0]  }
0x435: {  	v4 =	vmul.f32 v7, v4;
	v5 =	vld [tilespmem:s11+$0xB0]  }
0x436: {  	v7 =	vld [tilespmem:s25+$0xFFFFFF30]  }
0x437: {  	[tilespmem:s25+$0xFFFFFFA0] =	vst v4;
	v3 =	vmul.f32 v8, v3;
	v4 =	vld [tilespmem:s25+$0xFFFFFFB0]  }
0x438: {  	v8 =	vld [tilespmem:s11+$0xFFFFFFB0];
	v2 =	vmul.f32 v2, v6  }
0x439: {  	[tilespmem:s25+$0x20] =	vst v3;
	v3 =	vld [tilespmem:s25+$0x30]  }
0x43a: {  	v6 =	vld [tilespmem:s11+$0x30];
	[tilespmem:s25+$0xFFFFFF20] =	vst v2;
	v1 =	vmul.f32 v5, v1  }
0x43b: {  	v2 =	vld [tilespmem:s11+$0xFFFFFF30]  }
0x43c: {  	[tilespmem:s25+$0xB0] =	vst v1;
	v1 =	vld [tilespmem:s25+$0xC0]  }
0x43d: {  	v4 =	vmul.f32 v8, v4;
	v5 =	vld [tilespmem:s11+$0xC0]  }
0x43e: {  	v8 =	vld [tilespmem:s25+$0xFFFFFF40]  }
0x43f: {  	[tilespmem:s25+$0xFFFFFFB0] =	vst v4;
	v3 =	vmul.f32 v6, v3;
	v4 =	vld [tilespmem:s25+$0xFFFFFFC0]  }
0x440: {  	v6 =	vld [tilespmem:s11+$0xFFFFFFC0];
	v2 =	vmul.f32 v2, v7  }
0x441: {  	[tilespmem:s25+$0x30] =	vst v3;
	v3 =	vld [tilespmem:s25+$0x40]  }
0x442: {  	v7 =	vld [tilespmem:s11+$0x40];
	[tilespmem:s25+$0xFFFFFF30] =	vst v2;
	v1 =	vmul.f32 v5, v1  }
0x443: {  	v2 =	vld [tilespmem:s11+$0xFFFFFF40]  }
0x444: {  	[tilespmem:s25+$0xC0] =	vst v1;
	v1 =	vld [tilespmem:s25+$0xD0]  }
0x445: {  	v4 =	vmul.f32 v6, v4;
	v5 =	vld [tilespmem:s11+$0xD0]  }
0x446: {  	v6 =	vld [tilespmem:s25+$0xFFFFFF50]  }
0x447: {  	[tilespmem:s25+$0xFFFFFFC0] =	vst v4;
	v3 =	vmul.f32 v7, v3;
	v4 =	vld [tilespmem:s25+$0xFFFFFFD0]  }
0x448: {  	v7 =	vld [tilespmem:s11+$0xFFFFFFD0];
	v2 =	vmul.f32 v2, v8  }
0x449: {  	[tilespmem:s25+$0x40] =	vst v3;
	v3 =	vld [tilespmem:s25+$0x50]  }
0x44a: {  	v8 =	vld [tilespmem:s11+$0x50];
	[tilespmem:s25+$0xFFFFFF40] =	vst v2;
	v1 =	vmul.f32 v5, v1  }
0x44b: {  	v2 =	vld [tilespmem:s11+$0xFFFFFF50]  }
0x44c: {  	[tilespmem:s25+$0xD0] =	vst v1;
	v1 =	vld [tilespmem:s25+$0xE0]  }
0x44d: {  	v4 =	vmul.f32 v7, v4;
	v5 =	vld [tilespmem:s11+$0xE0]  }
0x44e: {  	v7 =	vld [tilespmem:s25+$0xFFFFFF60]  }
0x44f: {  	[tilespmem:s25+$0xFFFFFFD0] =	vst v4;
	v3 =	vmul.f32 v8, v3;
	v4 =	vld [tilespmem:s25+$0xFFFFFFE0]  }
0x450: {  	v8 =	vld [tilespmem:s11+$0xFFFFFFE0];
	v2 =	vmul.f32 v2, v6  }
0x451: {  	[tilespmem:s25+$0x50] =	vst v3;
	v3 =	vld [tilespmem:s25+$0x60]  }
0x452: {  	v6 =	vld [tilespmem:s11+$0x60];
	[tilespmem:s25+$0xFFFFFF50] =	vst v2;
	v1 =	vmul.f32 v5, v1  }
0x453: {  	v5 =	vld [tilespmem:s11+$0xFFFFFF60]  }
0x454: {  	v9 =	vld [tilespmem:s25+$0xF0];
	[tilespmem:s25+$0xE0] =	vst v1  }
0x455: {  	v2 =	vmul.f32 v8, v4;
	v8 =	vld [tilespmem:s11+$0xF0]  }
0x456: {  	v1 =	vld [tilespmem:s25+$0xFFFFFF70]  }
0x457: {  	[tilespmem:s25+$0xFFFFFFE0] =	vst v2;
	v3 =	vmul.f32 v6, v3;
	v2 =	vld [tilespmem:s25+$0xFFFFFFF0]  }
0x458: {  	v4 =	vld [tilespmem:s11+$0xFFFFFFF0];
	v5 =	vmul.f32 v5, v7  }
0x459: {  	[tilespmem:s25+$0x60] =	vst v3;
	v3 =	vld [tilespmem:s25+$0x70]  }
0x45a: {  	[tilespmem:s25+$0xFFFFFF60] =	vst v5;
	v5 =	vld [tilespmem:s11+$0x70];
	v7 =	vmul.f32 v8, v9  }
0x45b: {  	s26 =	sshll.u32 s3, $0x1;
	s13 =	simm.s32 $0x0;
	s28 =	simm.s32 $0x2B00;
	v6 =	vld [tilespmem:s11+$0xFFFFFF70]  }
.LBB2_23:
0x45c: {  	v8 =	vld [tilespmem:s28+$0x80];
	[tilespmem:s25+$0xF0] =	vst v7;
	s11 =	sadd.s32 $0x200, s11  }
0x45d: {  	s13 =	sadd.s32 $0x4, s13;
	v7 =	vld [tilespmem:s11+$0x80];
	v2 =	vmul.f32 v4, v2  }
0x45e: {  	p0 =	slt.u32 s13, $0x3C;
	v4 =	vld [tilespmem:s11+$0xFFFFFF00]  }
0x45f: {  	v9 =	vld [tilespmem:s28+$0xFFFFFF80];
	[tilespmem:s25+$0xFFFFFFF0] =	vst v2;
	v2 =	vmul.f32 v5, v3  }
0x460: {  	v3 =	vld [tilespmem:s11+$0xFFFFFF80];
	v1 =	vmul.f32 v6, v1  }
0x461: {  	v5 =	vld [tilespmem:s28+$0x0];
	[tilespmem:s25+$0x70] =	vst v2  }
0x462: {  	v2 =	vld [tilespmem:s11+$0x0];
	v6 =	vmul.f32 v7, v8;
	[tilespmem:s25+$0xFFFFFF70] =	vst v1;
	s25 =	smov.u32 s28  }
0x463: {  	v1 =	vld [tilespmem:s28+$0xFFFFFF00]  }
0x464: {  	[tilespmem:s28+$0x80] =	vst v6;
	v6 =	vld [tilespmem:s28+$0x90]  }
0x465: {  	v3 =	vmul.f32 v3, v9;
	v7 =	vld [tilespmem:s11+$0x90]  }
0x466: {  	v8 =	vld [tilespmem:s28+$0xFFFFFF10]  }
0x467: {  	[tilespmem:s28+$0xFFFFFF80] =	vst v3;
	v3 =	vld [tilespmem:s28+$0xFFFFFF90];
	v2 =	vmul.f32 v2, v5  }
0x468: {  	v1 =	vmul.f32 v4, v1;
	v4 =	vld [tilespmem:s11+$0xFFFFFF90]  }
0x469: {  	[tilespmem:s28+$0x0] =	vst v2;
	v2 =	vld [tilespmem:s28+$0x10]  }
0x46a: {  	[tilespmem:s28+$0xFFFFFF00] =	vst v1;
	v1 =	vld [tilespmem:s11+$0x10];
	v5 =	vmul.f32 v7, v6  }
0x46b: {  	v6 =	vld [tilespmem:s11+$0xFFFFFF10]  }
0x46c: {  	[tilespmem:s28+$0x90] =	vst v5;
	v5 =	vld [tilespmem:s28+$0xA0]  }
0x46d: {  	v3 =	vmul.f32 v4, v3;
	v4 =	vld [tilespmem:s11+$0xA0]  }
0x46e: {  	v7 =	vld [tilespmem:s28+$0xFFFFFF20]  }
0x46f: {  	[tilespmem:s28+$0xFFFFFF90] =	vst v3;
	v3 =	vld [tilespmem:s28+$0xFFFFFFA0];
	v1 =	vmul.f32 v1, v2  }
0x470: {  	v2 =	vmul.f32 v6, v8;
	v6 =	vld [tilespmem:s11+$0xFFFFFFA0]  }
0x471: {  	[tilespmem:s28+$0x10] =	vst v1;
	v1 =	vld [tilespmem:s28+$0x20]  }
0x472: {  	[tilespmem:s28+$0xFFFFFF10] =	vst v2;
	v2 =	vld [tilespmem:s11+$0x20];
	v4 =	vmul.f32 v4, v5  }
0x473: {  	v5 =	vld [tilespmem:s11+$0xFFFFFF20]  }
0x474: {  	[tilespmem:s28+$0xA0] =	vst v4;
	v4 =	vld [tilespmem:s28+$0xB0]  }
0x475: {  	v3 =	vmul.f32 v6, v3;
	v6 =	vld [tilespmem:s11+$0xB0]  }
0x476: {  	v8 =	vld [tilespmem:s28+$0xFFFFFF30]  }
0x477: {  	[tilespmem:s28+$0xFFFFFFA0] =	vst v3;
	v3 =	vld [tilespmem:s28+$0xFFFFFFB0];
	v1 =	vmul.f32 v2, v1  }
0x478: {  	v2 =	vmul.f32 v5, v7;
	v5 =	vld [tilespmem:s11+$0xFFFFFFB0]  }
0x479: {  	[tilespmem:s28+$0x20] =	vst v1;
	v1 =	vld [tilespmem:s28+$0x30]  }
0x47a: {  	[tilespmem:s28+$0xFFFFFF20] =	vst v2;
	v2 =	vld [tilespmem:s11+$0x30];
	v4 =	vmul.f32 v6, v4  }
0x47b: {  	v6 =	vld [tilespmem:s11+$0xFFFFFF30]  }
0x47c: {  	[tilespmem:s28+$0xB0] =	vst v4;
	v4 =	vld [tilespmem:s28+$0xC0]  }
0x47d: {  	v3 =	vmul.f32 v5, v3;
	v5 =	vld [tilespmem:s11+$0xC0]  }
0x47e: {  	v7 =	vld [tilespmem:s28+$0xFFFFFF40]  }
0x47f: {  	[tilespmem:s28+$0xFFFFFFB0] =	vst v3;
	v3 =	vld [tilespmem:s28+$0xFFFFFFC0];
	v1 =	vmul.f32 v2, v1  }
0x480: {  	v2 =	vmul.f32 v6, v8;
	v6 =	vld [tilespmem:s11+$0xFFFFFFC0]  }
0x481: {  	[tilespmem:s28+$0x30] =	vst v1;
	v1 =	vld [tilespmem:s28+$0x40]  }
0x482: {  	[tilespmem:s28+$0xFFFFFF30] =	vst v2;
	v2 =	vld [tilespmem:s11+$0x40];
	v4 =	vmul.f32 v5, v4  }
0x483: {  	v5 =	vld [tilespmem:s11+$0xFFFFFF40]  }
0x484: {  	[tilespmem:s28+$0xC0] =	vst v4;
	v4 =	vld [tilespmem:s28+$0xD0]  }
0x485: {  	v3 =	vmul.f32 v6, v3;
	v6 =	vld [tilespmem:s11+$0xD0]  }
0x486: {  	v8 =	vld [tilespmem:s28+$0xFFFFFF50]  }
0x487: {  	[tilespmem:s28+$0xFFFFFFC0] =	vst v3;
	v3 =	vld [tilespmem:s28+$0xFFFFFFD0];
	v1 =	vmul.f32 v2, v1  }
0x488: {  	v2 =	vmul.f32 v5, v7;
	v5 =	vld [tilespmem:s11+$0xFFFFFFD0]  }
0x489: {  	[tilespmem:s28+$0x40] =	vst v1;
	v1 =	vld [tilespmem:s28+$0x50]  }
0x48a: {  	[tilespmem:s28+$0xFFFFFF40] =	vst v2;
	v2 =	vld [tilespmem:s11+$0x50];
	v4 =	vmul.f32 v6, v4  }
0x48b: {  	v6 =	vld [tilespmem:s11+$0xFFFFFF50]  }
0x48c: {  	[tilespmem:s28+$0xD0] =	vst v4;
	v4 =	vld [tilespmem:s28+$0xE0]  }
0x48d: {  	v3 =	vmul.f32 v5, v3;
	v5 =	vld [tilespmem:s11+$0xE0]  }
0x48e: {  	v7 =	vld [tilespmem:s28+$0xFFFFFF60]  }
0x48f: {  	[tilespmem:s28+$0xFFFFFFD0] =	vst v3;
	v3 =	vld [tilespmem:s28+$0xFFFFFFE0];
	v1 =	vmul.f32 v2, v1  }
0x490: {  	v2 =	vmul.f32 v6, v8;
	v6 =	vld [tilespmem:s11+$0xFFFFFFE0]  }
0x491: {  	[tilespmem:s28+$0x50] =	vst v1;
	v8 =	vld [tilespmem:s28+$0x60]  }
0x492: {  	[tilespmem:s28+$0xFFFFFF50] =	vst v2;
	v9 =	vld [tilespmem:s11+$0x60];
	v1 =	vmul.f32 v5, v4  }
0x493: {  	v4 =	vld [tilespmem:s11+$0xFFFFFF60]  }
0x494: {  	[tilespmem:s28+$0xE0] =	vst v1;
	v10 =	vld [tilespmem:s28+$0xF0]  }
0x495: {  	v2 =	vmul.f32 v6, v3;
	v6 =	vld [tilespmem:s11+$0xF0]  }
0x496: {  	v1 =	vld [tilespmem:s28+$0xFFFFFF70]  }
.Ltmp10:
0x497: {  	[tilespmem:s28+$0xFFFFFFE0] =	vst v2;
	v2 =	vld [tilespmem:s28+$0xFFFFFFF0];
	v3 =	vmul.f32 v9, v8;
	(pc) =	sbr.rel @p0 .LBB2_23-.Ltmp10, $4  }
0x498: {  	v5 =	vmul.f32 v4, v7;
	v4 =	vld [tilespmem:s11+$0xFFFFFFF0]  }
0x499: {  	[tilespmem:s28+$0x60] =	vst v3;
	v3 =	vld [tilespmem:s28+$0x70]  }
0x49a: {  	[tilespmem:s28+$0xFFFFFF60] =	vst v5;
	v5 =	vld [tilespmem:s11+$0x70];
	v7 =	vmul.f32 v6, v10  }
0x49b: {  	s28 =	sadd.s32 $0x200, s28;
	v6 =	vld [tilespmem:s11+$0xFFFFFF70]  }
0x49c: {  	_ =	sdelay $0x1  }
0x49d: {  	v2 =	vmul.f32 v4, v2  }
0x49e: {  	[tilespmem:s25+$0xF0] =	vst v7;
	v3 =	vmul.f32 v5, v3  }
0x49f: {  	s11 =	sshll.u32 s3, $0x8;
	[tilespmem:s25+$0xFFFFFFF0] =	vst v2;
	v1 =	vmul.f32 v6, v1  }
0x4a0: {  	s11 =	sand.u32 $0x3FFFFF00, s11;
	[tilespmem:s25+$0x70] =	vst v3  }
0x4a1: {  	p0 =	seq.s32 s3, $0x13;
	s11 =	sadd.s32 $0x1400, s11;
	[tilespmem:s25+$0xFFFFFF70] =	vst v1  }
0x4a2: {  	[spmem:s20] =	stream.indirect.scatter.add.f32 [tilespmem:s9], [sflag:$0x5], $0x80, s11, s12, $0xb8;
	[tilespmem:$0x1E800] =	vst v63  }
0x4a3: {  	s25 =	simm.s32 @!p0 $0x40;
	s11 =	sadd.s32 @!p0 $0x2, s26;
	_ =	swait.ge [sflag:s10], $0x2000  }
0x4a4: {  	s26 =	simm.s32 @!p0 $0x2800;
	s13 =	sshll.u32 @!p0 s11, $0x7;
	[sflag:s10] =	ssyncset.done $0x0  }
0x4a5: {  	s11 =	sshll.u32 @!p0 s11, $0xA;
	s13 =	sand.u32 @!p0 $0x3FFFFF80, s13;
	[sflag:s10] =	ssyncadd.s32 $0xFFFFE000  }
0x4a6: {  	[tilespmem:s26], [sflag:$0x1] =	stream.indirect.gather @!p0 [hbm4b:s19+s25], $0x80, s13, s25, $0xb8;
	[tilespmem:$0x1E800] =	vst v63  }
0x4a7: {  	s11 =	sadd.s32 @!p0 s11, s8;
	s13 =	simm.s32 @!p0 $0x0;
	s25 =	simm.s32 @!p0 $0x6800  }
0x4a8: {  	[tilespmem:s25], [sflag:$0x3] =	stream.linear.gather @!p0 [hbm4b:s11+s13], $0x2000, $0x38;
	[tilespmem:$0x1E800] =	vst v63  }
0x4a9: {  	_ =	swait.ge [sflag:s21], $0x2000  }
0x4aa: {  	[sflag:s21] =	ssyncset.done $0x0  }
0x4ab: {  	[sflag:s21] =	ssyncadd.s32 $0xFFFFE000  }
0x4ac: {  	_ =	swait.ge [sflag:s22], $0x2000  }
0x4ad: {  	[sflag:s22] =	ssyncset.done $0x0  }
0x4ae: {  	s25 =	simm.s32 $0x4900;
	[sflag:s22] =	ssyncadd.s32 $0xFFFFE000  }
0x4af: {  	s11 =	simm.s32 $0x8900;
	v1 =	vld [tilespmem:s25+$0x80]  }
0x4b0: {  	v2 =	vld [tilespmem:s11+$0x80]  }
0x4b1: {  	v3 =	vld [tilespmem:s25+$0xFFFFFF80]  }
0x4b2: {  	v4 =	vld [tilespmem:s11+$0xFFFFFF80]  }
0x4b3: {  	v5 =	vld [tilespmem:s25+$0x0]  }
0x4b4: {  	v6 =	vld [tilespmem:s11+$0x0]  }
0x4b5: {  	v7 =	vld [tilespmem:s25+$0xFFFFFF00];
	v1 =	vmul.f32 v2, v1  }
0x4b6: {  	v2 =	vld [tilespmem:s11+$0xFFFFFF00]  }
0x4b7: {  	[tilespmem:s25+$0x80] =	vst v1;
	v1 =	vld [tilespmem:s25+$0x90]  }
0x4b8: {  	v3 =	vmul.f32 v4, v3;
	v4 =	vld [tilespmem:s11+$0x90]  }
0x4b9: {  	v8 =	vld [tilespmem:s25+$0xFFFFFF10]  }
0x4ba: {  	[tilespmem:s25+$0xFFFFFF80] =	vst v3;
	v3 =	vmul.f32 v6, v5;
	v5 =	vld [tilespmem:s25+$0xFFFFFF90]  }
0x4bb: {  	v6 =	vld [tilespmem:s11+$0xFFFFFF90];
	v2 =	vmul.f32 v2, v7  }
0x4bc: {  	[tilespmem:s25+$0x0] =	vst v3;
	v3 =	vld [tilespmem:s25+$0x10]  }
0x4bd: {  	v7 =	vld [tilespmem:s11+$0x10];
	[tilespmem:s25+$0xFFFFFF00] =	vst v2;
	v1 =	vmul.f32 v4, v1  }
0x4be: {  	v2 =	vld [tilespmem:s11+$0xFFFFFF10]  }
0x4bf: {  	[tilespmem:s25+$0x90] =	vst v1;
	v1 =	vld [tilespmem:s25+$0xA0]  }
0x4c0: {  	v4 =	vmul.f32 v6, v5;
	v5 =	vld [tilespmem:s11+$0xA0]  }
0x4c1: {  	v6 =	vld [tilespmem:s25+$0xFFFFFF20]  }
0x4c2: {  	[tilespmem:s25+$0xFFFFFF90] =	vst v4;
	v3 =	vmul.f32 v7, v3;
	v4 =	vld [tilespmem:s25+$0xFFFFFFA0]  }
0x4c3: {  	v7 =	vld [tilespmem:s11+$0xFFFFFFA0];
	v2 =	vmul.f32 v2, v8  }
0x4c4: {  	[tilespmem:s25+$0x10] =	vst v3;
	v3 =	vld [tilespmem:s25+$0x20]  }
0x4c5: {  	v8 =	vld [tilespmem:s11+$0x20];
	[tilespmem:s25+$0xFFFFFF10] =	vst v2;
	v1 =	vmul.f32 v5, v1  }
0x4c6: {  	v2 =	vld [tilespmem:s11+$0xFFFFFF20]  }
0x4c7: {  	[tilespmem:s25+$0xA0] =	vst v1;
	v1 =	vld [tilespmem:s25+$0xB0]  }
0x4c8: {  	v4 =	vmul.f32 v7, v4;
	v5 =	vld [tilespmem:s11+$0xB0]  }
0x4c9: {  	v7 =	vld [tilespmem:s25+$0xFFFFFF30]  }
0x4ca: {  	[tilespmem:s25+$0xFFFFFFA0] =	vst v4;
	v3 =	vmul.f32 v8, v3;
	v4 =	vld [tilespmem:s25+$0xFFFFFFB0]  }
0x4cb: {  	v8 =	vld [tilespmem:s11+$0xFFFFFFB0];
	v2 =	vmul.f32 v2, v6  }
0x4cc: {  	[tilespmem:s25+$0x20] =	vst v3;
	v3 =	vld [tilespmem:s25+$0x30]  }
0x4cd: {  	v6 =	vld [tilespmem:s11+$0x30];
	[tilespmem:s25+$0xFFFFFF20] =	vst v2;
	v1 =	vmul.f32 v5, v1  }
0x4ce: {  	v2 =	vld [tilespmem:s11+$0xFFFFFF30]  }
0x4cf: {  	[tilespmem:s25+$0xB0] =	vst v1;
	v1 =	vld [tilespmem:s25+$0xC0]  }
0x4d0: {  	v4 =	vmul.f32 v8, v4;
	v5 =	vld [tilespmem:s11+$0xC0]  }
0x4d1: {  	v8 =	vld [tilespmem:s25+$0xFFFFFF40]  }
0x4d2: {  	[tilespmem:s25+$0xFFFFFFB0] =	vst v4;
	v3 =	vmul.f32 v6, v3;
	v4 =	vld [tilespmem:s25+$0xFFFFFFC0]  }
0x4d3: {  	v6 =	vld [tilespmem:s11+$0xFFFFFFC0];
	v2 =	vmul.f32 v2, v7  }
0x4d4: {  	[tilespmem:s25+$0x30] =	vst v3;
	v3 =	vld [tilespmem:s25+$0x40]  }
0x4d5: {  	v7 =	vld [tilespmem:s11+$0x40];
	[tilespmem:s25+$0xFFFFFF30] =	vst v2;
	v1 =	vmul.f32 v5, v1  }
0x4d6: {  	v2 =	vld [tilespmem:s11+$0xFFFFFF40]  }
0x4d7: {  	[tilespmem:s25+$0xC0] =	vst v1;
	v1 =	vld [tilespmem:s25+$0xD0]  }
0x4d8: {  	v4 =	vmul.f32 v6, v4;
	v5 =	vld [tilespmem:s11+$0xD0]  }
0x4d9: {  	v6 =	vld [tilespmem:s25+$0xFFFFFF50]  }
0x4da: {  	[tilespmem:s25+$0xFFFFFFC0] =	vst v4;
	v3 =	vmul.f32 v7, v3;
	v4 =	vld [tilespmem:s25+$0xFFFFFFD0]  }
0x4db: {  	v7 =	vld [tilespmem:s11+$0xFFFFFFD0];
	v2 =	vmul.f32 v2, v8  }
0x4dc: {  	[tilespmem:s25+$0x40] =	vst v3;
	v3 =	vld [tilespmem:s25+$0x50]  }
0x4dd: {  	v8 =	vld [tilespmem:s11+$0x50];
	[tilespmem:s25+$0xFFFFFF40] =	vst v2;
	v1 =	vmul.f32 v5, v1  }
0x4de: {  	v2 =	vld [tilespmem:s11+$0xFFFFFF50]  }
0x4df: {  	[tilespmem:s25+$0xD0] =	vst v1;
	v1 =	vld [tilespmem:s25+$0xE0]  }
0x4e0: {  	v4 =	vmul.f32 v7, v4;
	v5 =	vld [tilespmem:s11+$0xE0]  }
0x4e1: {  	v7 =	vld [tilespmem:s25+$0xFFFFFF60]  }
0x4e2: {  	[tilespmem:s25+$0xFFFFFFD0] =	vst v4;
	v3 =	vmul.f32 v8, v3;
	v4 =	vld [tilespmem:s25+$0xFFFFFFE0]  }
0x4e3: {  	v8 =	vld [tilespmem:s11+$0xFFFFFFE0];
	v2 =	vmul.f32 v2, v6  }
0x4e4: {  	[tilespmem:s25+$0x50] =	vst v3;
	v3 =	vld [tilespmem:s25+$0x60]  }
0x4e5: {  	v6 =	vld [tilespmem:s11+$0x60];
	[tilespmem:s25+$0xFFFFFF50] =	vst v2;
	v1 =	vmul.f32 v5, v1  }
0x4e6: {  	v5 =	vld [tilespmem:s11+$0xFFFFFF60]  }
0x4e7: {  	v9 =	vld [tilespmem:s25+$0xF0];
	[tilespmem:s25+$0xE0] =	vst v1  }
0x4e8: {  	v2 =	vmul.f32 v8, v4;
	v8 =	vld [tilespmem:s11+$0xF0]  }
0x4e9: {  	v1 =	vld [tilespmem:s25+$0xFFFFFF70]  }
0x4ea: {  	[tilespmem:s25+$0xFFFFFFE0] =	vst v2;
	v3 =	vmul.f32 v6, v3;
	v2 =	vld [tilespmem:s25+$0xFFFFFFF0]  }
0x4eb: {  	v4 =	vld [tilespmem:s11+$0xFFFFFFF0];
	v5 =	vmul.f32 v5, v7  }
0x4ec: {  	[tilespmem:s25+$0x60] =	vst v3;
	v3 =	vld [tilespmem:s25+$0x70]  }
0x4ed: {  	[tilespmem:s25+$0xFFFFFF60] =	vst v5;
	v5 =	vld [tilespmem:s11+$0x70];
	v7 =	vmul.f32 v8, v9  }
0x4ee: {  	s26 =	simm.s32 $0x4B00;
	s13 =	simm.s32 $0x0;
	v6 =	vld [tilespmem:s11+$0xFFFFFF70]  }
.LBB2_25:
0x4ef: {  	v8 =	vld [tilespmem:s26+$0x80];
	[tilespmem:s25+$0xF0] =	vst v7;
	s11 =	sadd.s32 $0x200, s11  }
0x4f0: {  	s13 =	sadd.s32 $0x4, s13;
	v7 =	vld [tilespmem:s11+$0x80];
	v2 =	vmul.f32 v4, v2  }
0x4f1: {  	p0 =	slt.u32 s13, $0x3C;
	v4 =	vld [tilespmem:s11+$0xFFFFFF00]  }
0x4f2: {  	v9 =	vld [tilespmem:s26+$0xFFFFFF80];
	[tilespmem:s25+$0xFFFFFFF0] =	vst v2;
	v2 =	vmul.f32 v5, v3  }
0x4f3: {  	v3 =	vld [tilespmem:s11+$0xFFFFFF80];
	v1 =	vmul.f32 v6, v1  }
0x4f4: {  	v5 =	vld [tilespmem:s26+$0x0];
	[tilespmem:s25+$0x70] =	vst v2  }
0x4f5: {  	v2 =	vld [tilespmem:s11+$0x0];
	v6 =	vmul.f32 v7, v8;
	[tilespmem:s25+$0xFFFFFF70] =	vst v1;
	s25 =	smov.u32 s26  }
0x4f6: {  	v1 =	vld [tilespmem:s26+$0xFFFFFF00]  }
0x4f7: {  	[tilespmem:s26+$0x80] =	vst v6;
	v6 =	vld [tilespmem:s26+$0x90]  }
0x4f8: {  	v3 =	vmul.f32 v3, v9;
	v7 =	vld [tilespmem:s11+$0x90]  }
0x4f9: {  	v8 =	vld [tilespmem:s26+$0xFFFFFF10]  }
0x4fa: {  	[tilespmem:s26+$0xFFFFFF80] =	vst v3;
	v3 =	vld [tilespmem:s26+$0xFFFFFF90];
	v2 =	vmul.f32 v2, v5  }
0x4fb: {  	v1 =	vmul.f32 v4, v1;
	v4 =	vld [tilespmem:s11+$0xFFFFFF90]  }
0x4fc: {  	[tilespmem:s26+$0x0] =	vst v2;
	v2 =	vld [tilespmem:s26+$0x10]  }
0x4fd: {  	[tilespmem:s26+$0xFFFFFF00] =	vst v1;
	v1 =	vld [tilespmem:s11+$0x10];
	v5 =	vmul.f32 v7, v6  }
0x4fe: {  	v6 =	vld [tilespmem:s11+$0xFFFFFF10]  }
0x4ff: {  	[tilespmem:s26+$0x90] =	vst v5;
	v5 =	vld [tilespmem:s26+$0xA0]  }
0x500: {  	v3 =	vmul.f32 v4, v3;
	v4 =	vld [tilespmem:s11+$0xA0]  }
0x501: {  	v7 =	vld [tilespmem:s26+$0xFFFFFF20]  }
0x502: {  	[tilespmem:s26+$0xFFFFFF90] =	vst v3;
	v3 =	vld [tilespmem:s26+$0xFFFFFFA0];
	v1 =	vmul.f32 v1, v2  }
0x503: {  	v2 =	vmul.f32 v6, v8;
	v6 =	vld [tilespmem:s11+$0xFFFFFFA0]  }
0x504: {  	[tilespmem:s26+$0x10] =	vst v1;
	v1 =	vld [tilespmem:s26+$0x20]  }
0x505: {  	[tilespmem:s26+$0xFFFFFF10] =	vst v2;
	v2 =	vld [tilespmem:s11+$0x20];
	v4 =	vmul.f32 v4, v5  }
0x506: {  	v5 =	vld [tilespmem:s11+$0xFFFFFF20]  }
0x507: {  	[tilespmem:s26+$0xA0] =	vst v4;
	v4 =	vld [tilespmem:s26+$0xB0]  }
0x508: {  	v3 =	vmul.f32 v6, v3;
	v6 =	vld [tilespmem:s11+$0xB0]  }
0x509: {  	v8 =	vld [tilespmem:s26+$0xFFFFFF30]  }
0x50a: {  	[tilespmem:s26+$0xFFFFFFA0] =	vst v3;
	v3 =	vld [tilespmem:s26+$0xFFFFFFB0];
	v1 =	vmul.f32 v2, v1  }
0x50b: {  	v2 =	vmul.f32 v5, v7;
	v5 =	vld [tilespmem:s11+$0xFFFFFFB0]  }
0x50c: {  	[tilespmem:s26+$0x20] =	vst v1;
	v1 =	vld [tilespmem:s26+$0x30]  }
0x50d: {  	[tilespmem:s26+$0xFFFFFF20] =	vst v2;
	v2 =	vld [tilespmem:s11+$0x30];
	v4 =	vmul.f32 v6, v4  }
0x50e: {  	v6 =	vld [tilespmem:s11+$0xFFFFFF30]  }
0x50f: {  	[tilespmem:s26+$0xB0] =	vst v4;
	v4 =	vld [tilespmem:s26+$0xC0]  }
0x510: {  	v3 =	vmul.f32 v5, v3;
	v5 =	vld [tilespmem:s11+$0xC0]  }
0x511: {  	v7 =	vld [tilespmem:s26+$0xFFFFFF40]  }
0x512: {  	[tilespmem:s26+$0xFFFFFFB0] =	vst v3;
	v3 =	vld [tilespmem:s26+$0xFFFFFFC0];
	v1 =	vmul.f32 v2, v1  }
0x513: {  	v2 =	vmul.f32 v6, v8;
	v6 =	vld [tilespmem:s11+$0xFFFFFFC0]  }
0x514: {  	[tilespmem:s26+$0x30] =	vst v1;
	v1 =	vld [tilespmem:s26+$0x40]  }
0x515: {  	[tilespmem:s26+$0xFFFFFF30] =	vst v2;
	v2 =	vld [tilespmem:s11+$0x40];
	v4 =	vmul.f32 v5, v4  }
0x516: {  	v5 =	vld [tilespmem:s11+$0xFFFFFF40]  }
0x517: {  	[tilespmem:s26+$0xC0] =	vst v4;
	v4 =	vld [tilespmem:s26+$0xD0]  }
0x518: {  	v3 =	vmul.f32 v6, v3;
	v6 =	vld [tilespmem:s11+$0xD0]  }
0x519: {  	v8 =	vld [tilespmem:s26+$0xFFFFFF50]  }
0x51a: {  	[tilespmem:s26+$0xFFFFFFC0] =	vst v3;
	v3 =	vld [tilespmem:s26+$0xFFFFFFD0];
	v1 =	vmul.f32 v2, v1  }
0x51b: {  	v2 =	vmul.f32 v5, v7;
	v5 =	vld [tilespmem:s11+$0xFFFFFFD0]  }
0x51c: {  	[tilespmem:s26+$0x40] =	vst v1;
	v1 =	vld [tilespmem:s26+$0x50]  }
0x51d: {  	[tilespmem:s26+$0xFFFFFF40] =	vst v2;
	v2 =	vld [tilespmem:s11+$0x50];
	v4 =	vmul.f32 v6, v4  }
0x51e: {  	v6 =	vld [tilespmem:s11+$0xFFFFFF50]  }
0x51f: {  	[tilespmem:s26+$0xD0] =	vst v4;
	v4 =	vld [tilespmem:s26+$0xE0]  }
0x520: {  	v3 =	vmul.f32 v5, v3;
	v5 =	vld [tilespmem:s11+$0xE0]  }
0x521: {  	v7 =	vld [tilespmem:s26+$0xFFFFFF60]  }
0x522: {  	[tilespmem:s26+$0xFFFFFFD0] =	vst v3;
	v3 =	vld [tilespmem:s26+$0xFFFFFFE0];
	v1 =	vmul.f32 v2, v1  }
0x523: {  	v2 =	vmul.f32 v6, v8;
	v6 =	vld [tilespmem:s11+$0xFFFFFFE0]  }
0x524: {  	[tilespmem:s26+$0x50] =	vst v1;
	v8 =	vld [tilespmem:s26+$0x60]  }
0x525: {  	[tilespmem:s26+$0xFFFFFF50] =	vst v2;
	v9 =	vld [tilespmem:s11+$0x60];
	v1 =	vmul.f32 v5, v4  }
0x526: {  	v4 =	vld [tilespmem:s11+$0xFFFFFF60]  }
0x527: {  	[tilespmem:s26+$0xE0] =	vst v1;
	v10 =	vld [tilespmem:s26+$0xF0]  }
0x528: {  	v2 =	vmul.f32 v6, v3;
	v6 =	vld [tilespmem:s11+$0xF0]  }
0x529: {  	v1 =	vld [tilespmem:s26+$0xFFFFFF70]  }
.Ltmp11:
0x52a: {  	[tilespmem:s26+$0xFFFFFFE0] =	vst v2;
	v2 =	vld [tilespmem:s26+$0xFFFFFFF0];
	v3 =	vmul.f32 v9, v8;
	(pc) =	sbr.rel @p0 .LBB2_25-.Ltmp11, $4  }
0x52b: {  	v5 =	vmul.f32 v4, v7;
	v4 =	vld [tilespmem:s11+$0xFFFFFFF0]  }
0x52c: {  	[tilespmem:s26+$0x60] =	vst v3;
	v3 =	vld [tilespmem:s26+$0x70]  }
0x52d: {  	[tilespmem:s26+$0xFFFFFF60] =	vst v5;
	v5 =	vld [tilespmem:s11+$0x70];
	v7 =	vmul.f32 v6, v10  }
0x52e: {  	s26 =	sadd.s32 $0x200, s26;
	v6 =	vld [tilespmem:s11+$0xFFFFFF70]  }
0x52f: {  	_ =	sdelay $0x1  }
0x530: {  	v2 =	vmul.f32 v4, v2  }
0x531: {  	[tilespmem:s25+$0xF0] =	vst v7;
	v3 =	vmul.f32 v5, v3  }
0x532: {  	s3 =	sadd.s32 $0x1, s3;
	[tilespmem:s25+$0xFFFFFFF0] =	vst v2;
	v1 =	vmul.f32 v6, v1  }
0x533: {  	p0 =	sne.s32 s3, $0x14;
	[tilespmem:s25+$0x70] =	vst v3  }
.Ltmp12:
0x534: {  	s11 =	sadd.s32 $0x1400, s24;
	[tilespmem:s25+$0xFFFFFF70] =	vst v1;
	(pc) =	sbr.rel @p0 .LBB2_22-.Ltmp12, $4  }
0x535: {  	[spmem:s20] =	stream.indirect.scatter.add.f32 [tilespmem:s14], [sflag:$0x5], $0x80, s11, s12, $0xb8;
	[tilespmem:$0x1E800] =	vst v63  }
0x536: {  	_ =	swait.ge [sflag:s10], $0x2000  }
0x537: {  	[sflag:s10] =	ssyncset.done $0x0  }
0x538: {  	[sflag:s10] =	ssyncadd.s32 $0xFFFFE000  }
0x539: {  	[bflag:$0x0] =	sbarrier.arrive $0xFFFF  }
0x53a: {  	[tilespmem:s9], [sflag:$0x5] =	stream.linear.gather [spmem:s29], $0x2000, $0x38;
	[tilespmem:$0x1E800] =	vst v63  }
0x53b: {  	_ =	swait.ge [sflag:s10], $0x2000  }
0x53c: {  	[sflag:s10] =	ssyncset.done $0x0  }
0x53d: {  	s3 =	rddreg [dreg:$0xc];
	[sflag:s10] =	ssyncadd.s32 $0xFFFFE000  }
0x53e: {  	[hbm4b:s3+s0] =	stream.linear.scatter [tilespmem:s9], [sflag:$0x5], $0x2000, $0x38;
	[tilespmem:$0x1E800] =	vst v63  }
0x53f: {  	_ =	swait.ge [sflag:s10], $0x2000  }
0x540: {  	[sflag:s10] =	ssyncset.done $0x0  }
0x541: {  	[sflag:s10] =	ssyncadd.s32 $0xFFFFE000  }
0x542: {  	[tilespmem:s9], [sflag:$0x5] =	stream.linear.gather [spmem:s30], $0x2000, $0x38;
	[tilespmem:$0x1E800] =	vst v63  }
0x543: {  	_ =	swait.ge [sflag:s10], $0x2000  }
0x544: {  	[sflag:s10] =	ssyncset.done $0x0  }
0x545: {  	s25 =	smov.u32 s30;
	s30 =	rddreg [dreg:$0xd];
	[sflag:s10] =	ssyncadd.s32 $0xFFFFE000  }
0x546: {  	[hbm4b:s30+s0] =	stream.linear.scatter [tilespmem:s9], [sflag:$0x5], $0x2000, $0x38;
	[tilespmem:$0x1E800] =	vst v63  }
0x547: {  	_ =	swait.ge [sflag:s10], $0x2000  }
0x548: {  	[sflag:s10] =	ssyncset.done $0x0  }
0x549: {  	[sflag:s10] =	ssyncadd.s32 $0xFFFFE000  }
0x54a: {  	[tilespmem:s9], [sflag:$0x5] =	stream.linear.gather [spmem:s31], $0x2000, $0x38;
	[tilespmem:$0x1E800] =	vst v63  }
0x54b: {  	_ =	swait.ge [sflag:s10], $0x2000  }
0x54c: {  	[sflag:s10] =	ssyncset.done $0x0  }
0x54d: {  	s11 =	rddreg [dreg:$0xe];
	[sflag:s10] =	ssyncadd.s32 $0xFFFFE000  }
0x54e: {  	[hbm4b:s11+s0] =	stream.linear.scatter [tilespmem:s9], [sflag:$0x5], $0x2000, $0x38;
	[tilespmem:$0x1E800] =	vst v63  }
0x54f: {  	_ =	swait.ge [sflag:s10], $0x2000  }
0x550: {  	[sflag:s10] =	ssyncset.done $0x0  }
0x551: {  	[sflag:s10] =	ssyncadd.s32 $0xFFFFE000  }
0x552: {  	[tilespmem:s9], [sflag:$0x5] =	stream.linear.gather [spmem:s17], $0x2000, $0x38;
	[tilespmem:$0x1E800] =	vst v63  }
0x553: {  	_ =	swait.ge [sflag:s10], $0x2000  }
0x554: {  	[sflag:s10] =	ssyncset.done $0x0  }
0x555: {  	s13 =	rddreg [dreg:$0xf];
	[sflag:s10] =	ssyncadd.s32 $0xFFFFE000  }
0x556: {  	[hbm4b:s13+s0] =	stream.linear.scatter [tilespmem:s9], [sflag:$0x5], $0x2000, $0x38;
	[tilespmem:$0x1E800] =	vst v63  }
0x557: {  	_ =	swait.ge [sflag:s10], $0x2000  }
0x558: {  	[sflag:s10] =	ssyncset.done $0x0  }
0x559: {  	s28 =	smov.u32 s17;
	s17 =	rddreg [dreg:$0x16];
	[sflag:s10] =	ssyncadd.s32 $0xFFFFE000  }
0x55a: {  	[tilespmem:s9], [sflag:$0x5] =	stream.linear.gather [spmem:s17], $0x2000, $0x38;
	[tilespmem:$0x1E800] =	vst v63  }
0x55b: {  	_ =	swait.ge [sflag:s10], $0x2000  }
0x55c: {  	[sflag:s10] =	ssyncset.done $0x0  }
0x55d: {  	s24 =	smov.u32 s29;
	s29 =	rddreg [dreg:$0x10];
	[sflag:s10] =	ssyncadd.s32 $0xFFFFE000  }
0x55e: {  	[hbm4b:s29+s0] =	stream.linear.scatter [tilespmem:s9], [sflag:$0x5], $0x2000, $0x38;
	[tilespmem:$0x1E800] =	vst v63  }
0x55f: {  	_ =	swait.ge [sflag:s10], $0x2000  }
0x560: {  	[sflag:s10] =	ssyncset.done $0x0  }
0x561: {  	[sflag:s10] =	ssyncadd.s32 $0xFFFFE000  }
0x562: {  	[tilespmem:s9], [sflag:$0x5] =	stream.linear.gather [spmem:s1], $0x2000, $0x38;
	[tilespmem:$0x1E800] =	vst v63  }
0x563: {  	_ =	swait.ge [sflag:s10], $0x2000  }
0x564: {  	[sflag:s10] =	ssyncset.done $0x0  }
0x565: {  	s30 =	rddreg [dreg:$0x11];
	[sflag:s10] =	ssyncadd.s32 $0xFFFFE000  }
0x566: {  	[hbm4b:s30+s0] =	stream.linear.scatter [tilespmem:s9], [sflag:$0x5], $0x2000, $0x38;
	[tilespmem:$0x1E800] =	vst v63  }
0x567: {  	_ =	swait.ge [sflag:s10], $0x2000  }
0x568: {  	[sflag:s10] =	ssyncset.done $0x0  }
0x569: {  	s26 =	smov.u32 s31;
	s31 =	rddreg [dreg:$0x17];
	[sflag:s10] =	ssyncadd.s32 $0xFFFFE000  }
0x56a: {  	[tilespmem:s9], [sflag:$0x5] =	stream.linear.gather [spmem:s31], $0x2000, $0x38;
	[tilespmem:$0x1E800] =	vst v63  }
0x56b: {  	_ =	swait.ge [sflag:s10], $0x2000  }
0x56c: {  	[sflag:s10] =	ssyncset.done $0x0  }
0x56d: {  	s13 =	smov.u32 s1;
	s1 =	rddreg [dreg:$0x12];
	[sflag:s10] =	ssyncadd.s32 $0xFFFFE000  }
0x56e: {  	[hbm4b:s1+s0] =	stream.linear.scatter [tilespmem:s9], [sflag:$0x5], $0x2000, $0x38;
	[tilespmem:$0x1E800] =	vst v63  }
0x56f: {  	_ =	swait.ge [sflag:s10], $0x2000  }
0x570: {  	[sflag:s10] =	ssyncset.done $0x0  }
0x571: {  	s3 =	rddreg [dreg:$0x18];
	[sflag:s10] =	ssyncadd.s32 $0xFFFFE000  }
0x572: {  	[tilespmem:s9], [sflag:$0x5] =	stream.linear.gather [spmem:s3], $0x2000, $0x38;
	[tilespmem:$0x1E800] =	vst v63  }
0x573: {  	_ =	swait.ge [sflag:s10], $0x2000  }
0x574: {  	[sflag:s10] =	ssyncset.done $0x0  }
0x575: {  	s11 =	rddreg [dreg:$0x13];
	[sflag:s10] =	ssyncadd.s32 $0xFFFFE000  }
0x576: {  	[hbm4b:s11+s0] =	stream.linear.scatter [tilespmem:s9], [sflag:$0x5], $0x2000, $0x38;
	[tilespmem:$0x1E800] =	vst v63  }
0x577: {  	_ =	swait.ge [sflag:s10], $0x2000  }
0x578: {  	[sflag:s10] =	ssyncset.done $0x0  }
0x579: {  	s17 =	rddreg [dreg:$0x19];
	[sflag:s10] =	ssyncadd.s32 $0xFFFFE000  }
0x57a: {  	[tilespmem:s9], [sflag:$0x5] =	stream.linear.gather [spmem:s17], $0x2000, $0x38;
	[tilespmem:$0x1E800] =	vst v63  }
0x57b: {  	_ =	swait.ge [sflag:s10], $0x2000  }
0x57c: {  	[sflag:s10] =	ssyncset.done $0x0  }
0x57d: {  	s29 =	rddreg [dreg:$0x14];
	[sflag:s10] =	ssyncadd.s32 $0xFFFFE000  }
0x57e: {  	[hbm4b:s29+s0] =	stream.linear.scatter [tilespmem:s9], [sflag:$0x5], $0x2000, $0x38;
	[tilespmem:$0x1E800] =	vst v63  }
0x57f: {  	_ =	swait.ge [sflag:s10], $0x2000  }
0x580: {  	[sflag:s10] =	ssyncset.done $0x0  }
0x581: {  	[sflag:s10] =	ssyncadd.s32 $0xFFFFE000  }
0x582: {  	[tilespmem:s9], [sflag:$0x5] =	stream.linear.gather [spmem:s2], $0x2000, $0x38;
	[tilespmem:$0x1E800] =	vst v63  }
0x583: {  	_ =	swait.ge [sflag:s10], $0x2000  }
0x584: {  	[sflag:s10] =	ssyncset.done $0x0  }
0x585: {  	s30 =	rddreg [dreg:$0x15];
	[sflag:s10] =	ssyncadd.s32 $0xFFFFE000  }
0x586: {  	[hbm4b:s30+s0] =	stream.linear.scatter [tilespmem:s9], [sflag:$0x5], $0x2000, $0x38;
	[tilespmem:$0x1E800] =	vst v63  }
0x587: {  	_ =	swait.ge [sflag:s10], $0x2000  }
0x588: {  	s5 =	sadd.s32 $0x1, s5;
	s31 =	rddreg [dreg:$0x1b]  }
0x589: {  	p0 =	sne.s32 s5, s31  }
.Ltmp13:
0x58a: {  	_ = 	snop;
	(pc) =	sbr.rel @p0 .LBB2_1-.Ltmp13, $3  }
0x58b: {  	_ =	sdelay $0x1  }
0x58c: {  	[sflag:s10] =	ssyncset.done $0x0  }
0x58d: {  	[sflag:s10] =	ssyncadd.s32 $0xFFFFE000  }
0x58e: {  	_ =	sfence.sel $0x180000  }
0x58f: {  	[bflag:$0x0] =	sbarrier.arrive $0xFFFF  }
0x590: {  	_ =	strace $0x90000047  }
0x591: {  	s0 =	stileid.u32;
	[bflag:$0x2] =	sbarrier.arrive $0xFFFF  }
0x592: {  	p0 =	sne.s32 s0, $0x0;
	s0 =	rddreg [dreg:$0x3]  }
0x593: {  	s0 =	sadd.s32 @!p0 $0x100000, s0  }
0x594: {  	[sflag:s0] =	ssyncadd.tile.s32 @!p0 $0x1;
	_ =	shalt  }
.Lfunc_end2:
_tile_overlayer_lowered:
.L_overlay_start_2:
0x595: {  	(tag) =	ssettag $0x2  }
0x596: {  	s0 =	rddreg [dreg:$0x0];
	s2 =	stileid.u32  }
0x597: {  	s1 =	rddreg [dreg:$0x1];
	p0 =	sne.s32 s2, $0x0  }
0x598: {  	s3 =	rddreg [dreg:$0x2];
	[bflag:$0x3] =	sbarrier.arrive $0xFFFF;
	s2 =	simm.s32 @!p0 $0x1C05  }
0x599: {  	[timem:s3], [sflag:s2] =	dma.local @!p0 [hbm:s0], s1  }
0x59a: {  	s0 =	simm.s32 @!p0 $0x5  }
0x59b: {  	_ =	swait.ge @!p0 [sflag:s0], s1  }
0x59c: {  	s1 =	ssub.s32 @!p0 $0x0, s1;
	[sflag:s0] =	ssyncset.done @!p0 $0x0  }
0x59d: {  	[sflag:s0] =	ssyncadd.s32 @!p0 s1  }
0x59e: {  	[bflag:$0x3] =	sbarrier.arrive $0xFFFF  }
0x59f: {  	_ =	shalt  }

</sc_bundles>
